<compile_context>
chip_gen: v7x
topology: tpu7x:2x2x1
jax: 0.10.2.dev20260603
libtpu: 0.0.44.dev20260713+nightly
codegen_flags: <defaults>
</compile_context>

<pallas_src>
import functools

import jax
import jax.numpy as jnp
from jax import lax
from jax.experimental import pallas as pl
from jax.experimental.pallas import tpu as pltpu
from jax.experimental.pallas import tpu_sc as plsc

N_NODE = 10000
D = 128
E_EDGE = 160000
NEG = 0.2
NUM_LAYERS = 2
EPS = 1e-16

NTILE = 16
CHUNK = 128
EPAD = 163840
CPT = EPAD // (NTILE * CHUNK)
PAD_DST = 10200

ACC_ROWS = 10240
HALF = ACC_ROWS // 2
SPM_ROWS = 5248
MSG_SCRAP = 5120
DEN0 = 5128
DEN_ROWS = ACC_ROWS // 128
ZPT = SPM_ROWS // NTILE
WPT = HALF // NTILE

EB = 2048



def _proj_body(x_ref, w1_ref, w2_ref, o1_ref, o2_ref):
    x = x_ref[...]
    o1_ref[...] = jnp.dot(x, w1_ref[...], preferred_element_type=jnp.float32)
    o2_ref[...] = jnp.dot(x, w2_ref[...], preferred_element_type=jnp.float32)


def _proj2(x, w1, w2):
    br = 1000
    return pl.pallas_call(
        _proj_body,
        grid=(N_NODE // br,),
        in_specs=[
            pl.BlockSpec((br, D), lambda i: (i, 0)),
            pl.BlockSpec((D, D), lambda i: (0, 0)),
            pl.BlockSpec((D, D), lambda i: (0, 0)),
        ],
        out_specs=[pl.BlockSpec((br, D), lambda i: (i, 0))] * 2,
        out_shape=[jax.ShapeDtypeStruct((N_NODE, D), jnp.float32)] * 2,
    )(x, w1, w2)


def _edge_body(xlg_ref, xrg_ref, att_ref, dcol_ref, msg_ref, den_ref):
    xl = xlg_ref[...]
    e = xl + xrg_ref[...]
    e = jnp.where(e > 0, e, NEG * e)
    attrow = att_ref[0:1, :]
    ev = jnp.exp(jnp.sum(e * attrow, axis=1, keepdims=True))
    msg_ref[...] = xl * ev
    dmod = dcol_ref[...] % 128
    oh = lax.broadcasted_iota(jnp.int32, (EB, D), 1) == dmod
    den_ref[...] = jnp.where(oh, ev, 0.0)


def _edge_tc(xlg, xrg, att8, dcol):
    return pl.pallas_call(
        _edge_body,
        grid=(EPAD // EB,),
        in_specs=[
            pl.BlockSpec((EB, D), lambda i: (i, 0)),
            pl.BlockSpec((EB, D), lambda i: (i, 0)),
            pl.BlockSpec((8, D), lambda i: (0, 0)),
            pl.BlockSpec((EB, 1), lambda i: (i, 0)),
        ],
        out_specs=[pl.BlockSpec((EB, D), lambda i: (i, 0))] * 2,
        out_shape=[jax.ShapeDtypeStruct((EPAD, D), jnp.float32)] * 2,
    )(xlg, xrg, att8, dcol)


def _fin_body(acc_ref, den_ref, b_ref, o_ref):
    rv = 1.0 / (den_ref[...] + EPS)
    o_ref[...] = acc_ref[...] * rv + b_ref[0:1, :]


def _fin_tc(acc, dencol, b8):
    br = 1000
    return pl.pallas_call(
        _fin_body,
        grid=(N_NODE // br,),
        in_specs=[
            pl.BlockSpec((br, D), lambda i: (i, 0)),
            pl.BlockSpec((br, 1), lambda i: (i, 0)),
            pl.BlockSpec((8, D), lambda i: (0, 0)),
        ],
        out_specs=pl.BlockSpec((br, D), lambda i: (i, 0)),
        out_shape=jax.ShapeDtypeStruct((N_NODE, D), jnp.float32),
    )(acc, dencol, b8)



def _gather_conv(s, xl_h, xr_h, si_h, di_h, xlg_h, xrg_h,
                 sidx, didx, bufs, gsems, wsems):
    pltpu.sync_copy(si_h.at[pl.ds(s * CPT, CPT)], sidx)
    pltpu.sync_copy(di_h.at[pl.ds(s * CPT, CPT)], didx)

    def src(p, g):
        idx = sidx if p % 2 == 0 else didx
        tab = xl_h if p % 2 == 0 else xr_h
        return tab.at[idx.at[g]]

    def dst(p, g):
        out = xlg_h if p % 2 == 0 else xrg_h
        return out.at[pl.ds((s * CPT + g) * CHUNK, CHUNK)]

    for p in range(4):
        pltpu.async_copy(src(p, p // 2), bufs[p], gsems[p])

    def pair(h, carry):
        for q in range(2):
            g = 2 * h + q
            for p in (2 * q, 2 * q + 1):
                pltpu.make_async_copy(src(p, g), bufs[p], gsems[p]).wait()
                pltpu.async_copy(bufs[p], dst(p, g), wsems[p])
        for q in range(2):
            g = 2 * h + q
            for p in (2 * q, 2 * q + 1):
                pltpu.make_async_copy(bufs[p], dst(p, g), wsems[p]).wait()

                @pl.when(g + 2 < CPT)
                def _():
                    pltpu.async_copy(src(p, g + 2), bufs[p], gsems[p])
        return carry

    lax.fori_loop(0, CPT // 2, pair, 0)


@functools.partial(
    pl.kernel,
    mesh=plsc.VectorSubcoreMesh(core_axis_name="c", subcore_axis_name="s"),
    out_type=tuple(jax.ShapeDtypeStruct((EPAD, D), jnp.float32)
                   for _ in range(4)),
    scratch_types=[
        pltpu.VMEM((CPT, CHUNK), jnp.int32),
        pltpu.VMEM((CPT, CHUNK), jnp.int32),
        pltpu.VMEM((CHUNK, D), jnp.float32),
        pltpu.VMEM((CHUNK, D), jnp.float32),
        pltpu.VMEM((CHUNK, D), jnp.float32),
        pltpu.VMEM((CHUNK, D), jnp.float32),
    ] + [pltpu.SemaphoreType.DMA] * 8,
)
def _sc_gather(xlu, xri, si_ui, di_ui, xli, xru, si_iu, di_iu,
               xlg_ui, xrg_ui, xlg_iu, xrg_iu,
               sidx, didx, b0, b1, b2, b3,
               g0, g1, g2, g3, w0, w1, w2, w3):
    c = lax.axis_index("c")
    s = lax.axis_index("s")
    bufs = [b0, b1, b2, b3]
    gsems = [g0, g1, g2, g3]
    wsems = [w0, w1, w2, w3]

    @pl.when(c == 0)
    def _():
        _gather_conv(s, xlu, xri, si_ui, di_ui, xlg_ui, xrg_ui,
                     sidx, didx, bufs, gsems, wsems)

    @pl.when(c == 1)
    def _():
        _gather_conv(s, xli, xru, si_iu, di_iu, xlg_iu, xrg_iu,
                     sidx, didx, bufs, gsems, wsems)


def _zero_spm(s, msgbuf, spm):
    zero16 = jnp.zeros((16,), jnp.float32)

    def zrow(r, carry):
        for j in range(D // 16):
            msgbuf[r, pl.ds(j * 16, 16)] = zero16
        return carry

    lax.fori_loop(0, CHUNK, zrow, 0)
    zbase = s * ZPT
    pltpu.sync_copy(msgbuf, spm.at[pl.ds(zbase, CHUNK)])
    pltpu.sync_copy(msgbuf, spm.at[pl.ds(zbase + CHUNK, CHUNK)])
    pltpu.sync_copy(msgbuf.at[pl.ds(0, ZPT - 2 * CHUNK)],
                    spm.at[pl.ds(zbase + 2 * CHUNK, ZPT - 2 * CHUNK)])


def _scatter_pass(s, src_h, di_h, didx, bufs, ids, lsems, ssems, spm,
                  remap, with_ids):

    def src(g):
        return src_h.at[pl.ds((s * CPT + g) * CHUNK, CHUNK)]

    for q in range(2):
        pltpu.async_copy(src(q), bufs[q], lsems[q])

    def pair(h, carry):
        for q in range(2):
            g = 2 * h + q
            pltpu.make_async_copy(src(g), bufs[q], lsems[q]).wait()
            if with_ids:
                for j in range(CHUNK // 16):
                    dv = didx[g, pl.ds(j * 16, 16)]
                    ids[q][pl.ds(j * 16, 16)] = remap(dv)
            pltpu.async_copy(bufs[q], spm.at[ids[q]], ssems[q], add=True)
        for q in range(2):
            g = 2 * h + q
            pltpu.make_async_copy(bufs[q], spm.at[ids[q]], ssems[q]).wait()

            @pl.when(g + 2 < CPT)
            def _():
                pltpu.async_copy(src(g + 2), bufs[q], lsems[q])
        return carry

    lax.fori_loop(0, CPT // 2, pair, 0)


def _scatter_conv(s, msg_h, den_h, di_h, acc_h, denout_h,
                  didx, m0, m1, d0, d1, ria0, ria1, drid0, drid1,
                  lm0, lm1, ld0, ld1, sm0, sm1, sd0, sd1, spm):
    _zero_spm(s, m0, spm)
    pltpu.sync_copy(di_h.at[pl.ds(s * CPT, CPT)], didx)
    plsc.subcore_barrier()

    def remap_a(dv):
        return jnp.where(dv < HALF, dv, MSG_SCRAP)

    def remap_den(dv):
        return DEN0 + lax.shift_right_logical(dv, 7)

    _scatter_pass(s, msg_h, di_h, didx, [m0, m1], [ria0, ria1],
                  [lm0, lm1], [sm0, sm1], spm, remap_a, True)
    _scatter_pass(s, den_h, di_h, didx, [d0, d1], [drid0, drid1],
                  [ld0, ld1], [sd0, sd1], spm, remap_den, True)
    plsc.subcore_barrier()

    pltpu.sync_copy(spm.at[pl.ds(s * WPT, WPT)], acc_h.at[pl.ds(s * WPT, WPT)])

    @pl.when(s == 0)
    def _():
        pltpu.sync_copy(spm.at[pl.ds(DEN0, DEN_ROWS)], denout_h)

    plsc.subcore_barrier()

    _zero_spm(s, m0, spm)
    plsc.subcore_barrier()

    def remap_b(dv):
        return jnp.where(dv >= HALF, dv - HALF, MSG_SCRAP)

    _scatter_pass(s, msg_h, di_h, didx, [m0, m1], [ria0, ria1],
                  [lm0, lm1], [sm0, sm1], spm, remap_b, True)
    plsc.subcore_barrier()

    pltpu.sync_copy(spm.at[pl.ds(s * WPT, WPT)],
                    acc_h.at[pl.ds(HALF + s * WPT, WPT)])


@functools.partial(
    pl.kernel,
    mesh=plsc.VectorSubcoreMesh(core_axis_name="c", subcore_axis_name="s"),
    out_type=(jax.ShapeDtypeStruct((ACC_ROWS, D), jnp.float32),
              jax.ShapeDtypeStruct((DEN_ROWS, D), jnp.float32),
              jax.ShapeDtypeStruct((ACC_ROWS, D), jnp.float32),
              jax.ShapeDtypeStruct((DEN_ROWS, D), jnp.float32)),
    scratch_types=[
        pltpu.VMEM((CPT, CHUNK), jnp.int32),
        pltpu.VMEM((CHUNK, D), jnp.float32),
        pltpu.VMEM((CHUNK, D), jnp.float32),
        pltpu.VMEM((CHUNK, D), jnp.float32),
        pltpu.VMEM((CHUNK, D), jnp.float32),
        pltpu.VMEM((CHUNK,), jnp.int32),
        pltpu.VMEM((CHUNK,), jnp.int32),
        pltpu.VMEM((CHUNK,), jnp.int32),
        pltpu.VMEM((CHUNK,), jnp.int32),
    ] + [pltpu.SemaphoreType.DMA] * 8 + [
        pltpu.VMEM_SHARED((SPM_ROWS, D), jnp.float32),
    ],
)
def _sc_scatter(msg_ui, den_ui, di_ui, msg_iu, den_iu, di_iu,
                acc_ui, denout_ui, acc_iu, denout_iu,
                didx, m0, m1, d0, d1, ria0, ria1, drid0, drid1,
                lm0, lm1, ld0, ld1, sm0, sm1, sd0, sd1, spm):
    c = lax.axis_index("c")
    s = lax.axis_index("s")

    @pl.when(c == 0)
    def _():
        _scatter_conv(s, msg_ui, den_ui, di_ui, acc_ui, denout_ui,
                      didx, m0, m1, d0, d1, ria0, ria1, drid0, drid1,
                      lm0, lm1, ld0, ld1, sm0, sm1, sd0, sd1, spm)

    @pl.when(c == 1)
    def _():
        _scatter_conv(s, msg_iu, den_iu, di_iu, acc_iu, denout_iu,
                      didx, m0, m1, d0, d1, ria0, ria1, drid0, drid1,
                      lm0, lm1, ld0, ld1, sm0, sm1, sd0, sd1, spm)



def _prep_edges(ei):
    src = ei[0].astype(jnp.int32)
    dst = ei[1].astype(jnp.int32)
    npad = EPAD - E_EDGE
    src = jnp.concatenate([src, jnp.zeros((npad,), jnp.int32)])
    dst = jnp.concatenate([dst, jnp.full((npad,), PAD_DST, jnp.int32)])
    return (src.reshape(EPAD // CHUNK, CHUNK),
            dst.reshape(EPAD // CHUNK, CHUNK),
            dst.reshape(EPAD, 1))


def kernel(x_user, x_item, params, edge_index_user_item, edge_index_item_user):
    si_ui, di_ui, dcol_ui = _prep_edges(edge_index_user_item)
    si_iu, di_iu, dcol_iu = _prep_edges(edge_index_item_user)

    def stack(et, name):
        arrs = [params["layer%d" % l][et][name] for l in range(NUM_LAYERS)]
        if name in ("att", "b"):
            arrs = [jnp.broadcast_to(a[None, :], (8, D)) for a in arrs]
        return jnp.stack(arrs)

    xs = tuple(stack(et, nm) for et in ("ui", "iu")
               for nm in ("Wl", "Wr", "att", "b"))

    def step(carry, wts):
        xu, xi = carry
        wl_ui, wr_ui, att_ui, b_ui, wl_iu, wr_iu, att_iu, b_iu = wts
        xlu, xru = _proj2(xu, wl_ui, wr_iu)
        xli, xri = _proj2(xi, wl_iu, wr_ui)
        xlg_ui, xrg_ui, xlg_iu, xrg_iu = _sc_gather(
            xlu, xri, si_ui, di_ui, xli, xru, si_iu, di_iu)
        msg_ui, dr_ui = _edge_tc(xlg_ui, xrg_ui, att_ui, dcol_ui)
        msg_iu, dr_iu = _edge_tc(xlg_iu, xrg_iu, att_iu, dcol_iu)
        acc_ui, den_ui, acc_iu, den_iu = _sc_scatter(
            msg_ui, dr_ui, di_ui, msg_iu, dr_iu, di_iu)
        dencol_i = den_ui.reshape(ACC_ROWS, 1)[:N_NODE]
        dencol_u = den_iu.reshape(ACC_ROWS, 1)[:N_NODE]
        xi_new = _fin_tc(acc_ui[:N_NODE], dencol_i, b_ui)
        xu_new = _fin_tc(acc_iu[:N_NODE], dencol_u, b_iu)
        return (xu_new, xi_new), None

    (xu, xi), _ = lax.scan(step, (x_user, x_item), xs)
    return (xu, xi)

# --- scband reference (transcript-rebuilt; emitter-appended) ---
"""Pipeline reference for scband-gatencoder-59536836657627 (READ-ONLY COPY).

The authoritative reference and input builder live on the scoring server;
editing this copy changes nothing except your own understanding.
"""

import jax, jax.numpy as jnp
import numpy as np

N_USER = 10000
N_ITEM = 10000
E = 160000
D = 128
NUM_LAYERS = 2
NEG_SLOPE = 0.2


def _gatv2_conv(x_src, x_dst, edge_index, p, num_dst):
    # GATv2Conv (heads=1, add_self_loops=False), faithful to torch_geometric
    xl = x_src @ p["Wl"]  # lin_l on source nodes
    xr = x_dst @ p["Wr"]  # lin_r on destination nodes
    src = edge_index[0]
    dst = edge_index[1]
    e = xl[src] + xr[dst]
    e = jnp.where(e > 0, e, NEG_SLOPE * e)  # leaky_relu(0.2)
    alpha = e @ p["att"]  # [E]
    m = jax.ops.segment_max(alpha, dst, num_segments=num_dst)
    m = jnp.where(jnp.isfinite(m), m, 0.0)
    m = jax.lax.stop_gradient(m)
    ealpha = jnp.exp(alpha - m[dst])
    denom = jax.ops.segment_sum(ealpha, dst, num_segments=num_dst)
    coef = ealpha / (denom[dst] + 1e-16)  # softmax over incoming edges per dst
    msg = xl[src] * coef[:, None]
    out = jax.ops.segment_sum(msg, dst, num_segments=num_dst)
    return out + p["b"]


def setup_inputs(seed: int = 0):
    key = jax.random.key(seed)
    ks = jax.random.split(key, 4 + NUM_LAYERS * 2 * 3)
    x_user = jax.random.normal(ks[0], (N_USER, D), dtype=jnp.float32)
    x_item = jax.random.normal(ks[1], (N_ITEM, D), dtype=jnp.float32)
    edge_index_user_item = jax.random.randint(ks[2], (2, E), 0, N_USER)
    edge_index_item_user = jax.random.randint(ks[3], (2, E), 0, N_ITEM)
    scale = 1.0 / np.sqrt(D)
    params = {}
    k = 4
    for l in range(NUM_LAYERS):
        layer = {}
        for et in ("ui", "iu"):
            layer[et] = {
                "Wl": jax.random.normal(ks[k], (D, D), dtype=jnp.float32) * scale,
                "Wr": jax.random.normal(ks[k + 1], (D, D), dtype=jnp.float32) * scale,
                "att": jax.random.normal(ks[k + 2], (D,), dtype=jnp.float32) * scale,
                "b": jnp.zeros((D,), dtype=jnp.float32),
            }
            k += 3
        params["layer%d" % l] = layer
    return {
        "x_user": x_user,
        "x_item": x_item,
        "params": params,
        "edge_index_user_item": edge_index_user_item,
        "edge_index_item_user": edge_index_item_user,
    }


def reference(x_user, x_item, params, edge_index_user_item, edge_index_item_user):
    xu, xi = x_user, x_item
    for l in range(NUM_LAYERS):
        p = params["layer%d" % l]
        # HeteroConv with aggr='sum': each node type receives from exactly one
        # edge type here, so the sum is over a single contribution.
        out_item = _gatv2_conv(xu, xi, edge_index_user_item, p["ui"], N_ITEM)
        out_user = _gatv2_conv(xi, xu, edge_index_item_user, p["iu"], N_USER)
        xu, xi = out_user, out_item
    return (xu, xi)

if __name__ == "__main__":
    import jax
    _d = setup_inputs()
    print(jax.jit(kernel)(*tuple(_d.values())))

</pallas_src>

<mosaic_0001>
#map = affine_map<(d0, d1) -> (0, 0)>
module attributes {stable_mosaic.version = 14 : i64} {
  func.func @_sc_scatter(%arg0: i32, %arg1: i32, %arg2: memref<163840x128xf32, #tpu.memory_space<hbm>>, %arg3: memref<163840x128xf32, #tpu.memory_space<hbm>>, %arg4: memref<1280x128xi32, #tpu.memory_space<hbm>>, %arg5: memref<163840x128xf32, #tpu.memory_space<hbm>>, %arg6: memref<163840x128xf32, #tpu.memory_space<hbm>>, %arg7: memref<1280x128xi32, #tpu.memory_space<hbm>>, %arg8: memref<10240x128xf32, #tpu.memory_space<hbm>>, %arg9: memref<80x128xf32, #tpu.memory_space<hbm>>, %arg10: memref<10240x128xf32, #tpu.memory_space<hbm>>, %arg11: memref<80x128xf32, #tpu.memory_space<hbm>>, %arg12: memref<80x128xi32, #tpu.memory_space<vmem>>, %arg13: memref<128x128xf32, #tpu.memory_space<vmem>>, %arg14: memref<128x128xf32, #tpu.memory_space<vmem>>, %arg15: memref<128x128xf32, #tpu.memory_space<vmem>>, %arg16: memref<128x128xf32, #tpu.memory_space<vmem>>, %arg17: memref<128xi32, #tpu.memory_space<vmem>>, %arg18: memref<128xi32, #tpu.memory_space<vmem>>, %arg19: memref<128xi32, #tpu.memory_space<vmem>>, %arg20: memref<128xi32, #tpu.memory_space<vmem>>, %arg21: memref<!tpu.dma_semaphore, #tpu.memory_space<semaphore_mem>>, %arg22: memref<!tpu.dma_semaphore, #tpu.memory_space<semaphore_mem>>, %arg23: memref<!tpu.dma_semaphore, #tpu.memory_space<semaphore_mem>>, %arg24: memref<!tpu.dma_semaphore, #tpu.memory_space<semaphore_mem>>, %arg25: memref<!tpu.dma_semaphore, #tpu.memory_space<semaphore_mem>>, %arg26: memref<!tpu.dma_semaphore, #tpu.memory_space<semaphore_mem>>, %arg27: memref<!tpu.dma_semaphore, #tpu.memory_space<semaphore_mem>>, %arg28: memref<!tpu.dma_semaphore, #tpu.memory_space<semaphore_mem>>, %arg29: memref<5248x128xf32, #tpu.memory_space<vmem_shared>>) attributes {dimension_semantics = [#tpu.dimension_semantics<core_parallel>, #tpu.dimension_semantics<subcore_parallel>], iteration_bounds = array<i64: 2, 16>, scalar_prefetch = 0 : i64, scratch_operands = 18 : i64, tpu.core_type = #tpu.core_type<sc_vector_subcore>, window_params = [{transform_indices = #map}, {transform_indices = #map}, {transform_indices = #map}, {transform_indices = #map}, {transform_indices = #map}, {transform_indices = #map}, {transform_indices = #map}, {transform_indices = #map}, {transform_indices = #map}, {transform_indices = #map}]} {
    %eq3A = arith.constant 0 : i32
    %eq3A_0 = arith.cmpi eq, %arg0, %eq3A : i32
    %convert_element_type3A = arith.extui %eq3A_0 : i1 to i32
    %cond3A = arith.constant 0 : i32
    %cond3A_1 = arith.cmpi ne, %convert_element_type3A, %cond3A : i32
    scf.if %cond3A_1 {
      %broadcast_in_dim3A = arith.constant 0.000000e+00 : f32
      %broadcast_in_dim3A_7 = vector.broadcast %broadcast_in_dim3A : f32 to vector<16xf32>
      %scan3A = arith.constant 0 : i32
      %scan3A_8 = arith.constant 0 : i32
      %scan3A_9 = arith.constant 128 : i32
      %scan3A_10 = arith.addi %scan3A_8, %scan3A_9 : i32
      %scan3A_11 = arith.constant 1 : i32
      scf.for %scan3A_129 = %scan3A_8 to %scan3A_10 step %scan3A_11  : i32 {
        %swap3A = arith.index_cast %scan3A_129 : i32 to index
        %swap3A_130 = arith.constant 0 : index
        %swap3A_131 = tpu.vector_load %arg13[%swap3A, %swap3A_130] {strides = array<i32>} : memref<128x128xf32, #tpu.memory_space<vmem>>, vector<1x16xf32>,
        %swap3A_132 = vector.shape_cast %swap3A_131 : vector<1x16xf32> to vector<16xf32>
        %swap3A_133 = vector.shape_cast %broadcast_in_dim3A_7 : vector<16xf32> to vector<1x16xf32>
        tpu.vector_store %arg13[%swap3A, %swap3A_130], %swap3A_133 {strides = array<i32>} : memref<128x128xf32, #tpu.memory_space<vmem>>, vector<1x16xf32>,
        %swap3A_134 = arith.index_cast %scan3A_129 : i32 to index
        %swap3A_135 = arith.constant 16 : index
        %swap3A_136 = tpu.vector_load %arg13[%swap3A_134, %swap3A_135] {strides = array<i32>} : memref<128x128xf32, #tpu.memory_space<vmem>>, vector<1x16xf32>,
        %swap3A_137 = vector.shape_cast %swap3A_136 : vector<1x16xf32> to vector<16xf32>
        %swap3A_138 = vector.shape_cast %broadcast_in_dim3A_7 : vector<16xf32> to vector<1x16xf32>
        tpu.vector_store %arg13[%swap3A_134, %swap3A_135], %swap3A_138 {strides = array<i32>} : memref<128x128xf32, #tpu.memory_space<vmem>>, vector<1x16xf32>,
        %swap3A_139 = arith.index_cast %scan3A_129 : i32 to index
        %swap3A_140 = arith.constant 32 : index
        %swap3A_141 = tpu.vector_load %arg13[%swap3A_139, %swap3A_140] {strides = array<i32>} : memref<128x128xf32, #tpu.memory_space<vmem>>, vector<1x16xf32>,
        %swap3A_142 = vector.shape_cast %swap3A_141 : vector<1x16xf32> to vector<16xf32>
        %swap3A_143 = vector.shape_cast %broadcast_in_dim3A_7 : vector<16xf32> to vector<1x16xf32>
        tpu.vector_store %arg13[%swap3A_139, %swap3A_140], %swap3A_143 {strides = array<i32>} : memref<128x128xf32, #tpu.memory_space<vmem>>, vector<1x16xf32>,
        %swap3A_144 = arith.index_cast %scan3A_129 : i32 to index
        %swap3A_145 = arith.constant 48 : index
        %swap3A_146 = tpu.vector_load %arg13[%swap3A_144, %swap3A_145] {strides = array<i32>} : memref<128x128xf32, #tpu.memory_space<vmem>>, vector<1x16xf32>,
        %swap3A_147 = vector.shape_cast %swap3A_146 : vector<1x16xf32> to vector<16xf32>
        %swap3A_148 = vector.shape_cast %broadcast_in_dim3A_7 : vector<16xf32> to vector<1x16xf32>
        tpu.vector_store %arg13[%swap3A_144, %swap3A_145], %swap3A_148 {strides = array<i32>} : memref<128x128xf32, #tpu.memory_space<vmem>>, vector<1x16xf32>,
        %swap3A_149 = arith.index_cast %scan3A_129 : i32 to index
        %swap3A_150 = arith.constant 64 : index
        %swap3A_151 = tpu.vector_load %arg13[%swap3A_149, %swap3A_150] {strides = array<i32>} : memref<128x128xf32, #tpu.memory_space<vmem>>, vector<1x16xf32>,
        %swap3A_152 = vector.shape_cast %swap3A_151 : vector<1x16xf32> to vector<16xf32>
        %swap3A_153 = vector.shape_cast %broadcast_in_dim3A_7 : vector<16xf32> to vector<1x16xf32>
        tpu.vector_store %arg13[%swap3A_149, %swap3A_150], %swap3A_153 {strides = array<i32>} : memref<128x128xf32, #tpu.memory_space<vmem>>, vector<1x16xf32>,
        %swap3A_154 = arith.index_cast %scan3A_129 : i32 to index
        %swap3A_155 = arith.constant 80 : index
        %swap3A_156 = tpu.vector_load %arg13[%swap3A_154, %swap3A_155] {strides = array<i32>} : memref<128x128xf32, #tpu.memory_space<vmem>>, vector<1x16xf32>,
        %swap3A_157 = vector.shape_cast %swap3A_156 : vector<1x16xf32> to vector<16xf32>
        %swap3A_158 = vector.shape_cast %broadcast_in_dim3A_7 : vector<16xf32> to vector<1x16xf32>
        tpu.vector_store %arg13[%swap3A_154, %swap3A_155], %swap3A_158 {strides = array<i32>} : memref<128x128xf32, #tpu.memory_space<vmem>>, vector<1x16xf32>,
        %swap3A_159 = arith.index_cast %scan3A_129 : i32 to index
        %swap3A_160 = arith.constant 96 : index
        %swap3A_161 = tpu.vector_load %arg13[%swap3A_159, %swap3A_160] {strides = array<i32>} : memref<128x128xf32, #tpu.memory_space<vmem>>, vector<1x16xf32>,
        %swap3A_162 = vector.shape_cast %swap3A_161 : vector<1x16xf32> to vector<16xf32>
        %swap3A_163 = vector.shape_cast %broadcast_in_dim3A_7 : vector<16xf32> to vector<1x16xf32>
        tpu.vector_store %arg13[%swap3A_159, %swap3A_160], %swap3A_163 {strides = array<i32>} : memref<128x128xf32, #tpu.memory_space<vmem>>, vector<1x16xf32>,
        %swap3A_164 = arith.index_cast %scan3A_129 : i32 to index
        %swap3A_165 = arith.constant 112 : index
        %swap3A_166 = tpu.vector_load %arg13[%swap3A_164, %swap3A_165] {strides = array<i32>} : memref<128x128xf32, #tpu.memory_space<vmem>>, vector<1x16xf32>,
        %swap3A_167 = vector.shape_cast %swap3A_166 : vector<1x16xf32> to vector<16xf32>
        %swap3A_168 = vector.shape_cast %broadcast_in_dim3A_7 : vector<16xf32> to vector<1x16xf32>
        tpu.vector_store %arg13[%swap3A_164, %swap3A_165], %swap3A_168 {strides = array<i32>} : memref<128x128xf32, #tpu.memory_space<vmem>>, vector<1x16xf32>,
      }
      %scan3A_12 = arith.constant 128 : i32
      %mul3A = arith.constant 328 : i32
      %mul3A_13 = arith.muli %arg1, %mul3A : i32
      "tpu.region"() ({
        %run_scoped3A = tpu.sem_alloc : memref<!tpu.dma_semaphore, #tpu.memory_space<semaphore_mem>>
        %dma_start3A_129 = arith.constant 0 : i32
        %dma_start3A_130 = tpu.memref_slice %arg29[%mul3A_13, %dma_start3A_129] : memref<5248x128xf32, #tpu.memory_space<vmem_shared>> -> memref<128x128xf32, #tpu.memory_space<vmem_shared>>
        %dma_start3A_131 = arith.constant 0 : i32
        %dma_start3A_132 = tpu.memref_slice %arg29[%mul3A_13, %dma_start3A_131] : memref<5248x128xf32, #tpu.memory_space<vmem_shared>> -> memref<128x128xf32, #tpu.memory_space<vmem_shared>>
        tpu.enqueue_dma source(%arg13 : memref<128x128xf32, #tpu.memory_space<vmem>>) target(%dma_start3A_132 : memref<128x128xf32, #tpu.memory_space<vmem_shared>>) target_semaphore(%run_scoped3A : memref<!tpu.dma_semaphore, #tpu.memory_space<semaphore_mem>>)
        %dma_wait3A = arith.constant 0 : i32
        %dma_wait3A_133 = tpu.memref_slice %arg29[%mul3A_13, %dma_wait3A] : memref<5248x128xf32, #tpu.memory_space<vmem_shared>> -> memref<128x128xf32, #tpu.memory_space<vmem_shared>>
        %dma_wait3A_134 = arith.constant 0 : i32
        %dma_wait3A_135 = tpu.memref_slice %arg29[%mul3A_13, %dma_wait3A_134] : memref<5248x128xf32, #tpu.memory_space<vmem_shared>> -> memref<128x128xf32, #tpu.memory_space<vmem_shared>>
        tpu.wait_dma2 semaphore(%run_scoped3A : memref<!tpu.dma_semaphore, #tpu.memory_space<semaphore_mem>>) src(%arg13 : memref<128x128xf32, #tpu.memory_space<vmem>>) dst(%dma_wait3A_135 : memref<128x128xf32, #tpu.memory_space<vmem_shared>>)
        tpu.yield
      }) : () -> ()
      %add3A = arith.constant 128 : i32
      %add3A_14 = arith.addi %mul3A_13, %add3A : i32
      "tpu.region"() ({
        %run_scoped3A = tpu.sem_alloc : memref<!tpu.dma_semaphore, #tpu.memory_space<semaphore_mem>>
        %dma_start3A_129 = arith.constant 0 : i32
        %dma_start3A_130 = tpu.memref_slice %arg29[%add3A_14, %dma_start3A_129] : memref<5248x128xf32, #tpu.memory_space<vmem_shared>> -> memref<128x128xf32, #tpu.memory_space<vmem_shared>>
        %dma_start3A_131 = arith.constant 0 : i32
        %dma_start3A_132 = tpu.memref_slice %arg29[%add3A_14, %dma_start3A_131] : memref<5248x128xf32, #tpu.memory_space<vmem_shared>> -> memref<128x128xf32, #tpu.memory_space<vmem_shared>>
        tpu.enqueue_dma source(%arg13 : memref<128x128xf32, #tpu.memory_space<vmem>>) target(%dma_start3A_132 : memref<128x128xf32, #tpu.memory_space<vmem_shared>>) target_semaphore(%run_scoped3A : memref<!tpu.dma_semaphore, #tpu.memory_space<semaphore_mem>>)
        %dma_wait3A = arith.constant 0 : i32
        %dma_wait3A_133 = tpu.memref_slice %arg29[%add3A_14, %dma_wait3A] : memref<5248x128xf32, #tpu.memory_space<vmem_shared>> -> memref<128x128xf32, #tpu.memory_space<vmem_shared>>
        %dma_wait3A_134 = arith.constant 0 : i32
        %dma_wait3A_135 = tpu.memref_slice %arg29[%add3A_14, %dma_wait3A_134] : memref<5248x128xf32, #tpu.memory_space<vmem_shared>> -> memref<128x128xf32, #tpu.memory_space<vmem_shared>>
        tpu.wait_dma2 semaphore(%run_scoped3A : memref<!tpu.dma_semaphore, #tpu.memory_space<semaphore_mem>>) src(%arg13 : memref<128x128xf32, #tpu.memory_space<vmem>>) dst(%dma_wait3A_135 : memref<128x128xf32, #tpu.memory_space<vmem_shared>>)
        tpu.yield
      }) : () -> ()
      %add3A_15 = arith.constant 256 : i32
      %add3A_16 = arith.addi %mul3A_13, %add3A_15 : i32
      "tpu.region"() ({
        %run_scoped3A = tpu.sem_alloc : memref<!tpu.dma_semaphore, #tpu.memory_space<semaphore_mem>>
        %dma_start3A_129 = arith.constant 0 : i32
        %dma_start3A_130 = arith.constant 0 : i32
        %dma_start3A_131 = tpu.memref_slice %arg13[%dma_start3A_129, %dma_start3A_130] : memref<128x128xf32, #tpu.memory_space<vmem>> -> memref<72x128xf32, #tpu.memory_space<vmem>>
        %dma_start3A_132 = arith.constant 0 : i32
        %dma_start3A_133 = tpu.memref_slice %arg29[%add3A_16, %dma_start3A_132] : memref<5248x128xf32, #tpu.memory_space<vmem_shared>> -> memref<72x128xf32, #tpu.memory_space<vmem_shared>>
        %dma_start3A_134 = arith.constant 0 : i32
        %dma_start3A_135 = tpu.memref_slice %arg29[%add3A_16, %dma_start3A_134] : memref<5248x128xf32, #tpu.memory_space<vmem_shared>> -> memref<72x128xf32, #tpu.memory_space<vmem_shared>>
        %dma_start3A_136 = arith.constant 0 : i32
        %dma_start3A_137 = arith.constant 0 : i32
        %dma_start3A_138 = tpu.memref_slice %arg13[%dma_start3A_136, %dma_start3A_137] : memref<128x128xf32, #tpu.memory_space<vmem>> -> memref<72x128xf32, #tpu.memory_space<vmem>>
        tpu.enqueue_dma source(%dma_start3A_138 : memref<72x128xf32, #tpu.memory_space<vmem>>) target(%dma_start3A_135 : memref<72x128xf32, #tpu.memory_space<vmem_shared>>) target_semaphore(%run_scoped3A : memref<!tpu.dma_semaphore, #tpu.memory_space<semaphore_mem>>)
        %dma_wait3A = arith.constant 0 : i32
        %dma_wait3A_139 = arith.constant 0 : i32
        %dma_wait3A_140 = tpu.memref_slice %arg13[%dma_wait3A, %dma_wait3A_139] : memref<128x128xf32, #tpu.memory_space<vmem>> -> memref<72x128xf32, #tpu.memory_space<vmem>>
        %dma_wait3A_141 = arith.constant 0 : i32
        %dma_wait3A_142 = tpu.memref_slice %arg29[%add3A_16, %dma_wait3A_141] : memref<5248x128xf32, #tpu.memory_space<vmem_shared>> -> memref<72x128xf32, #tpu.memory_space<vmem_shared>>
        %dma_wait3A_143 = arith.constant 0 : i32
        %dma_wait3A_144 = tpu.memref_slice %arg29[%add3A_16, %dma_wait3A_143] : memref<5248x128xf32, #tpu.memory_space<vmem_shared>> -> memref<72x128xf32, #tpu.memory_space<vmem_shared>>
        %dma_wait3A_145 = arith.constant 0 : i32
        %dma_wait3A_146 = arith.constant 0 : i32
        %dma_wait3A_147 = tpu.memref_slice %arg13[%dma_wait3A_145, %dma_wait3A_146] : memref<128x128xf32, #tpu.memory_space<vmem>> -> memref<72x128xf32, #tpu.memory_space<vmem>>
        tpu.wait_dma2 semaphore(%run_scoped3A : memref<!tpu.dma_semaphore, #tpu.memory_space<semaphore_mem>>) src(%dma_wait3A_147 : memref<72x128xf32, #tpu.memory_space<vmem>>) dst(%dma_wait3A_144 : memref<72x128xf32, #tpu.memory_space<vmem_shared>>)
        tpu.yield
      }) : () -> ()
      %mul3A_17 = arith.constant 80 : i32
      %mul3A_18 = arith.muli %arg1, %mul3A_17 : i32
      "tpu.region"() ({
        %run_scoped3A = tpu.sem_alloc : memref<!tpu.dma_semaphore, #tpu.memory_space<semaphore_mem>>
        %dma_start3A_129 = arith.constant 0 : i32
        %dma_start3A_130 = tpu.memref_slice %arg4[%mul3A_18, %dma_start3A_129] : memref<1280x128xi32, #tpu.memory_space<hbm>> -> memref<80x128xi32, #tpu.memory_space<hbm>>
        %dma_start3A_131 = arith.constant 0 : i32
        %dma_start3A_132 = tpu.memref_slice %arg4[%mul3A_18, %dma_start3A_131] : memref<1280x128xi32, #tpu.memory_space<hbm>> -> memref<80x128xi32, #tpu.memory_space<hbm>>
        tpu.enqueue_dma source(%dma_start3A_132 : memref<80x128xi32, #tpu.memory_space<hbm>>) target(%arg12 : memref<80x128xi32, #tpu.memory_space<vmem>>) target_semaphore(%run_scoped3A : memref<!tpu.dma_semaphore, #tpu.memory_space<semaphore_mem>>)
        %dma_wait3A = arith.constant 0 : i32
        %dma_wait3A_133 = tpu.memref_slice %arg4[%mul3A_18, %dma_wait3A] : memref<1280x128xi32, #tpu.memory_space<hbm>> -> memref<80x128xi32, #tpu.memory_space<hbm>>
        %dma_wait3A_134 = arith.constant 0 : i32
        %dma_wait3A_135 = tpu.memref_slice %arg4[%mul3A_18, %dma_wait3A_134] : memref<1280x128xi32, #tpu.memory_space<hbm>> -> memref<80x128xi32, #tpu.memory_space<hbm>>
        tpu.wait_dma2 semaphore(%run_scoped3A : memref<!tpu.dma_semaphore, #tpu.memory_space<semaphore_mem>>) src(%dma_wait3A_135 : memref<80x128xi32, #tpu.memory_space<hbm>>) dst(%arg12 : memref<80x128xi32, #tpu.memory_space<vmem>>)
        tpu.yield
      }) : () -> ()
      %barrier3A = arith.constant 0 : index
      tpu.barrier barrier_id(%barrier3A)
      %mul3A_19 = arith.constant 80 : i32
      %mul3A_20 = arith.muli %arg1, %mul3A_19 : i32
      %add3A_21 = arith.constant 0 : i32
      %add3A_22 = arith.addi %mul3A_20, %add3A_21 : i32
      %mul3A_23 = arith.constant 128 : i32
      %mul3A_24 = arith.muli %add3A_22, %mul3A_23 : i32
      %dma_start3A = arith.constant 0 : i32
      %dma_start3A_25 = tpu.memref_slice %arg2[%mul3A_24, %dma_start3A] : memref<163840x128xf32, #tpu.memory_space<hbm>> -> memref<128x128xf32, #tpu.memory_space<hbm>>
      %dma_start3A_26 = arith.constant 0 : i32
      %dma_start3A_27 = tpu.memref_slice %arg2[%mul3A_24, %dma_start3A_26] : memref<163840x128xf32, #tpu.memory_space<hbm>> -> memref<128x128xf32, #tpu.memory_space<hbm>>
      tpu.enqueue_dma source(%dma_start3A_27 : memref<128x128xf32, #tpu.memory_space<hbm>>) target(%arg13 : memref<128x128xf32, #tpu.memory_space<vmem>>) target_semaphore(%arg21 : memref<!tpu.dma_semaphore, #tpu.memory_space<semaphore_mem>>)
      %mul3A_28 = arith.constant 80 : i32
      %mul3A_29 = arith.muli %arg1, %mul3A_28 : i32
      %add3A_30 = arith.constant 1 : i32
      %add3A_31 = arith.addi %mul3A_29, %add3A_30 : i32
      %mul3A_32 = arith.constant 128 : i32
      %mul3A_33 = arith.muli %add3A_31, %mul3A_32 : i32
      %dma_start3A_34 = arith.constant 0 : i32
      %dma_start3A_35 = tpu.memref_slice %arg2[%mul3A_33, %dma_start3A_34] : memref<163840x128xf32, #tpu.memory_space<hbm>> -> memref<128x128xf32, #tpu.memory_space<hbm>>
      %dma_start3A_36 = arith.constant 0 : i32
      %dma_start3A_37 = tpu.memref_slice %arg2[%mul3A_33, %dma_start3A_36] : memref<163840x128xf32, #tpu.memory_space<hbm>> -> memref<128x128xf32, #tpu.memory_space<hbm>>
      tpu.enqueue_dma source(%dma_start3A_37 : memref<128x128xf32, #tpu.memory_space<hbm>>) target(%arg14 : memref<128x128xf32, #tpu.memory_space<vmem>>) target_semaphore(%arg22 : memref<!tpu.dma_semaphore, #tpu.memory_space<semaphore_mem>>)
      %scan3A_38 = arith.constant 0 : i32
      %scan3A_39 = arith.constant 0 : i32
      %scan3A_40 = arith.constant 40 : i32
      %scan3A_41 = arith.addi %scan3A_39, %scan3A_40 : i32
      %scan3A_42 = arith.constant 1 : i32
      scf.for %scan3A_129 = %scan3A_39 to %scan3A_41 step %scan3A_42  : i32 {
        %mul3A_130 = arith.constant 2 : i32
        %mul3A_131 = arith.muli %mul3A_130, %scan3A_129 : i32
        %add3A_132 = arith.constant 0 : i32
        %add3A_133 = arith.addi %mul3A_131, %add3A_132 : i32
        %mul3A_134 = arith.constant 80 : i32
        %mul3A_135 = arith.muli %arg1, %mul3A_134 : i32
        %add3A_136 = arith.addi %mul3A_135, %add3A_133 : i32
        %mul3A_137 = arith.constant 128 : i32
        %mul3A_138 = arith.muli %add3A_136, %mul3A_137 : i32
        %dma_wait3A = arith.constant 0 : i32
        %dma_wait3A_139 = tpu.memref_slice %arg2[%mul3A_138, %dma_wait3A] : memref<163840x128xf32, #tpu.memory_space<hbm>> -> memref<128x128xf32, #tpu.memory_space<hbm>>
        %dma_wait3A_140 = arith.constant 0 : i32
        %dma_wait3A_141 = tpu.memref_slice %arg2[%mul3A_138, %dma_wait3A_140] : memref<163840x128xf32, #tpu.memory_space<hbm>> -> memref<128x128xf32, #tpu.memory_space<hbm>>
        tpu.wait_dma2 semaphore(%arg21 : memref<!tpu.dma_semaphore, #tpu.memory_space<semaphore_mem>>) src(%dma_wait3A_141 : memref<128x128xf32, #tpu.memory_space<hbm>>) dst(%arg13 : memref<128x128xf32, #tpu.memory_space<vmem>>)
        %get3A = arith.index_cast %add3A_133 : i32 to index
        %get3A_142 = arith.constant 0 : index
        %get3A_143 = tpu.vector_load %arg12[%get3A, %get3A_142] {strides = array<i32>} : memref<80x128xi32, #tpu.memory_space<vmem>>, vector<1x16xi32>,
        %get3A_144 = vector.shape_cast %get3A_143 : vector<1x16xi32> to vector<16xi32>
        %lt3A = arith.constant 5120 : i32
        %lt3A_145 = vector.broadcast %lt3A : i32 to vector<16xi32>
        %lt3A_146 = arith.cmpi slt, %get3A_144, %lt3A_145 : vector<16xi32>
        %jit3A = arith.constant 5120 : i32
        %broadcast_in_dim3A_147 = vector.broadcast %jit3A : i32 to vector<16xi32>
        %select_n3A = arith.select %lt3A_146, %get3A_144, %broadcast_in_dim3A_147 : vector<16xi1>, vector<16xi32>
        %swap3A = arith.constant 0 : index
        %swap3A_148 = tpu.vector_load %arg17[%swap3A] {strides = array<i32>} : memref<128xi32, #tpu.memory_space<vmem>>, vector<16xi32>,
        %swap3A_149 = vector.shape_cast %swap3A_148 : vector<16xi32> to vector<16xi32>
        %swap3A_150 = vector.shape_cast %select_n3A : vector<16xi32> to vector<16xi32>
        tpu.vector_store %arg17[%swap3A], %swap3A_150 {strides = array<i32>} : memref<128xi32, #tpu.memory_space<vmem>>, vector<16xi32>,
        %get3A_151 = arith.index_cast %add3A_133 : i32 to index
        %get3A_152 = arith.constant 16 : index
        %get3A_153 = tpu.vector_load %arg12[%get3A_151, %get3A_152] {strides = array<i32>} : memref<80x128xi32, #tpu.memory_space<vmem>>, vector<1x16xi32>,
        %get3A_154 = vector.shape_cast %get3A_153 : vector<1x16xi32> to vector<16xi32>
        %lt3A_155 = arith.constant 5120 : i32
        %lt3A_156 = vector.broadcast %lt3A_155 : i32 to vector<16xi32>
        %lt3A_157 = arith.cmpi slt, %get3A_154, %lt3A_156 : vector<16xi32>
        %jit3A_158 = arith.constant 5120 : i32
        %broadcast_in_dim3A_159 = vector.broadcast %jit3A_158 : i32 to vector<16xi32>
        %select_n3A_160 = arith.select %lt3A_157, %get3A_154, %broadcast_in_dim3A_159 : vector<16xi1>, vector<16xi32>
        %swap3A_161 = arith.constant 16 : index
        %swap3A_162 = tpu.vector_load %arg17[%swap3A_161] {strides = array<i32>} : memref<128xi32, #tpu.memory_space<vmem>>, vector<16xi32>,
        %swap3A_163 = vector.shape_cast %swap3A_162 : vector<16xi32> to vector<16xi32>
        %swap3A_164 = vector.shape_cast %select_n3A_160 : vector<16xi32> to vector<16xi32>
        tpu.vector_store %arg17[%swap3A_161], %swap3A_164 {strides = array<i32>} : memref<128xi32, #tpu.memory_space<vmem>>, vector<16xi32>,
        %get3A_165 = arith.index_cast %add3A_133 : i32 to index
        %get3A_166 = arith.constant 32 : index
        %get3A_167 = tpu.vector_load %arg12[%get3A_165, %get3A_166] {strides = array<i32>} : memref<80x128xi32, #tpu.memory_space<vmem>>, vector<1x16xi32>,
        %get3A_168 = vector.shape_cast %get3A_167 : vector<1x16xi32> to vector<16xi32>
        %lt3A_169 = arith.constant 5120 : i32
        %lt3A_170 = vector.broadcast %lt3A_169 : i32 to vector<16xi32>
        %lt3A_171 = arith.cmpi slt, %get3A_168, %lt3A_170 : vector<16xi32>
        %jit3A_172 = arith.constant 5120 : i32
        %broadcast_in_dim3A_173 = vector.broadcast %jit3A_172 : i32 to vector<16xi32>
        %select_n3A_174 = arith.select %lt3A_171, %get3A_168, %broadcast_in_dim3A_173 : vector<16xi1>, vector<16xi32>
        %swap3A_175 = arith.constant 32 : index
        %swap3A_176 = tpu.vector_load %arg17[%swap3A_175] {strides = array<i32>} : memref<128xi32, #tpu.memory_space<vmem>>, vector<16xi32>,
        %swap3A_177 = vector.shape_cast %swap3A_176 : vector<16xi32> to vector<16xi32>
        %swap3A_178 = vector.shape_cast %select_n3A_174 : vector<16xi32> to vector<16xi32>
        tpu.vector_store %arg17[%swap3A_175], %swap3A_178 {strides = array<i32>} : memref<128xi32, #tpu.memory_space<vmem>>, vector<16xi32>,
        %get3A_179 = arith.index_cast %add3A_133 : i32 to index
        %get3A_180 = arith.constant 48 : index
        %get3A_181 = tpu.vector_load %arg12[%get3A_179, %get3A_180] {strides = array<i32>} : memref<80x128xi32, #tpu.memory_space<vmem>>, vector<1x16xi32>,
        %get3A_182 = vector.shape_cast %get3A_181 : vector<1x16xi32> to vector<16xi32>
        %lt3A_183 = arith.constant 5120 : i32
        %lt3A_184 = vector.broadcast %lt3A_183 : i32 to vector<16xi32>
        %lt3A_185 = arith.cmpi slt, %get3A_182, %lt3A_184 : vector<16xi32>
        %jit3A_186 = arith.constant 5120 : i32
        %broadcast_in_dim3A_187 = vector.broadcast %jit3A_186 : i32 to vector<16xi32>
        %select_n3A_188 = arith.select %lt3A_185, %get3A_182, %broadcast_in_dim3A_187 : vector<16xi1>, vector<16xi32>
        %swap3A_189 = arith.constant 48 : index
        %swap3A_190 = tpu.vector_load %arg17[%swap3A_189] {strides = array<i32>} : memref<128xi32, #tpu.memory_space<vmem>>, vector<16xi32>,
        %swap3A_191 = vector.shape_cast %swap3A_190 : vector<16xi32> to vector<16xi32>
        %swap3A_192 = vector.shape_cast %select_n3A_188 : vector<16xi32> to vector<16xi32>
        tpu.vector_store %arg17[%swap3A_189], %swap3A_192 {strides = array<i32>} : memref<128xi32, #tpu.memory_space<vmem>>, vector<16xi32>,
        %get3A_193 = arith.index_cast %add3A_133 : i32 to index
        %get3A_194 = arith.constant 64 : index
        %get3A_195 = tpu.vector_load %arg12[%get3A_193, %get3A_194] {strides = array<i32>} : memref<80x128xi32, #tpu.memory_space<vmem>>, vector<1x16xi32>,
        %get3A_196 = vector.shape_cast %get3A_195 : vector<1x16xi32> to vector<16xi32>
        %lt3A_197 = arith.constant 5120 : i32
        %lt3A_198 = vector.broadcast %lt3A_197 : i32 to vector<16xi32>
        %lt3A_199 = arith.cmpi slt, %get3A_196, %lt3A_198 : vector<16xi32>
        %jit3A_200 = arith.constant 5120 : i32
        %broadcast_in_dim3A_201 = vector.broadcast %jit3A_200 : i32 to vector<16xi32>
        %select_n3A_202 = arith.select %lt3A_199, %get3A_196, %broadcast_in_dim3A_201 : vector<16xi1>, vector<16xi32>
        %swap3A_203 = arith.constant 64 : index
        %swap3A_204 = tpu.vector_load %arg17[%swap3A_203] {strides = array<i32>} : memref<128xi32, #tpu.memory_space<vmem>>, vector<16xi32>,
        %swap3A_205 = vector.shape_cast %swap3A_204 : vector<16xi32> to vector<16xi32>
        %swap3A_206 = vector.shape_cast %select_n3A_202 : vector<16xi32> to vector<16xi32>
        tpu.vector_store %arg17[%swap3A_203], %swap3A_206 {strides = array<i32>} : memref<128xi32, #tpu.memory_space<vmem>>, vector<16xi32>,
        %get3A_207 = arith.index_cast %add3A_133 : i32 to index
        %get3A_208 = arith.constant 80 : index
        %get3A_209 = tpu.vector_load %arg12[%get3A_207, %get3A_208] {strides = array<i32>} : memref<80x128xi32, #tpu.memory_space<vmem>>, vector<1x16xi32>,
        %get3A_210 = vector.shape_cast %get3A_209 : vector<1x16xi32> to vector<16xi32>
        %lt3A_211 = arith.constant 5120 : i32
        %lt3A_212 = vector.broadcast %lt3A_211 : i32 to vector<16xi32>
        %lt3A_213 = arith.cmpi slt, %get3A_210, %lt3A_212 : vector<16xi32>
        %jit3A_214 = arith.constant 5120 : i32
        %broadcast_in_dim3A_215 = vector.broadcast %jit3A_214 : i32 to vector<16xi32>
        %select_n3A_216 = arith.select %lt3A_213, %get3A_210, %broadcast_in_dim3A_215 : vector<16xi1>, vector<16xi32>
        %swap3A_217 = arith.constant 80 : index
        %swap3A_218 = tpu.vector_load %arg17[%swap3A_217] {strides = array<i32>} : memref<128xi32, #tpu.memory_space<vmem>>, vector<16xi32>,
        %swap3A_219 = vector.shape_cast %swap3A_218 : vector<16xi32> to vector<16xi32>
        %swap3A_220 = vector.shape_cast %select_n3A_216 : vector<16xi32> to vector<16xi32>
        tpu.vector_store %arg17[%swap3A_217], %swap3A_220 {strides = array<i32>} : memref<128xi32, #tpu.memory_space<vmem>>, vector<16xi32>,
        %get3A_221 = arith.index_cast %add3A_133 : i32 to index
        %get3A_222 = arith.constant 96 : index
        %get3A_223 = tpu.vector_load %arg12[%get3A_221, %get3A_222] {strides = array<i32>} : memref<80x128xi32, #tpu.memory_space<vmem>>, vector<1x16xi32>,
        %get3A_224 = vector.shape_cast %get3A_223 : vector<1x16xi32> to vector<16xi32>
        %lt3A_225 = arith.constant 5120 : i32
        %lt3A_226 = vector.broadcast %lt3A_225 : i32 to vector<16xi32>
        %lt3A_227 = arith.cmpi slt, %get3A_224, %lt3A_226 : vector<16xi32>
        %jit3A_228 = arith.constant 5120 : i32
        %broadcast_in_dim3A_229 = vector.broadcast %jit3A_228 : i32 to vector<16xi32>
        %select_n3A_230 = arith.select %lt3A_227, %get3A_224, %broadcast_in_dim3A_229 : vector<16xi1>, vector<16xi32>
        %swap3A_231 = arith.constant 96 : index
        %swap3A_232 = tpu.vector_load %arg17[%swap3A_231] {strides = array<i32>} : memref<128xi32, #tpu.memory_space<vmem>>, vector<16xi32>,
        %swap3A_233 = vector.shape_cast %swap3A_232 : vector<16xi32> to vector<16xi32>
        %swap3A_234 = vector.shape_cast %select_n3A_230 : vector<16xi32> to vector<16xi32>
        tpu.vector_store %arg17[%swap3A_231], %swap3A_234 {strides = array<i32>} : memref<128xi32, #tpu.memory_space<vmem>>, vector<16xi32>,
        %get3A_235 = arith.index_cast %add3A_133 : i32 to index
        %get3A_236 = arith.constant 112 : index
        %get3A_237 = tpu.vector_load %arg12[%get3A_235, %get3A_236] {strides = array<i32>} : memref<80x128xi32, #tpu.memory_space<vmem>>, vector<1x16xi32>,
        %get3A_238 = vector.shape_cast %get3A_237 : vector<1x16xi32> to vector<16xi32>
        %lt3A_239 = arith.constant 5120 : i32
        %lt3A_240 = vector.broadcast %lt3A_239 : i32 to vector<16xi32>
        %lt3A_241 = arith.cmpi slt, %get3A_238, %lt3A_240 : vector<16xi32>
        %jit3A_242 = arith.constant 5120 : i32
        %broadcast_in_dim3A_243 = vector.broadcast %jit3A_242 : i32 to vector<16xi32>
        %select_n3A_244 = arith.select %lt3A_241, %get3A_238, %broadcast_in_dim3A_243 : vector<16xi1>, vector<16xi32>
        %swap3A_245 = arith.constant 112 : index
        %swap3A_246 = tpu.vector_load %arg17[%swap3A_245] {strides = array<i32>} : memref<128xi32, #tpu.memory_space<vmem>>, vector<16xi32>,
        %swap3A_247 = vector.shape_cast %swap3A_246 : vector<16xi32> to vector<16xi32>
        %swap3A_248 = vector.shape_cast %select_n3A_244 : vector<16xi32> to vector<16xi32>
        tpu.vector_store %arg17[%swap3A_245], %swap3A_248 {strides = array<i32>} : memref<128xi32, #tpu.memory_space<vmem>>, vector<16xi32>,
        %dma_start3A_249 = arith.constant 0 : i32
        %dma_start3A_250 = arith.constant 0 : i32
        %dma_start3A_251 = tpu.memref_slice %arg29[%dma_start3A_249, %dma_start3A_250] : memref<5248x128xf32, #tpu.memory_space<vmem_shared>> -> memref<5248x128xf32, #tpu.memory_space<vmem_shared>>
        tpu.enqueue_indirect_dma source(%arg13 : memref<128x128xf32, #tpu.memory_space<vmem>>) target(%dma_start3A_251 : memref<5248x128xf32, #tpu.memory_space<vmem_shared>>) offsets(%arg17 : memref<128xi32, #tpu.memory_space<vmem>>) semaphore(%arg25 : memref<!tpu.dma_semaphore, #tpu.memory_space<semaphore_mem>>) {add = true}
        %mul3A_252 = arith.constant 2 : i32
        %mul3A_253 = arith.muli %mul3A_252, %scan3A_129 : i32
        %add3A_254 = arith.constant 1 : i32
        %add3A_255 = arith.addi %mul3A_253, %add3A_254 : i32
        %mul3A_256 = arith.constant 80 : i32
        %mul3A_257 = arith.muli %arg1, %mul3A_256 : i32
        %add3A_258 = arith.addi %mul3A_257, %add3A_255 : i32
        %mul3A_259 = arith.constant 128 : i32
        %mul3A_260 = arith.muli %add3A_258, %mul3A_259 : i32
        %dma_wait3A_261 = arith.constant 0 : i32
        %dma_wait3A_262 = tpu.memref_slice %arg2[%mul3A_260, %dma_wait3A_261] : memref<163840x128xf32, #tpu.memory_space<hbm>> -> memref<128x128xf32, #tpu.memory_space<hbm>>
        %dma_wait3A_263 = arith.constant 0 : i32
        %dma_wait3A_264 = tpu.memref_slice %arg2[%mul3A_260, %dma_wait3A_263] : memref<163840x128xf32, #tpu.memory_space<hbm>> -> memref<128x128xf32, #tpu.memory_space<hbm>>
        tpu.wait_dma2 semaphore(%arg22 : memref<!tpu.dma_semaphore, #tpu.memory_space<semaphore_mem>>) src(%dma_wait3A_264 : memref<128x128xf32, #tpu.memory_space<hbm>>) dst(%arg14 : memref<128x128xf32, #tpu.memory_space<vmem>>)
        %get3A_265 = arith.index_cast %add3A_255 : i32 to index
        %get3A_266 = arith.constant 0 : index
        %get3A_267 = tpu.vector_load %arg12[%get3A_265, %get3A_266] {strides = array<i32>} : memref<80x128xi32, #tpu.memory_space<vmem>>, vector<1x16xi32>,
        %get3A_268 = vector.shape_cast %get3A_267 : vector<1x16xi32> to vector<16xi32>
        %lt3A_269 = arith.constant 5120 : i32
        %lt3A_270 = vector.broadcast %lt3A_269 : i32 to vector<16xi32>
        %lt3A_271 = arith.cmpi slt, %get3A_268, %lt3A_270 : vector<16xi32>
        %jit3A_272 = arith.constant 5120 : i32
        %broadcast_in_dim3A_273 = vector.broadcast %jit3A_272 : i32 to vector<16xi32>
        %select_n3A_274 = arith.select %lt3A_271, %get3A_268, %broadcast_in_dim3A_273 : vector<16xi1>, vector<16xi32>
        %swap3A_275 = arith.constant 0 : index
        %swap3A_276 = tpu.vector_load %arg18[%swap3A_275] {strides = array<i32>} : memref<128xi32, #tpu.memory_space<vmem>>, vector<16xi32>,
        %swap3A_277 = vector.shape_cast %swap3A_276 : vector<16xi32> to vector<16xi32>
        %swap3A_278 = vector.shape_cast %select_n3A_274 : vector<16xi32> to vector<16xi32>
        tpu.vector_store %arg18[%swap3A_275], %swap3A_278 {strides = array<i32>} : memref<128xi32, #tpu.memory_space<vmem>>, vector<16xi32>,
        %get3A_279 = arith.index_cast %add3A_255 : i32 to index
        %get3A_280 = arith.constant 16 : index
        %get3A_281 = tpu.vector_load %arg12[%get3A_279, %get3A_280] {strides = array<i32>} : memref<80x128xi32, #tpu.memory_space<vmem>>, vector<1x16xi32>,
        %get3A_282 = vector.shape_cast %get3A_281 : vector<1x16xi32> to vector<16xi32>
        %lt3A_283 = arith.constant 5120 : i32
        %lt3A_284 = vector.broadcast %lt3A_283 : i32 to vector<16xi32>
        %lt3A_285 = arith.cmpi slt, %get3A_282, %lt3A_284 : vector<16xi32>
        %jit3A_286 = arith.constant 5120 : i32
        %broadcast_in_dim3A_287 = vector.broadcast %jit3A_286 : i32 to vector<16xi32>
        %select_n3A_288 = arith.select %lt3A_285, %get3A_282, %broadcast_in_dim3A_287 : vector<16xi1>, vector<16xi32>
        %swap3A_289 = arith.constant 16 : index
        %swap3A_290 = tpu.vector_load %arg18[%swap3A_289] {strides = array<i32>} : memref<128xi32, #tpu.memory_space<vmem>>, vector<16xi32>,
        %swap3A_291 = vector.shape_cast %swap3A_290 : vector<16xi32> to vector<16xi32>
        %swap3A_292 = vector.shape_cast %select_n3A_288 : vector<16xi32> to vector<16xi32>
        tpu.vector_store %arg18[%swap3A_289], %swap3A_292 {strides = array<i32>} : memref<128xi32, #tpu.memory_space<vmem>>, vector<16xi32>,
        %get3A_293 = arith.index_cast %add3A_255 : i32 to index
        %get3A_294 = arith.constant 32 : index
        %get3A_295 = tpu.vector_load %arg12[%get3A_293, %get3A_294] {strides = array<i32>} : memref<80x128xi32, #tpu.memory_space<vmem>>, vector<1x16xi32>,
        %get3A_296 = vector.shape_cast %get3A_295 : vector<1x16xi32> to vector<16xi32>
        %lt3A_297 = arith.constant 5120 : i32
        %lt3A_298 = vector.broadcast %lt3A_297 : i32 to vector<16xi32>
        %lt3A_299 = arith.cmpi slt, %get3A_296, %lt3A_298 : vector<16xi32>
        %jit3A_300 = arith.constant 5120 : i32
        %broadcast_in_dim3A_301 = vector.broadcast %jit3A_300 : i32 to vector<16xi32>
        %select_n3A_302 = arith.select %lt3A_299, %get3A_296, %broadcast_in_dim3A_301 : vector<16xi1>, vector<16xi32>
        %swap3A_303 = arith.constant 32 : index
        %swap3A_304 = tpu.vector_load %arg18[%swap3A_303] {strides = array<i32>} : memref<128xi32, #tpu.memory_space<vmem>>, vector<16xi32>,
        %swap3A_305 = vector.shape_cast %swap3A_304 : vector<16xi32> to vector<16xi32>
        %swap3A_306 = vector.shape_cast %select_n3A_302 : vector<16xi32> to vector<16xi32>
        tpu.vector_store %arg18[%swap3A_303], %swap3A_306 {strides = array<i32>} : memref<128xi32, #tpu.memory_space<vmem>>, vector<16xi32>,
        %get3A_307 = arith.index_cast %add3A_255 : i32 to index
        %get3A_308 = arith.constant 48 : index
        %get3A_309 = tpu.vector_load %arg12[%get3A_307, %get3A_308] {strides = array<i32>} : memref<80x128xi32, #tpu.memory_space<vmem>>, vector<1x16xi32>,
        %get3A_310 = vector.shape_cast %get3A_309 : vector<1x16xi32> to vector<16xi32>
        %lt3A_311 = arith.constant 5120 : i32
        %lt3A_312 = vector.broadcast %lt3A_311 : i32 to vector<16xi32>
        %lt3A_313 = arith.cmpi slt, %get3A_310, %lt3A_312 : vector<16xi32>
        %jit3A_314 = arith.constant 5120 : i32
        %broadcast_in_dim3A_315 = vector.broadcast %jit3A_314 : i32 to vector<16xi32>
        %select_n3A_316 = arith.select %lt3A_313, %get3A_310, %broadcast_in_dim3A_315 : vector<16xi1>, vector<16xi32>
        %swap3A_317 = arith.constant 48 : index
        %swap3A_318 = tpu.vector_load %arg18[%swap3A_317] {strides = array<i32>} : memref<128xi32, #tpu.memory_space<vmem>>, vector<16xi32>,
        %swap3A_319 = vector.shape_cast %swap3A_318 : vector<16xi32> to vector<16xi32>
        %swap3A_320 = vector.shape_cast %select_n3A_316 : vector<16xi32> to vector<16xi32>
        tpu.vector_store %arg18[%swap3A_317], %swap3A_320 {strides = array<i32>} : memref<128xi32, #tpu.memory_space<vmem>>, vector<16xi32>,
        %get3A_321 = arith.index_cast %add3A_255 : i32 to index
        %get3A_322 = arith.constant 64 : index
        %get3A_323 = tpu.vector_load %arg12[%get3A_321, %get3A_322] {strides = array<i32>} : memref<80x128xi32, #tpu.memory_space<vmem>>, vector<1x16xi32>,
        %get3A_324 = vector.shape_cast %get3A_323 : vector<1x16xi32> to vector<16xi32>
        %lt3A_325 = arith.constant 5120 : i32
        %lt3A_326 = vector.broadcast %lt3A_325 : i32 to vector<16xi32>
        %lt3A_327 = arith.cmpi slt, %get3A_324, %lt3A_326 : vector<16xi32>
        %jit3A_328 = arith.constant 5120 : i32
        %broadcast_in_dim3A_329 = vector.broadcast %jit3A_328 : i32 to vector<16xi32>
        %select_n3A_330 = arith.select %lt3A_327, %get3A_324, %broadcast_in_dim3A_329 : vector<16xi1>, vector<16xi32>
        %swap3A_331 = arith.constant 64 : index
        %swap3A_332 = tpu.vector_load %arg18[%swap3A_331] {strides = array<i32>} : memref<128xi32, #tpu.memory_space<vmem>>, vector<16xi32>,
        %swap3A_333 = vector.shape_cast %swap3A_332 : vector<16xi32> to vector<16xi32>
        %swap3A_334 = vector.shape_cast %select_n3A_330 : vector<16xi32> to vector<16xi32>
        tpu.vector_store %arg18[%swap3A_331], %swap3A_334 {strides = array<i32>} : memref<128xi32, #tpu.memory_space<vmem>>, vector<16xi32>,
        %get3A_335 = arith.index_cast %add3A_255 : i32 to index
        %get3A_336 = arith.constant 80 : index
        %get3A_337 = tpu.vector_load %arg12[%get3A_335, %get3A_336] {strides = array<i32>} : memref<80x128xi32, #tpu.memory_space<vmem>>, vector<1x16xi32>,
        %get3A_338 = vector.shape_cast %get3A_337 : vector<1x16xi32> to vector<16xi32>
        %lt3A_339 = arith.constant 5120 : i32
        %lt3A_340 = vector.broadcast %lt3A_339 : i32 to vector<16xi32>
        %lt3A_341 = arith.cmpi slt, %get3A_338, %lt3A_340 : vector<16xi32>
        %jit3A_342 = arith.constant 5120 : i32
        %broadcast_in_dim3A_343 = vector.broadcast %jit3A_342 : i32 to vector<16xi32>
        %select_n3A_344 = arith.select %lt3A_341, %get3A_338, %broadcast_in_dim3A_343 : vector<16xi1>, vector<16xi32>
        %swap3A_345 = arith.constant 80 : index
        %swap3A_346 = tpu.vector_load %arg18[%swap3A_345] {strides = array<i32>} : memref<128xi32, #tpu.memory_space<vmem>>, vector<16xi32>,
        %swap3A_347 = vector.shape_cast %swap3A_346 : vector<16xi32> to vector<16xi32>
        %swap3A_348 = vector.shape_cast %select_n3A_344 : vector<16xi32> to vector<16xi32>
        tpu.vector_store %arg18[%swap3A_345], %swap3A_348 {strides = array<i32>} : memref<128xi32, #tpu.memory_space<vmem>>, vector<16xi32>,
        %get3A_349 = arith.index_cast %add3A_255 : i32 to index
        %get3A_350 = arith.constant 96 : index
        %get3A_351 = tpu.vector_load %arg12[%get3A_349, %get3A_350] {strides = array<i32>} : memref<80x128xi32, #tpu.memory_space<vmem>>, vector<1x16xi32>,
        %get3A_352 = vector.shape_cast %get3A_351 : vector<1x16xi32> to vector<16xi32>
        %lt3A_353 = arith.constant 5120 : i32
        %lt3A_354 = vector.broadcast %lt3A_353 : i32 to vector<16xi32>
        %lt3A_355 = arith.cmpi slt, %get3A_352, %lt3A_354 : vector<16xi32>
        %jit3A_356 = arith.constant 5120 : i32
        %broadcast_in_dim3A_357 = vector.broadcast %jit3A_356 : i32 to vector<16xi32>
        %select_n3A_358 = arith.select %lt3A_355, %get3A_352, %broadcast_in_dim3A_357 : vector<16xi1>, vector<16xi32>
        %swap3A_359 = arith.constant 96 : index
        %swap3A_360 = tpu.vector_load %arg18[%swap3A_359] {strides = array<i32>} : memref<128xi32, #tpu.memory_space<vmem>>, vector<16xi32>,
        %swap3A_361 = vector.shape_cast %swap3A_360 : vector<16xi32> to vector<16xi32>
        %swap3A_362 = vector.shape_cast %select_n3A_358 : vector<16xi32> to vector<16xi32>
        tpu.vector_store %arg18[%swap3A_359], %swap3A_362 {strides = array<i32>} : memref<128xi32, #tpu.memory_space<vmem>>, vector<16xi32>,
        %get3A_363 = arith.index_cast %add3A_255 : i32 to index
        %get3A_364 = arith.constant 112 : index
        %get3A_365 = tpu.vector_load %arg12[%get3A_363, %get3A_364] {strides = array<i32>} : memref<80x128xi32, #tpu.memory_space<vmem>>, vector<1x16xi32>,
        %get3A_366 = vector.shape_cast %get3A_365 : vector<1x16xi32> to vector<16xi32>
        %lt3A_367 = arith.constant 5120 : i32
        %lt3A_368 = vector.broadcast %lt3A_367 : i32 to vector<16xi32>
        %lt3A_369 = arith.cmpi slt, %get3A_366, %lt3A_368 : vector<16xi32>
        %jit3A_370 = arith.constant 5120 : i32
        %broadcast_in_dim3A_371 = vector.broadcast %jit3A_370 : i32 to vector<16xi32>
        %select_n3A_372 = arith.select %lt3A_369, %get3A_366, %broadcast_in_dim3A_371 : vector<16xi1>, vector<16xi32>
        %swap3A_373 = arith.constant 112 : index
        %swap3A_374 = tpu.vector_load %arg18[%swap3A_373] {strides = array<i32>} : memref<128xi32, #tpu.memory_space<vmem>>, vector<16xi32>,
        %swap3A_375 = vector.shape_cast %swap3A_374 : vector<16xi32> to vector<16xi32>
        %swap3A_376 = vector.shape_cast %select_n3A_372 : vector<16xi32> to vector<16xi32>
        tpu.vector_store %arg18[%swap3A_373], %swap3A_376 {strides = array<i32>} : memref<128xi32, #tpu.memory_space<vmem>>, vector<16xi32>,
        %dma_start3A_377 = arith.constant 0 : i32
        %dma_start3A_378 = arith.constant 0 : i32
        %dma_start3A_379 = tpu.memref_slice %arg29[%dma_start3A_377, %dma_start3A_378] : memref<5248x128xf32, #tpu.memory_space<vmem_shared>> -> memref<5248x128xf32, #tpu.memory_space<vmem_shared>>
        tpu.enqueue_indirect_dma source(%arg14 : memref<128x128xf32, #tpu.memory_space<vmem>>) target(%dma_start3A_379 : memref<5248x128xf32, #tpu.memory_space<vmem_shared>>) offsets(%arg18 : memref<128xi32, #tpu.memory_space<vmem>>) semaphore(%arg26 : memref<!tpu.dma_semaphore, #tpu.memory_space<semaphore_mem>>) {add = true}
        %mul3A_380 = arith.constant 2 : i32
        %mul3A_381 = arith.muli %mul3A_380, %scan3A_129 : i32
        %add3A_382 = arith.constant 0 : i32
        %add3A_383 = arith.addi %mul3A_381, %add3A_382 : i32
        %dma_wait3A_384 = arith.constant 0 : i32
        %dma_wait3A_385 = arith.constant 0 : i32
        %dma_wait3A_386 = tpu.memref_slice %arg29[%dma_wait3A_384, %dma_wait3A_385] : memref<5248x128xf32, #tpu.memory_space<vmem_shared>> -> memref<5248x128xf32, #tpu.memory_space<vmem_shared>>
        tpu.wait_indirect_dma semaphore(%arg25 : memref<!tpu.dma_semaphore, #tpu.memory_space<semaphore_mem>>) src(%arg13 : memref<128x128xf32, #tpu.memory_space<vmem>>) dst(%dma_wait3A_386 : memref<5248x128xf32, #tpu.memory_space<vmem_shared>>)
        %add3A_387 = arith.constant 2 : i32
        %add3A_388 = arith.addi %add3A_383, %add3A_387 : i32
        %lt3A_389 = arith.constant 80 : i32
        %lt3A_390 = arith.cmpi slt, %add3A_388, %lt3A_389 : i32
        %convert_element_type3A_391 = arith.extui %lt3A_390 : i1 to i32
        %cond3A_392 = arith.constant 0 : i32
        %cond3A_393 = arith.cmpi ne, %convert_element_type3A_391, %cond3A_392 : i32
        scf.if %cond3A_393 {
          %add3A_408 = arith.constant 2 : i32
          %add3A_409 = arith.addi %add3A_383, %add3A_408 : i32
          %mul3A_410 = arith.constant 80 : i32
          %mul3A_411 = arith.muli %arg1, %mul3A_410 : i32
          %add3A_412 = arith.addi %mul3A_411, %add3A_409 : i32
          %mul3A_413 = arith.constant 128 : i32
          %mul3A_414 = arith.muli %add3A_412, %mul3A_413 : i32
          %dma_start3A_415 = arith.constant 0 : i32
          %dma_start3A_416 = tpu.memref_slice %arg2[%mul3A_414, %dma_start3A_415] : memref<163840x128xf32, #tpu.memory_space<hbm>> -> memref<128x128xf32, #tpu.memory_space<hbm>>
          %dma_start3A_417 = arith.constant 0 : i32
          %dma_start3A_418 = tpu.memref_slice %arg2[%mul3A_414, %dma_start3A_417] : memref<163840x128xf32, #tpu.memory_space<hbm>> -> memref<128x128xf32, #tpu.memory_space<hbm>>
          tpu.enqueue_dma source(%dma_start3A_418 : memref<128x128xf32, #tpu.memory_space<hbm>>) target(%arg13 : memref<128x128xf32, #tpu.memory_space<vmem>>) target_semaphore(%arg21 : memref<!tpu.dma_semaphore, #tpu.memory_space<semaphore_mem>>)
        } else {
        }
        %mul3A_394 = arith.constant 2 : i32
        %mul3A_395 = arith.muli %mul3A_394, %scan3A_129 : i32
        %add3A_396 = arith.constant 1 : i32
        %add3A_397 = arith.addi %mul3A_395, %add3A_396 : i32
        %dma_wait3A_398 = arith.constant 0 : i32
        %dma_wait3A_399 = arith.constant 0 : i32
        %dma_wait3A_400 = tpu.memref_slice %arg29[%dma_wait3A_398, %dma_wait3A_399] : memref<5248x128xf32, #tpu.memory_space<vmem_shared>> -> memref<5248x128xf32, #tpu.memory_space<vmem_shared>>
        tpu.wait_indirect_dma semaphore(%arg26 : memref<!tpu.dma_semaphore, #tpu.memory_space<semaphore_mem>>) src(%arg14 : memref<128x128xf32, #tpu.memory_space<vmem>>) dst(%dma_wait3A_400 : memref<5248x128xf32, #tpu.memory_space<vmem_shared>>)
        %add3A_401 = arith.constant 2 : i32
        %add3A_402 = arith.addi %add3A_397, %add3A_401 : i32
        %lt3A_403 = arith.constant 80 : i32
        %lt3A_404 = arith.cmpi slt, %add3A_402, %lt3A_403 : i32
        %convert_element_type3A_405 = arith.extui %lt3A_404 : i1 to i32
        %cond3A_406 = arith.constant 0 : i32
        %cond3A_407 = arith.cmpi ne, %convert_element_type3A_405, %cond3A_406 : i32
        scf.if %cond3A_407 {
          %add3A_408 = arith.constant 2 : i32
          %add3A_409 = arith.addi %add3A_397, %add3A_408 : i32
          %mul3A_410 = arith.constant 80 : i32
          %mul3A_411 = arith.muli %arg1, %mul3A_410 : i32
          %add3A_412 = arith.addi %mul3A_411, %add3A_409 : i32
          %mul3A_413 = arith.constant 128 : i32
          %mul3A_414 = arith.muli %add3A_412, %mul3A_413 : i32
          %dma_start3A_415 = arith.constant 0 : i32
          %dma_start3A_416 = tpu.memref_slice %arg2[%mul3A_414, %dma_start3A_415] : memref<163840x128xf32, #tpu.memory_space<hbm>> -> memref<128x128xf32, #tpu.memory_space<hbm>>
          %dma_start3A_417 = arith.constant 0 : i32
          %dma_start3A_418 = tpu.memref_slice %arg2[%mul3A_414, %dma_start3A_417] : memref<163840x128xf32, #tpu.memory_space<hbm>> -> memref<128x128xf32, #tpu.memory_space<hbm>>
          tpu.enqueue_dma source(%dma_start3A_418 : memref<128x128xf32, #tpu.memory_space<hbm>>) target(%arg14 : memref<128x128xf32, #tpu.memory_space<vmem>>) target_semaphore(%arg22 : memref<!tpu.dma_semaphore, #tpu.memory_space<semaphore_mem>>)
        } else {
        }
      }
      %scan3A_43 = arith.constant 40 : i32
      %mul3A_44 = arith.constant 80 : i32
      %mul3A_45 = arith.muli %arg1, %mul3A_44 : i32
      %add3A_46 = arith.constant 0 : i32
      %add3A_47 = arith.addi %mul3A_45, %add3A_46 : i32
      %mul3A_48 = arith.constant 128 : i32
      %mul3A_49 = arith.muli %add3A_47, %mul3A_48 : i32
      %dma_start3A_50 = arith.constant 0 : i32
      %dma_start3A_51 = tpu.memref_slice %arg3[%mul3A_49, %dma_start3A_50] : memref<163840x128xf32, #tpu.memory_space<hbm>> -> memref<128x128xf32, #tpu.memory_space<hbm>>
      %dma_start3A_52 = arith.constant 0 : i32
      %dma_start3A_53 = tpu.memref_slice %arg3[%mul3A_49, %dma_start3A_52] : memref<163840x128xf32, #tpu.memory_space<hbm>> -> memref<128x128xf32, #tpu.memory_space<hbm>>
      tpu.enqueue_dma source(%dma_start3A_53 : memref<128x128xf32, #tpu.memory_space<hbm>>) target(%arg15 : memref<128x128xf32, #tpu.memory_space<vmem>>) target_semaphore(%arg23 : memref<!tpu.dma_semaphore, #tpu.memory_space<semaphore_mem>>)
      %mul3A_54 = arith.constant 80 : i32
      %mul3A_55 = arith.muli %arg1, %mul3A_54 : i32
      %add3A_56 = arith.constant 1 : i32
      %add3A_57 = arith.addi %mul3A_55, %add3A_56 : i32
      %mul3A_58 = arith.constant 128 : i32
      %mul3A_59 = arith.muli %add3A_57, %mul3A_58 : i32
      %dma_start3A_60 = arith.constant 0 : i32
      %dma_start3A_61 = tpu.memref_slice %arg3[%mul3A_59, %dma_start3A_60] : memref<163840x128xf32, #tpu.memory_space<hbm>> -> memref<128x128xf32, #tpu.memory_space<hbm>>
      %dma_start3A_62 = arith.constant 0 : i32
      %dma_start3A_63 = tpu.memref_slice %arg3[%mul3A_59, %dma_start3A_62] : memref<163840x128xf32, #tpu.memory_space<hbm>> -> memref<128x128xf32, #tpu.memory_space<hbm>>
      tpu.enqueue_dma source(%dma_start3A_63 : memref<128x128xf32, #tpu.memory_space<hbm>>) target(%arg16 : memref<128x128xf32, #tpu.memory_space<vmem>>) target_semaphore(%arg24 : memref<!tpu.dma_semaphore, #tpu.memory_space<semaphore_mem>>)
      %scan3A_64 = arith.constant 0 : i32
      %scan3A_65 = arith.constant 0 : i32
      %scan3A_66 = arith.constant 40 : i32
      %scan3A_67 = arith.addi %scan3A_65, %scan3A_66 : i32
      %scan3A_68 = arith.constant 1 : i32
      scf.for %scan3A_129 = %scan3A_65 to %scan3A_67 step %scan3A_68  : i32 {
        %mul3A_130 = arith.constant 2 : i32
        %mul3A_131 = arith.muli %mul3A_130, %scan3A_129 : i32
        %add3A_132 = arith.constant 0 : i32
        %add3A_133 = arith.addi %mul3A_131, %add3A_132 : i32
        %mul3A_134 = arith.constant 80 : i32
        %mul3A_135 = arith.muli %arg1, %mul3A_134 : i32
        %add3A_136 = arith.addi %mul3A_135, %add3A_133 : i32
        %mul3A_137 = arith.constant 128 : i32
        %mul3A_138 = arith.muli %add3A_136, %mul3A_137 : i32
        %dma_wait3A = arith.constant 0 : i32
        %dma_wait3A_139 = tpu.memref_slice %arg3[%mul3A_138, %dma_wait3A] : memref<163840x128xf32, #tpu.memory_space<hbm>> -> memref<128x128xf32, #tpu.memory_space<hbm>>
        %dma_wait3A_140 = arith.constant 0 : i32
        %dma_wait3A_141 = tpu.memref_slice %arg3[%mul3A_138, %dma_wait3A_140] : memref<163840x128xf32, #tpu.memory_space<hbm>> -> memref<128x128xf32, #tpu.memory_space<hbm>>
        tpu.wait_dma2 semaphore(%arg23 : memref<!tpu.dma_semaphore, #tpu.memory_space<semaphore_mem>>) src(%dma_wait3A_141 : memref<128x128xf32, #tpu.memory_space<hbm>>) dst(%arg15 : memref<128x128xf32, #tpu.memory_space<vmem>>)
        %get3A = arith.index_cast %add3A_133 : i32 to index
        %get3A_142 = arith.constant 0 : index
        %get3A_143 = tpu.vector_load %arg12[%get3A, %get3A_142] {strides = array<i32>} : memref<80x128xi32, #tpu.memory_space<vmem>>, vector<1x16xi32>,
        %get3A_144 = vector.shape_cast %get3A_143 : vector<1x16xi32> to vector<16xi32>
        %shift_right_logical3A = arith.constant 7 : i32
        %shift_right_logical3A_145 = vector.broadcast %shift_right_logical3A : i32 to vector<16xi32>
        %shift_right_logical3A_146 = arith.shrui %get3A_144, %shift_right_logical3A_145 : vector<16xi32>
        %add3A_147 = arith.constant 5128 : i32
        %add3A_148 = vector.broadcast %add3A_147 : i32 to vector<16xi32>
        %add3A_149 = arith.addi %add3A_148, %shift_right_logical3A_146 : vector<16xi32>
        %swap3A = arith.constant 0 : index
        %swap3A_150 = tpu.vector_load %arg19[%swap3A] {strides = array<i32>} : memref<128xi32, #tpu.memory_space<vmem>>, vector<16xi32>,
        %swap3A_151 = vector.shape_cast %swap3A_150 : vector<16xi32> to vector<16xi32>
        %swap3A_152 = vector.shape_cast %add3A_149 : vector<16xi32> to vector<16xi32>
        tpu.vector_store %arg19[%swap3A], %swap3A_152 {strides = array<i32>} : memref<128xi32, #tpu.memory_space<vmem>>, vector<16xi32>,
        %get3A_153 = arith.index_cast %add3A_133 : i32 to index
        %get3A_154 = arith.constant 16 : index
        %get3A_155 = tpu.vector_load %arg12[%get3A_153, %get3A_154] {strides = array<i32>} : memref<80x128xi32, #tpu.memory_space<vmem>>, vector<1x16xi32>,
        %get3A_156 = vector.shape_cast %get3A_155 : vector<1x16xi32> to vector<16xi32>
        %shift_right_logical3A_157 = arith.constant 7 : i32
        %shift_right_logical3A_158 = vector.broadcast %shift_right_logical3A_157 : i32 to vector<16xi32>
        %shift_right_logical3A_159 = arith.shrui %get3A_156, %shift_right_logical3A_158 : vector<16xi32>
        %add3A_160 = arith.constant 5128 : i32
        %add3A_161 = vector.broadcast %add3A_160 : i32 to vector<16xi32>
        %add3A_162 = arith.addi %add3A_161, %shift_right_logical3A_159 : vector<16xi32>
        %swap3A_163 = arith.constant 16 : index
        %swap3A_164 = tpu.vector_load %arg19[%swap3A_163] {strides = array<i32>} : memref<128xi32, #tpu.memory_space<vmem>>, vector<16xi32>,
        %swap3A_165 = vector.shape_cast %swap3A_164 : vector<16xi32> to vector<16xi32>
        %swap3A_166 = vector.shape_cast %add3A_162 : vector<16xi32> to vector<16xi32>
        tpu.vector_store %arg19[%swap3A_163], %swap3A_166 {strides = array<i32>} : memref<128xi32, #tpu.memory_space<vmem>>, vector<16xi32>,
        %get3A_167 = arith.index_cast %add3A_133 : i32 to index
        %get3A_168 = arith.constant 32 : index
        %get3A_169 = tpu.vector_load %arg12[%get3A_167, %get3A_168] {strides = array<i32>} : memref<80x128xi32, #tpu.memory_space<vmem>>, vector<1x16xi32>,
        %get3A_170 = vector.shape_cast %get3A_169 : vector<1x16xi32> to vector<16xi32>
        %shift_right_logical3A_171 = arith.constant 7 : i32
        %shift_right_logical3A_172 = vector.broadcast %shift_right_logical3A_171 : i32 to vector<16xi32>
        %shift_right_logical3A_173 = arith.shrui %get3A_170, %shift_right_logical3A_172 : vector<16xi32>
        %add3A_174 = arith.constant 5128 : i32
        %add3A_175 = vector.broadcast %add3A_174 : i32 to vector<16xi32>
        %add3A_176 = arith.addi %add3A_175, %shift_right_logical3A_173 : vector<16xi32>
        %swap3A_177 = arith.constant 32 : index
        %swap3A_178 = tpu.vector_load %arg19[%swap3A_177] {strides = array<i32>} : memref<128xi32, #tpu.memory_space<vmem>>, vector<16xi32>,
        %swap3A_179 = vector.shape_cast %swap3A_178 : vector<16xi32> to vector<16xi32>
        %swap3A_180 = vector.shape_cast %add3A_176 : vector<16xi32> to vector<16xi32>
        tpu.vector_store %arg19[%swap3A_177], %swap3A_180 {strides = array<i32>} : memref<128xi32, #tpu.memory_space<vmem>>, vector<16xi32>,
        %get3A_181 = arith.index_cast %add3A_133 : i32 to index
        %get3A_182 = arith.constant 48 : index
        %get3A_183 = tpu.vector_load %arg12[%get3A_181, %get3A_182] {strides = array<i32>} : memref<80x128xi32, #tpu.memory_space<vmem>>, vector<1x16xi32>,
        %get3A_184 = vector.shape_cast %get3A_183 : vector<1x16xi32> to vector<16xi32>
        %shift_right_logical3A_185 = arith.constant 7 : i32
        %shift_right_logical3A_186 = vector.broadcast %shift_right_logical3A_185 : i32 to vector<16xi32>
        %shift_right_logical3A_187 = arith.shrui %get3A_184, %shift_right_logical3A_186 : vector<16xi32>
        %add3A_188 = arith.constant 5128 : i32
        %add3A_189 = vector.broadcast %add3A_188 : i32 to vector<16xi32>
        %add3A_190 = arith.addi %add3A_189, %shift_right_logical3A_187 : vector<16xi32>
        %swap3A_191 = arith.constant 48 : index
        %swap3A_192 = tpu.vector_load %arg19[%swap3A_191] {strides = array<i32>} : memref<128xi32, #tpu.memory_space<vmem>>, vector<16xi32>,
        %swap3A_193 = vector.shape_cast %swap3A_192 : vector<16xi32> to vector<16xi32>
        %swap3A_194 = vector.shape_cast %add3A_190 : vector<16xi32> to vector<16xi32>
        tpu.vector_store %arg19[%swap3A_191], %swap3A_194 {strides = array<i32>} : memref<128xi32, #tpu.memory_space<vmem>>, vector<16xi32>,
        %get3A_195 = arith.index_cast %add3A_133 : i32 to index
        %get3A_196 = arith.constant 64 : index
        %get3A_197 = tpu.vector_load %arg12[%get3A_195, %get3A_196] {strides = array<i32>} : memref<80x128xi32, #tpu.memory_space<vmem>>, vector<1x16xi32>,
        %get3A_198 = vector.shape_cast %get3A_197 : vector<1x16xi32> to vector<16xi32>
        %shift_right_logical3A_199 = arith.constant 7 : i32
        %shift_right_logical3A_200 = vector.broadcast %shift_right_logical3A_199 : i32 to vector<16xi32>
        %shift_right_logical3A_201 = arith.shrui %get3A_198, %shift_right_logical3A_200 : vector<16xi32>
        %add3A_202 = arith.constant 5128 : i32
        %add3A_203 = vector.broadcast %add3A_202 : i32 to vector<16xi32>
        %add3A_204 = arith.addi %add3A_203, %shift_right_logical3A_201 : vector<16xi32>
        %swap3A_205 = arith.constant 64 : index
        %swap3A_206 = tpu.vector_load %arg19[%swap3A_205] {strides = array<i32>} : memref<128xi32, #tpu.memory_space<vmem>>, vector<16xi32>,
        %swap3A_207 = vector.shape_cast %swap3A_206 : vector<16xi32> to vector<16xi32>
        %swap3A_208 = vector.shape_cast %add3A_204 : vector<16xi32> to vector<16xi32>
        tpu.vector_store %arg19[%swap3A_205], %swap3A_208 {strides = array<i32>} : memref<128xi32, #tpu.memory_space<vmem>>, vector<16xi32>,
        %get3A_209 = arith.index_cast %add3A_133 : i32 to index
        %get3A_210 = arith.constant 80 : index
        %get3A_211 = tpu.vector_load %arg12[%get3A_209, %get3A_210] {strides = array<i32>} : memref<80x128xi32, #tpu.memory_space<vmem>>, vector<1x16xi32>,
        %get3A_212 = vector.shape_cast %get3A_211 : vector<1x16xi32> to vector<16xi32>
        %shift_right_logical3A_213 = arith.constant 7 : i32
        %shift_right_logical3A_214 = vector.broadcast %shift_right_logical3A_213 : i32 to vector<16xi32>
        %shift_right_logical3A_215 = arith.shrui %get3A_212, %shift_right_logical3A_214 : vector<16xi32>
        %add3A_216 = arith.constant 5128 : i32
        %add3A_217 = vector.broadcast %add3A_216 : i32 to vector<16xi32>
        %add3A_218 = arith.addi %add3A_217, %shift_right_logical3A_215 : vector<16xi32>
        %swap3A_219 = arith.constant 80 : index
        %swap3A_220 = tpu.vector_load %arg19[%swap3A_219] {strides = array<i32>} : memref<128xi32, #tpu.memory_space<vmem>>, vector<16xi32>,
        %swap3A_221 = vector.shape_cast %swap3A_220 : vector<16xi32> to vector<16xi32>
        %swap3A_222 = vector.shape_cast %add3A_218 : vector<16xi32> to vector<16xi32>
        tpu.vector_store %arg19[%swap3A_219], %swap3A_222 {strides = array<i32>} : memref<128xi32, #tpu.memory_space<vmem>>, vector<16xi32>,
        %get3A_223 = arith.index_cast %add3A_133 : i32 to index
        %get3A_224 = arith.constant 96 : index
        %get3A_225 = tpu.vector_load %arg12[%get3A_223, %get3A_224] {strides = array<i32>} : memref<80x128xi32, #tpu.memory_space<vmem>>, vector<1x16xi32>,
        %get3A_226 = vector.shape_cast %get3A_225 : vector<1x16xi32> to vector<16xi32>
        %shift_right_logical3A_227 = arith.constant 7 : i32
        %shift_right_logical3A_228 = vector.broadcast %shift_right_logical3A_227 : i32 to vector<16xi32>
        %shift_right_logical3A_229 = arith.shrui %get3A_226, %shift_right_logical3A_228 : vector<16xi32>
        %add3A_230 = arith.constant 5128 : i32
        %add3A_231 = vector.broadcast %add3A_230 : i32 to vector<16xi32>
        %add3A_232 = arith.addi %add3A_231, %shift_right_logical3A_229 : vector<16xi32>
        %swap3A_233 = arith.constant 96 : index
        %swap3A_234 = tpu.vector_load %arg19[%swap3A_233] {strides = array<i32>} : memref<128xi32, #tpu.memory_space<vmem>>, vector<16xi32>,
        %swap3A_235 = vector.shape_cast %swap3A_234 : vector<16xi32> to vector<16xi32>
        %swap3A_236 = vector.shape_cast %add3A_232 : vector<16xi32> to vector<16xi32>
        tpu.vector_store %arg19[%swap3A_233], %swap3A_236 {strides = array<i32>} : memref<128xi32, #tpu.memory_space<vmem>>, vector<16xi32>,
        %get3A_237 = arith.index_cast %add3A_133 : i32 to index
        %get3A_238 = arith.constant 112 : index
        %get3A_239 = tpu.vector_load %arg12[%get3A_237, %get3A_238] {strides = array<i32>} : memref<80x128xi32, #tpu.memory_space<vmem>>, vector<1x16xi32>,
        %get3A_240 = vector.shape_cast %get3A_239 : vector<1x16xi32> to vector<16xi32>
        %shift_right_logical3A_241 = arith.constant 7 : i32
        %shift_right_logical3A_242 = vector.broadcast %shift_right_logical3A_241 : i32 to vector<16xi32>
        %shift_right_logical3A_243 = arith.shrui %get3A_240, %shift_right_logical3A_242 : vector<16xi32>
        %add3A_244 = arith.constant 5128 : i32
        %add3A_245 = vector.broadcast %add3A_244 : i32 to vector<16xi32>
        %add3A_246 = arith.addi %add3A_245, %shift_right_logical3A_243 : vector<16xi32>
        %swap3A_247 = arith.constant 112 : index
        %swap3A_248 = tpu.vector_load %arg19[%swap3A_247] {strides = array<i32>} : memref<128xi32, #tpu.memory_space<vmem>>, vector<16xi32>,
        %swap3A_249 = vector.shape_cast %swap3A_248 : vector<16xi32> to vector<16xi32>
        %swap3A_250 = vector.shape_cast %add3A_246 : vector<16xi32> to vector<16xi32>
        tpu.vector_store %arg19[%swap3A_247], %swap3A_250 {strides = array<i32>} : memref<128xi32, #tpu.memory_space<vmem>>, vector<16xi32>,
        %dma_start3A_251 = arith.constant 0 : i32
        %dma_start3A_252 = arith.constant 0 : i32
        %dma_start3A_253 = tpu.memref_slice %arg29[%dma_start3A_251, %dma_start3A_252] : memref<5248x128xf32, #tpu.memory_space<vmem_shared>> -> memref<5248x128xf32, #tpu.memory_space<vmem_shared>>
        tpu.enqueue_indirect_dma source(%arg15 : memref<128x128xf32, #tpu.memory_space<vmem>>) target(%dma_start3A_253 : memref<5248x128xf32, #tpu.memory_space<vmem_shared>>) offsets(%arg19 : memref<128xi32, #tpu.memory_space<vmem>>) semaphore(%arg27 : memref<!tpu.dma_semaphore, #tpu.memory_space<semaphore_mem>>) {add = true}
        %mul3A_254 = arith.constant 2 : i32
        %mul3A_255 = arith.muli %mul3A_254, %scan3A_129 : i32
        %add3A_256 = arith.constant 1 : i32
        %add3A_257 = arith.addi %mul3A_255, %add3A_256 : i32
        %mul3A_258 = arith.constant 80 : i32
        %mul3A_259 = arith.muli %arg1, %mul3A_258 : i32
        %add3A_260 = arith.addi %mul3A_259, %add3A_257 : i32
        %mul3A_261 = arith.constant 128 : i32
        %mul3A_262 = arith.muli %add3A_260, %mul3A_261 : i32
        %dma_wait3A_263 = arith.constant 0 : i32
        %dma_wait3A_264 = tpu.memref_slice %arg3[%mul3A_262, %dma_wait3A_263] : memref<163840x128xf32, #tpu.memory_space<hbm>> -> memref<128x128xf32, #tpu.memory_space<hbm>>
        %dma_wait3A_265 = arith.constant 0 : i32
        %dma_wait3A_266 = tpu.memref_slice %arg3[%mul3A_262, %dma_wait3A_265] : memref<163840x128xf32, #tpu.memory_space<hbm>> -> memref<128x128xf32, #tpu.memory_space<hbm>>
        tpu.wait_dma2 semaphore(%arg24 : memref<!tpu.dma_semaphore, #tpu.memory_space<semaphore_mem>>) src(%dma_wait3A_266 : memref<128x128xf32, #tpu.memory_space<hbm>>) dst(%arg16 : memref<128x128xf32, #tpu.memory_space<vmem>>)
        %get3A_267 = arith.index_cast %add3A_257 : i32 to index
        %get3A_268 = arith.constant 0 : index
        %get3A_269 = tpu.vector_load %arg12[%get3A_267, %get3A_268] {strides = array<i32>} : memref<80x128xi32, #tpu.memory_space<vmem>>, vector<1x16xi32>,
        %get3A_270 = vector.shape_cast %get3A_269 : vector<1x16xi32> to vector<16xi32>
        %shift_right_logical3A_271 = arith.constant 7 : i32
        %shift_right_logical3A_272 = vector.broadcast %shift_right_logical3A_271 : i32 to vector<16xi32>
        %shift_right_logical3A_273 = arith.shrui %get3A_270, %shift_right_logical3A_272 : vector<16xi32>
        %add3A_274 = arith.constant 5128 : i32
        %add3A_275 = vector.broadcast %add3A_274 : i32 to vector<16xi32>
        %add3A_276 = arith.addi %add3A_275, %shift_right_logical3A_273 : vector<16xi32>
        %swap3A_277 = arith.constant 0 : index
        %swap3A_278 = tpu.vector_load %arg20[%swap3A_277] {strides = array<i32>} : memref<128xi32, #tpu.memory_space<vmem>>, vector<16xi32>,
        %swap3A_279 = vector.shape_cast %swap3A_278 : vector<16xi32> to vector<16xi32>
        %swap3A_280 = vector.shape_cast %add3A_276 : vector<16xi32> to vector<16xi32>
        tpu.vector_store %arg20[%swap3A_277], %swap3A_280 {strides = array<i32>} : memref<128xi32, #tpu.memory_space<vmem>>, vector<16xi32>,
        %get3A_281 = arith.index_cast %add3A_257 : i32 to index
        %get3A_282 = arith.constant 16 : index
        %get3A_283 = tpu.vector_load %arg12[%get3A_281, %get3A_282] {strides = array<i32>} : memref<80x128xi32, #tpu.memory_space<vmem>>, vector<1x16xi32>,
        %get3A_284 = vector.shape_cast %get3A_283 : vector<1x16xi32> to vector<16xi32>
        %shift_right_logical3A_285 = arith.constant 7 : i32
        %shift_right_logical3A_286 = vector.broadcast %shift_right_logical3A_285 : i32 to vector<16xi32>
        %shift_right_logical3A_287 = arith.shrui %get3A_284, %shift_right_logical3A_286 : vector<16xi32>
        %add3A_288 = arith.constant 5128 : i32
        %add3A_289 = vector.broadcast %add3A_288 : i32 to vector<16xi32>
        %add3A_290 = arith.addi %add3A_289, %shift_right_logical3A_287 : vector<16xi32>
        %swap3A_291 = arith.constant 16 : index
        %swap3A_292 = tpu.vector_load %arg20[%swap3A_291] {strides = array<i32>} : memref<128xi32, #tpu.memory_space<vmem>>, vector<16xi32>,
        %swap3A_293 = vector.shape_cast %swap3A_292 : vector<16xi32> to vector<16xi32>
        %swap3A_294 = vector.shape_cast %add3A_290 : vector<16xi32> to vector<16xi32>
        tpu.vector_store %arg20[%swap3A_291], %swap3A_294 {strides = array<i32>} : memref<128xi32, #tpu.memory_space<vmem>>, vector<16xi32>,
        %get3A_295 = arith.index_cast %add3A_257 : i32 to index
        %get3A_296 = arith.constant 32 : index
        %get3A_297 = tpu.vector_load %arg12[%get3A_295, %get3A_296] {strides = array<i32>} : memref<80x128xi32, #tpu.memory_space<vmem>>, vector<1x16xi32>,
        %get3A_298 = vector.shape_cast %get3A_297 : vector<1x16xi32> to vector<16xi32>
        %shift_right_logical3A_299 = arith.constant 7 : i32
        %shift_right_logical3A_300 = vector.broadcast %shift_right_logical3A_299 : i32 to vector<16xi32>
        %shift_right_logical3A_301 = arith.shrui %get3A_298, %shift_right_logical3A_300 : vector<16xi32>
        %add3A_302 = arith.constant 5128 : i32
        %add3A_303 = vector.broadcast %add3A_302 : i32 to vector<16xi32>
        %add3A_304 = arith.addi %add3A_303, %shift_right_logical3A_301 : vector<16xi32>
        %swap3A_305 = arith.constant 32 : index
        %swap3A_306 = tpu.vector_load %arg20[%swap3A_305] {strides = array<i32>} : memref<128xi32, #tpu.memory_space<vmem>>, vector<16xi32>,
        %swap3A_307 = vector.shape_cast %swap3A_306 : vector<16xi32> to vector<16xi32>
        %swap3A_308 = vector.shape_cast %add3A_304 : vector<16xi32> to vector<16xi32>
        tpu.vector_store %arg20[%swap3A_305], %swap3A_308 {strides = array<i32>} : memref<128xi32, #tpu.memory_space<vmem>>, vector<16xi32>,
        %get3A_309 = arith.index_cast %add3A_257 : i32 to index
        %get3A_310 = arith.constant 48 : index
        %get3A_311 = tpu.vector_load %arg12[%get3A_309, %get3A_310] {strides = array<i32>} : memref<80x128xi32, #tpu.memory_space<vmem>>, vector<1x16xi32>,
        %get3A_312 = vector.shape_cast %get3A_311 : vector<1x16xi32> to vector<16xi32>
        %shift_right_logical3A_313 = arith.constant 7 : i32
        %shift_right_logical3A_314 = vector.broadcast %shift_right_logical3A_313 : i32 to vector<16xi32>
        %shift_right_logical3A_315 = arith.shrui %get3A_312, %shift_right_logical3A_314 : vector<16xi32>
        %add3A_316 = arith.constant 5128 : i32
        %add3A_317 = vector.broadcast %add3A_316 : i32 to vector<16xi32>
        %add3A_318 = arith.addi %add3A_317, %shift_right_logical3A_315 : vector<16xi32>
        %swap3A_319 = arith.constant 48 : index
        %swap3A_320 = tpu.vector_load %arg20[%swap3A_319] {strides = array<i32>} : memref<128xi32, #tpu.memory_space<vmem>>, vector<16xi32>,
        %swap3A_321 = vector.shape_cast %swap3A_320 : vector<16xi32> to vector<16xi32>
        %swap3A_322 = vector.shape_cast %add3A_318 : vector<16xi32> to vector<16xi32>
        tpu.vector_store %arg20[%swap3A_319], %swap3A_322 {strides = array<i32>} : memref<128xi32, #tpu.memory_space<vmem>>, vector<16xi32>,
        %get3A_323 = arith.index_cast %add3A_257 : i32 to index
        %get3A_324 = arith.constant 64 : index
        %get3A_325 = tpu.vector_load %arg12[%get3A_323, %get3A_324] {strides = array<i32>} : memref<80x128xi32, #tpu.memory_space<vmem>>, vector<1x16xi32>,
        %get3A_326 = vector.shape_cast %get3A_325 : vector<1x16xi32> to vector<16xi32>
        %shift_right_logical3A_327 = arith.constant 7 : i32
        %shift_right_logical3A_328 = vector.broadcast %shift_right_logical3A_327 : i32 to vector<16xi32>
        %shift_right_logical3A_329 = arith.shrui %get3A_326, %shift_right_logical3A_328 : vector<16xi32>
        %add3A_330 = arith.constant 5128 : i32
        %add3A_331 = vector.broadcast %add3A_330 : i32 to vector<16xi32>
        %add3A_332 = arith.addi %add3A_331, %shift_right_logical3A_329 : vector<16xi32>
        %swap3A_333 = arith.constant 64 : index
        %swap3A_334 = tpu.vector_load %arg20[%swap3A_333] {strides = array<i32>} : memref<128xi32, #tpu.memory_space<vmem>>, vector<16xi32>,
        %swap3A_335 = vector.shape_cast %swap3A_334 : vector<16xi32> to vector<16xi32>
        %swap3A_336 = vector.shape_cast %add3A_332 : vector<16xi32> to vector<16xi32>
        tpu.vector_store %arg20[%swap3A_333], %swap3A_336 {strides = array<i32>} : memref<128xi32, #tpu.memory_space<vmem>>, vector<16xi32>,
        %get3A_337 = arith.index_cast %add3A_257 : i32 to index
        %get3A_338 = arith.constant 80 : index
        %get3A_339 = tpu.vector_load %arg12[%get3A_337, %get3A_338] {strides = array<i32>} : memref<80x128xi32, #tpu.memory_space<vmem>>, vector<1x16xi32>,
        %get3A_340 = vector.shape_cast %get3A_339 : vector<1x16xi32> to vector<16xi32>
        %shift_right_logical3A_341 = arith.constant 7 : i32
        %shift_right_logical3A_342 = vector.broadcast %shift_right_logical3A_341 : i32 to vector<16xi32>
        %shift_right_logical3A_343 = arith.shrui %get3A_340, %shift_right_logical3A_342 : vector<16xi32>
        %add3A_344 = arith.constant 5128 : i32
        %add3A_345 = vector.broadcast %add3A_344 : i32 to vector<16xi32>
        %add3A_346 = arith.addi %add3A_345, %shift_right_logical3A_343 : vector<16xi32>
        %swap3A_347 = arith.constant 80 : index
        %swap3A_348 = tpu.vector_load %arg20[%swap3A_347] {strides = array<i32>} : memref<128xi32, #tpu.memory_space<vmem>>, vector<16xi32>,
        %swap3A_349 = vector.shape_cast %swap3A_348 : vector<16xi32> to vector<16xi32>
        %swap3A_350 = vector.shape_cast %add3A_346 : vector<16xi32> to vector<16xi32>
        tpu.vector_store %arg20[%swap3A_347], %swap3A_350 {strides = array<i32>} : memref<128xi32, #tpu.memory_space<vmem>>, vector<16xi32>,
        %get3A_351 = arith.index_cast %add3A_257 : i32 to index
        %get3A_352 = arith.constant 96 : index
        %get3A_353 = tpu.vector_load %arg12[%get3A_351, %get3A_352] {strides = array<i32>} : memref<80x128xi32, #tpu.memory_space<vmem>>, vector<1x16xi32>,
        %get3A_354 = vector.shape_cast %get3A_353 : vector<1x16xi32> to vector<16xi32>
        %shift_right_logical3A_355 = arith.constant 7 : i32
        %shift_right_logical3A_356 = vector.broadcast %shift_right_logical3A_355 : i32 to vector<16xi32>
        %shift_right_logical3A_357 = arith.shrui %get3A_354, %shift_right_logical3A_356 : vector<16xi32>
        %add3A_358 = arith.constant 5128 : i32
        %add3A_359 = vector.broadcast %add3A_358 : i32 to vector<16xi32>
        %add3A_360 = arith.addi %add3A_359, %shift_right_logical3A_357 : vector<16xi32>
        %swap3A_361 = arith.constant 96 : index
        %swap3A_362 = tpu.vector_load %arg20[%swap3A_361] {strides = array<i32>} : memref<128xi32, #tpu.memory_space<vmem>>, vector<16xi32>,
        %swap3A_363 = vector.shape_cast %swap3A_362 : vector<16xi32> to vector<16xi32>
        %swap3A_364 = vector.shape_cast %add3A_360 : vector<16xi32> to vector<16xi32>
        tpu.vector_store %arg20[%swap3A_361], %swap3A_364 {strides = array<i32>} : memref<128xi32, #tpu.memory_space<vmem>>, vector<16xi32>,
        %get3A_365 = arith.index_cast %add3A_257 : i32 to index
        %get3A_366 = arith.constant 112 : index
        %get3A_367 = tpu.vector_load %arg12[%get3A_365, %get3A_366] {strides = array<i32>} : memref<80x128xi32, #tpu.memory_space<vmem>>, vector<1x16xi32>,
        %get3A_368 = vector.shape_cast %get3A_367 : vector<1x16xi32> to vector<16xi32>
        %shift_right_logical3A_369 = arith.constant 7 : i32
        %shift_right_logical3A_370 = vector.broadcast %shift_right_logical3A_369 : i32 to vector<16xi32>
        %shift_right_logical3A_371 = arith.shrui %get3A_368, %shift_right_logical3A_370 : vector<16xi32>
        %add3A_372 = arith.constant 5128 : i32
        %add3A_373 = vector.broadcast %add3A_372 : i32 to vector<16xi32>
        %add3A_374 = arith.addi %add3A_373, %shift_right_logical3A_371 : vector<16xi32>
        %swap3A_375 = arith.constant 112 : index
        %swap3A_376 = tpu.vector_load %arg20[%swap3A_375] {strides = array<i32>} : memref<128xi32, #tpu.memory_space<vmem>>, vector<16xi32>,
        %swap3A_377 = vector.shape_cast %swap3A_376 : vector<16xi32> to vector<16xi32>
        %swap3A_378 = vector.shape_cast %add3A_374 : vector<16xi32> to vector<16xi32>
        tpu.vector_store %arg20[%swap3A_375], %swap3A_378 {strides = array<i32>} : memref<128xi32, #tpu.memory_space<vmem>>, vector<16xi32>,
        %dma_start3A_379 = arith.constant 0 : i32
        %dma_start3A_380 = arith.constant 0 : i32
        %dma_start3A_381 = tpu.memref_slice %arg29[%dma_start3A_379, %dma_start3A_380] : memref<5248x128xf32, #tpu.memory_space<vmem_shared>> -> memref<5248x128xf32, #tpu.memory_space<vmem_shared>>
        tpu.enqueue_indirect_dma source(%arg16 : memref<128x128xf32, #tpu.memory_space<vmem>>) target(%dma_start3A_381 : memref<5248x128xf32, #tpu.memory_space<vmem_shared>>) offsets(%arg20 : memref<128xi32, #tpu.memory_space<vmem>>) semaphore(%arg28 : memref<!tpu.dma_semaphore, #tpu.memory_space<semaphore_mem>>) {add = true}
        %mul3A_382 = arith.constant 2 : i32
        %mul3A_383 = arith.muli %mul3A_382, %scan3A_129 : i32
        %add3A_384 = arith.constant 0 : i32
        %add3A_385 = arith.addi %mul3A_383, %add3A_384 : i32
        %dma_wait3A_386 = arith.constant 0 : i32
        %dma_wait3A_387 = arith.constant 0 : i32
        %dma_wait3A_388 = tpu.memref_slice %arg29[%dma_wait3A_386, %dma_wait3A_387] : memref<5248x128xf32, #tpu.memory_space<vmem_shared>> -> memref<5248x128xf32, #tpu.memory_space<vmem_shared>>
        tpu.wait_indirect_dma semaphore(%arg27 : memref<!tpu.dma_semaphore, #tpu.memory_space<semaphore_mem>>) src(%arg15 : memref<128x128xf32, #tpu.memory_space<vmem>>) dst(%dma_wait3A_388 : memref<5248x128xf32, #tpu.memory_space<vmem_shared>>)
        %add3A_389 = arith.constant 2 : i32
        %add3A_390 = arith.addi %add3A_385, %add3A_389 : i32
        %lt3A = arith.constant 80 : i32
        %lt3A_391 = arith.cmpi slt, %add3A_390, %lt3A : i32
        %convert_element_type3A_392 = arith.extui %lt3A_391 : i1 to i32
        %cond3A_393 = arith.constant 0 : i32
        %cond3A_394 = arith.cmpi ne, %convert_element_type3A_392, %cond3A_393 : i32
        scf.if %cond3A_394 {
          %add3A_409 = arith.constant 2 : i32
          %add3A_410 = arith.addi %add3A_385, %add3A_409 : i32
          %mul3A_411 = arith.constant 80 : i32
          %mul3A_412 = arith.muli %arg1, %mul3A_411 : i32
          %add3A_413 = arith.addi %mul3A_412, %add3A_410 : i32
          %mul3A_414 = arith.constant 128 : i32
          %mul3A_415 = arith.muli %add3A_413, %mul3A_414 : i32
          %dma_start3A_416 = arith.constant 0 : i32
          %dma_start3A_417 = tpu.memref_slice %arg3[%mul3A_415, %dma_start3A_416] : memref<163840x128xf32, #tpu.memory_space<hbm>> -> memref<128x128xf32, #tpu.memory_space<hbm>>
          %dma_start3A_418 = arith.constant 0 : i32
          %dma_start3A_419 = tpu.memref_slice %arg3[%mul3A_415, %dma_start3A_418] : memref<163840x128xf32, #tpu.memory_space<hbm>> -> memref<128x128xf32, #tpu.memory_space<hbm>>
          tpu.enqueue_dma source(%dma_start3A_419 : memref<128x128xf32, #tpu.memory_space<hbm>>) target(%arg15 : memref<128x128xf32, #tpu.memory_space<vmem>>) target_semaphore(%arg23 : memref<!tpu.dma_semaphore, #tpu.memory_space<semaphore_mem>>)
        } else {
        }
        %mul3A_395 = arith.constant 2 : i32
        %mul3A_396 = arith.muli %mul3A_395, %scan3A_129 : i32
        %add3A_397 = arith.constant 1 : i32
        %add3A_398 = arith.addi %mul3A_396, %add3A_397 : i32
        %dma_wait3A_399 = arith.constant 0 : i32
        %dma_wait3A_400 = arith.constant 0 : i32
        %dma_wait3A_401 = tpu.memref_slice %arg29[%dma_wait3A_399, %dma_wait3A_400] : memref<5248x128xf32, #tpu.memory_space<vmem_shared>> -> memref<5248x128xf32, #tpu.memory_space<vmem_shared>>
        tpu.wait_indirect_dma semaphore(%arg28 : memref<!tpu.dma_semaphore, #tpu.memory_space<semaphore_mem>>) src(%arg16 : memref<128x128xf32, #tpu.memory_space<vmem>>) dst(%dma_wait3A_401 : memref<5248x128xf32, #tpu.memory_space<vmem_shared>>)
        %add3A_402 = arith.constant 2 : i32
        %add3A_403 = arith.addi %add3A_398, %add3A_402 : i32
        %lt3A_404 = arith.constant 80 : i32
        %lt3A_405 = arith.cmpi slt, %add3A_403, %lt3A_404 : i32
        %convert_element_type3A_406 = arith.extui %lt3A_405 : i1 to i32
        %cond3A_407 = arith.constant 0 : i32
        %cond3A_408 = arith.cmpi ne, %convert_element_type3A_406, %cond3A_407 : i32
        scf.if %cond3A_408 {
          %add3A_409 = arith.constant 2 : i32
          %add3A_410 = arith.addi %add3A_398, %add3A_409 : i32
          %mul3A_411 = arith.constant 80 : i32
          %mul3A_412 = arith.muli %arg1, %mul3A_411 : i32
          %add3A_413 = arith.addi %mul3A_412, %add3A_410 : i32
          %mul3A_414 = arith.constant 128 : i32
          %mul3A_415 = arith.muli %add3A_413, %mul3A_414 : i32
          %dma_start3A_416 = arith.constant 0 : i32
          %dma_start3A_417 = tpu.memref_slice %arg3[%mul3A_415, %dma_start3A_416] : memref<163840x128xf32, #tpu.memory_space<hbm>> -> memref<128x128xf32, #tpu.memory_space<hbm>>
          %dma_start3A_418 = arith.constant 0 : i32
          %dma_start3A_419 = tpu.memref_slice %arg3[%mul3A_415, %dma_start3A_418] : memref<163840x128xf32, #tpu.memory_space<hbm>> -> memref<128x128xf32, #tpu.memory_space<hbm>>
          tpu.enqueue_dma source(%dma_start3A_419 : memref<128x128xf32, #tpu.memory_space<hbm>>) target(%arg16 : memref<128x128xf32, #tpu.memory_space<vmem>>) target_semaphore(%arg24 : memref<!tpu.dma_semaphore, #tpu.memory_space<semaphore_mem>>)
        } else {
        }
      }
      %scan3A_69 = arith.constant 40 : i32
      %barrier3A_70 = arith.constant 0 : index
      tpu.barrier barrier_id(%barrier3A_70)
      %mul3A_71 = arith.constant 320 : i32
      %mul3A_72 = arith.muli %arg1, %mul3A_71 : i32
      %mul3A_73 = arith.constant 320 : i32
      %mul3A_74 = arith.muli %arg1, %mul3A_73 : i32
      "tpu.region"() ({
        %run_scoped3A = tpu.sem_alloc : memref<!tpu.dma_semaphore, #tpu.memory_space<semaphore_mem>>
        %dma_start3A_129 = arith.constant 0 : i32
        %dma_start3A_130 = tpu.memref_slice %arg8[%mul3A_74, %dma_start3A_129] : memref<10240x128xf32, #tpu.memory_space<hbm>> -> memref<320x128xf32, #tpu.memory_space<hbm>>
        %dma_start3A_131 = arith.constant 0 : i32
        %dma_start3A_132 = tpu.memref_slice %arg29[%mul3A_72, %dma_start3A_131] : memref<5248x128xf32, #tpu.memory_space<vmem_shared>> -> memref<320x128xf32, #tpu.memory_space<vmem_shared>>
        tpu.enqueue_dma source(%dma_start3A_132 : memref<320x128xf32, #tpu.memory_space<vmem_shared>>) target(%dma_start3A_130 : memref<320x128xf32, #tpu.memory_space<hbm>>) target_semaphore(%run_scoped3A : memref<!tpu.dma_semaphore, #tpu.memory_space<semaphore_mem>>)
        %dma_wait3A = arith.constant 0 : i32
        %dma_wait3A_133 = tpu.memref_slice %arg8[%mul3A_74, %dma_wait3A] : memref<10240x128xf32, #tpu.memory_space<hbm>> -> memref<320x128xf32, #tpu.memory_space<hbm>>
        %dma_wait3A_134 = arith.constant 0 : i32
        %dma_wait3A_135 = tpu.memref_slice %arg29[%mul3A_72, %dma_wait3A_134] : memref<5248x128xf32, #tpu.memory_space<vmem_shared>> -> memref<320x128xf32, #tpu.memory_space<vmem_shared>>
        tpu.wait_dma2 semaphore(%run_scoped3A : memref<!tpu.dma_semaphore, #tpu.memory_space<semaphore_mem>>) src(%dma_wait3A_135 : memref<320x128xf32, #tpu.memory_space<vmem_shared>>) dst(%dma_wait3A_133 : memref<320x128xf32, #tpu.memory_space<hbm>>)
        tpu.yield
      }) : () -> ()
      %eq3A_75 = arith.constant 0 : i32
      %eq3A_76 = arith.cmpi eq, %arg1, %eq3A_75 : i32
      %convert_element_type3A_77 = arith.extui %eq3A_76 : i1 to i32
      %cond3A_78 = arith.constant 0 : i32
      %cond3A_79 = arith.cmpi ne, %convert_element_type3A_77, %cond3A_78 : i32
      scf.if %cond3A_79 {
        "tpu.region"() ({
          %run_scoped3A = tpu.sem_alloc : memref<!tpu.dma_semaphore, #tpu.memory_space<semaphore_mem>>
          %dma_start3A_129 = arith.constant 5128 : i32
          %dma_start3A_130 = arith.constant 0 : i32
          %dma_start3A_131 = tpu.memref_slice %arg29[%dma_start3A_129, %dma_start3A_130] : memref<5248x128xf32, #tpu.memory_space<vmem_shared>> -> memref<80x128xf32, #tpu.memory_space<vmem_shared>>
          tpu.enqueue_dma source(%dma_start3A_131 : memref<80x128xf32, #tpu.memory_space<vmem_shared>>) target(%arg9 : memref<80x128xf32, #tpu.memory_space<hbm>>) target_semaphore(%run_scoped3A : memref<!tpu.dma_semaphore, #tpu.memory_space<semaphore_mem>>)
          %dma_wait3A = arith.constant 5128 : i32
          %dma_wait3A_132 = arith.constant 0 : i32
          %dma_wait3A_133 = tpu.memref_slice %arg29[%dma_wait3A, %dma_wait3A_132] : memref<5248x128xf32, #tpu.memory_space<vmem_shared>> -> memref<80x128xf32, #tpu.memory_space<vmem_shared>>
          tpu.wait_dma2 semaphore(%run_scoped3A : memref<!tpu.dma_semaphore, #tpu.memory_space<semaphore_mem>>) src(%dma_wait3A_133 : memref<80x128xf32, #tpu.memory_space<vmem_shared>>) dst(%arg9 : memref<80x128xf32, #tpu.memory_space<hbm>>)
          tpu.yield
        }) : () -> ()
      } else {
      }
      %barrier3A_80 = arith.constant 0 : index
      tpu.barrier barrier_id(%barrier3A_80)
      %broadcast_in_dim3A_81 = arith.constant 0.000000e+00 : f32
      %broadcast_in_dim3A_82 = vector.broadcast %broadcast_in_dim3A_81 : f32 to vector<16xf32>
      %scan3A_83 = arith.constant 0 : i32
      %scan3A_84 = arith.constant 0 : i32
      %scan3A_85 = arith.constant 128 : i32
      %scan3A_86 = arith.addi %scan3A_84, %scan3A_85 : i32
      %scan3A_87 = arith.constant 1 : i32
      scf.for %scan3A_129 = %scan3A_84 to %scan3A_86 step %scan3A_87  : i32 {
        %swap3A = arith.index_cast %scan3A_129 : i32 to index
        %swap3A_130 = arith.constant 0 : index
        %swap3A_131 = tpu.vector_load %arg13[%swap3A, %swap3A_130] {strides = array<i32>} : memref<128x128xf32, #tpu.memory_space<vmem>>, vector<1x16xf32>,
        %swap3A_132 = vector.shape_cast %swap3A_131 : vector<1x16xf32> to vector<16xf32>
        %swap3A_133 = vector.shape_cast %broadcast_in_dim3A_82 : vector<16xf32> to vector<1x16xf32>
        tpu.vector_store %arg13[%swap3A, %swap3A_130], %swap3A_133 {strides = array<i32>} : memref<128x128xf32, #tpu.memory_space<vmem>>, vector<1x16xf32>,
        %swap3A_134 = arith.index_cast %scan3A_129 : i32 to index
        %swap3A_135 = arith.constant 16 : index
        %swap3A_136 = tpu.vector_load %arg13[%swap3A_134, %swap3A_135] {strides = array<i32>} : memref<128x128xf32, #tpu.memory_space<vmem>>, vector<1x16xf32>,
        %swap3A_137 = vector.shape_cast %swap3A_136 : vector<1x16xf32> to vector<16xf32>
        %swap3A_138 = vector.shape_cast %broadcast_in_dim3A_82 : vector<16xf32> to vector<1x16xf32>
        tpu.vector_store %arg13[%swap3A_134, %swap3A_135], %swap3A_138 {strides = array<i32>} : memref<128x128xf32, #tpu.memory_space<vmem>>, vector<1x16xf32>,
        %swap3A_139 = arith.index_cast %scan3A_129 : i32 to index
        %swap3A_140 = arith.constant 32 : index
        %swap3A_141 = tpu.vector_load %arg13[%swap3A_139, %swap3A_140] {strides = array<i32>} : memref<128x128xf32, #tpu.memory_space<vmem>>, vector<1x16xf32>,
        %swap3A_142 = vector.shape_cast %swap3A_141 : vector<1x16xf32> to vector<16xf32>
        %swap3A_143 = vector.shape_cast %broadcast_in_dim3A_82 : vector<16xf32> to vector<1x16xf32>
        tpu.vector_store %arg13[%swap3A_139, %swap3A_140], %swap3A_143 {strides = array<i32>} : memref<128x128xf32, #tpu.memory_space<vmem>>, vector<1x16xf32>,
        %swap3A_144 = arith.index_cast %scan3A_129 : i32 to index
        %swap3A_145 = arith.constant 48 : index
        %swap3A_146 = tpu.vector_load %arg13[%swap3A_144, %swap3A_145] {strides = array<i32>} : memref<128x128xf32, #tpu.memory_space<vmem>>, vector<1x16xf32>,
        %swap3A_147 = vector.shape_cast %swap3A_146 : vector<1x16xf32> to vector<16xf32>
        %swap3A_148 = vector.shape_cast %broadcast_in_dim3A_82 : vector<16xf32> to vector<1x16xf32>
        tpu.vector_store %arg13[%swap3A_144, %swap3A_145], %swap3A_148 {strides = array<i32>} : memref<128x128xf32, #tpu.memory_space<vmem>>, vector<1x16xf32>,
        %swap3A_149 = arith.index_cast %scan3A_129 : i32 to index
        %swap3A_150 = arith.constant 64 : index
        %swap3A_151 = tpu.vector_load %arg13[%swap3A_149, %swap3A_150] {strides = array<i32>} : memref<128x128xf32, #tpu.memory_space<vmem>>, vector<1x16xf32>,
        %swap3A_152 = vector.shape_cast %swap3A_151 : vector<1x16xf32> to vector<16xf32>
        %swap3A_153 = vector.shape_cast %broadcast_in_dim3A_82 : vector<16xf32> to vector<1x16xf32>
        tpu.vector_store %arg13[%swap3A_149, %swap3A_150], %swap3A_153 {strides = array<i32>} : memref<128x128xf32, #tpu.memory_space<vmem>>, vector<1x16xf32>,
        %swap3A_154 = arith.index_cast %scan3A_129 : i32 to index
        %swap3A_155 = arith.constant 80 : index
        %swap3A_156 = tpu.vector_load %arg13[%swap3A_154, %swap3A_155] {strides = array<i32>} : memref<128x128xf32, #tpu.memory_space<vmem>>, vector<1x16xf32>,
        %swap3A_157 = vector.shape_cast %swap3A_156 : vector<1x16xf32> to vector<16xf32>
        %swap3A_158 = vector.shape_cast %broadcast_in_dim3A_82 : vector<16xf32> to vector<1x16xf32>
        tpu.vector_store %arg13[%swap3A_154, %swap3A_155], %swap3A_158 {strides = array<i32>} : memref<128x128xf32, #tpu.memory_space<vmem>>, vector<1x16xf32>,
        %swap3A_159 = arith.index_cast %scan3A_129 : i32 to index
        %swap3A_160 = arith.constant 96 : index
        %swap3A_161 = tpu.vector_load %arg13[%swap3A_159, %swap3A_160] {strides = array<i32>} : memref<128x128xf32, #tpu.memory_space<vmem>>, vector<1x16xf32>,
        %swap3A_162 = vector.shape_cast %swap3A_161 : vector<1x16xf32> to vector<16xf32>
        %swap3A_163 = vector.shape_cast %broadcast_in_dim3A_82 : vector<16xf32> to vector<1x16xf32>
        tpu.vector_store %arg13[%swap3A_159, %swap3A_160], %swap3A_163 {strides = array<i32>} : memref<128x128xf32, #tpu.memory_space<vmem>>, vector<1x16xf32>,
        %swap3A_164 = arith.index_cast %scan3A_129 : i32 to index
        %swap3A_165 = arith.constant 112 : index
        %swap3A_166 = tpu.vector_load %arg13[%swap3A_164, %swap3A_165] {strides = array<i32>} : memref<128x128xf32, #tpu.memory_space<vmem>>, vector<1x16xf32>,
        %swap3A_167 = vector.shape_cast %swap3A_166 : vector<1x16xf32> to vector<16xf32>
        %swap3A_168 = vector.shape_cast %broadcast_in_dim3A_82 : vector<16xf32> to vector<1x16xf32>
        tpu.vector_store %arg13[%swap3A_164, %swap3A_165], %swap3A_168 {strides = array<i32>} : memref<128x128xf32, #tpu.memory_space<vmem>>, vector<1x16xf32>,
      }
      %scan3A_88 = arith.constant 128 : i32
      %mul3A_89 = arith.constant 328 : i32
      %mul3A_90 = arith.muli %arg1, %mul3A_89 : i32
      "tpu.region"() ({
        %run_scoped3A = tpu.sem_alloc : memref<!tpu.dma_semaphore, #tpu.memory_space<semaphore_mem>>
        %dma_start3A_129 = arith.constant 0 : i32
        %dma_start3A_130 = tpu.memref_slice %arg29[%mul3A_90, %dma_start3A_129] : memref<5248x128xf32, #tpu.memory_space<vmem_shared>> -> memref<128x128xf32, #tpu.memory_space<vmem_shared>>
        %dma_start3A_131 = arith.constant 0 : i32
        %dma_start3A_132 = tpu.memref_slice %arg29[%mul3A_90, %dma_start3A_131] : memref<5248x128xf32, #tpu.memory_space<vmem_shared>> -> memref<128x128xf32, #tpu.memory_space<vmem_shared>>
        tpu.enqueue_dma source(%arg13 : memref<128x128xf32, #tpu.memory_space<vmem>>) target(%dma_start3A_132 : memref<128x128xf32, #tpu.memory_space<vmem_shared>>) target_semaphore(%run_scoped3A : memref<!tpu.dma_semaphore, #tpu.memory_space<semaphore_mem>>)
        %dma_wait3A = arith.constant 0 : i32
        %dma_wait3A_133 = tpu.memref_slice %arg29[%mul3A_90, %dma_wait3A] : memref<5248x128xf32, #tpu.memory_space<vmem_shared>> -> memref<128x128xf32, #tpu.memory_space<vmem_shared>>
        %dma_wait3A_134 = arith.constant 0 : i32
        %dma_wait3A_135 = tpu.memref_slice %arg29[%mul3A_90, %dma_wait3A_134] : memref<5248x128xf32, #tpu.memory_space<vmem_shared>> -> memref<128x128xf32, #tpu.memory_space<vmem_shared>>
        tpu.wait_dma2 semaphore(%run_scoped3A : memref<!tpu.dma_semaphore, #tpu.memory_space<semaphore_mem>>) src(%arg13 : memref<128x128xf32, #tpu.memory_space<vmem>>) dst(%dma_wait3A_135 : memref<128x128xf32, #tpu.memory_space<vmem_shared>>)
        tpu.yield
      }) : () -> ()
      %add3A_91 = arith.constant 128 : i32
      %add3A_92 = arith.addi %mul3A_90, %add3A_91 : i32
      "tpu.region"() ({
        %run_scoped3A = tpu.sem_alloc : memref<!tpu.dma_semaphore, #tpu.memory_space<semaphore_mem>>
        %dma_start3A_129 = arith.constant 0 : i32
        %dma_start3A_130 = tpu.memref_slice %arg29[%add3A_92, %dma_start3A_129] : memref<5248x128xf32, #tpu.memory_space<vmem_shared>> -> memref<128x128xf32, #tpu.memory_space<vmem_shared>>
        %dma_start3A_131 = arith.constant 0 : i32
        %dma_start3A_132 = tpu.memref_slice %arg29[%add3A_92, %dma_start3A_131] : memref<5248x128xf32, #tpu.memory_space<vmem_shared>> -> memref<128x128xf32, #tpu.memory_space<vmem_shared>>
        tpu.enqueue_dma source(%arg13 : memref<128x128xf32, #tpu.memory_space<vmem>>) target(%dma_start3A_132 : memref<128x128xf32, #tpu.memory_space<vmem_shared>>) target_semaphore(%run_scoped3A : memref<!tpu.dma_semaphore, #tpu.memory_space<semaphore_mem>>)
        %dma_wait3A = arith.constant 0 : i32
        %dma_wait3A_133 = tpu.memref_slice %arg29[%add3A_92, %dma_wait3A] : memref<5248x128xf32, #tpu.memory_space<vmem_shared>> -> memref<128x128xf32, #tpu.memory_space<vmem_shared>>
        %dma_wait3A_134 = arith.constant 0 : i32
        %dma_wait3A_135 = tpu.memref_slice %arg29[%add3A_92, %dma_wait3A_134] : memref<5248x128xf32, #tpu.memory_space<vmem_shared>> -> memref<128x128xf32, #tpu.memory_space<vmem_shared>>
        tpu.wait_dma2 semaphore(%run_scoped3A : memref<!tpu.dma_semaphore, #tpu.memory_space<semaphore_mem>>) src(%arg13 : memref<128x128xf32, #tpu.memory_space<vmem>>) dst(%dma_wait3A_135 : memref<128x128xf32, #tpu.memory_space<vmem_shared>>)
        tpu.yield
      }) : () -> ()
      %add3A_93 = arith.constant 256 : i32
      %add3A_94 = arith.addi %mul3A_90, %add3A_93 : i32
      "tpu.region"() ({
        %run_scoped3A = tpu.sem_alloc : memref<!tpu.dma_semaphore, #tpu.memory_space<semaphore_mem>>
        %dma_start3A_129 = arith.constant 0 : i32
        %dma_start3A_130 = arith.constant 0 : i32
        %dma_start3A_131 = tpu.memref_slice %arg13[%dma_start3A_129, %dma_start3A_130] : memref<128x128xf32, #tpu.memory_space<vmem>> -> memref<72x128xf32, #tpu.memory_space<vmem>>
        %dma_start3A_132 = arith.constant 0 : i32
        %dma_start3A_133 = tpu.memref_slice %arg29[%add3A_94, %dma_start3A_132] : memref<5248x128xf32, #tpu.memory_space<vmem_shared>> -> memref<72x128xf32, #tpu.memory_space<vmem_shared>>
        %dma_start3A_134 = arith.constant 0 : i32
        %dma_start3A_135 = tpu.memref_slice %arg29[%add3A_94, %dma_start3A_134] : memref<5248x128xf32, #tpu.memory_space<vmem_shared>> -> memref<72x128xf32, #tpu.memory_space<vmem_shared>>
        %dma_start3A_136 = arith.constant 0 : i32
        %dma_start3A_137 = arith.constant 0 : i32
        %dma_start3A_138 = tpu.memref_slice %arg13[%dma_start3A_136, %dma_start3A_137] : memref<128x128xf32, #tpu.memory_space<vmem>> -> memref<72x128xf32, #tpu.memory_space<vmem>>
        tpu.enqueue_dma source(%dma_start3A_138 : memref<72x128xf32, #tpu.memory_space<vmem>>) target(%dma_start3A_135 : memref<72x128xf32, #tpu.memory_space<vmem_shared>>) target_semaphore(%run_scoped3A : memref<!tpu.dma_semaphore, #tpu.memory_space<semaphore_mem>>)
        %dma_wait3A = arith.constant 0 : i32
        %dma_wait3A_139 = arith.constant 0 : i32
        %dma_wait3A_140 = tpu.memref_slice %arg13[%dma_wait3A, %dma_wait3A_139] : memref<128x128xf32, #tpu.memory_space<vmem>> -> memref<72x128xf32, #tpu.memory_space<vmem>>
        %dma_wait3A_141 = arith.constant 0 : i32
        %dma_wait3A_142 = tpu.memref_slice %arg29[%add3A_94, %dma_wait3A_141] : memref<5248x128xf32, #tpu.memory_space<vmem_shared>> -> memref<72x128xf32, #tpu.memory_space<vmem_shared>>
        %dma_wait3A_143 = arith.constant 0 : i32
        %dma_wait3A_144 = tpu.memref_slice %arg29[%add3A_94, %dma_wait3A_143] : memref<5248x128xf32, #tpu.memory_space<vmem_shared>> -> memref<72x128xf32, #tpu.memory_space<vmem_shared>>
        %dma_wait3A_145 = arith.constant 0 : i32
        %dma_wait3A_146 = arith.constant 0 : i32
        %dma_wait3A_147 = tpu.memref_slice %arg13[%dma_wait3A_145, %dma_wait3A_146] : memref<128x128xf32, #tpu.memory_space<vmem>> -> memref<72x128xf32, #tpu.memory_space<vmem>>
        tpu.wait_dma2 semaphore(%run_scoped3A : memref<!tpu.dma_semaphore, #tpu.memory_space<semaphore_mem>>) src(%dma_wait3A_147 : memref<72x128xf32, #tpu.memory_space<vmem>>) dst(%dma_wait3A_144 : memref<72x128xf32, #tpu.memory_space<vmem_shared>>)
        tpu.yield
      }) : () -> ()
      %barrier3A_95 = arith.constant 0 : index
      tpu.barrier barrier_id(%barrier3A_95)
      %mul3A_96 = arith.constant 80 : i32
      %mul3A_97 = arith.muli %arg1, %mul3A_96 : i32
      %add3A_98 = arith.constant 0 : i32
      %add3A_99 = arith.addi %mul3A_97, %add3A_98 : i32
      %mul3A_100 = arith.constant 128 : i32
      %mul3A_101 = arith.muli %add3A_99, %mul3A_100 : i32
      %dma_start3A_102 = arith.constant 0 : i32
      %dma_start3A_103 = tpu.memref_slice %arg2[%mul3A_101, %dma_start3A_102] : memref<163840x128xf32, #tpu.memory_space<hbm>> -> memref<128x128xf32, #tpu.memory_space<hbm>>
      %dma_start3A_104 = arith.constant 0 : i32
      %dma_start3A_105 = tpu.memref_slice %arg2[%mul3A_101, %dma_start3A_104] : memref<163840x128xf32, #tpu.memory_space<hbm>> -> memref<128x128xf32, #tpu.memory_space<hbm>>
      tpu.enqueue_dma source(%dma_start3A_105 : memref<128x128xf32, #tpu.memory_space<hbm>>) target(%arg13 : memref<128x128xf32, #tpu.memory_space<vmem>>) target_semaphore(%arg21 : memref<!tpu.dma_semaphore, #tpu.memory_space<semaphore_mem>>)
      %mul3A_106 = arith.constant 80 : i32
      %mul3A_107 = arith.muli %arg1, %mul3A_106 : i32
      %add3A_108 = arith.constant 1 : i32
      %add3A_109 = arith.addi %mul3A_107, %add3A_108 : i32
      %mul3A_110 = arith.constant 128 : i32
      %mul3A_111 = arith.muli %add3A_109, %mul3A_110 : i32
      %dma_start3A_112 = arith.constant 0 : i32
      %dma_start3A_113 = tpu.memref_slice %arg2[%mul3A_111, %dma_start3A_112] : memref<163840x128xf32, #tpu.memory_space<hbm>> -> memref<128x128xf32, #tpu.memory_space<hbm>>
      %dma_start3A_114 = arith.constant 0 : i32
      %dma_start3A_115 = tpu.memref_slice %arg2[%mul3A_111, %dma_start3A_114] : memref<163840x128xf32, #tpu.memory_space<hbm>> -> memref<128x128xf32, #tpu.memory_space<hbm>>
      tpu.enqueue_dma source(%dma_start3A_115 : memref<128x128xf32, #tpu.memory_space<hbm>>) target(%arg14 : memref<128x128xf32, #tpu.memory_space<vmem>>) target_semaphore(%arg22 : memref<!tpu.dma_semaphore, #tpu.memory_space<semaphore_mem>>)
      %scan3A_116 = arith.constant 0 : i32
      %scan3A_117 = arith.constant 0 : i32
      %scan3A_118 = arith.constant 40 : i32
      %scan3A_119 = arith.addi %scan3A_117, %scan3A_118 : i32
      %scan3A_120 = arith.constant 1 : i32
      scf.for %scan3A_129 = %scan3A_117 to %scan3A_119 step %scan3A_120  : i32 {
        %mul3A_130 = arith.constant 2 : i32
        %mul3A_131 = arith.muli %mul3A_130, %scan3A_129 : i32
        %add3A_132 = arith.constant 0 : i32
        %add3A_133 = arith.addi %mul3A_131, %add3A_132 : i32
        %mul3A_134 = arith.constant 80 : i32
        %mul3A_135 = arith.muli %arg1, %mul3A_134 : i32
        %add3A_136 = arith.addi %mul3A_135, %add3A_133 : i32
        %mul3A_137 = arith.constant 128 : i32
        %mul3A_138 = arith.muli %add3A_136, %mul3A_137 : i32
        %dma_wait3A = arith.constant 0 : i32
        %dma_wait3A_139 = tpu.memref_slice %arg2[%mul3A_138, %dma_wait3A] : memref<163840x128xf32, #tpu.memory_space<hbm>> -> memref<128x128xf32, #tpu.memory_space<hbm>>
        %dma_wait3A_140 = arith.constant 0 : i32
        %dma_wait3A_141 = tpu.memref_slice %arg2[%mul3A_138, %dma_wait3A_140] : memref<163840x128xf32, #tpu.memory_space<hbm>> -> memref<128x128xf32, #tpu.memory_space<hbm>>
        tpu.wait_dma2 semaphore(%arg21 : memref<!tpu.dma_semaphore, #tpu.memory_space<semaphore_mem>>) src(%dma_wait3A_141 : memref<128x128xf32, #tpu.memory_space<hbm>>) dst(%arg13 : memref<128x128xf32, #tpu.memory_space<vmem>>)
        %get3A = arith.index_cast %add3A_133 : i32 to index
        %get3A_142 = arith.constant 0 : index
        %get3A_143 = tpu.vector_load %arg12[%get3A, %get3A_142] {strides = array<i32>} : memref<80x128xi32, #tpu.memory_space<vmem>>, vector<1x16xi32>,
        %get3A_144 = vector.shape_cast %get3A_143 : vector<1x16xi32> to vector<16xi32>
        %ge3A = arith.constant 5120 : i32
        %ge3A_145 = vector.broadcast %ge3A : i32 to vector<16xi32>
        %ge3A_146 = arith.cmpi sge, %get3A_144, %ge3A_145 : vector<16xi32>
        %sub3A = arith.constant 5120 : i32
        %sub3A_147 = vector.broadcast %sub3A : i32 to vector<16xi32>
        %sub3A_148 = arith.subi %get3A_144, %sub3A_147 : vector<16xi32>
        %jit3A = arith.constant 5120 : i32
        %broadcast_in_dim3A_149 = vector.broadcast %jit3A : i32 to vector<16xi32>
        %select_n3A = arith.select %ge3A_146, %sub3A_148, %broadcast_in_dim3A_149 : vector<16xi1>, vector<16xi32>
        %swap3A = arith.constant 0 : index
        %swap3A_150 = tpu.vector_load %arg17[%swap3A] {strides = array<i32>} : memref<128xi32, #tpu.memory_space<vmem>>, vector<16xi32>,
        %swap3A_151 = vector.shape_cast %swap3A_150 : vector<16xi32> to vector<16xi32>
        %swap3A_152 = vector.shape_cast %select_n3A : vector<16xi32> to vector<16xi32>
        tpu.vector_store %arg17[%swap3A], %swap3A_152 {strides = array<i32>} : memref<128xi32, #tpu.memory_space<vmem>>, vector<16xi32>,
        %get3A_153 = arith.index_cast %add3A_133 : i32 to index
        %get3A_154 = arith.constant 16 : index
        %get3A_155 = tpu.vector_load %arg12[%get3A_153, %get3A_154] {strides = array<i32>} : memref<80x128xi32, #tpu.memory_space<vmem>>, vector<1x16xi32>,
        %get3A_156 = vector.shape_cast %get3A_155 : vector<1x16xi32> to vector<16xi32>
        %ge3A_157 = arith.constant 5120 : i32
        %ge3A_158 = vector.broadcast %ge3A_157 : i32 to vector<16xi32>
        %ge3A_159 = arith.cmpi sge, %get3A_156, %ge3A_158 : vector<16xi32>
        %sub3A_160 = arith.constant 5120 : i32
        %sub3A_161 = vector.broadcast %sub3A_160 : i32 to vector<16xi32>
        %sub3A_162 = arith.subi %get3A_156, %sub3A_161 : vector<16xi32>
        %jit3A_163 = arith.constant 5120 : i32
        %broadcast_in_dim3A_164 = vector.broadcast %jit3A_163 : i32 to vector<16xi32>
        %select_n3A_165 = arith.select %ge3A_159, %sub3A_162, %broadcast_in_dim3A_164 : vector<16xi1>, vector<16xi32>
        %swap3A_166 = arith.constant 16 : index
        %swap3A_167 = tpu.vector_load %arg17[%swap3A_166] {strides = array<i32>} : memref<128xi32, #tpu.memory_space<vmem>>, vector<16xi32>,
        %swap3A_168 = vector.shape_cast %swap3A_167 : vector<16xi32> to vector<16xi32>
        %swap3A_169 = vector.shape_cast %select_n3A_165 : vector<16xi32> to vector<16xi32>
        tpu.vector_store %arg17[%swap3A_166], %swap3A_169 {strides = array<i32>} : memref<128xi32, #tpu.memory_space<vmem>>, vector<16xi32>,
        %get3A_170 = arith.index_cast %add3A_133 : i32 to index
        %get3A_171 = arith.constant 32 : index
        %get3A_172 = tpu.vector_load %arg12[%get3A_170, %get3A_171] {strides = array<i32>} : memref<80x128xi32, #tpu.memory_space<vmem>>, vector<1x16xi32>,
        %get3A_173 = vector.shape_cast %get3A_172 : vector<1x16xi32> to vector<16xi32>
        %ge3A_174 = arith.constant 5120 : i32
        %ge3A_175 = vector.broadcast %ge3A_174 : i32 to vector<16xi32>
        %ge3A_176 = arith.cmpi sge, %get3A_173, %ge3A_175 : vector<16xi32>
        %sub3A_177 = arith.constant 5120 : i32
        %sub3A_178 = vector.broadcast %sub3A_177 : i32 to vector<16xi32>
        %sub3A_179 = arith.subi %get3A_173, %sub3A_178 : vector<16xi32>
        %jit3A_180 = arith.constant 5120 : i32
        %broadcast_in_dim3A_181 = vector.broadcast %jit3A_180 : i32 to vector<16xi32>
        %select_n3A_182 = arith.select %ge3A_176, %sub3A_179, %broadcast_in_dim3A_181 : vector<16xi1>, vector<16xi32>
        %swap3A_183 = arith.constant 32 : index
        %swap3A_184 = tpu.vector_load %arg17[%swap3A_183] {strides = array<i32>} : memref<128xi32, #tpu.memory_space<vmem>>, vector<16xi32>,
        %swap3A_185 = vector.shape_cast %swap3A_184 : vector<16xi32> to vector<16xi32>
        %swap3A_186 = vector.shape_cast %select_n3A_182 : vector<16xi32> to vector<16xi32>
        tpu.vector_store %arg17[%swap3A_183], %swap3A_186 {strides = array<i32>} : memref<128xi32, #tpu.memory_space<vmem>>, vector<16xi32>,
        %get3A_187 = arith.index_cast %add3A_133 : i32 to index
        %get3A_188 = arith.constant 48 : index
        %get3A_189 = tpu.vector_load %arg12[%get3A_187, %get3A_188] {strides = array<i32>} : memref<80x128xi32, #tpu.memory_space<vmem>>, vector<1x16xi32>,
        %get3A_190 = vector.shape_cast %get3A_189 : vector<1x16xi32> to vector<16xi32>
        %ge3A_191 = arith.constant 5120 : i32
        %ge3A_192 = vector.broadcast %ge3A_191 : i32 to vector<16xi32>
        %ge3A_193 = arith.cmpi sge, %get3A_190, %ge3A_192 : vector<16xi32>
        %sub3A_194 = arith.constant 5120 : i32
        %sub3A_195 = vector.broadcast %sub3A_194 : i32 to vector<16xi32>
        %sub3A_196 = arith.subi %get3A_190, %sub3A_195 : vector<16xi32>
        %jit3A_197 = arith.constant 5120 : i32
        %broadcast_in_dim3A_198 = vector.broadcast %jit3A_197 : i32 to vector<16xi32>
        %select_n3A_199 = arith.select %ge3A_193, %sub3A_196, %broadcast_in_dim3A_198 : vector<16xi1>, vector<16xi32>
        %swap3A_200 = arith.constant 48 : index
        %swap3A_201 = tpu.vector_load %arg17[%swap3A_200] {strides = array<i32>} : memref<128xi32, #tpu.memory_space<vmem>>, vector<16xi32>,
        %swap3A_202 = vector.shape_cast %swap3A_201 : vector<16xi32> to vector<16xi32>
        %swap3A_203 = vector.shape_cast %select_n3A_199 : vector<16xi32> to vector<16xi32>
        tpu.vector_store %arg17[%swap3A_200], %swap3A_203 {strides = array<i32>} : memref<128xi32, #tpu.memory_space<vmem>>, vector<16xi32>,
        %get3A_204 = arith.index_cast %add3A_133 : i32 to index
        %get3A_205 = arith.constant 64 : index
        %get3A_206 = tpu.vector_load %arg12[%get3A_204, %get3A_205] {strides = array<i32>} : memref<80x128xi32, #tpu.memory_space<vmem>>, vector<1x16xi32>,
        %get3A_207 = vector.shape_cast %get3A_206 : vector<1x16xi32> to vector<16xi32>
        %ge3A_208 = arith.constant 5120 : i32
        %ge3A_209 = vector.broadcast %ge3A_208 : i32 to vector<16xi32>
        %ge3A_210 = arith.cmpi sge, %get3A_207, %ge3A_209 : vector<16xi32>
        %sub3A_211 = arith.constant 5120 : i32
        %sub3A_212 = vector.broadcast %sub3A_211 : i32 to vector<16xi32>
        %sub3A_213 = arith.subi %get3A_207, %sub3A_212 : vector<16xi32>
        %jit3A_214 = arith.constant 5120 : i32
        %broadcast_in_dim3A_215 = vector.broadcast %jit3A_214 : i32 to vector<16xi32>
        %select_n3A_216 = arith.select %ge3A_210, %sub3A_213, %broadcast_in_dim3A_215 : vector<16xi1>, vector<16xi32>
        %swap3A_217 = arith.constant 64 : index
        %swap3A_218 = tpu.vector_load %arg17[%swap3A_217] {strides = array<i32>} : memref<128xi32, #tpu.memory_space<vmem>>, vector<16xi32>,
        %swap3A_219 = vector.shape_cast %swap3A_218 : vector<16xi32> to vector<16xi32>
        %swap3A_220 = vector.shape_cast %select_n3A_216 : vector<16xi32> to vector<16xi32>
        tpu.vector_store %arg17[%swap3A_217], %swap3A_220 {strides = array<i32>} : memref<128xi32, #tpu.memory_space<vmem>>, vector<16xi32>,
        %get3A_221 = arith.index_cast %add3A_133 : i32 to index
        %get3A_222 = arith.constant 80 : index
        %get3A_223 = tpu.vector_load %arg12[%get3A_221, %get3A_222] {strides = array<i32>} : memref<80x128xi32, #tpu.memory_space<vmem>>, vector<1x16xi32>,
        %get3A_224 = vector.shape_cast %get3A_223 : vector<1x16xi32> to vector<16xi32>
        %ge3A_225 = arith.constant 5120 : i32
        %ge3A_226 = vector.broadcast %ge3A_225 : i32 to vector<16xi32>
        %ge3A_227 = arith.cmpi sge, %get3A_224, %ge3A_226 : vector<16xi32>
        %sub3A_228 = arith.constant 5120 : i32
        %sub3A_229 = vector.broadcast %sub3A_228 : i32 to vector<16xi32>
        %sub3A_230 = arith.subi %get3A_224, %sub3A_229 : vector<16xi32>
        %jit3A_231 = arith.constant 5120 : i32
        %broadcast_in_dim3A_232 = vector.broadcast %jit3A_231 : i32 to vector<16xi32>
        %select_n3A_233 = arith.select %ge3A_227, %sub3A_230, %broadcast_in_dim3A_232 : vector<16xi1>, vector<16xi32>
        %swap3A_234 = arith.constant 80 : index
        %swap3A_235 = tpu.vector_load %arg17[%swap3A_234] {strides = array<i32>} : memref<128xi32, #tpu.memory_space<vmem>>, vector<16xi32>,
        %swap3A_236 = vector.shape_cast %swap3A_235 : vector<16xi32> to vector<16xi32>
        %swap3A_237 = vector.shape_cast %select_n3A_233 : vector<16xi32> to vector<16xi32>
        tpu.vector_store %arg17[%swap3A_234], %swap3A_237 {strides = array<i32>} : memref<128xi32, #tpu.memory_space<vmem>>, vector<16xi32>,
        %get3A_238 = arith.index_cast %add3A_133 : i32 to index
        %get3A_239 = arith.constant 96 : index
        %get3A_240 = tpu.vector_load %arg12[%get3A_238, %get3A_239] {strides = array<i32>} : memref<80x128xi32, #tpu.memory_space<vmem>>, vector<1x16xi32>,
        %get3A_241 = vector.shape_cast %get3A_240 : vector<1x16xi32> to vector<16xi32>
        %ge3A_242 = arith.constant 5120 : i32
        %ge3A_243 = vector.broadcast %ge3A_242 : i32 to vector<16xi32>
        %ge3A_244 = arith.cmpi sge, %get3A_241, %ge3A_243 : vector<16xi32>
        %sub3A_245 = arith.constant 5120 : i32
        %sub3A_246 = vector.broadcast %sub3A_245 : i32 to vector<16xi32>
        %sub3A_247 = arith.subi %get3A_241, %sub3A_246 : vector<16xi32>
        %jit3A_248 = arith.constant 5120 : i32
        %broadcast_in_dim3A_249 = vector.broadcast %jit3A_248 : i32 to vector<16xi32>
        %select_n3A_250 = arith.select %ge3A_244, %sub3A_247, %broadcast_in_dim3A_249 : vector<16xi1>, vector<16xi32>
        %swap3A_251 = arith.constant 96 : index
        %swap3A_252 = tpu.vector_load %arg17[%swap3A_251] {strides = array<i32>} : memref<128xi32, #tpu.memory_space<vmem>>, vector<16xi32>,
        %swap3A_253 = vector.shape_cast %swap3A_252 : vector<16xi32> to vector<16xi32>
        %swap3A_254 = vector.shape_cast %select_n3A_250 : vector<16xi32> to vector<16xi32>
        tpu.vector_store %arg17[%swap3A_251], %swap3A_254 {strides = array<i32>} : memref<128xi32, #tpu.memory_space<vmem>>, vector<16xi32>,
        %get3A_255 = arith.index_cast %add3A_133 : i32 to index
        %get3A_256 = arith.constant 112 : index
        %get3A_257 = tpu.vector_load %arg12[%get3A_255, %get3A_256] {strides = array<i32>} : memref<80x128xi32, #tpu.memory_space<vmem>>, vector<1x16xi32>,
        %get3A_258 = vector.shape_cast %get3A_257 : vector<1x16xi32> to vector<16xi32>
        %ge3A_259 = arith.constant 5120 : i32
        %ge3A_260 = vector.broadcast %ge3A_259 : i32 to vector<16xi32>
        %ge3A_261 = arith.cmpi sge, %get3A_258, %ge3A_260 : vector<16xi32>
        %sub3A_262 = arith.constant 5120 : i32
        %sub3A_263 = vector.broadcast %sub3A_262 : i32 to vector<16xi32>
        %sub3A_264 = arith.subi %get3A_258, %sub3A_263 : vector<16xi32>
        %jit3A_265 = arith.constant 5120 : i32
        %broadcast_in_dim3A_266 = vector.broadcast %jit3A_265 : i32 to vector<16xi32>
        %select_n3A_267 = arith.select %ge3A_261, %sub3A_264, %broadcast_in_dim3A_266 : vector<16xi1>, vector<16xi32>
        %swap3A_268 = arith.constant 112 : index
        %swap3A_269 = tpu.vector_load %arg17[%swap3A_268] {strides = array<i32>} : memref<128xi32, #tpu.memory_space<vmem>>, vector<16xi32>,
        %swap3A_270 = vector.shape_cast %swap3A_269 : vector<16xi32> to vector<16xi32>
        %swap3A_271 = vector.shape_cast %select_n3A_267 : vector<16xi32> to vector<16xi32>
        tpu.vector_store %arg17[%swap3A_268], %swap3A_271 {strides = array<i32>} : memref<128xi32, #tpu.memory_space<vmem>>, vector<16xi32>,
        %dma_start3A_272 = arith.constant 0 : i32
        %dma_start3A_273 = arith.constant 0 : i32
        %dma_start3A_274 = tpu.memref_slice %arg29[%dma_start3A_272, %dma_start3A_273] : memref<5248x128xf32, #tpu.memory_space<vmem_shared>> -> memref<5248x128xf32, #tpu.memory_space<vmem_shared>>
        tpu.enqueue_indirect_dma source(%arg13 : memref<128x128xf32, #tpu.memory_space<vmem>>) target(%dma_start3A_274 : memref<5248x128xf32, #tpu.memory_space<vmem_shared>>) offsets(%arg17 : memref<128xi32, #tpu.memory_space<vmem>>) semaphore(%arg25 : memref<!tpu.dma_semaphore, #tpu.memory_space<semaphore_mem>>) {add = true}
        %mul3A_275 = arith.constant 2 : i32
        %mul3A_276 = arith.muli %mul3A_275, %scan3A_129 : i32
        %add3A_277 = arith.constant 1 : i32
        %add3A_278 = arith.addi %mul3A_276, %add3A_277 : i32
        %mul3A_279 = arith.constant 80 : i32
        %mul3A_280 = arith.muli %arg1, %mul3A_279 : i32
        %add3A_281 = arith.addi %mul3A_280, %add3A_278 : i32
        %mul3A_282 = arith.constant 128 : i32
        %mul3A_283 = arith.muli %add3A_281, %mul3A_282 : i32
        %dma_wait3A_284 = arith.constant 0 : i32
        %dma_wait3A_285 = tpu.memref_slice %arg2[%mul3A_283, %dma_wait3A_284] : memref<163840x128xf32, #tpu.memory_space<hbm>> -> memref<128x128xf32, #tpu.memory_space<hbm>>
        %dma_wait3A_286 = arith.constant 0 : i32
        %dma_wait3A_287 = tpu.memref_slice %arg2[%mul3A_283, %dma_wait3A_286] : memref<163840x128xf32, #tpu.memory_space<hbm>> -> memref<128x128xf32, #tpu.memory_space<hbm>>
        tpu.wait_dma2 semaphore(%arg22 : memref<!tpu.dma_semaphore, #tpu.memory_space<semaphore_mem>>) src(%dma_wait3A_287 : memref<128x128xf32, #tpu.memory_space<hbm>>) dst(%arg14 : memref<128x128xf32, #tpu.memory_space<vmem>>)
        %get3A_288 = arith.index_cast %add3A_278 : i32 to index
        %get3A_289 = arith.constant 0 : index
        %get3A_290 = tpu.vector_load %arg12[%get3A_288, %get3A_289] {strides = array<i32>} : memref<80x128xi32, #tpu.memory_space<vmem>>, vector<1x16xi32>,
        %get3A_291 = vector.shape_cast %get3A_290 : vector<1x16xi32> to vector<16xi32>
        %ge3A_292 = arith.constant 5120 : i32
        %ge3A_293 = vector.broadcast %ge3A_292 : i32 to vector<16xi32>
        %ge3A_294 = arith.cmpi sge, %get3A_291, %ge3A_293 : vector<16xi32>
        %sub3A_295 = arith.constant 5120 : i32
        %sub3A_296 = vector.broadcast %sub3A_295 : i32 to vector<16xi32>
        %sub3A_297 = arith.subi %get3A_291, %sub3A_296 : vector<16xi32>
        %jit3A_298 = arith.constant 5120 : i32
        %broadcast_in_dim3A_299 = vector.broadcast %jit3A_298 : i32 to vector<16xi32>
        %select_n3A_300 = arith.select %ge3A_294, %sub3A_297, %broadcast_in_dim3A_299 : vector<16xi1>, vector<16xi32>
        %swap3A_301 = arith.constant 0 : index
        %swap3A_302 = tpu.vector_load %arg18[%swap3A_301] {strides = array<i32>} : memref<128xi32, #tpu.memory_space<vmem>>, vector<16xi32>,
        %swap3A_303 = vector.shape_cast %swap3A_302 : vector<16xi32> to vector<16xi32>
        %swap3A_304 = vector.shape_cast %select_n3A_300 : vector<16xi32> to vector<16xi32>
        tpu.vector_store %arg18[%swap3A_301], %swap3A_304 {strides = array<i32>} : memref<128xi32, #tpu.memory_space<vmem>>, vector<16xi32>,
        %get3A_305 = arith.index_cast %add3A_278 : i32 to index
        %get3A_306 = arith.constant 16 : index
        %get3A_307 = tpu.vector_load %arg12[%get3A_305, %get3A_306] {strides = array<i32>} : memref<80x128xi32, #tpu.memory_space<vmem>>, vector<1x16xi32>,
        %get3A_308 = vector.shape_cast %get3A_307 : vector<1x16xi32> to vector<16xi32>
        %ge3A_309 = arith.constant 5120 : i32
        %ge3A_310 = vector.broadcast %ge3A_309 : i32 to vector<16xi32>
        %ge3A_311 = arith.cmpi sge, %get3A_308, %ge3A_310 : vector<16xi32>
        %sub3A_312 = arith.constant 5120 : i32
        %sub3A_313 = vector.broadcast %sub3A_312 : i32 to vector<16xi32>
        %sub3A_314 = arith.subi %get3A_308, %sub3A_313 : vector<16xi32>
        %jit3A_315 = arith.constant 5120 : i32
        %broadcast_in_dim3A_316 = vector.broadcast %jit3A_315 : i32 to vector<16xi32>
        %select_n3A_317 = arith.select %ge3A_311, %sub3A_314, %broadcast_in_dim3A_316 : vector<16xi1>, vector<16xi32>
        %swap3A_318 = arith.constant 16 : index
        %swap3A_319 = tpu.vector_load %arg18[%swap3A_318] {strides = array<i32>} : memref<128xi32, #tpu.memory_space<vmem>>, vector<16xi32>,
        %swap3A_320 = vector.shape_cast %swap3A_319 : vector<16xi32> to vector<16xi32>
        %swap3A_321 = vector.shape_cast %select_n3A_317 : vector<16xi32> to vector<16xi32>
        tpu.vector_store %arg18[%swap3A_318], %swap3A_321 {strides = array<i32>} : memref<128xi32, #tpu.memory_space<vmem>>, vector<16xi32>,
        %get3A_322 = arith.index_cast %add3A_278 : i32 to index
        %get3A_323 = arith.constant 32 : index
        %get3A_324 = tpu.vector_load %arg12[%get3A_322, %get3A_323] {strides = array<i32>} : memref<80x128xi32, #tpu.memory_space<vmem>>, vector<1x16xi32>,
        %get3A_325 = vector.shape_cast %get3A_324 : vector<1x16xi32> to vector<16xi32>
        %ge3A_326 = arith.constant 5120 : i32
        %ge3A_327 = vector.broadcast %ge3A_326 : i32 to vector<16xi32>
        %ge3A_328 = arith.cmpi sge, %get3A_325, %ge3A_327 : vector<16xi32>
        %sub3A_329 = arith.constant 5120 : i32
        %sub3A_330 = vector.broadcast %sub3A_329 : i32 to vector<16xi32>
        %sub3A_331 = arith.subi %get3A_325, %sub3A_330 : vector<16xi32>
        %jit3A_332 = arith.constant 5120 : i32
        %broadcast_in_dim3A_333 = vector.broadcast %jit3A_332 : i32 to vector<16xi32>
        %select_n3A_334 = arith.select %ge3A_328, %sub3A_331, %broadcast_in_dim3A_333 : vector<16xi1>, vector<16xi32>
        %swap3A_335 = arith.constant 32 : index
        %swap3A_336 = tpu.vector_load %arg18[%swap3A_335] {strides = array<i32>} : memref<128xi32, #tpu.memory_space<vmem>>, vector<16xi32>,
        %swap3A_337 = vector.shape_cast %swap3A_336 : vector<16xi32> to vector<16xi32>
        %swap3A_338 = vector.shape_cast %select_n3A_334 : vector<16xi32> to vector<16xi32>
        tpu.vector_store %arg18[%swap3A_335], %swap3A_338 {strides = array<i32>} : memref<128xi32, #tpu.memory_space<vmem>>, vector<16xi32>,
        %get3A_339 = arith.index_cast %add3A_278 : i32 to index
        %get3A_340 = arith.constant 48 : index
        %get3A_341 = tpu.vector_load %arg12[%get3A_339, %get3A_340] {strides = array<i32>} : memref<80x128xi32, #tpu.memory_space<vmem>>, vector<1x16xi32>,
        %get3A_342 = vector.shape_cast %get3A_341 : vector<1x16xi32> to vector<16xi32>
        %ge3A_343 = arith.constant 5120 : i32
        %ge3A_344 = vector.broadcast %ge3A_343 : i32 to vector<16xi32>
        %ge3A_345 = arith.cmpi sge, %get3A_342, %ge3A_344 : vector<16xi32>
        %sub3A_346 = arith.constant 5120 : i32
        %sub3A_347 = vector.broadcast %sub3A_346 : i32 to vector<16xi32>
        %sub3A_348 = arith.subi %get3A_342, %sub3A_347 : vector<16xi32>
        %jit3A_349 = arith.constant 5120 : i32
        %broadcast_in_dim3A_350 = vector.broadcast %jit3A_349 : i32 to vector<16xi32>
        %select_n3A_351 = arith.select %ge3A_345, %sub3A_348, %broadcast_in_dim3A_350 : vector<16xi1>, vector<16xi32>
        %swap3A_352 = arith.constant 48 : index
        %swap3A_353 = tpu.vector_load %arg18[%swap3A_352] {strides = array<i32>} : memref<128xi32, #tpu.memory_space<vmem>>, vector<16xi32>,
        %swap3A_354 = vector.shape_cast %swap3A_353 : vector<16xi32> to vector<16xi32>
        %swap3A_355 = vector.shape_cast %select_n3A_351 : vector<16xi32> to vector<16xi32>
        tpu.vector_store %arg18[%swap3A_352], %swap3A_355 {strides = array<i32>} : memref<128xi32, #tpu.memory_space<vmem>>, vector<16xi32>,
        %get3A_356 = arith.index_cast %add3A_278 : i32 to index
        %get3A_357 = arith.constant 64 : index
        %get3A_358 = tpu.vector_load %arg12[%get3A_356, %get3A_357] {strides = array<i32>} : memref<80x128xi32, #tpu.memory_space<vmem>>, vector<1x16xi32>,
        %get3A_359 = vector.shape_cast %get3A_358 : vector<1x16xi32> to vector<16xi32>
        %ge3A_360 = arith.constant 5120 : i32
        %ge3A_361 = vector.broadcast %ge3A_360 : i32 to vector<16xi32>
        %ge3A_362 = arith.cmpi sge, %get3A_359, %ge3A_361 : vector<16xi32>
        %sub3A_363 = arith.constant 5120 : i32
        %sub3A_364 = vector.broadcast %sub3A_363 : i32 to vector<16xi32>
        %sub3A_365 = arith.subi %get3A_359, %sub3A_364 : vector<16xi32>
        %jit3A_366 = arith.constant 5120 : i32
        %broadcast_in_dim3A_367 = vector.broadcast %jit3A_366 : i32 to vector<16xi32>
        %select_n3A_368 = arith.select %ge3A_362, %sub3A_365, %broadcast_in_dim3A_367 : vector<16xi1>, vector<16xi32>
        %swap3A_369 = arith.constant 64 : index
        %swap3A_370 = tpu.vector_load %arg18[%swap3A_369] {strides = array<i32>} : memref<128xi32, #tpu.memory_space<vmem>>, vector<16xi32>,
        %swap3A_371 = vector.shape_cast %swap3A_370 : vector<16xi32> to vector<16xi32>
        %swap3A_372 = vector.shape_cast %select_n3A_368 : vector<16xi32> to vector<16xi32>
        tpu.vector_store %arg18[%swap3A_369], %swap3A_372 {strides = array<i32>} : memref<128xi32, #tpu.memory_space<vmem>>, vector<16xi32>,
        %get3A_373 = arith.index_cast %add3A_278 : i32 to index
        %get3A_374 = arith.constant 80 : index
        %get3A_375 = tpu.vector_load %arg12[%get3A_373, %get3A_374] {strides = array<i32>} : memref<80x128xi32, #tpu.memory_space<vmem>>, vector<1x16xi32>,
        %get3A_376 = vector.shape_cast %get3A_375 : vector<1x16xi32> to vector<16xi32>
        %ge3A_377 = arith.constant 5120 : i32
        %ge3A_378 = vector.broadcast %ge3A_377 : i32 to vector<16xi32>
        %ge3A_379 = arith.cmpi sge, %get3A_376, %ge3A_378 : vector<16xi32>
        %sub3A_380 = arith.constant 5120 : i32
        %sub3A_381 = vector.broadcast %sub3A_380 : i32 to vector<16xi32>
        %sub3A_382 = arith.subi %get3A_376, %sub3A_381 : vector<16xi32>
        %jit3A_383 = arith.constant 5120 : i32
        %broadcast_in_dim3A_384 = vector.broadcast %jit3A_383 : i32 to vector<16xi32>
        %select_n3A_385 = arith.select %ge3A_379, %sub3A_382, %broadcast_in_dim3A_384 : vector<16xi1>, vector<16xi32>
        %swap3A_386 = arith.constant 80 : index
        %swap3A_387 = tpu.vector_load %arg18[%swap3A_386] {strides = array<i32>} : memref<128xi32, #tpu.memory_space<vmem>>, vector<16xi32>,
        %swap3A_388 = vector.shape_cast %swap3A_387 : vector<16xi32> to vector<16xi32>
        %swap3A_389 = vector.shape_cast %select_n3A_385 : vector<16xi32> to vector<16xi32>
        tpu.vector_store %arg18[%swap3A_386], %swap3A_389 {strides = array<i32>} : memref<128xi32, #tpu.memory_space<vmem>>, vector<16xi32>,
        %get3A_390 = arith.index_cast %add3A_278 : i32 to index
        %get3A_391 = arith.constant 96 : index
        %get3A_392 = tpu.vector_load %arg12[%get3A_390, %get3A_391] {strides = array<i32>} : memref<80x128xi32, #tpu.memory_space<vmem>>, vector<1x16xi32>,
        %get3A_393 = vector.shape_cast %get3A_392 : vector<1x16xi32> to vector<16xi32>
        %ge3A_394 = arith.constant 5120 : i32
        %ge3A_395 = vector.broadcast %ge3A_394 : i32 to vector<16xi32>
        %ge3A_396 = arith.cmpi sge, %get3A_393, %ge3A_395 : vector<16xi32>
        %sub3A_397 = arith.constant 5120 : i32
        %sub3A_398 = vector.broadcast %sub3A_397 : i32 to vector<16xi32>
        %sub3A_399 = arith.subi %get3A_393, %sub3A_398 : vector<16xi32>
        %jit3A_400 = arith.constant 5120 : i32
        %broadcast_in_dim3A_401 = vector.broadcast %jit3A_400 : i32 to vector<16xi32>
        %select_n3A_402 = arith.select %ge3A_396, %sub3A_399, %broadcast_in_dim3A_401 : vector<16xi1>, vector<16xi32>
        %swap3A_403 = arith.constant 96 : index
        %swap3A_404 = tpu.vector_load %arg18[%swap3A_403] {strides = array<i32>} : memref<128xi32, #tpu.memory_space<vmem>>, vector<16xi32>,
        %swap3A_405 = vector.shape_cast %swap3A_404 : vector<16xi32> to vector<16xi32>
        %swap3A_406 = vector.shape_cast %select_n3A_402 : vector<16xi32> to vector<16xi32>
        tpu.vector_store %arg18[%swap3A_403], %swap3A_406 {strides = array<i32>} : memref<128xi32, #tpu.memory_space<vmem>>, vector<16xi32>,
        %get3A_407 = arith.index_cast %add3A_278 : i32 to index
        %get3A_408 = arith.constant 112 : index
        %get3A_409 = tpu.vector_load %arg12[%get3A_407, %get3A_408] {strides = array<i32>} : memref<80x128xi32, #tpu.memory_space<vmem>>, vector<1x16xi32>,
        %get3A_410 = vector.shape_cast %get3A_409 : vector<1x16xi32> to vector<16xi32>
        %ge3A_411 = arith.constant 5120 : i32
        %ge3A_412 = vector.broadcast %ge3A_411 : i32 to vector<16xi32>
        %ge3A_413 = arith.cmpi sge, %get3A_410, %ge3A_412 : vector<16xi32>
        %sub3A_414 = arith.constant 5120 : i32
        %sub3A_415 = vector.broadcast %sub3A_414 : i32 to vector<16xi32>
        %sub3A_416 = arith.subi %get3A_410, %sub3A_415 : vector<16xi32>
        %jit3A_417 = arith.constant 5120 : i32
        %broadcast_in_dim3A_418 = vector.broadcast %jit3A_417 : i32 to vector<16xi32>
        %select_n3A_419 = arith.select %ge3A_413, %sub3A_416, %broadcast_in_dim3A_418 : vector<16xi1>, vector<16xi32>
        %swap3A_420 = arith.constant 112 : index
        %swap3A_421 = tpu.vector_load %arg18[%swap3A_420] {strides = array<i32>} : memref<128xi32, #tpu.memory_space<vmem>>, vector<16xi32>,
        %swap3A_422 = vector.shape_cast %swap3A_421 : vector<16xi32> to vector<16xi32>
        %swap3A_423 = vector.shape_cast %select_n3A_419 : vector<16xi32> to vector<16xi32>
        tpu.vector_store %arg18[%swap3A_420], %swap3A_423 {strides = array<i32>} : memref<128xi32, #tpu.memory_space<vmem>>, vector<16xi32>,
        %dma_start3A_424 = arith.constant 0 : i32
        %dma_start3A_425 = arith.constant 0 : i32
        %dma_start3A_426 = tpu.memref_slice %arg29[%dma_start3A_424, %dma_start3A_425] : memref<5248x128xf32, #tpu.memory_space<vmem_shared>> -> memref<5248x128xf32, #tpu.memory_space<vmem_shared>>
        tpu.enqueue_indirect_dma source(%arg14 : memref<128x128xf32, #tpu.memory_space<vmem>>) target(%dma_start3A_426 : memref<5248x128xf32, #tpu.memory_space<vmem_shared>>) offsets(%arg18 : memref<128xi32, #tpu.memory_space<vmem>>) semaphore(%arg26 : memref<!tpu.dma_semaphore, #tpu.memory_space<semaphore_mem>>) {add = true}
        %mul3A_427 = arith.constant 2 : i32
        %mul3A_428 = arith.muli %mul3A_427, %scan3A_129 : i32
        %add3A_429 = arith.constant 0 : i32
        %add3A_430 = arith.addi %mul3A_428, %add3A_429 : i32
        %dma_wait3A_431 = arith.constant 0 : i32
        %dma_wait3A_432 = arith.constant 0 : i32
        %dma_wait3A_433 = tpu.memref_slice %arg29[%dma_wait3A_431, %dma_wait3A_432] : memref<5248x128xf32, #tpu.memory_space<vmem_shared>> -> memref<5248x128xf32, #tpu.memory_space<vmem_shared>>
        tpu.wait_indirect_dma semaphore(%arg25 : memref<!tpu.dma_semaphore, #tpu.memory_space<semaphore_mem>>) src(%arg13 : memref<128x128xf32, #tpu.memory_space<vmem>>) dst(%dma_wait3A_433 : memref<5248x128xf32, #tpu.memory_space<vmem_shared>>)
        %add3A_434 = arith.constant 2 : i32
        %add3A_435 = arith.addi %add3A_430, %add3A_434 : i32
        %lt3A = arith.constant 80 : i32
        %lt3A_436 = arith.cmpi slt, %add3A_435, %lt3A : i32
        %convert_element_type3A_437 = arith.extui %lt3A_436 : i1 to i32
        %cond3A_438 = arith.constant 0 : i32
        %cond3A_439 = arith.cmpi ne, %convert_element_type3A_437, %cond3A_438 : i32
        scf.if %cond3A_439 {
          %add3A_454 = arith.constant 2 : i32
          %add3A_455 = arith.addi %add3A_430, %add3A_454 : i32
          %mul3A_456 = arith.constant 80 : i32
          %mul3A_457 = arith.muli %arg1, %mul3A_456 : i32
          %add3A_458 = arith.addi %mul3A_457, %add3A_455 : i32
          %mul3A_459 = arith.constant 128 : i32
          %mul3A_460 = arith.muli %add3A_458, %mul3A_459 : i32
          %dma_start3A_461 = arith.constant 0 : i32
          %dma_start3A_462 = tpu.memref_slice %arg2[%mul3A_460, %dma_start3A_461] : memref<163840x128xf32, #tpu.memory_space<hbm>> -> memref<128x128xf32, #tpu.memory_space<hbm>>
          %dma_start3A_463 = arith.constant 0 : i32
          %dma_start3A_464 = tpu.memref_slice %arg2[%mul3A_460, %dma_start3A_463] : memref<163840x128xf32, #tpu.memory_space<hbm>> -> memref<128x128xf32, #tpu.memory_space<hbm>>
          tpu.enqueue_dma source(%dma_start3A_464 : memref<128x128xf32, #tpu.memory_space<hbm>>) target(%arg13 : memref<128x128xf32, #tpu.memory_space<vmem>>) target_semaphore(%arg21 : memref<!tpu.dma_semaphore, #tpu.memory_space<semaphore_mem>>)
        } else {
        }
        %mul3A_440 = arith.constant 2 : i32
        %mul3A_441 = arith.muli %mul3A_440, %scan3A_129 : i32
        %add3A_442 = arith.constant 1 : i32
        %add3A_443 = arith.addi %mul3A_441, %add3A_442 : i32
        %dma_wait3A_444 = arith.constant 0 : i32
        %dma_wait3A_445 = arith.constant 0 : i32
        %dma_wait3A_446 = tpu.memref_slice %arg29[%dma_wait3A_444, %dma_wait3A_445] : memref<5248x128xf32, #tpu.memory_space<vmem_shared>> -> memref<5248x128xf32, #tpu.memory_space<vmem_shared>>
        tpu.wait_indirect_dma semaphore(%arg26 : memref<!tpu.dma_semaphore, #tpu.memory_space<semaphore_mem>>) src(%arg14 : memref<128x128xf32, #tpu.memory_space<vmem>>) dst(%dma_wait3A_446 : memref<5248x128xf32, #tpu.memory_space<vmem_shared>>)
        %add3A_447 = arith.constant 2 : i32
        %add3A_448 = arith.addi %add3A_443, %add3A_447 : i32
        %lt3A_449 = arith.constant 80 : i32
        %lt3A_450 = arith.cmpi slt, %add3A_448, %lt3A_449 : i32
        %convert_element_type3A_451 = arith.extui %lt3A_450 : i1 to i32
        %cond3A_452 = arith.constant 0 : i32
        %cond3A_453 = arith.cmpi ne, %convert_element_type3A_451, %cond3A_452 : i32
        scf.if %cond3A_453 {
          %add3A_454 = arith.constant 2 : i32
          %add3A_455 = arith.addi %add3A_443, %add3A_454 : i32
          %mul3A_456 = arith.constant 80 : i32
          %mul3A_457 = arith.muli %arg1, %mul3A_456 : i32
          %add3A_458 = arith.addi %mul3A_457, %add3A_455 : i32
          %mul3A_459 = arith.constant 128 : i32
          %mul3A_460 = arith.muli %add3A_458, %mul3A_459 : i32
          %dma_start3A_461 = arith.constant 0 : i32
          %dma_start3A_462 = tpu.memref_slice %arg2[%mul3A_460, %dma_start3A_461] : memref<163840x128xf32, #tpu.memory_space<hbm>> -> memref<128x128xf32, #tpu.memory_space<hbm>>
          %dma_start3A_463 = arith.constant 0 : i32
          %dma_start3A_464 = tpu.memref_slice %arg2[%mul3A_460, %dma_start3A_463] : memref<163840x128xf32, #tpu.memory_space<hbm>> -> memref<128x128xf32, #tpu.memory_space<hbm>>
          tpu.enqueue_dma source(%dma_start3A_464 : memref<128x128xf32, #tpu.memory_space<hbm>>) target(%arg14 : memref<128x128xf32, #tpu.memory_space<vmem>>) target_semaphore(%arg22 : memref<!tpu.dma_semaphore, #tpu.memory_space<semaphore_mem>>)
        } else {
        }
      }
      %scan3A_121 = arith.constant 40 : i32
      %barrier3A_122 = arith.constant 0 : index
      tpu.barrier barrier_id(%barrier3A_122)
      %mul3A_123 = arith.constant 320 : i32
      %mul3A_124 = arith.muli %arg1, %mul3A_123 : i32
      %mul3A_125 = arith.constant 320 : i32
      %mul3A_126 = arith.muli %arg1, %mul3A_125 : i32
      %add3A_127 = arith.constant 5120 : i32
      %add3A_128 = arith.addi %add3A_127, %mul3A_126 : i32
      "tpu.region"() ({
        %run_scoped3A = tpu.sem_alloc : memref<!tpu.dma_semaphore, #tpu.memory_space<semaphore_mem>>
        %dma_start3A_129 = arith.constant 0 : i32
        %dma_start3A_130 = tpu.memref_slice %arg8[%add3A_128, %dma_start3A_129] : memref<10240x128xf32, #tpu.memory_space<hbm>> -> memref<320x128xf32, #tpu.memory_space<hbm>>
        %dma_start3A_131 = arith.constant 0 : i32
        %dma_start3A_132 = tpu.memref_slice %arg29[%mul3A_124, %dma_start3A_131] : memref<5248x128xf32, #tpu.memory_space<vmem_shared>> -> memref<320x128xf32, #tpu.memory_space<vmem_shared>>
        tpu.enqueue_dma source(%dma_start3A_132 : memref<320x128xf32, #tpu.memory_space<vmem_shared>>) target(%dma_start3A_130 : memref<320x128xf32, #tpu.memory_space<hbm>>) target_semaphore(%run_scoped3A : memref<!tpu.dma_semaphore, #tpu.memory_space<semaphore_mem>>)
        %dma_wait3A = arith.constant 0 : i32
        %dma_wait3A_133 = tpu.memref_slice %arg8[%add3A_128, %dma_wait3A] : memref<10240x128xf32, #tpu.memory_space<hbm>> -> memref<320x128xf32, #tpu.memory_space<hbm>>
        %dma_wait3A_134 = arith.constant 0 : i32
        %dma_wait3A_135 = tpu.memref_slice %arg29[%mul3A_124, %dma_wait3A_134] : memref<5248x128xf32, #tpu.memory_space<vmem_shared>> -> memref<320x128xf32, #tpu.memory_space<vmem_shared>>
        tpu.wait_dma2 semaphore(%run_scoped3A : memref<!tpu.dma_semaphore, #tpu.memory_space<semaphore_mem>>) src(%dma_wait3A_135 : memref<320x128xf32, #tpu.memory_space<vmem_shared>>) dst(%dma_wait3A_133 : memref<320x128xf32, #tpu.memory_space<hbm>>)
        tpu.yield
      }) : () -> ()
    } else {
    }
    %eq3A_2 = arith.constant 1 : i32
    %eq3A_3 = arith.cmpi eq, %arg0, %eq3A_2 : i32
    %convert_element_type3A_4 = arith.extui %eq3A_3 : i1 to i32
    %cond3A_5 = arith.constant 0 : i32
    %cond3A_6 = arith.cmpi ne, %convert_element_type3A_4, %cond3A_5 : i32
    scf.if %cond3A_6 {
      %broadcast_in_dim3A = arith.constant 0.000000e+00 : f32
      %broadcast_in_dim3A_7 = vector.broadcast %broadcast_in_dim3A : f32 to vector<16xf32>
      %scan3A = arith.constant 0 : i32
      %scan3A_8 = arith.constant 0 : i32
      %scan3A_9 = arith.constant 128 : i32
      %scan3A_10 = arith.addi %scan3A_8, %scan3A_9 : i32
      %scan3A_11 = arith.constant 1 : i32
      scf.for %scan3A_129 = %scan3A_8 to %scan3A_10 step %scan3A_11  : i32 {
        %swap3A = arith.index_cast %scan3A_129 : i32 to index
        %swap3A_130 = arith.constant 0 : index
        %swap3A_131 = tpu.vector_load %arg13[%swap3A, %swap3A_130] {strides = array<i32>} : memref<128x128xf32, #tpu.memory_space<vmem>>, vector<1x16xf32>,
        %swap3A_132 = vector.shape_cast %swap3A_131 : vector<1x16xf32> to vector<16xf32>
        %swap3A_133 = vector.shape_cast %broadcast_in_dim3A_7 : vector<16xf32> to vector<1x16xf32>
        tpu.vector_store %arg13[%swap3A, %swap3A_130], %swap3A_133 {strides = array<i32>} : memref<128x128xf32, #tpu.memory_space<vmem>>, vector<1x16xf32>,
        %swap3A_134 = arith.index_cast %scan3A_129 : i32 to index
        %swap3A_135 = arith.constant 16 : index
        %swap3A_136 = tpu.vector_load %arg13[%swap3A_134, %swap3A_135] {strides = array<i32>} : memref<128x128xf32, #tpu.memory_space<vmem>>, vector<1x16xf32>,
        %swap3A_137 = vector.shape_cast %swap3A_136 : vector<1x16xf32> to vector<16xf32>
        %swap3A_138 = vector.shape_cast %broadcast_in_dim3A_7 : vector<16xf32> to vector<1x16xf32>
        tpu.vector_store %arg13[%swap3A_134, %swap3A_135], %swap3A_138 {strides = array<i32>} : memref<128x128xf32, #tpu.memory_space<vmem>>, vector<1x16xf32>,
        %swap3A_139 = arith.index_cast %scan3A_129 : i32 to index
        %swap3A_140 = arith.constant 32 : index
        %swap3A_141 = tpu.vector_load %arg13[%swap3A_139, %swap3A_140] {strides = array<i32>} : memref<128x128xf32, #tpu.memory_space<vmem>>, vector<1x16xf32>,
        %swap3A_142 = vector.shape_cast %swap3A_141 : vector<1x16xf32> to vector<16xf32>
        %swap3A_143 = vector.shape_cast %broadcast_in_dim3A_7 : vector<16xf32> to vector<1x16xf32>
        tpu.vector_store %arg13[%swap3A_139, %swap3A_140], %swap3A_143 {strides = array<i32>} : memref<128x128xf32, #tpu.memory_space<vmem>>, vector<1x16xf32>,
        %swap3A_144 = arith.index_cast %scan3A_129 : i32 to index
        %swap3A_145 = arith.constant 48 : index
        %swap3A_146 = tpu.vector_load %arg13[%swap3A_144, %swap3A_145] {strides = array<i32>} : memref<128x128xf32, #tpu.memory_space<vmem>>, vector<1x16xf32>,
        %swap3A_147 = vector.shape_cast %swap3A_146 : vector<1x16xf32> to vector<16xf32>
        %swap3A_148 = vector.shape_cast %broadcast_in_dim3A_7 : vector<16xf32> to vector<1x16xf32>
        tpu.vector_store %arg13[%swap3A_144, %swap3A_145], %swap3A_148 {strides = array<i32>} : memref<128x128xf32, #tpu.memory_space<vmem>>, vector<1x16xf32>,
        %swap3A_149 = arith.index_cast %scan3A_129 : i32 to index
        %swap3A_150 = arith.constant 64 : index
        %swap3A_151 = tpu.vector_load %arg13[%swap3A_149, %swap3A_150] {strides = array<i32>} : memref<128x128xf32, #tpu.memory_space<vmem>>, vector<1x16xf32>,
        %swap3A_152 = vector.shape_cast %swap3A_151 : vector<1x16xf32> to vector<16xf32>
        %swap3A_153 = vector.shape_cast %broadcast_in_dim3A_7 : vector<16xf32> to vector<1x16xf32>
        tpu.vector_store %arg13[%swap3A_149, %swap3A_150], %swap3A_153 {strides = array<i32>} : memref<128x128xf32, #tpu.memory_space<vmem>>, vector<1x16xf32>,
        %swap3A_154 = arith.index_cast %scan3A_129 : i32 to index
        %swap3A_155 = arith.constant 80 : index
        %swap3A_156 = tpu.vector_load %arg13[%swap3A_154, %swap3A_155] {strides = array<i32>} : memref<128x128xf32, #tpu.memory_space<vmem>>, vector<1x16xf32>,
        %swap3A_157 = vector.shape_cast %swap3A_156 : vector<1x16xf32> to vector<16xf32>
        %swap3A_158 = vector.shape_cast %broadcast_in_dim3A_7 : vector<16xf32> to vector<1x16xf32>
        tpu.vector_store %arg13[%swap3A_154, %swap3A_155], %swap3A_158 {strides = array<i32>} : memref<128x128xf32, #tpu.memory_space<vmem>>, vector<1x16xf32>,
        %swap3A_159 = arith.index_cast %scan3A_129 : i32 to index
        %swap3A_160 = arith.constant 96 : index
        %swap3A_161 = tpu.vector_load %arg13[%swap3A_159, %swap3A_160] {strides = array<i32>} : memref<128x128xf32, #tpu.memory_space<vmem>>, vector<1x16xf32>,
        %swap3A_162 = vector.shape_cast %swap3A_161 : vector<1x16xf32> to vector<16xf32>
        %swap3A_163 = vector.shape_cast %broadcast_in_dim3A_7 : vector<16xf32> to vector<1x16xf32>
        tpu.vector_store %arg13[%swap3A_159, %swap3A_160], %swap3A_163 {strides = array<i32>} : memref<128x128xf32, #tpu.memory_space<vmem>>, vector<1x16xf32>,
        %swap3A_164 = arith.index_cast %scan3A_129 : i32 to index
        %swap3A_165 = arith.constant 112 : index
        %swap3A_166 = tpu.vector_load %arg13[%swap3A_164, %swap3A_165] {strides = array<i32>} : memref<128x128xf32, #tpu.memory_space<vmem>>, vector<1x16xf32>,
        %swap3A_167 = vector.shape_cast %swap3A_166 : vector<1x16xf32> to vector<16xf32>
        %swap3A_168 = vector.shape_cast %broadcast_in_dim3A_7 : vector<16xf32> to vector<1x16xf32>
        tpu.vector_store %arg13[%swap3A_164, %swap3A_165], %swap3A_168 {strides = array<i32>} : memref<128x128xf32, #tpu.memory_space<vmem>>, vector<1x16xf32>,
      }
      %scan3A_12 = arith.constant 128 : i32
      %mul3A = arith.constant 328 : i32
      %mul3A_13 = arith.muli %arg1, %mul3A : i32
      "tpu.region"() ({
        %run_scoped3A = tpu.sem_alloc : memref<!tpu.dma_semaphore, #tpu.memory_space<semaphore_mem>>
        %dma_start3A_129 = arith.constant 0 : i32
        %dma_start3A_130 = tpu.memref_slice %arg29[%mul3A_13, %dma_start3A_129] : memref<5248x128xf32, #tpu.memory_space<vmem_shared>> -> memref<128x128xf32, #tpu.memory_space<vmem_shared>>
        %dma_start3A_131 = arith.constant 0 : i32
        %dma_start3A_132 = tpu.memref_slice %arg29[%mul3A_13, %dma_start3A_131] : memref<5248x128xf32, #tpu.memory_space<vmem_shared>> -> memref<128x128xf32, #tpu.memory_space<vmem_shared>>
        tpu.enqueue_dma source(%arg13 : memref<128x128xf32, #tpu.memory_space<vmem>>) target(%dma_start3A_132 : memref<128x128xf32, #tpu.memory_space<vmem_shared>>) target_semaphore(%run_scoped3A : memref<!tpu.dma_semaphore, #tpu.memory_space<semaphore_mem>>)
        %dma_wait3A = arith.constant 0 : i32
        %dma_wait3A_133 = tpu.memref_slice %arg29[%mul3A_13, %dma_wait3A] : memref<5248x128xf32, #tpu.memory_space<vmem_shared>> -> memref<128x128xf32, #tpu.memory_space<vmem_shared>>
        %dma_wait3A_134 = arith.constant 0 : i32
        %dma_wait3A_135 = tpu.memref_slice %arg29[%mul3A_13, %dma_wait3A_134] : memref<5248x128xf32, #tpu.memory_space<vmem_shared>> -> memref<128x128xf32, #tpu.memory_space<vmem_shared>>
        tpu.wait_dma2 semaphore(%run_scoped3A : memref<!tpu.dma_semaphore, #tpu.memory_space<semaphore_mem>>) src(%arg13 : memref<128x128xf32, #tpu.memory_space<vmem>>) dst(%dma_wait3A_135 : memref<128x128xf32, #tpu.memory_space<vmem_shared>>)
        tpu.yield
      }) : () -> ()
      %add3A = arith.constant 128 : i32
      %add3A_14 = arith.addi %mul3A_13, %add3A : i32
      "tpu.region"() ({
        %run_scoped3A = tpu.sem_alloc : memref<!tpu.dma_semaphore, #tpu.memory_space<semaphore_mem>>
        %dma_start3A_129 = arith.constant 0 : i32
        %dma_start3A_130 = tpu.memref_slice %arg29[%add3A_14, %dma_start3A_129] : memref<5248x128xf32, #tpu.memory_space<vmem_shared>> -> memref<128x128xf32, #tpu.memory_space<vmem_shared>>
        %dma_start3A_131 = arith.constant 0 : i32
        %dma_start3A_132 = tpu.memref_slice %arg29[%add3A_14, %dma_start3A_131] : memref<5248x128xf32, #tpu.memory_space<vmem_shared>> -> memref<128x128xf32, #tpu.memory_space<vmem_shared>>
        tpu.enqueue_dma source(%arg13 : memref<128x128xf32, #tpu.memory_space<vmem>>) target(%dma_start3A_132 : memref<128x128xf32, #tpu.memory_space<vmem_shared>>) target_semaphore(%run_scoped3A : memref<!tpu.dma_semaphore, #tpu.memory_space<semaphore_mem>>)
        %dma_wait3A = arith.constant 0 : i32
        %dma_wait3A_133 = tpu.memref_slice %arg29[%add3A_14, %dma_wait3A] : memref<5248x128xf32, #tpu.memory_space<vmem_shared>> -> memref<128x128xf32, #tpu.memory_space<vmem_shared>>
        %dma_wait3A_134 = arith.constant 0 : i32
        %dma_wait3A_135 = tpu.memref_slice %arg29[%add3A_14, %dma_wait3A_134] : memref<5248x128xf32, #tpu.memory_space<vmem_shared>> -> memref<128x128xf32, #tpu.memory_space<vmem_shared>>
        tpu.wait_dma2 semaphore(%run_scoped3A : memref<!tpu.dma_semaphore, #tpu.memory_space<semaphore_mem>>) src(%arg13 : memref<128x128xf32, #tpu.memory_space<vmem>>) dst(%dma_wait3A_135 : memref<128x128xf32, #tpu.memory_space<vmem_shared>>)
        tpu.yield
      }) : () -> ()
      %add3A_15 = arith.constant 256 : i32
      %add3A_16 = arith.addi %mul3A_13, %add3A_15 : i32
      "tpu.region"() ({
        %run_scoped3A = tpu.sem_alloc : memref<!tpu.dma_semaphore, #tpu.memory_space<semaphore_mem>>
        %dma_start3A_129 = arith.constant 0 : i32
        %dma_start3A_130 = arith.constant 0 : i32
        %dma_start3A_131 = tpu.memref_slice %arg13[%dma_start3A_129, %dma_start3A_130] : memref<128x128xf32, #tpu.memory_space<vmem>> -> memref<72x128xf32, #tpu.memory_space<vmem>>
        %dma_start3A_132 = arith.constant 0 : i32
        %dma_start3A_133 = tpu.memref_slice %arg29[%add3A_16, %dma_start3A_132] : memref<5248x128xf32, #tpu.memory_space<vmem_shared>> -> memref<72x128xf32, #tpu.memory_space<vmem_shared>>
        %dma_start3A_134 = arith.constant 0 : i32
        %dma_start3A_135 = tpu.memref_slice %arg29[%add3A_16, %dma_start3A_134] : memref<5248x128xf32, #tpu.memory_space<vmem_shared>> -> memref<72x128xf32, #tpu.memory_space<vmem_shared>>
        %dma_start3A_136 = arith.constant 0 : i32
        %dma_start3A_137 = arith.constant 0 : i32
        %dma_start3A_138 = tpu.memref_slice %arg13[%dma_start3A_136, %dma_start3A_137] : memref<128x128xf32, #tpu.memory_space<vmem>> -> memref<72x128xf32, #tpu.memory_space<vmem>>
        tpu.enqueue_dma source(%dma_start3A_138 : memref<72x128xf32, #tpu.memory_space<vmem>>) target(%dma_start3A_135 : memref<72x128xf32, #tpu.memory_space<vmem_shared>>) target_semaphore(%run_scoped3A : memref<!tpu.dma_semaphore, #tpu.memory_space<semaphore_mem>>)
        %dma_wait3A = arith.constant 0 : i32
        %dma_wait3A_139 = arith.constant 0 : i32
        %dma_wait3A_140 = tpu.memref_slice %arg13[%dma_wait3A, %dma_wait3A_139] : memref<128x128xf32, #tpu.memory_space<vmem>> -> memref<72x128xf32, #tpu.memory_space<vmem>>
        %dma_wait3A_141 = arith.constant 0 : i32
        %dma_wait3A_142 = tpu.memref_slice %arg29[%add3A_16, %dma_wait3A_141] : memref<5248x128xf32, #tpu.memory_space<vmem_shared>> -> memref<72x128xf32, #tpu.memory_space<vmem_shared>>
        %dma_wait3A_143 = arith.constant 0 : i32
        %dma_wait3A_144 = tpu.memref_slice %arg29[%add3A_16, %dma_wait3A_143] : memref<5248x128xf32, #tpu.memory_space<vmem_shared>> -> memref<72x128xf32, #tpu.memory_space<vmem_shared>>
        %dma_wait3A_145 = arith.constant 0 : i32
        %dma_wait3A_146 = arith.constant 0 : i32
        %dma_wait3A_147 = tpu.memref_slice %arg13[%dma_wait3A_145, %dma_wait3A_146] : memref<128x128xf32, #tpu.memory_space<vmem>> -> memref<72x128xf32, #tpu.memory_space<vmem>>
        tpu.wait_dma2 semaphore(%run_scoped3A : memref<!tpu.dma_semaphore, #tpu.memory_space<semaphore_mem>>) src(%dma_wait3A_147 : memref<72x128xf32, #tpu.memory_space<vmem>>) dst(%dma_wait3A_144 : memref<72x128xf32, #tpu.memory_space<vmem_shared>>)
        tpu.yield
      }) : () -> ()
      %mul3A_17 = arith.constant 80 : i32
      %mul3A_18 = arith.muli %arg1, %mul3A_17 : i32
      "tpu.region"() ({
        %run_scoped3A = tpu.sem_alloc : memref<!tpu.dma_semaphore, #tpu.memory_space<semaphore_mem>>
        %dma_start3A_129 = arith.constant 0 : i32
        %dma_start3A_130 = tpu.memref_slice %arg7[%mul3A_18, %dma_start3A_129] : memref<1280x128xi32, #tpu.memory_space<hbm>> -> memref<80x128xi32, #tpu.memory_space<hbm>>
        %dma_start3A_131 = arith.constant 0 : i32
        %dma_start3A_132 = tpu.memref_slice %arg7[%mul3A_18, %dma_start3A_131] : memref<1280x128xi32, #tpu.memory_space<hbm>> -> memref<80x128xi32, #tpu.memory_space<hbm>>
        tpu.enqueue_dma source(%dma_start3A_132 : memref<80x128xi32, #tpu.memory_space<hbm>>) target(%arg12 : memref<80x128xi32, #tpu.memory_space<vmem>>) target_semaphore(%run_scoped3A : memref<!tpu.dma_semaphore, #tpu.memory_space<semaphore_mem>>)
        %dma_wait3A = arith.constant 0 : i32
        %dma_wait3A_133 = tpu.memref_slice %arg7[%mul3A_18, %dma_wait3A] : memref<1280x128xi32, #tpu.memory_space<hbm>> -> memref<80x128xi32, #tpu.memory_space<hbm>>
        %dma_wait3A_134 = arith.constant 0 : i32
        %dma_wait3A_135 = tpu.memref_slice %arg7[%mul3A_18, %dma_wait3A_134] : memref<1280x128xi32, #tpu.memory_space<hbm>> -> memref<80x128xi32, #tpu.memory_space<hbm>>
        tpu.wait_dma2 semaphore(%run_scoped3A : memref<!tpu.dma_semaphore, #tpu.memory_space<semaphore_mem>>) src(%dma_wait3A_135 : memref<80x128xi32, #tpu.memory_space<hbm>>) dst(%arg12 : memref<80x128xi32, #tpu.memory_space<vmem>>)
        tpu.yield
      }) : () -> ()
      %barrier3A = arith.constant 0 : index
      tpu.barrier barrier_id(%barrier3A)
      %mul3A_19 = arith.constant 80 : i32
      %mul3A_20 = arith.muli %arg1, %mul3A_19 : i32
      %add3A_21 = arith.constant 0 : i32
      %add3A_22 = arith.addi %mul3A_20, %add3A_21 : i32
      %mul3A_23 = arith.constant 128 : i32
      %mul3A_24 = arith.muli %add3A_22, %mul3A_23 : i32
      %dma_start3A = arith.constant 0 : i32
      %dma_start3A_25 = tpu.memref_slice %arg5[%mul3A_24, %dma_start3A] : memref<163840x128xf32, #tpu.memory_space<hbm>> -> memref<128x128xf32, #tpu.memory_space<hbm>>
      %dma_start3A_26 = arith.constant 0 : i32
      %dma_start3A_27 = tpu.memref_slice %arg5[%mul3A_24, %dma_start3A_26] : memref<163840x128xf32, #tpu.memory_space<hbm>> -> memref<128x128xf32, #tpu.memory_space<hbm>>
      tpu.enqueue_dma source(%dma_start3A_27 : memref<128x128xf32, #tpu.memory_space<hbm>>) target(%arg13 : memref<128x128xf32, #tpu.memory_space<vmem>>) target_semaphore(%arg21 : memref<!tpu.dma_semaphore, #tpu.memory_space<semaphore_mem>>)
      %mul3A_28 = arith.constant 80 : i32
      %mul3A_29 = arith.muli %arg1, %mul3A_28 : i32
      %add3A_30 = arith.constant 1 : i32
      %add3A_31 = arith.addi %mul3A_29, %add3A_30 : i32
      %mul3A_32 = arith.constant 128 : i32
      %mul3A_33 = arith.muli %add3A_31, %mul3A_32 : i32
      %dma_start3A_34 = arith.constant 0 : i32
      %dma_start3A_35 = tpu.memref_slice %arg5[%mul3A_33, %dma_start3A_34] : memref<163840x128xf32, #tpu.memory_space<hbm>> -> memref<128x128xf32, #tpu.memory_space<hbm>>
      %dma_start3A_36 = arith.constant 0 : i32
      %dma_start3A_37 = tpu.memref_slice %arg5[%mul3A_33, %dma_start3A_36] : memref<163840x128xf32, #tpu.memory_space<hbm>> -> memref<128x128xf32, #tpu.memory_space<hbm>>
      tpu.enqueue_dma source(%dma_start3A_37 : memref<128x128xf32, #tpu.memory_space<hbm>>) target(%arg14 : memref<128x128xf32, #tpu.memory_space<vmem>>) target_semaphore(%arg22 : memref<!tpu.dma_semaphore, #tpu.memory_space<semaphore_mem>>)
      %scan3A_38 = arith.constant 0 : i32
      %scan3A_39 = arith.constant 0 : i32
      %scan3A_40 = arith.constant 40 : i32
      %scan3A_41 = arith.addi %scan3A_39, %scan3A_40 : i32
      %scan3A_42 = arith.constant 1 : i32
      scf.for %scan3A_129 = %scan3A_39 to %scan3A_41 step %scan3A_42  : i32 {
        %mul3A_130 = arith.constant 2 : i32
        %mul3A_131 = arith.muli %mul3A_130, %scan3A_129 : i32
        %add3A_132 = arith.constant 0 : i32
        %add3A_133 = arith.addi %mul3A_131, %add3A_132 : i32
        %mul3A_134 = arith.constant 80 : i32
        %mul3A_135 = arith.muli %arg1, %mul3A_134 : i32
        %add3A_136 = arith.addi %mul3A_135, %add3A_133 : i32
        %mul3A_137 = arith.constant 128 : i32
        %mul3A_138 = arith.muli %add3A_136, %mul3A_137 : i32
        %dma_wait3A = arith.constant 0 : i32
        %dma_wait3A_139 = tpu.memref_slice %arg5[%mul3A_138, %dma_wait3A] : memref<163840x128xf32, #tpu.memory_space<hbm>> -> memref<128x128xf32, #tpu.memory_space<hbm>>
        %dma_wait3A_140 = arith.constant 0 : i32
        %dma_wait3A_141 = tpu.memref_slice %arg5[%mul3A_138, %dma_wait3A_140] : memref<163840x128xf32, #tpu.memory_space<hbm>> -> memref<128x128xf32, #tpu.memory_space<hbm>>
        tpu.wait_dma2 semaphore(%arg21 : memref<!tpu.dma_semaphore, #tpu.memory_space<semaphore_mem>>) src(%dma_wait3A_141 : memref<128x128xf32, #tpu.memory_space<hbm>>) dst(%arg13 : memref<128x128xf32, #tpu.memory_space<vmem>>)
        %get3A = arith.index_cast %add3A_133 : i32 to index
        %get3A_142 = arith.constant 0 : index
        %get3A_143 = tpu.vector_load %arg12[%get3A, %get3A_142] {strides = array<i32>} : memref<80x128xi32, #tpu.memory_space<vmem>>, vector<1x16xi32>,
        %get3A_144 = vector.shape_cast %get3A_143 : vector<1x16xi32> to vector<16xi32>
        %lt3A = arith.constant 5120 : i32
        %lt3A_145 = vector.broadcast %lt3A : i32 to vector<16xi32>
        %lt3A_146 = arith.cmpi slt, %get3A_144, %lt3A_145 : vector<16xi32>
        %jit3A = arith.constant 5120 : i32
        %broadcast_in_dim3A_147 = vector.broadcast %jit3A : i32 to vector<16xi32>
        %select_n3A = arith.select %lt3A_146, %get3A_144, %broadcast_in_dim3A_147 : vector<16xi1>, vector<16xi32>
        %swap3A = arith.constant 0 : index
        %swap3A_148 = tpu.vector_load %arg17[%swap3A] {strides = array<i32>} : memref<128xi32, #tpu.memory_space<vmem>>, vector<16xi32>,
        %swap3A_149 = vector.shape_cast %swap3A_148 : vector<16xi32> to vector<16xi32>
        %swap3A_150 = vector.shape_cast %select_n3A : vector<16xi32> to vector<16xi32>
        tpu.vector_store %arg17[%swap3A], %swap3A_150 {strides = array<i32>} : memref<128xi32, #tpu.memory_space<vmem>>, vector<16xi32>,
        %get3A_151 = arith.index_cast %add3A_133 : i32 to index
        %get3A_152 = arith.constant 16 : index
        %get3A_153 = tpu.vector_load %arg12[%get3A_151, %get3A_152] {strides = array<i32>} : memref<80x128xi32, #tpu.memory_space<vmem>>, vector<1x16xi32>,
        %get3A_154 = vector.shape_cast %get3A_153 : vector<1x16xi32> to vector<16xi32>
        %lt3A_155 = arith.constant 5120 : i32
        %lt3A_156 = vector.broadcast %lt3A_155 : i32 to vector<16xi32>
        %lt3A_157 = arith.cmpi slt, %get3A_154, %lt3A_156 : vector<16xi32>
        %jit3A_158 = arith.constant 5120 : i32
        %broadcast_in_dim3A_159 = vector.broadcast %jit3A_158 : i32 to vector<16xi32>
        %select_n3A_160 = arith.select %lt3A_157, %get3A_154, %broadcast_in_dim3A_159 : vector<16xi1>, vector<16xi32>
        %swap3A_161 = arith.constant 16 : index
        %swap3A_162 = tpu.vector_load %arg17[%swap3A_161] {strides = array<i32>} : memref<128xi32, #tpu.memory_space<vmem>>, vector<16xi32>,
        %swap3A_163 = vector.shape_cast %swap3A_162 : vector<16xi32> to vector<16xi32>
        %swap3A_164 = vector.shape_cast %select_n3A_160 : vector<16xi32> to vector<16xi32>
        tpu.vector_store %arg17[%swap3A_161], %swap3A_164 {strides = array<i32>} : memref<128xi32, #tpu.memory_space<vmem>>, vector<16xi32>,
        %get3A_165 = arith.index_cast %add3A_133 : i32 to index
        %get3A_166 = arith.constant 32 : index
        %get3A_167 = tpu.vector_load %arg12[%get3A_165, %get3A_166] {strides = array<i32>} : memref<80x128xi32, #tpu.memory_space<vmem>>, vector<1x16xi32>,
        %get3A_168 = vector.shape_cast %get3A_167 : vector<1x16xi32> to vector<16xi32>
        %lt3A_169 = arith.constant 5120 : i32
        %lt3A_170 = vector.broadcast %lt3A_169 : i32 to vector<16xi32>
        %lt3A_171 = arith.cmpi slt, %get3A_168, %lt3A_170 : vector<16xi32>
        %jit3A_172 = arith.constant 5120 : i32
        %broadcast_in_dim3A_173 = vector.broadcast %jit3A_172 : i32 to vector<16xi32>
        %select_n3A_174 = arith.select %lt3A_171, %get3A_168, %broadcast_in_dim3A_173 : vector<16xi1>, vector<16xi32>
        %swap3A_175 = arith.constant 32 : index
        %swap3A_176 = tpu.vector_load %arg17[%swap3A_175] {strides = array<i32>} : memref<128xi32, #tpu.memory_space<vmem>>, vector<16xi32>,
        %swap3A_177 = vector.shape_cast %swap3A_176 : vector<16xi32> to vector<16xi32>
        %swap3A_178 = vector.shape_cast %select_n3A_174 : vector<16xi32> to vector<16xi32>
        tpu.vector_store %arg17[%swap3A_175], %swap3A_178 {strides = array<i32>} : memref<128xi32, #tpu.memory_space<vmem>>, vector<16xi32>,
        %get3A_179 = arith.index_cast %add3A_133 : i32 to index
        %get3A_180 = arith.constant 48 : index
        %get3A_181 = tpu.vector_load %arg12[%get3A_179, %get3A_180] {strides = array<i32>} : memref<80x128xi32, #tpu.memory_space<vmem>>, vector<1x16xi32>,
        %get3A_182 = vector.shape_cast %get3A_181 : vector<1x16xi32> to vector<16xi32>
        %lt3A_183 = arith.constant 5120 : i32
        %lt3A_184 = vector.broadcast %lt3A_183 : i32 to vector<16xi32>
        %lt3A_185 = arith.cmpi slt, %get3A_182, %lt3A_184 : vector<16xi32>
        %jit3A_186 = arith.constant 5120 : i32
        %broadcast_in_dim3A_187 = vector.broadcast %jit3A_186 : i32 to vector<16xi32>
        %select_n3A_188 = arith.select %lt3A_185, %get3A_182, %broadcast_in_dim3A_187 : vector<16xi1>, vector<16xi32>
        %swap3A_189 = arith.constant 48 : index
        %swap3A_190 = tpu.vector_load %arg17[%swap3A_189] {strides = array<i32>} : memref<128xi32, #tpu.memory_space<vmem>>, vector<16xi32>,
        %swap3A_191 = vector.shape_cast %swap3A_190 : vector<16xi32> to vector<16xi32>
        %swap3A_192 = vector.shape_cast %select_n3A_188 : vector<16xi32> to vector<16xi32>
        tpu.vector_store %arg17[%swap3A_189], %swap3A_192 {strides = array<i32>} : memref<128xi32, #tpu.memory_space<vmem>>, vector<16xi32>,
        %get3A_193 = arith.index_cast %add3A_133 : i32 to index
        %get3A_194 = arith.constant 64 : index
        %get3A_195 = tpu.vector_load %arg12[%get3A_193, %get3A_194] {strides = array<i32>} : memref<80x128xi32, #tpu.memory_space<vmem>>, vector<1x16xi32>,
        %get3A_196 = vector.shape_cast %get3A_195 : vector<1x16xi32> to vector<16xi32>
        %lt3A_197 = arith.constant 5120 : i32
        %lt3A_198 = vector.broadcast %lt3A_197 : i32 to vector<16xi32>
        %lt3A_199 = arith.cmpi slt, %get3A_196, %lt3A_198 : vector<16xi32>
        %jit3A_200 = arith.constant 5120 : i32
        %broadcast_in_dim3A_201 = vector.broadcast %jit3A_200 : i32 to vector<16xi32>
        %select_n3A_202 = arith.select %lt3A_199, %get3A_196, %broadcast_in_dim3A_201 : vector<16xi1>, vector<16xi32>
        %swap3A_203 = arith.constant 64 : index
        %swap3A_204 = tpu.vector_load %arg17[%swap3A_203] {strides = array<i32>} : memref<128xi32, #tpu.memory_space<vmem>>, vector<16xi32>,
        %swap3A_205 = vector.shape_cast %swap3A_204 : vector<16xi32> to vector<16xi32>
        %swap3A_206 = vector.shape_cast %select_n3A_202 : vector<16xi32> to vector<16xi32>
        tpu.vector_store %arg17[%swap3A_203], %swap3A_206 {strides = array<i32>} : memref<128xi32, #tpu.memory_space<vmem>>, vector<16xi32>,
        %get3A_207 = arith.index_cast %add3A_133 : i32 to index
        %get3A_208 = arith.constant 80 : index
        %get3A_209 = tpu.vector_load %arg12[%get3A_207, %get3A_208] {strides = array<i32>} : memref<80x128xi32, #tpu.memory_space<vmem>>, vector<1x16xi32>,
        %get3A_210 = vector.shape_cast %get3A_209 : vector<1x16xi32> to vector<16xi32>
        %lt3A_211 = arith.constant 5120 : i32
        %lt3A_212 = vector.broadcast %lt3A_211 : i32 to vector<16xi32>
        %lt3A_213 = arith.cmpi slt, %get3A_210, %lt3A_212 : vector<16xi32>
        %jit3A_214 = arith.constant 5120 : i32
        %broadcast_in_dim3A_215 = vector.broadcast %jit3A_214 : i32 to vector<16xi32>
        %select_n3A_216 = arith.select %lt3A_213, %get3A_210, %broadcast_in_dim3A_215 : vector<16xi1>, vector<16xi32>
        %swap3A_217 = arith.constant 80 : index
        %swap3A_218 = tpu.vector_load %arg17[%swap3A_217] {strides = array<i32>} : memref<128xi32, #tpu.memory_space<vmem>>, vector<16xi32>,
        %swap3A_219 = vector.shape_cast %swap3A_218 : vector<16xi32> to vector<16xi32>
        %swap3A_220 = vector.shape_cast %select_n3A_216 : vector<16xi32> to vector<16xi32>
        tpu.vector_store %arg17[%swap3A_217], %swap3A_220 {strides = array<i32>} : memref<128xi32, #tpu.memory_space<vmem>>, vector<16xi32>,
        %get3A_221 = arith.index_cast %add3A_133 : i32 to index
        %get3A_222 = arith.constant 96 : index
        %get3A_223 = tpu.vector_load %arg12[%get3A_221, %get3A_222] {strides = array<i32>} : memref<80x128xi32, #tpu.memory_space<vmem>>, vector<1x16xi32>,
        %get3A_224 = vector.shape_cast %get3A_223 : vector<1x16xi32> to vector<16xi32>
        %lt3A_225 = arith.constant 5120 : i32
        %lt3A_226 = vector.broadcast %lt3A_225 : i32 to vector<16xi32>
        %lt3A_227 = arith.cmpi slt, %get3A_224, %lt3A_226 : vector<16xi32>
        %jit3A_228 = arith.constant 5120 : i32
        %broadcast_in_dim3A_229 = vector.broadcast %jit3A_228 : i32 to vector<16xi32>
        %select_n3A_230 = arith.select %lt3A_227, %get3A_224, %broadcast_in_dim3A_229 : vector<16xi1>, vector<16xi32>
        %swap3A_231 = arith.constant 96 : index
        %swap3A_232 = tpu.vector_load %arg17[%swap3A_231] {strides = array<i32>} : memref<128xi32, #tpu.memory_space<vmem>>, vector<16xi32>,
        %swap3A_233 = vector.shape_cast %swap3A_232 : vector<16xi32> to vector<16xi32>
        %swap3A_234 = vector.shape_cast %select_n3A_230 : vector<16xi32> to vector<16xi32>
        tpu.vector_store %arg17[%swap3A_231], %swap3A_234 {strides = array<i32>} : memref<128xi32, #tpu.memory_space<vmem>>, vector<16xi32>,
        %get3A_235 = arith.index_cast %add3A_133 : i32 to index
        %get3A_236 = arith.constant 112 : index
        %get3A_237 = tpu.vector_load %arg12[%get3A_235, %get3A_236] {strides = array<i32>} : memref<80x128xi32, #tpu.memory_space<vmem>>, vector<1x16xi32>,
        %get3A_238 = vector.shape_cast %get3A_237 : vector<1x16xi32> to vector<16xi32>
        %lt3A_239 = arith.constant 5120 : i32
        %lt3A_240 = vector.broadcast %lt3A_239 : i32 to vector<16xi32>
        %lt3A_241 = arith.cmpi slt, %get3A_238, %lt3A_240 : vector<16xi32>
        %jit3A_242 = arith.constant 5120 : i32
        %broadcast_in_dim3A_243 = vector.broadcast %jit3A_242 : i32 to vector<16xi32>
        %select_n3A_244 = arith.select %lt3A_241, %get3A_238, %broadcast_in_dim3A_243 : vector<16xi1>, vector<16xi32>
        %swap3A_245 = arith.constant 112 : index
        %swap3A_246 = tpu.vector_load %arg17[%swap3A_245] {strides = array<i32>} : memref<128xi32, #tpu.memory_space<vmem>>, vector<16xi32>,
        %swap3A_247 = vector.shape_cast %swap3A_246 : vector<16xi32> to vector<16xi32>
        %swap3A_248 = vector.shape_cast %select_n3A_244 : vector<16xi32> to vector<16xi32>
        tpu.vector_store %arg17[%swap3A_245], %swap3A_248 {strides = array<i32>} : memref<128xi32, #tpu.memory_space<vmem>>, vector<16xi32>,
        %dma_start3A_249 = arith.constant 0 : i32
        %dma_start3A_250 = arith.constant 0 : i32
        %dma_start3A_251 = tpu.memref_slice %arg29[%dma_start3A_249, %dma_start3A_250] : memref<5248x128xf32, #tpu.memory_space<vmem_shared>> -> memref<5248x128xf32, #tpu.memory_space<vmem_shared>>
        tpu.enqueue_indirect_dma source(%arg13 : memref<128x128xf32, #tpu.memory_space<vmem>>) target(%dma_start3A_251 : memref<5248x128xf32, #tpu.memory_space<vmem_shared>>) offsets(%arg17 : memref<128xi32, #tpu.memory_space<vmem>>) semaphore(%arg25 : memref<!tpu.dma_semaphore, #tpu.memory_space<semaphore_mem>>) {add = true}
        %mul3A_252 = arith.constant 2 : i32
        %mul3A_253 = arith.muli %mul3A_252, %scan3A_129 : i32
        %add3A_254 = arith.constant 1 : i32
        %add3A_255 = arith.addi %mul3A_253, %add3A_254 : i32
        %mul3A_256 = arith.constant 80 : i32
        %mul3A_257 = arith.muli %arg1, %mul3A_256 : i32
        %add3A_258 = arith.addi %mul3A_257, %add3A_255 : i32
        %mul3A_259 = arith.constant 128 : i32
        %mul3A_260 = arith.muli %add3A_258, %mul3A_259 : i32
        %dma_wait3A_261 = arith.constant 0 : i32
        %dma_wait3A_262 = tpu.memref_slice %arg5[%mul3A_260, %dma_wait3A_261] : memref<163840x128xf32, #tpu.memory_space<hbm>> -> memref<128x128xf32, #tpu.memory_space<hbm>>
        %dma_wait3A_263 = arith.constant 0 : i32
        %dma_wait3A_264 = tpu.memref_slice %arg5[%mul3A_260, %dma_wait3A_263] : memref<163840x128xf32, #tpu.memory_space<hbm>> -> memref<128x128xf32, #tpu.memory_space<hbm>>
        tpu.wait_dma2 semaphore(%arg22 : memref<!tpu.dma_semaphore, #tpu.memory_space<semaphore_mem>>) src(%dma_wait3A_264 : memref<128x128xf32, #tpu.memory_space<hbm>>) dst(%arg14 : memref<128x128xf32, #tpu.memory_space<vmem>>)
        %get3A_265 = arith.index_cast %add3A_255 : i32 to index
        %get3A_266 = arith.constant 0 : index
        %get3A_267 = tpu.vector_load %arg12[%get3A_265, %get3A_266] {strides = array<i32>} : memref<80x128xi32, #tpu.memory_space<vmem>>, vector<1x16xi32>,
        %get3A_268 = vector.shape_cast %get3A_267 : vector<1x16xi32> to vector<16xi32>
        %lt3A_269 = arith.constant 5120 : i32
        %lt3A_270 = vector.broadcast %lt3A_269 : i32 to vector<16xi32>
        %lt3A_271 = arith.cmpi slt, %get3A_268, %lt3A_270 : vector<16xi32>
        %jit3A_272 = arith.constant 5120 : i32
        %broadcast_in_dim3A_273 = vector.broadcast %jit3A_272 : i32 to vector<16xi32>
        %select_n3A_274 = arith.select %lt3A_271, %get3A_268, %broadcast_in_dim3A_273 : vector<16xi1>, vector<16xi32>
        %swap3A_275 = arith.constant 0 : index
        %swap3A_276 = tpu.vector_load %arg18[%swap3A_275] {strides = array<i32>} : memref<128xi32, #tpu.memory_space<vmem>>, vector<16xi32>,
        %swap3A_277 = vector.shape_cast %swap3A_276 : vector<16xi32> to vector<16xi32>
        %swap3A_278 = vector.shape_cast %select_n3A_274 : vector<16xi32> to vector<16xi32>
        tpu.vector_store %arg18[%swap3A_275], %swap3A_278 {strides = array<i32>} : memref<128xi32, #tpu.memory_space<vmem>>, vector<16xi32>,
        %get3A_279 = arith.index_cast %add3A_255 : i32 to index
        %get3A_280 = arith.constant 16 : index
        %get3A_281 = tpu.vector_load %arg12[%get3A_279, %get3A_280] {strides = array<i32>} : memref<80x128xi32, #tpu.memory_space<vmem>>, vector<1x16xi32>,
        %get3A_282 = vector.shape_cast %get3A_281 : vector<1x16xi32> to vector<16xi32>
        %lt3A_283 = arith.constant 5120 : i32
        %lt3A_284 = vector.broadcast %lt3A_283 : i32 to vector<16xi32>
        %lt3A_285 = arith.cmpi slt, %get3A_282, %lt3A_284 : vector<16xi32>
        %jit3A_286 = arith.constant 5120 : i32
        %broadcast_in_dim3A_287 = vector.broadcast %jit3A_286 : i32 to vector<16xi32>
        %select_n3A_288 = arith.select %lt3A_285, %get3A_282, %broadcast_in_dim3A_287 : vector<16xi1>, vector<16xi32>
        %swap3A_289 = arith.constant 16 : index
        %swap3A_290 = tpu.vector_load %arg18[%swap3A_289] {strides = array<i32>} : memref<128xi32, #tpu.memory_space<vmem>>, vector<16xi32>,
        %swap3A_291 = vector.shape_cast %swap3A_290 : vector<16xi32> to vector<16xi32>
        %swap3A_292 = vector.shape_cast %select_n3A_288 : vector<16xi32> to vector<16xi32>
        tpu.vector_store %arg18[%swap3A_289], %swap3A_292 {strides = array<i32>} : memref<128xi32, #tpu.memory_space<vmem>>, vector<16xi32>,
        %get3A_293 = arith.index_cast %add3A_255 : i32 to index
        %get3A_294 = arith.constant 32 : index
        %get3A_295 = tpu.vector_load %arg12[%get3A_293, %get3A_294] {strides = array<i32>} : memref<80x128xi32, #tpu.memory_space<vmem>>, vector<1x16xi32>,
        %get3A_296 = vector.shape_cast %get3A_295 : vector<1x16xi32> to vector<16xi32>
        %lt3A_297 = arith.constant 5120 : i32
        %lt3A_298 = vector.broadcast %lt3A_297 : i32 to vector<16xi32>
        %lt3A_299 = arith.cmpi slt, %get3A_296, %lt3A_298 : vector<16xi32>
        %jit3A_300 = arith.constant 5120 : i32
        %broadcast_in_dim3A_301 = vector.broadcast %jit3A_300 : i32 to vector<16xi32>
        %select_n3A_302 = arith.select %lt3A_299, %get3A_296, %broadcast_in_dim3A_301 : vector<16xi1>, vector<16xi32>
        %swap3A_303 = arith.constant 32 : index
        %swap3A_304 = tpu.vector_load %arg18[%swap3A_303] {strides = array<i32>} : memref<128xi32, #tpu.memory_space<vmem>>, vector<16xi32>,
        %swap3A_305 = vector.shape_cast %swap3A_304 : vector<16xi32> to vector<16xi32>
        %swap3A_306 = vector.shape_cast %select_n3A_302 : vector<16xi32> to vector<16xi32>
        tpu.vector_store %arg18[%swap3A_303], %swap3A_306 {strides = array<i32>} : memref<128xi32, #tpu.memory_space<vmem>>, vector<16xi32>,
        %get3A_307 = arith.index_cast %add3A_255 : i32 to index
        %get3A_308 = arith.constant 48 : index
        %get3A_309 = tpu.vector_load %arg12[%get3A_307, %get3A_308] {strides = array<i32>} : memref<80x128xi32, #tpu.memory_space<vmem>>, vector<1x16xi32>,
        %get3A_310 = vector.shape_cast %get3A_309 : vector<1x16xi32> to vector<16xi32>
        %lt3A_311 = arith.constant 5120 : i32
        %lt3A_312 = vector.broadcast %lt3A_311 : i32 to vector<16xi32>
        %lt3A_313 = arith.cmpi slt, %get3A_310, %lt3A_312 : vector<16xi32>
        %jit3A_314 = arith.constant 5120 : i32
        %broadcast_in_dim3A_315 = vector.broadcast %jit3A_314 : i32 to vector<16xi32>
        %select_n3A_316 = arith.select %lt3A_313, %get3A_310, %broadcast_in_dim3A_315 : vector<16xi1>, vector<16xi32>
        %swap3A_317 = arith.constant 48 : index
        %swap3A_318 = tpu.vector_load %arg18[%swap3A_317] {strides = array<i32>} : memref<128xi32, #tpu.memory_space<vmem>>, vector<16xi32>,
        %swap3A_319 = vector.shape_cast %swap3A_318 : vector<16xi32> to vector<16xi32>
        %swap3A_320 = vector.shape_cast %select_n3A_316 : vector<16xi32> to vector<16xi32>
        tpu.vector_store %arg18[%swap3A_317], %swap3A_320 {strides = array<i32>} : memref<128xi32, #tpu.memory_space<vmem>>, vector<16xi32>,
        %get3A_321 = arith.index_cast %add3A_255 : i32 to index
        %get3A_322 = arith.constant 64 : index
        %get3A_323 = tpu.vector_load %arg12[%get3A_321, %get3A_322] {strides = array<i32>} : memref<80x128xi32, #tpu.memory_space<vmem>>, vector<1x16xi32>,
        %get3A_324 = vector.shape_cast %get3A_323 : vector<1x16xi32> to vector<16xi32>
        %lt3A_325 = arith.constant 5120 : i32
        %lt3A_326 = vector.broadcast %lt3A_325 : i32 to vector<16xi32>
        %lt3A_327 = arith.cmpi slt, %get3A_324, %lt3A_326 : vector<16xi32>
        %jit3A_328 = arith.constant 5120 : i32
        %broadcast_in_dim3A_329 = vector.broadcast %jit3A_328 : i32 to vector<16xi32>
        %select_n3A_330 = arith.select %lt3A_327, %get3A_324, %broadcast_in_dim3A_329 : vector<16xi1>, vector<16xi32>
        %swap3A_331 = arith.constant 64 : index
        %swap3A_332 = tpu.vector_load %arg18[%swap3A_331] {strides = array<i32>} : memref<128xi32, #tpu.memory_space<vmem>>, vector<16xi32>,
        %swap3A_333 = vector.shape_cast %swap3A_332 : vector<16xi32> to vector<16xi32>
        %swap3A_334 = vector.shape_cast %select_n3A_330 : vector<16xi32> to vector<16xi32>
        tpu.vector_store %arg18[%swap3A_331], %swap3A_334 {strides = array<i32>} : memref<128xi32, #tpu.memory_space<vmem>>, vector<16xi32>,
        %get3A_335 = arith.index_cast %add3A_255 : i32 to index
        %get3A_336 = arith.constant 80 : index
        %get3A_337 = tpu.vector_load %arg12[%get3A_335, %get3A_336] {strides = array<i32>} : memref<80x128xi32, #tpu.memory_space<vmem>>, vector<1x16xi32>,
        %get3A_338 = vector.shape_cast %get3A_337 : vector<1x16xi32> to vector<16xi32>
        %lt3A_339 = arith.constant 5120 : i32
        %lt3A_340 = vector.broadcast %lt3A_339 : i32 to vector<16xi32>
        %lt3A_341 = arith.cmpi slt, %get3A_338, %lt3A_340 : vector<16xi32>
        %jit3A_342 = arith.constant 5120 : i32
        %broadcast_in_dim3A_343 = vector.broadcast %jit3A_342 : i32 to vector<16xi32>
        %select_n3A_344 = arith.select %lt3A_341, %get3A_338, %broadcast_in_dim3A_343 : vector<16xi1>, vector<16xi32>
        %swap3A_345 = arith.constant 80 : index
        %swap3A_346 = tpu.vector_load %arg18[%swap3A_345] {strides = array<i32>} : memref<128xi32, #tpu.memory_space<vmem>>, vector<16xi32>,
        %swap3A_347 = vector.shape_cast %swap3A_346 : vector<16xi32> to vector<16xi32>
        %swap3A_348 = vector.shape_cast %select_n3A_344 : vector<16xi32> to vector<16xi32>
        tpu.vector_store %arg18[%swap3A_345], %swap3A_348 {strides = array<i32>} : memref<128xi32, #tpu.memory_space<vmem>>, vector<16xi32>,
        %get3A_349 = arith.index_cast %add3A_255 : i32 to index
        %get3A_350 = arith.constant 96 : index
        %get3A_351 = tpu.vector_load %arg12[%get3A_349, %get3A_350] {strides = array<i32>} : memref<80x128xi32, #tpu.memory_space<vmem>>, vector<1x16xi32>,
        %get3A_352 = vector.shape_cast %get3A_351 : vector<1x16xi32> to vector<16xi32>
        %lt3A_353 = arith.constant 5120 : i32
        %lt3A_354 = vector.broadcast %lt3A_353 : i32 to vector<16xi32>
        %lt3A_355 = arith.cmpi slt, %get3A_352, %lt3A_354 : vector<16xi32>
        %jit3A_356 = arith.constant 5120 : i32
        %broadcast_in_dim3A_357 = vector.broadcast %jit3A_356 : i32 to vector<16xi32>
        %select_n3A_358 = arith.select %lt3A_355, %get3A_352, %broadcast_in_dim3A_357 : vector<16xi1>, vector<16xi32>
        %swap3A_359 = arith.constant 96 : index
        %swap3A_360 = tpu.vector_load %arg18[%swap3A_359] {strides = array<i32>} : memref<128xi32, #tpu.memory_space<vmem>>, vector<16xi32>,
        %swap3A_361 = vector.shape_cast %swap3A_360 : vector<16xi32> to vector<16xi32>
        %swap3A_362 = vector.shape_cast %select_n3A_358 : vector<16xi32> to vector<16xi32>
        tpu.vector_store %arg18[%swap3A_359], %swap3A_362 {strides = array<i32>} : memref<128xi32, #tpu.memory_space<vmem>>, vector<16xi32>,
        %get3A_363 = arith.index_cast %add3A_255 : i32 to index
        %get3A_364 = arith.constant 112 : index
        %get3A_365 = tpu.vector_load %arg12[%get3A_363, %get3A_364] {strides = array<i32>} : memref<80x128xi32, #tpu.memory_space<vmem>>, vector<1x16xi32>,
        %get3A_366 = vector.shape_cast %get3A_365 : vector<1x16xi32> to vector<16xi32>
        %lt3A_367 = arith.constant 5120 : i32
        %lt3A_368 = vector.broadcast %lt3A_367 : i32 to vector<16xi32>
        %lt3A_369 = arith.cmpi slt, %get3A_366, %lt3A_368 : vector<16xi32>
        %jit3A_370 = arith.constant 5120 : i32
        %broadcast_in_dim3A_371 = vector.broadcast %jit3A_370 : i32 to vector<16xi32>
        %select_n3A_372 = arith.select %lt3A_369, %get3A_366, %broadcast_in_dim3A_371 : vector<16xi1>, vector<16xi32>
        %swap3A_373 = arith.constant 112 : index
        %swap3A_374 = tpu.vector_load %arg18[%swap3A_373] {strides = array<i32>} : memref<128xi32, #tpu.memory_space<vmem>>, vector<16xi32>,
        %swap3A_375 = vector.shape_cast %swap3A_374 : vector<16xi32> to vector<16xi32>
        %swap3A_376 = vector.shape_cast %select_n3A_372 : vector<16xi32> to vector<16xi32>
        tpu.vector_store %arg18[%swap3A_373], %swap3A_376 {strides = array<i32>} : memref<128xi32, #tpu.memory_space<vmem>>, vector<16xi32>,
        %dma_start3A_377 = arith.constant 0 : i32
        %dma_start3A_378 = arith.constant 0 : i32
        %dma_start3A_379 = tpu.memref_slice %arg29[%dma_start3A_377, %dma_start3A_378] : memref<5248x128xf32, #tpu.memory_space<vmem_shared>> -> memref<5248x128xf32, #tpu.memory_space<vmem_shared>>
        tpu.enqueue_indirect_dma source(%arg14 : memref<128x128xf32, #tpu.memory_space<vmem>>) target(%dma_start3A_379 : memref<5248x128xf32, #tpu.memory_space<vmem_shared>>) offsets(%arg18 : memref<128xi32, #tpu.memory_space<vmem>>) semaphore(%arg26 : memref<!tpu.dma_semaphore, #tpu.memory_space<semaphore_mem>>) {add = true}
        %mul3A_380 = arith.constant 2 : i32
        %mul3A_381 = arith.muli %mul3A_380, %scan3A_129 : i32
        %add3A_382 = arith.constant 0 : i32
        %add3A_383 = arith.addi %mul3A_381, %add3A_382 : i32
        %dma_wait3A_384 = arith.constant 0 : i32
        %dma_wait3A_385 = arith.constant 0 : i32
        %dma_wait3A_386 = tpu.memref_slice %arg29[%dma_wait3A_384, %dma_wait3A_385] : memref<5248x128xf32, #tpu.memory_space<vmem_shared>> -> memref<5248x128xf32, #tpu.memory_space<vmem_shared>>
        tpu.wait_indirect_dma semaphore(%arg25 : memref<!tpu.dma_semaphore, #tpu.memory_space<semaphore_mem>>) src(%arg13 : memref<128x128xf32, #tpu.memory_space<vmem>>) dst(%dma_wait3A_386 : memref<5248x128xf32, #tpu.memory_space<vmem_shared>>)
        %add3A_387 = arith.constant 2 : i32
        %add3A_388 = arith.addi %add3A_383, %add3A_387 : i32
        %lt3A_389 = arith.constant 80 : i32
        %lt3A_390 = arith.cmpi slt, %add3A_388, %lt3A_389 : i32
        %convert_element_type3A_391 = arith.extui %lt3A_390 : i1 to i32
        %cond3A_392 = arith.constant 0 : i32
        %cond3A_393 = arith.cmpi ne, %convert_element_type3A_391, %cond3A_392 : i32
        scf.if %cond3A_393 {
          %add3A_408 = arith.constant 2 : i32
          %add3A_409 = arith.addi %add3A_383, %add3A_408 : i32
          %mul3A_410 = arith.constant 80 : i32
          %mul3A_411 = arith.muli %arg1, %mul3A_410 : i32
          %add3A_412 = arith.addi %mul3A_411, %add3A_409 : i32
          %mul3A_413 = arith.constant 128 : i32
          %mul3A_414 = arith.muli %add3A_412, %mul3A_413 : i32
          %dma_start3A_415 = arith.constant 0 : i32
          %dma_start3A_416 = tpu.memref_slice %arg5[%mul3A_414, %dma_start3A_415] : memref<163840x128xf32, #tpu.memory_space<hbm>> -> memref<128x128xf32, #tpu.memory_space<hbm>>
          %dma_start3A_417 = arith.constant 0 : i32
          %dma_start3A_418 = tpu.memref_slice %arg5[%mul3A_414, %dma_start3A_417] : memref<163840x128xf32, #tpu.memory_space<hbm>> -> memref<128x128xf32, #tpu.memory_space<hbm>>
          tpu.enqueue_dma source(%dma_start3A_418 : memref<128x128xf32, #tpu.memory_space<hbm>>) target(%arg13 : memref<128x128xf32, #tpu.memory_space<vmem>>) target_semaphore(%arg21 : memref<!tpu.dma_semaphore, #tpu.memory_space<semaphore_mem>>)
        } else {
        }
        %mul3A_394 = arith.constant 2 : i32
        %mul3A_395 = arith.muli %mul3A_394, %scan3A_129 : i32
        %add3A_396 = arith.constant 1 : i32
        %add3A_397 = arith.addi %mul3A_395, %add3A_396 : i32
        %dma_wait3A_398 = arith.constant 0 : i32
        %dma_wait3A_399 = arith.constant 0 : i32
        %dma_wait3A_400 = tpu.memref_slice %arg29[%dma_wait3A_398, %dma_wait3A_399] : memref<5248x128xf32, #tpu.memory_space<vmem_shared>> -> memref<5248x128xf32, #tpu.memory_space<vmem_shared>>
        tpu.wait_indirect_dma semaphore(%arg26 : memref<!tpu.dma_semaphore, #tpu.memory_space<semaphore_mem>>) src(%arg14 : memref<128x128xf32, #tpu.memory_space<vmem>>) dst(%dma_wait3A_400 : memref<5248x128xf32, #tpu.memory_space<vmem_shared>>)
        %add3A_401 = arith.constant 2 : i32
        %add3A_402 = arith.addi %add3A_397, %add3A_401 : i32
        %lt3A_403 = arith.constant 80 : i32
        %lt3A_404 = arith.cmpi slt, %add3A_402, %lt3A_403 : i32
        %convert_element_type3A_405 = arith.extui %lt3A_404 : i1 to i32
        %cond3A_406 = arith.constant 0 : i32
        %cond3A_407 = arith.cmpi ne, %convert_element_type3A_405, %cond3A_406 : i32
        scf.if %cond3A_407 {
          %add3A_408 = arith.constant 2 : i32
          %add3A_409 = arith.addi %add3A_397, %add3A_408 : i32
          %mul3A_410 = arith.constant 80 : i32
          %mul3A_411 = arith.muli %arg1, %mul3A_410 : i32
          %add3A_412 = arith.addi %mul3A_411, %add3A_409 : i32
          %mul3A_413 = arith.constant 128 : i32
          %mul3A_414 = arith.muli %add3A_412, %mul3A_413 : i32
          %dma_start3A_415 = arith.constant 0 : i32
          %dma_start3A_416 = tpu.memref_slice %arg5[%mul3A_414, %dma_start3A_415] : memref<163840x128xf32, #tpu.memory_space<hbm>> -> memref<128x128xf32, #tpu.memory_space<hbm>>
          %dma_start3A_417 = arith.constant 0 : i32
          %dma_start3A_418 = tpu.memref_slice %arg5[%mul3A_414, %dma_start3A_417] : memref<163840x128xf32, #tpu.memory_space<hbm>> -> memref<128x128xf32, #tpu.memory_space<hbm>>
          tpu.enqueue_dma source(%dma_start3A_418 : memref<128x128xf32, #tpu.memory_space<hbm>>) target(%arg14 : memref<128x128xf32, #tpu.memory_space<vmem>>) target_semaphore(%arg22 : memref<!tpu.dma_semaphore, #tpu.memory_space<semaphore_mem>>)
        } else {
        }
      }
      %scan3A_43 = arith.constant 40 : i32
      %mul3A_44 = arith.constant 80 : i32
      %mul3A_45 = arith.muli %arg1, %mul3A_44 : i32
      %add3A_46 = arith.constant 0 : i32
      %add3A_47 = arith.addi %mul3A_45, %add3A_46 : i32
      %mul3A_48 = arith.constant 128 : i32
      %mul3A_49 = arith.muli %add3A_47, %mul3A_48 : i32
      %dma_start3A_50 = arith.constant 0 : i32
      %dma_start3A_51 = tpu.memref_slice %arg6[%mul3A_49, %dma_start3A_50] : memref<163840x128xf32, #tpu.memory_space<hbm>> -> memref<128x128xf32, #tpu.memory_space<hbm>>
      %dma_start3A_52 = arith.constant 0 : i32
      %dma_start3A_53 = tpu.memref_slice %arg6[%mul3A_49, %dma_start3A_52] : memref<163840x128xf32, #tpu.memory_space<hbm>> -> memref<128x128xf32, #tpu.memory_space<hbm>>
      tpu.enqueue_dma source(%dma_start3A_53 : memref<128x128xf32, #tpu.memory_space<hbm>>) target(%arg15 : memref<128x128xf32, #tpu.memory_space<vmem>>) target_semaphore(%arg23 : memref<!tpu.dma_semaphore, #tpu.memory_space<semaphore_mem>>)
      %mul3A_54 = arith.constant 80 : i32
      %mul3A_55 = arith.muli %arg1, %mul3A_54 : i32
      %add3A_56 = arith.constant 1 : i32
      %add3A_57 = arith.addi %mul3A_55, %add3A_56 : i32
      %mul3A_58 = arith.constant 128 : i32
      %mul3A_59 = arith.muli %add3A_57, %mul3A_58 : i32
      %dma_start3A_60 = arith.constant 0 : i32
      %dma_start3A_61 = tpu.memref_slice %arg6[%mul3A_59, %dma_start3A_60] : memref<163840x128xf32, #tpu.memory_space<hbm>> -> memref<128x128xf32, #tpu.memory_space<hbm>>
      %dma_start3A_62 = arith.constant 0 : i32
      %dma_start3A_63 = tpu.memref_slice %arg6[%mul3A_59, %dma_start3A_62] : memref<163840x128xf32, #tpu.memory_space<hbm>> -> memref<128x128xf32, #tpu.memory_space<hbm>>
      tpu.enqueue_dma source(%dma_start3A_63 : memref<128x128xf32, #tpu.memory_space<hbm>>) target(%arg16 : memref<128x128xf32, #tpu.memory_space<vmem>>) target_semaphore(%arg24 : memref<!tpu.dma_semaphore, #tpu.memory_space<semaphore_mem>>)
      %scan3A_64 = arith.constant 0 : i32
      %scan3A_65 = arith.constant 0 : i32
      %scan3A_66 = arith.constant 40 : i32
      %scan3A_67 = arith.addi %scan3A_65, %scan3A_66 : i32
      %scan3A_68 = arith.constant 1 : i32
      scf.for %scan3A_129 = %scan3A_65 to %scan3A_67 step %scan3A_68  : i32 {
        %mul3A_130 = arith.constant 2 : i32
        %mul3A_131 = arith.muli %mul3A_130, %scan3A_129 : i32
        %add3A_132 = arith.constant 0 : i32
        %add3A_133 = arith.addi %mul3A_131, %add3A_132 : i32
        %mul3A_134 = arith.constant 80 : i32
        %mul3A_135 = arith.muli %arg1, %mul3A_134 : i32
        %add3A_136 = arith.addi %mul3A_135, %add3A_133 : i32
        %mul3A_137 = arith.constant 128 : i32
        %mul3A_138 = arith.muli %add3A_136, %mul3A_137 : i32
        %dma_wait3A = arith.constant 0 : i32
        %dma_wait3A_139 = tpu.memref_slice %arg6[%mul3A_138, %dma_wait3A] : memref<163840x128xf32, #tpu.memory_space<hbm>> -> memref<128x128xf32, #tpu.memory_space<hbm>>
        %dma_wait3A_140 = arith.constant 0 : i32
        %dma_wait3A_141 = tpu.memref_slice %arg6[%mul3A_138, %dma_wait3A_140] : memref<163840x128xf32, #tpu.memory_space<hbm>> -> memref<128x128xf32, #tpu.memory_space<hbm>>
        tpu.wait_dma2 semaphore(%arg23 : memref<!tpu.dma_semaphore, #tpu.memory_space<semaphore_mem>>) src(%dma_wait3A_141 : memref<128x128xf32, #tpu.memory_space<hbm>>) dst(%arg15 : memref<128x128xf32, #tpu.memory_space<vmem>>)
        %get3A = arith.index_cast %add3A_133 : i32 to index
        %get3A_142 = arith.constant 0 : index
        %get3A_143 = tpu.vector_load %arg12[%get3A, %get3A_142] {strides = array<i32>} : memref<80x128xi32, #tpu.memory_space<vmem>>, vector<1x16xi32>,
        %get3A_144 = vector.shape_cast %get3A_143 : vector<1x16xi32> to vector<16xi32>
        %shift_right_logical3A = arith.constant 7 : i32
        %shift_right_logical3A_145 = vector.broadcast %shift_right_logical3A : i32 to vector<16xi32>
        %shift_right_logical3A_146 = arith.shrui %get3A_144, %shift_right_logical3A_145 : vector<16xi32>
        %add3A_147 = arith.constant 5128 : i32
        %add3A_148 = vector.broadcast %add3A_147 : i32 to vector<16xi32>
        %add3A_149 = arith.addi %add3A_148, %shift_right_logical3A_146 : vector<16xi32>
        %swap3A = arith.constant 0 : index
        %swap3A_150 = tpu.vector_load %arg19[%swap3A] {strides = array<i32>} : memref<128xi32, #tpu.memory_space<vmem>>, vector<16xi32>,
        %swap3A_151 = vector.shape_cast %swap3A_150 : vector<16xi32> to vector<16xi32>
        %swap3A_152 = vector.shape_cast %add3A_149 : vector<16xi32> to vector<16xi32>
        tpu.vector_store %arg19[%swap3A], %swap3A_152 {strides = array<i32>} : memref<128xi32, #tpu.memory_space<vmem>>, vector<16xi32>,
        %get3A_153 = arith.index_cast %add3A_133 : i32 to index
        %get3A_154 = arith.constant 16 : index
        %get3A_155 = tpu.vector_load %arg12[%get3A_153, %get3A_154] {strides = array<i32>} : memref<80x128xi32, #tpu.memory_space<vmem>>, vector<1x16xi32>,
        %get3A_156 = vector.shape_cast %get3A_155 : vector<1x16xi32> to vector<16xi32>
        %shift_right_logical3A_157 = arith.constant 7 : i32
        %shift_right_logical3A_158 = vector.broadcast %shift_right_logical3A_157 : i32 to vector<16xi32>
        %shift_right_logical3A_159 = arith.shrui %get3A_156, %shift_right_logical3A_158 : vector<16xi32>
        %add3A_160 = arith.constant 5128 : i32
        %add3A_161 = vector.broadcast %add3A_160 : i32 to vector<16xi32>
        %add3A_162 = arith.addi %add3A_161, %shift_right_logical3A_159 : vector<16xi32>
        %swap3A_163 = arith.constant 16 : index
        %swap3A_164 = tpu.vector_load %arg19[%swap3A_163] {strides = array<i32>} : memref<128xi32, #tpu.memory_space<vmem>>, vector<16xi32>,
        %swap3A_165 = vector.shape_cast %swap3A_164 : vector<16xi32> to vector<16xi32>
        %swap3A_166 = vector.shape_cast %add3A_162 : vector<16xi32> to vector<16xi32>
        tpu.vector_store %arg19[%swap3A_163], %swap3A_166 {strides = array<i32>} : memref<128xi32, #tpu.memory_space<vmem>>, vector<16xi32>,
        %get3A_167 = arith.index_cast %add3A_133 : i32 to index
        %get3A_168 = arith.constant 32 : index
        %get3A_169 = tpu.vector_load %arg12[%get3A_167, %get3A_168] {strides = array<i32>} : memref<80x128xi32, #tpu.memory_space<vmem>>, vector<1x16xi32>,
        %get3A_170 = vector.shape_cast %get3A_169 : vector<1x16xi32> to vector<16xi32>
        %shift_right_logical3A_171 = arith.constant 7 : i32
        %shift_right_logical3A_172 = vector.broadcast %shift_right_logical3A_171 : i32 to vector<16xi32>
        %shift_right_logical3A_173 = arith.shrui %get3A_170, %shift_right_logical3A_172 : vector<16xi32>
        %add3A_174 = arith.constant 5128 : i32
        %add3A_175 = vector.broadcast %add3A_174 : i32 to vector<16xi32>
        %add3A_176 = arith.addi %add3A_175, %shift_right_logical3A_173 : vector<16xi32>
        %swap3A_177 = arith.constant 32 : index
        %swap3A_178 = tpu.vector_load %arg19[%swap3A_177] {strides = array<i32>} : memref<128xi32, #tpu.memory_space<vmem>>, vector<16xi32>,
        %swap3A_179 = vector.shape_cast %swap3A_178 : vector<16xi32> to vector<16xi32>
        %swap3A_180 = vector.shape_cast %add3A_176 : vector<16xi32> to vector<16xi32>
        tpu.vector_store %arg19[%swap3A_177], %swap3A_180 {strides = array<i32>} : memref<128xi32, #tpu.memory_space<vmem>>, vector<16xi32>,
        %get3A_181 = arith.index_cast %add3A_133 : i32 to index
        %get3A_182 = arith.constant 48 : index
        %get3A_183 = tpu.vector_load %arg12[%get3A_181, %get3A_182] {strides = array<i32>} : memref<80x128xi32, #tpu.memory_space<vmem>>, vector<1x16xi32>,
        %get3A_184 = vector.shape_cast %get3A_183 : vector<1x16xi32> to vector<16xi32>
        %shift_right_logical3A_185 = arith.constant 7 : i32
        %shift_right_logical3A_186 = vector.broadcast %shift_right_logical3A_185 : i32 to vector<16xi32>
        %shift_right_logical3A_187 = arith.shrui %get3A_184, %shift_right_logical3A_186 : vector<16xi32>
        %add3A_188 = arith.constant 5128 : i32
        %add3A_189 = vector.broadcast %add3A_188 : i32 to vector<16xi32>
        %add3A_190 = arith.addi %add3A_189, %shift_right_logical3A_187 : vector<16xi32>
        %swap3A_191 = arith.constant 48 : index
        %swap3A_192 = tpu.vector_load %arg19[%swap3A_191] {strides = array<i32>} : memref<128xi32, #tpu.memory_space<vmem>>, vector<16xi32>,
        %swap3A_193 = vector.shape_cast %swap3A_192 : vector<16xi32> to vector<16xi32>
        %swap3A_194 = vector.shape_cast %add3A_190 : vector<16xi32> to vector<16xi32>
        tpu.vector_store %arg19[%swap3A_191], %swap3A_194 {strides = array<i32>} : memref<128xi32, #tpu.memory_space<vmem>>, vector<16xi32>,
        %get3A_195 = arith.index_cast %add3A_133 : i32 to index
        %get3A_196 = arith.constant 64 : index
        %get3A_197 = tpu.vector_load %arg12[%get3A_195, %get3A_196] {strides = array<i32>} : memref<80x128xi32, #tpu.memory_space<vmem>>, vector<1x16xi32>,
        %get3A_198 = vector.shape_cast %get3A_197 : vector<1x16xi32> to vector<16xi32>
        %shift_right_logical3A_199 = arith.constant 7 : i32
        %shift_right_logical3A_200 = vector.broadcast %shift_right_logical3A_199 : i32 to vector<16xi32>
        %shift_right_logical3A_201 = arith.shrui %get3A_198, %shift_right_logical3A_200 : vector<16xi32>
        %add3A_202 = arith.constant 5128 : i32
        %add3A_203 = vector.broadcast %add3A_202 : i32 to vector<16xi32>
        %add3A_204 = arith.addi %add3A_203, %shift_right_logical3A_201 : vector<16xi32>
        %swap3A_205 = arith.constant 64 : index
        %swap3A_206 = tpu.vector_load %arg19[%swap3A_205] {strides = array<i32>} : memref<128xi32, #tpu.memory_space<vmem>>, vector<16xi32>,
        %swap3A_207 = vector.shape_cast %swap3A_206 : vector<16xi32> to vector<16xi32>
        %swap3A_208 = vector.shape_cast %add3A_204 : vector<16xi32> to vector<16xi32>
        tpu.vector_store %arg19[%swap3A_205], %swap3A_208 {strides = array<i32>} : memref<128xi32, #tpu.memory_space<vmem>>, vector<16xi32>,
        %get3A_209 = arith.index_cast %add3A_133 : i32 to index
        %get3A_210 = arith.constant 80 : index
        %get3A_211 = tpu.vector_load %arg12[%get3A_209, %get3A_210] {strides = array<i32>} : memref<80x128xi32, #tpu.memory_space<vmem>>, vector<1x16xi32>,
        %get3A_212 = vector.shape_cast %get3A_211 : vector<1x16xi32> to vector<16xi32>
        %shift_right_logical3A_213 = arith.constant 7 : i32
        %shift_right_logical3A_214 = vector.broadcast %shift_right_logical3A_213 : i32 to vector<16xi32>
        %shift_right_logical3A_215 = arith.shrui %get3A_212, %shift_right_logical3A_214 : vector<16xi32>
        %add3A_216 = arith.constant 5128 : i32
        %add3A_217 = vector.broadcast %add3A_216 : i32 to vector<16xi32>
        %add3A_218 = arith.addi %add3A_217, %shift_right_logical3A_215 : vector<16xi32>
        %swap3A_219 = arith.constant 80 : index
        %swap3A_220 = tpu.vector_load %arg19[%swap3A_219] {strides = array<i32>} : memref<128xi32, #tpu.memory_space<vmem>>, vector<16xi32>,
        %swap3A_221 = vector.shape_cast %swap3A_220 : vector<16xi32> to vector<16xi32>
        %swap3A_222 = vector.shape_cast %add3A_218 : vector<16xi32> to vector<16xi32>
        tpu.vector_store %arg19[%swap3A_219], %swap3A_222 {strides = array<i32>} : memref<128xi32, #tpu.memory_space<vmem>>, vector<16xi32>,
        %get3A_223 = arith.index_cast %add3A_133 : i32 to index
        %get3A_224 = arith.constant 96 : index
        %get3A_225 = tpu.vector_load %arg12[%get3A_223, %get3A_224] {strides = array<i32>} : memref<80x128xi32, #tpu.memory_space<vmem>>, vector<1x16xi32>,
        %get3A_226 = vector.shape_cast %get3A_225 : vector<1x16xi32> to vector<16xi32>
        %shift_right_logical3A_227 = arith.constant 7 : i32
        %shift_right_logical3A_228 = vector.broadcast %shift_right_logical3A_227 : i32 to vector<16xi32>
        %shift_right_logical3A_229 = arith.shrui %get3A_226, %shift_right_logical3A_228 : vector<16xi32>
        %add3A_230 = arith.constant 5128 : i32
        %add3A_231 = vector.broadcast %add3A_230 : i32 to vector<16xi32>
        %add3A_232 = arith.addi %add3A_231, %shift_right_logical3A_229 : vector<16xi32>
        %swap3A_233 = arith.constant 96 : index
        %swap3A_234 = tpu.vector_load %arg19[%swap3A_233] {strides = array<i32>} : memref<128xi32, #tpu.memory_space<vmem>>, vector<16xi32>,
        %swap3A_235 = vector.shape_cast %swap3A_234 : vector<16xi32> to vector<16xi32>
        %swap3A_236 = vector.shape_cast %add3A_232 : vector<16xi32> to vector<16xi32>
        tpu.vector_store %arg19[%swap3A_233], %swap3A_236 {strides = array<i32>} : memref<128xi32, #tpu.memory_space<vmem>>, vector<16xi32>,
        %get3A_237 = arith.index_cast %add3A_133 : i32 to index
        %get3A_238 = arith.constant 112 : index
        %get3A_239 = tpu.vector_load %arg12[%get3A_237, %get3A_238] {strides = array<i32>} : memref<80x128xi32, #tpu.memory_space<vmem>>, vector<1x16xi32>,
        %get3A_240 = vector.shape_cast %get3A_239 : vector<1x16xi32> to vector<16xi32>
        %shift_right_logical3A_241 = arith.constant 7 : i32
        %shift_right_logical3A_242 = vector.broadcast %shift_right_logical3A_241 : i32 to vector<16xi32>
        %shift_right_logical3A_243 = arith.shrui %get3A_240, %shift_right_logical3A_242 : vector<16xi32>
        %add3A_244 = arith.constant 5128 : i32
        %add3A_245 = vector.broadcast %add3A_244 : i32 to vector<16xi32>
        %add3A_246 = arith.addi %add3A_245, %shift_right_logical3A_243 : vector<16xi32>
        %swap3A_247 = arith.constant 112 : index
        %swap3A_248 = tpu.vector_load %arg19[%swap3A_247] {strides = array<i32>} : memref<128xi32, #tpu.memory_space<vmem>>, vector<16xi32>,
        %swap3A_249 = vector.shape_cast %swap3A_248 : vector<16xi32> to vector<16xi32>
        %swap3A_250 = vector.shape_cast %add3A_246 : vector<16xi32> to vector<16xi32>
        tpu.vector_store %arg19[%swap3A_247], %swap3A_250 {strides = array<i32>} : memref<128xi32, #tpu.memory_space<vmem>>, vector<16xi32>,
        %dma_start3A_251 = arith.constant 0 : i32
        %dma_start3A_252 = arith.constant 0 : i32
        %dma_start3A_253 = tpu.memref_slice %arg29[%dma_start3A_251, %dma_start3A_252] : memref<5248x128xf32, #tpu.memory_space<vmem_shared>> -> memref<5248x128xf32, #tpu.memory_space<vmem_shared>>
        tpu.enqueue_indirect_dma source(%arg15 : memref<128x128xf32, #tpu.memory_space<vmem>>) target(%dma_start3A_253 : memref<5248x128xf32, #tpu.memory_space<vmem_shared>>) offsets(%arg19 : memref<128xi32, #tpu.memory_space<vmem>>) semaphore(%arg27 : memref<!tpu.dma_semaphore, #tpu.memory_space<semaphore_mem>>) {add = true}
        %mul3A_254 = arith.constant 2 : i32
        %mul3A_255 = arith.muli %mul3A_254, %scan3A_129 : i32
        %add3A_256 = arith.constant 1 : i32
        %add3A_257 = arith.addi %mul3A_255, %add3A_256 : i32
        %mul3A_258 = arith.constant 80 : i32
        %mul3A_259 = arith.muli %arg1, %mul3A_258 : i32
        %add3A_260 = arith.addi %mul3A_259, %add3A_257 : i32
        %mul3A_261 = arith.constant 128 : i32
        %mul3A_262 = arith.muli %add3A_260, %mul3A_261 : i32
        %dma_wait3A_263 = arith.constant 0 : i32
        %dma_wait3A_264 = tpu.memref_slice %arg6[%mul3A_262, %dma_wait3A_263] : memref<163840x128xf32, #tpu.memory_space<hbm>> -> memref<128x128xf32, #tpu.memory_space<hbm>>
        %dma_wait3A_265 = arith.constant 0 : i32
        %dma_wait3A_266 = tpu.memref_slice %arg6[%mul3A_262, %dma_wait3A_265] : memref<163840x128xf32, #tpu.memory_space<hbm>> -> memref<128x128xf32, #tpu.memory_space<hbm>>
        tpu.wait_dma2 semaphore(%arg24 : memref<!tpu.dma_semaphore, #tpu.memory_space<semaphore_mem>>) src(%dma_wait3A_266 : memref<128x128xf32, #tpu.memory_space<hbm>>) dst(%arg16 : memref<128x128xf32, #tpu.memory_space<vmem>>)
        %get3A_267 = arith.index_cast %add3A_257 : i32 to index
        %get3A_268 = arith.constant 0 : index
        %get3A_269 = tpu.vector_load %arg12[%get3A_267, %get3A_268] {strides = array<i32>} : memref<80x128xi32, #tpu.memory_space<vmem>>, vector<1x16xi32>,
        %get3A_270 = vector.shape_cast %get3A_269 : vector<1x16xi32> to vector<16xi32>
        %shift_right_logical3A_271 = arith.constant 7 : i32
        %shift_right_logical3A_272 = vector.broadcast %shift_right_logical3A_271 : i32 to vector<16xi32>
        %shift_right_logical3A_273 = arith.shrui %get3A_270, %shift_right_logical3A_272 : vector<16xi32>
        %add3A_274 = arith.constant 5128 : i32
        %add3A_275 = vector.broadcast %add3A_274 : i32 to vector<16xi32>
        %add3A_276 = arith.addi %add3A_275, %shift_right_logical3A_273 : vector<16xi32>
        %swap3A_277 = arith.constant 0 : index
        %swap3A_278 = tpu.vector_load %arg20[%swap3A_277] {strides = array<i32>} : memref<128xi32, #tpu.memory_space<vmem>>, vector<16xi32>,
        %swap3A_279 = vector.shape_cast %swap3A_278 : vector<16xi32> to vector<16xi32>
        %swap3A_280 = vector.shape_cast %add3A_276 : vector<16xi32> to vector<16xi32>
        tpu.vector_store %arg20[%swap3A_277], %swap3A_280 {strides = array<i32>} : memref<128xi32, #tpu.memory_space<vmem>>, vector<16xi32>,
        %get3A_281 = arith.index_cast %add3A_257 : i32 to index
        %get3A_282 = arith.constant 16 : index
        %get3A_283 = tpu.vector_load %arg12[%get3A_281, %get3A_282] {strides = array<i32>} : memref<80x128xi32, #tpu.memory_space<vmem>>, vector<1x16xi32>,
        %get3A_284 = vector.shape_cast %get3A_283 : vector<1x16xi32> to vector<16xi32>
        %shift_right_logical3A_285 = arith.constant 7 : i32
        %shift_right_logical3A_286 = vector.broadcast %shift_right_logical3A_285 : i32 to vector<16xi32>
        %shift_right_logical3A_287 = arith.shrui %get3A_284, %shift_right_logical3A_286 : vector<16xi32>
        %add3A_288 = arith.constant 5128 : i32
        %add3A_289 = vector.broadcast %add3A_288 : i32 to vector<16xi32>
        %add3A_290 = arith.addi %add3A_289, %shift_right_logical3A_287 : vector<16xi32>
        %swap3A_291 = arith.constant 16 : index
        %swap3A_292 = tpu.vector_load %arg20[%swap3A_291] {strides = array<i32>} : memref<128xi32, #tpu.memory_space<vmem>>, vector<16xi32>,
        %swap3A_293 = vector.shape_cast %swap3A_292 : vector<16xi32> to vector<16xi32>
        %swap3A_294 = vector.shape_cast %add3A_290 : vector<16xi32> to vector<16xi32>
        tpu.vector_store %arg20[%swap3A_291], %swap3A_294 {strides = array<i32>} : memref<128xi32, #tpu.memory_space<vmem>>, vector<16xi32>,
        %get3A_295 = arith.index_cast %add3A_257 : i32 to index
        %get3A_296 = arith.constant 32 : index
        %get3A_297 = tpu.vector_load %arg12[%get3A_295, %get3A_296] {strides = array<i32>} : memref<80x128xi32, #tpu.memory_space<vmem>>, vector<1x16xi32>,
        %get3A_298 = vector.shape_cast %get3A_297 : vector<1x16xi32> to vector<16xi32>
        %shift_right_logical3A_299 = arith.constant 7 : i32
        %shift_right_logical3A_300 = vector.broadcast %shift_right_logical3A_299 : i32 to vector<16xi32>
        %shift_right_logical3A_301 = arith.shrui %get3A_298, %shift_right_logical3A_300 : vector<16xi32>
        %add3A_302 = arith.constant 5128 : i32
        %add3A_303 = vector.broadcast %add3A_302 : i32 to vector<16xi32>
        %add3A_304 = arith.addi %add3A_303, %shift_right_logical3A_301 : vector<16xi32>
        %swap3A_305 = arith.constant 32 : index
        %swap3A_306 = tpu.vector_load %arg20[%swap3A_305] {strides = array<i32>} : memref<128xi32, #tpu.memory_space<vmem>>, vector<16xi32>,
        %swap3A_307 = vector.shape_cast %swap3A_306 : vector<16xi32> to vector<16xi32>
        %swap3A_308 = vector.shape_cast %add3A_304 : vector<16xi32> to vector<16xi32>
        tpu.vector_store %arg20[%swap3A_305], %swap3A_308 {strides = array<i32>} : memref<128xi32, #tpu.memory_space<vmem>>, vector<16xi32>,
        %get3A_309 = arith.index_cast %add3A_257 : i32 to index
        %get3A_310 = arith.constant 48 : index
        %get3A_311 = tpu.vector_load %arg12[%get3A_309, %get3A_310] {strides = array<i32>} : memref<80x128xi32, #tpu.memory_space<vmem>>, vector<1x16xi32>,
        %get3A_312 = vector.shape_cast %get3A_311 : vector<1x16xi32> to vector<16xi32>
        %shift_right_logical3A_313 = arith.constant 7 : i32
        %shift_right_logical3A_314 = vector.broadcast %shift_right_logical3A_313 : i32 to vector<16xi32>
        %shift_right_logical3A_315 = arith.shrui %get3A_312, %shift_right_logical3A_314 : vector<16xi32>
        %add3A_316 = arith.constant 5128 : i32
        %add3A_317 = vector.broadcast %add3A_316 : i32 to vector<16xi32>
        %add3A_318 = arith.addi %add3A_317, %shift_right_logical3A_315 : vector<16xi32>
        %swap3A_319 = arith.constant 48 : index
        %swap3A_320 = tpu.vector_load %arg20[%swap3A_319] {strides = array<i32>} : memref<128xi32, #tpu.memory_space<vmem>>, vector<16xi32>,
        %swap3A_321 = vector.shape_cast %swap3A_320 : vector<16xi32> to vector<16xi32>
        %swap3A_322 = vector.shape_cast %add3A_318 : vector<16xi32> to vector<16xi32>
        tpu.vector_store %arg20[%swap3A_319], %swap3A_322 {strides = array<i32>} : memref<128xi32, #tpu.memory_space<vmem>>, vector<16xi32>,
        %get3A_323 = arith.index_cast %add3A_257 : i32 to index
        %get3A_324 = arith.constant 64 : index
        %get3A_325 = tpu.vector_load %arg12[%get3A_323, %get3A_324] {strides = array<i32>} : memref<80x128xi32, #tpu.memory_space<vmem>>, vector<1x16xi32>,
        %get3A_326 = vector.shape_cast %get3A_325 : vector<1x16xi32> to vector<16xi32>
        %shift_right_logical3A_327 = arith.constant 7 : i32
        %shift_right_logical3A_328 = vector.broadcast %shift_right_logical3A_327 : i32 to vector<16xi32>
        %shift_right_logical3A_329 = arith.shrui %get3A_326, %shift_right_logical3A_328 : vector<16xi32>
        %add3A_330 = arith.constant 5128 : i32
        %add3A_331 = vector.broadcast %add3A_330 : i32 to vector<16xi32>
        %add3A_332 = arith.addi %add3A_331, %shift_right_logical3A_329 : vector<16xi32>
        %swap3A_333 = arith.constant 64 : index
        %swap3A_334 = tpu.vector_load %arg20[%swap3A_333] {strides = array<i32>} : memref<128xi32, #tpu.memory_space<vmem>>, vector<16xi32>,
        %swap3A_335 = vector.shape_cast %swap3A_334 : vector<16xi32> to vector<16xi32>
        %swap3A_336 = vector.shape_cast %add3A_332 : vector<16xi32> to vector<16xi32>
        tpu.vector_store %arg20[%swap3A_333], %swap3A_336 {strides = array<i32>} : memref<128xi32, #tpu.memory_space<vmem>>, vector<16xi32>,
        %get3A_337 = arith.index_cast %add3A_257 : i32 to index
        %get3A_338 = arith.constant 80 : index
        %get3A_339 = tpu.vector_load %arg12[%get3A_337, %get3A_338] {strides = array<i32>} : memref<80x128xi32, #tpu.memory_space<vmem>>, vector<1x16xi32>,
        %get3A_340 = vector.shape_cast %get3A_339 : vector<1x16xi32> to vector<16xi32>
        %shift_right_logical3A_341 = arith.constant 7 : i32
        %shift_right_logical3A_342 = vector.broadcast %shift_right_logical3A_341 : i32 to vector<16xi32>
        %shift_right_logical3A_343 = arith.shrui %get3A_340, %shift_right_logical3A_342 : vector<16xi32>
        %add3A_344 = arith.constant 5128 : i32
        %add3A_345 = vector.broadcast %add3A_344 : i32 to vector<16xi32>
        %add3A_346 = arith.addi %add3A_345, %shift_right_logical3A_343 : vector<16xi32>
        %swap3A_347 = arith.constant 80 : index
        %swap3A_348 = tpu.vector_load %arg20[%swap3A_347] {strides = array<i32>} : memref<128xi32, #tpu.memory_space<vmem>>, vector<16xi32>,
        %swap3A_349 = vector.shape_cast %swap3A_348 : vector<16xi32> to vector<16xi32>
        %swap3A_350 = vector.shape_cast %add3A_346 : vector<16xi32> to vector<16xi32>
        tpu.vector_store %arg20[%swap3A_347], %swap3A_350 {strides = array<i32>} : memref<128xi32, #tpu.memory_space<vmem>>, vector<16xi32>,
        %get3A_351 = arith.index_cast %add3A_257 : i32 to index
        %get3A_352 = arith.constant 96 : index
        %get3A_353 = tpu.vector_load %arg12[%get3A_351, %get3A_352] {strides = array<i32>} : memref<80x128xi32, #tpu.memory_space<vmem>>, vector<1x16xi32>,
        %get3A_354 = vector.shape_cast %get3A_353 : vector<1x16xi32> to vector<16xi32>
        %shift_right_logical3A_355 = arith.constant 7 : i32
        %shift_right_logical3A_356 = vector.broadcast %shift_right_logical3A_355 : i32 to vector<16xi32>
        %shift_right_logical3A_357 = arith.shrui %get3A_354, %shift_right_logical3A_356 : vector<16xi32>
        %add3A_358 = arith.constant 5128 : i32
        %add3A_359 = vector.broadcast %add3A_358 : i32 to vector<16xi32>
        %add3A_360 = arith.addi %add3A_359, %shift_right_logical3A_357 : vector<16xi32>
        %swap3A_361 = arith.constant 96 : index
        %swap3A_362 = tpu.vector_load %arg20[%swap3A_361] {strides = array<i32>} : memref<128xi32, #tpu.memory_space<vmem>>, vector<16xi32>,
        %swap3A_363 = vector.shape_cast %swap3A_362 : vector<16xi32> to vector<16xi32>
        %swap3A_364 = vector.shape_cast %add3A_360 : vector<16xi32> to vector<16xi32>
        tpu.vector_store %arg20[%swap3A_361], %swap3A_364 {strides = array<i32>} : memref<128xi32, #tpu.memory_space<vmem>>, vector<16xi32>,
        %get3A_365 = arith.index_cast %add3A_257 : i32 to index
        %get3A_366 = arith.constant 112 : index
        %get3A_367 = tpu.vector_load %arg12[%get3A_365, %get3A_366] {strides = array<i32>} : memref<80x128xi32, #tpu.memory_space<vmem>>, vector<1x16xi32>,
        %get3A_368 = vector.shape_cast %get3A_367 : vector<1x16xi32> to vector<16xi32>
        %shift_right_logical3A_369 = arith.constant 7 : i32
        %shift_right_logical3A_370 = vector.broadcast %shift_right_logical3A_369 : i32 to vector<16xi32>
        %shift_right_logical3A_371 = arith.shrui %get3A_368, %shift_right_logical3A_370 : vector<16xi32>
        %add3A_372 = arith.constant 5128 : i32
        %add3A_373 = vector.broadcast %add3A_372 : i32 to vector<16xi32>
        %add3A_374 = arith.addi %add3A_373, %shift_right_logical3A_371 : vector<16xi32>
        %swap3A_375 = arith.constant 112 : index
        %swap3A_376 = tpu.vector_load %arg20[%swap3A_375] {strides = array<i32>} : memref<128xi32, #tpu.memory_space<vmem>>, vector<16xi32>,
        %swap3A_377 = vector.shape_cast %swap3A_376 : vector<16xi32> to vector<16xi32>
        %swap3A_378 = vector.shape_cast %add3A_374 : vector<16xi32> to vector<16xi32>
        tpu.vector_store %arg20[%swap3A_375], %swap3A_378 {strides = array<i32>} : memref<128xi32, #tpu.memory_space<vmem>>, vector<16xi32>,
        %dma_start3A_379 = arith.constant 0 : i32
        %dma_start3A_380 = arith.constant 0 : i32
        %dma_start3A_381 = tpu.memref_slice %arg29[%dma_start3A_379, %dma_start3A_380] : memref<5248x128xf32, #tpu.memory_space<vmem_shared>> -> memref<5248x128xf32, #tpu.memory_space<vmem_shared>>
        tpu.enqueue_indirect_dma source(%arg16 : memref<128x128xf32, #tpu.memory_space<vmem>>) target(%dma_start3A_381 : memref<5248x128xf32, #tpu.memory_space<vmem_shared>>) offsets(%arg20 : memref<128xi32, #tpu.memory_space<vmem>>) semaphore(%arg28 : memref<!tpu.dma_semaphore, #tpu.memory_space<semaphore_mem>>) {add = true}
        %mul3A_382 = arith.constant 2 : i32
        %mul3A_383 = arith.muli %mul3A_382, %scan3A_129 : i32
        %add3A_384 = arith.constant 0 : i32
        %add3A_385 = arith.addi %mul3A_383, %add3A_384 : i32
        %dma_wait3A_386 = arith.constant 0 : i32
        %dma_wait3A_387 = arith.constant 0 : i32
        %dma_wait3A_388 = tpu.memref_slice %arg29[%dma_wait3A_386, %dma_wait3A_387] : memref<5248x128xf32, #tpu.memory_space<vmem_shared>> -> memref<5248x128xf32, #tpu.memory_space<vmem_shared>>
        tpu.wait_indirect_dma semaphore(%arg27 : memref<!tpu.dma_semaphore, #tpu.memory_space<semaphore_mem>>) src(%arg15 : memref<128x128xf32, #tpu.memory_space<vmem>>) dst(%dma_wait3A_388 : memref<5248x128xf32, #tpu.memory_space<vmem_shared>>)
        %add3A_389 = arith.constant 2 : i32
        %add3A_390 = arith.addi %add3A_385, %add3A_389 : i32
        %lt3A = arith.constant 80 : i32
        %lt3A_391 = arith.cmpi slt, %add3A_390, %lt3A : i32
        %convert_element_type3A_392 = arith.extui %lt3A_391 : i1 to i32
        %cond3A_393 = arith.constant 0 : i32
        %cond3A_394 = arith.cmpi ne, %convert_element_type3A_392, %cond3A_393 : i32
        scf.if %cond3A_394 {
          %add3A_409 = arith.constant 2 : i32
          %add3A_410 = arith.addi %add3A_385, %add3A_409 : i32
          %mul3A_411 = arith.constant 80 : i32
          %mul3A_412 = arith.muli %arg1, %mul3A_411 : i32
          %add3A_413 = arith.addi %mul3A_412, %add3A_410 : i32
          %mul3A_414 = arith.constant 128 : i32
          %mul3A_415 = arith.muli %add3A_413, %mul3A_414 : i32
          %dma_start3A_416 = arith.constant 0 : i32
          %dma_start3A_417 = tpu.memref_slice %arg6[%mul3A_415, %dma_start3A_416] : memref<163840x128xf32, #tpu.memory_space<hbm>> -> memref<128x128xf32, #tpu.memory_space<hbm>>
          %dma_start3A_418 = arith.constant 0 : i32
          %dma_start3A_419 = tpu.memref_slice %arg6[%mul3A_415, %dma_start3A_418] : memref<163840x128xf32, #tpu.memory_space<hbm>> -> memref<128x128xf32, #tpu.memory_space<hbm>>
          tpu.enqueue_dma source(%dma_start3A_419 : memref<128x128xf32, #tpu.memory_space<hbm>>) target(%arg15 : memref<128x128xf32, #tpu.memory_space<vmem>>) target_semaphore(%arg23 : memref<!tpu.dma_semaphore, #tpu.memory_space<semaphore_mem>>)
        } else {
        }
        %mul3A_395 = arith.constant 2 : i32
        %mul3A_396 = arith.muli %mul3A_395, %scan3A_129 : i32
        %add3A_397 = arith.constant 1 : i32
        %add3A_398 = arith.addi %mul3A_396, %add3A_397 : i32
        %dma_wait3A_399 = arith.constant 0 : i32
        %dma_wait3A_400 = arith.constant 0 : i32
        %dma_wait3A_401 = tpu.memref_slice %arg29[%dma_wait3A_399, %dma_wait3A_400] : memref<5248x128xf32, #tpu.memory_space<vmem_shared>> -> memref<5248x128xf32, #tpu.memory_space<vmem_shared>>
        tpu.wait_indirect_dma semaphore(%arg28 : memref<!tpu.dma_semaphore, #tpu.memory_space<semaphore_mem>>) src(%arg16 : memref<128x128xf32, #tpu.memory_space<vmem>>) dst(%dma_wait3A_401 : memref<5248x128xf32, #tpu.memory_space<vmem_shared>>)
        %add3A_402 = arith.constant 2 : i32
        %add3A_403 = arith.addi %add3A_398, %add3A_402 : i32
        %lt3A_404 = arith.constant 80 : i32
        %lt3A_405 = arith.cmpi slt, %add3A_403, %lt3A_404 : i32
        %convert_element_type3A_406 = arith.extui %lt3A_405 : i1 to i32
        %cond3A_407 = arith.constant 0 : i32
        %cond3A_408 = arith.cmpi ne, %convert_element_type3A_406, %cond3A_407 : i32
        scf.if %cond3A_408 {
          %add3A_409 = arith.constant 2 : i32
          %add3A_410 = arith.addi %add3A_398, %add3A_409 : i32
          %mul3A_411 = arith.constant 80 : i32
          %mul3A_412 = arith.muli %arg1, %mul3A_411 : i32
          %add3A_413 = arith.addi %mul3A_412, %add3A_410 : i32
          %mul3A_414 = arith.constant 128 : i32
          %mul3A_415 = arith.muli %add3A_413, %mul3A_414 : i32
          %dma_start3A_416 = arith.constant 0 : i32
          %dma_start3A_417 = tpu.memref_slice %arg6[%mul3A_415, %dma_start3A_416] : memref<163840x128xf32, #tpu.memory_space<hbm>> -> memref<128x128xf32, #tpu.memory_space<hbm>>
          %dma_start3A_418 = arith.constant 0 : i32
          %dma_start3A_419 = tpu.memref_slice %arg6[%mul3A_415, %dma_start3A_418] : memref<163840x128xf32, #tpu.memory_space<hbm>> -> memref<128x128xf32, #tpu.memory_space<hbm>>
          tpu.enqueue_dma source(%dma_start3A_419 : memref<128x128xf32, #tpu.memory_space<hbm>>) target(%arg16 : memref<128x128xf32, #tpu.memory_space<vmem>>) target_semaphore(%arg24 : memref<!tpu.dma_semaphore, #tpu.memory_space<semaphore_mem>>)
        } else {
        }
      }
      %scan3A_69 = arith.constant 40 : i32
      %barrier3A_70 = arith.constant 0 : index
      tpu.barrier barrier_id(%barrier3A_70)
      %mul3A_71 = arith.constant 320 : i32
      %mul3A_72 = arith.muli %arg1, %mul3A_71 : i32
      %mul3A_73 = arith.constant 320 : i32
      %mul3A_74 = arith.muli %arg1, %mul3A_73 : i32
      "tpu.region"() ({
        %run_scoped3A = tpu.sem_alloc : memref<!tpu.dma_semaphore, #tpu.memory_space<semaphore_mem>>
        %dma_start3A_129 = arith.constant 0 : i32
        %dma_start3A_130 = tpu.memref_slice %arg10[%mul3A_74, %dma_start3A_129] : memref<10240x128xf32, #tpu.memory_space<hbm>> -> memref<320x128xf32, #tpu.memory_space<hbm>>
        %dma_start3A_131 = arith.constant 0 : i32
        %dma_start3A_132 = tpu.memref_slice %arg29[%mul3A_72, %dma_start3A_131] : memref<5248x128xf32, #tpu.memory_space<vmem_shared>> -> memref<320x128xf32, #tpu.memory_space<vmem_shared>>
        tpu.enqueue_dma source(%dma_start3A_132 : memref<320x128xf32, #tpu.memory_space<vmem_shared>>) target(%dma_start3A_130 : memref<320x128xf32, #tpu.memory_space<hbm>>) target_semaphore(%run_scoped3A : memref<!tpu.dma_semaphore, #tpu.memory_space<semaphore_mem>>)
        %dma_wait3A = arith.constant 0 : i32
        %dma_wait3A_133 = tpu.memref_slice %arg10[%mul3A_74, %dma_wait3A] : memref<10240x128xf32, #tpu.memory_space<hbm>> -> memref<320x128xf32, #tpu.memory_space<hbm>>
        %dma_wait3A_134 = arith.constant 0 : i32
        %dma_wait3A_135 = tpu.memref_slice %arg29[%mul3A_72, %dma_wait3A_134] : memref<5248x128xf32, #tpu.memory_space<vmem_shared>> -> memref<320x128xf32, #tpu.memory_space<vmem_shared>>
        tpu.wait_dma2 semaphore(%run_scoped3A : memref<!tpu.dma_semaphore, #tpu.memory_space<semaphore_mem>>) src(%dma_wait3A_135 : memref<320x128xf32, #tpu.memory_space<vmem_shared>>) dst(%dma_wait3A_133 : memref<320x128xf32, #tpu.memory_space<hbm>>)
        tpu.yield
      }) : () -> ()
      %eq3A_75 = arith.constant 0 : i32
      %eq3A_76 = arith.cmpi eq, %arg1, %eq3A_75 : i32
      %convert_element_type3A_77 = arith.extui %eq3A_76 : i1 to i32
      %cond3A_78 = arith.constant 0 : i32
      %cond3A_79 = arith.cmpi ne, %convert_element_type3A_77, %cond3A_78 : i32
      scf.if %cond3A_79 {
        "tpu.region"() ({
          %run_scoped3A = tpu.sem_alloc : memref<!tpu.dma_semaphore, #tpu.memory_space<semaphore_mem>>
          %dma_start3A_129 = arith.constant 5128 : i32
          %dma_start3A_130 = arith.constant 0 : i32
          %dma_start3A_131 = tpu.memref_slice %arg29[%dma_start3A_129, %dma_start3A_130] : memref<5248x128xf32, #tpu.memory_space<vmem_shared>> -> memref<80x128xf32, #tpu.memory_space<vmem_shared>>
          tpu.enqueue_dma source(%dma_start3A_131 : memref<80x128xf32, #tpu.memory_space<vmem_shared>>) target(%arg11 : memref<80x128xf32, #tpu.memory_space<hbm>>) target_semaphore(%run_scoped3A : memref<!tpu.dma_semaphore, #tpu.memory_space<semaphore_mem>>)
          %dma_wait3A = arith.constant 5128 : i32
          %dma_wait3A_132 = arith.constant 0 : i32
          %dma_wait3A_133 = tpu.memref_slice %arg29[%dma_wait3A, %dma_wait3A_132] : memref<5248x128xf32, #tpu.memory_space<vmem_shared>> -> memref<80x128xf32, #tpu.memory_space<vmem_shared>>
          tpu.wait_dma2 semaphore(%run_scoped3A : memref<!tpu.dma_semaphore, #tpu.memory_space<semaphore_mem>>) src(%dma_wait3A_133 : memref<80x128xf32, #tpu.memory_space<vmem_shared>>) dst(%arg11 : memref<80x128xf32, #tpu.memory_space<hbm>>)
          tpu.yield
        }) : () -> ()
      } else {
      }
      %barrier3A_80 = arith.constant 0 : index
      tpu.barrier barrier_id(%barrier3A_80)
      %broadcast_in_dim3A_81 = arith.constant 0.000000e+00 : f32
      %broadcast_in_dim3A_82 = vector.broadcast %broadcast_in_dim3A_81 : f32 to vector<16xf32>
      %scan3A_83 = arith.constant 0 : i32
      %scan3A_84 = arith.constant 0 : i32
      %scan3A_85 = arith.constant 128 : i32
      %scan3A_86 = arith.addi %scan3A_84, %scan3A_85 : i32
      %scan3A_87 = arith.constant 1 : i32
      scf.for %scan3A_129 = %scan3A_84 to %scan3A_86 step %scan3A_87  : i32 {
        %swap3A = arith.index_cast %scan3A_129 : i32 to index
        %swap3A_130 = arith.constant 0 : index
        %swap3A_131 = tpu.vector_load %arg13[%swap3A, %swap3A_130] {strides = array<i32>} : memref<128x128xf32, #tpu.memory_space<vmem>>, vector<1x16xf32>,
        %swap3A_132 = vector.shape_cast %swap3A_131 : vector<1x16xf32> to vector<16xf32>
        %swap3A_133 = vector.shape_cast %broadcast_in_dim3A_82 : vector<16xf32> to vector<1x16xf32>
        tpu.vector_store %arg13[%swap3A, %swap3A_130], %swap3A_133 {strides = array<i32>} : memref<128x128xf32, #tpu.memory_space<vmem>>, vector<1x16xf32>,
        %swap3A_134 = arith.index_cast %scan3A_129 : i32 to index
        %swap3A_135 = arith.constant 16 : index
        %swap3A_136 = tpu.vector_load %arg13[%swap3A_134, %swap3A_135] {strides = array<i32>} : memref<128x128xf32, #tpu.memory_space<vmem>>, vector<1x16xf32>,
        %swap3A_137 = vector.shape_cast %swap3A_136 : vector<1x16xf32> to vector<16xf32>
        %swap3A_138 = vector.shape_cast %broadcast_in_dim3A_82 : vector<16xf32> to vector<1x16xf32>
        tpu.vector_store %arg13[%swap3A_134, %swap3A_135], %swap3A_138 {strides = array<i32>} : memref<128x128xf32, #tpu.memory_space<vmem>>, vector<1x16xf32>,
        %swap3A_139 = arith.index_cast %scan3A_129 : i32 to index
        %swap3A_140 = arith.constant 32 : index
        %swap3A_141 = tpu.vector_load %arg13[%swap3A_139, %swap3A_140] {strides = array<i32>} : memref<128x128xf32, #tpu.memory_space<vmem>>, vector<1x16xf32>,
        %swap3A_142 = vector.shape_cast %swap3A_141 : vector<1x16xf32> to vector<16xf32>
        %swap3A_143 = vector.shape_cast %broadcast_in_dim3A_82 : vector<16xf32> to vector<1x16xf32>
        tpu.vector_store %arg13[%swap3A_139, %swap3A_140], %swap3A_143 {strides = array<i32>} : memref<128x128xf32, #tpu.memory_space<vmem>>, vector<1x16xf32>,
        %swap3A_144 = arith.index_cast %scan3A_129 : i32 to index
        %swap3A_145 = arith.constant 48 : index
        %swap3A_146 = tpu.vector_load %arg13[%swap3A_144, %swap3A_145] {strides = array<i32>} : memref<128x128xf32, #tpu.memory_space<vmem>>, vector<1x16xf32>,
        %swap3A_147 = vector.shape_cast %swap3A_146 : vector<1x16xf32> to vector<16xf32>
        %swap3A_148 = vector.shape_cast %broadcast_in_dim3A_82 : vector<16xf32> to vector<1x16xf32>
        tpu.vector_store %arg13[%swap3A_144, %swap3A_145], %swap3A_148 {strides = array<i32>} : memref<128x128xf32, #tpu.memory_space<vmem>>, vector<1x16xf32>,
        %swap3A_149 = arith.index_cast %scan3A_129 : i32 to index
        %swap3A_150 = arith.constant 64 : index
        %swap3A_151 = tpu.vector_load %arg13[%swap3A_149, %swap3A_150] {strides = array<i32>} : memref<128x128xf32, #tpu.memory_space<vmem>>, vector<1x16xf32>,
        %swap3A_152 = vector.shape_cast %swap3A_151 : vector<1x16xf32> to vector<16xf32>
        %swap3A_153 = vector.shape_cast %broadcast_in_dim3A_82 : vector<16xf32> to vector<1x16xf32>
        tpu.vector_store %arg13[%swap3A_149, %swap3A_150], %swap3A_153 {strides = array<i32>} : memref<128x128xf32, #tpu.memory_space<vmem>>, vector<1x16xf32>,
        %swap3A_154 = arith.index_cast %scan3A_129 : i32 to index
        %swap3A_155 = arith.constant 80 : index
        %swap3A_156 = tpu.vector_load %arg13[%swap3A_154, %swap3A_155] {strides = array<i32>} : memref<128x128xf32, #tpu.memory_space<vmem>>, vector<1x16xf32>,
        %swap3A_157 = vector.shape_cast %swap3A_156 : vector<1x16xf32> to vector<16xf32>
        %swap3A_158 = vector.shape_cast %broadcast_in_dim3A_82 : vector<16xf32> to vector<1x16xf32>
        tpu.vector_store %arg13[%swap3A_154, %swap3A_155], %swap3A_158 {strides = array<i32>} : memref<128x128xf32, #tpu.memory_space<vmem>>, vector<1x16xf32>,
        %swap3A_159 = arith.index_cast %scan3A_129 : i32 to index
        %swap3A_160 = arith.constant 96 : index
        %swap3A_161 = tpu.vector_load %arg13[%swap3A_159, %swap3A_160] {strides = array<i32>} : memref<128x128xf32, #tpu.memory_space<vmem>>, vector<1x16xf32>,
        %swap3A_162 = vector.shape_cast %swap3A_161 : vector<1x16xf32> to vector<16xf32>
        %swap3A_163 = vector.shape_cast %broadcast_in_dim3A_82 : vector<16xf32> to vector<1x16xf32>
        tpu.vector_store %arg13[%swap3A_159, %swap3A_160], %swap3A_163 {strides = array<i32>} : memref<128x128xf32, #tpu.memory_space<vmem>>, vector<1x16xf32>,
        %swap3A_164 = arith.index_cast %scan3A_129 : i32 to index
        %swap3A_165 = arith.constant 112 : index
        %swap3A_166 = tpu.vector_load %arg13[%swap3A_164, %swap3A_165] {strides = array<i32>} : memref<128x128xf32, #tpu.memory_space<vmem>>, vector<1x16xf32>,
        %swap3A_167 = vector.shape_cast %swap3A_166 : vector<1x16xf32> to vector<16xf32>
        %swap3A_168 = vector.shape_cast %broadcast_in_dim3A_82 : vector<16xf32> to vector<1x16xf32>
        tpu.vector_store %arg13[%swap3A_164, %swap3A_165], %swap3A_168 {strides = array<i32>} : memref<128x128xf32, #tpu.memory_space<vmem>>, vector<1x16xf32>,
      }
      %scan3A_88 = arith.constant 128 : i32
      %mul3A_89 = arith.constant 328 : i32
      %mul3A_90 = arith.muli %arg1, %mul3A_89 : i32
      "tpu.region"() ({
        %run_scoped3A = tpu.sem_alloc : memref<!tpu.dma_semaphore, #tpu.memory_space<semaphore_mem>>
        %dma_start3A_129 = arith.constant 0 : i32
        %dma_start3A_130 = tpu.memref_slice %arg29[%mul3A_90, %dma_start3A_129] : memref<5248x128xf32, #tpu.memory_space<vmem_shared>> -> memref<128x128xf32, #tpu.memory_space<vmem_shared>>
        %dma_start3A_131 = arith.constant 0 : i32
        %dma_start3A_132 = tpu.memref_slice %arg29[%mul3A_90, %dma_start3A_131] : memref<5248x128xf32, #tpu.memory_space<vmem_shared>> -> memref<128x128xf32, #tpu.memory_space<vmem_shared>>
        tpu.enqueue_dma source(%arg13 : memref<128x128xf32, #tpu.memory_space<vmem>>) target(%dma_start3A_132 : memref<128x128xf32, #tpu.memory_space<vmem_shared>>) target_semaphore(%run_scoped3A : memref<!tpu.dma_semaphore, #tpu.memory_space<semaphore_mem>>)
        %dma_wait3A = arith.constant 0 : i32
        %dma_wait3A_133 = tpu.memref_slice %arg29[%mul3A_90, %dma_wait3A] : memref<5248x128xf32, #tpu.memory_space<vmem_shared>> -> memref<128x128xf32, #tpu.memory_space<vmem_shared>>
        %dma_wait3A_134 = arith.constant 0 : i32
        %dma_wait3A_135 = tpu.memref_slice %arg29[%mul3A_90, %dma_wait3A_134] : memref<5248x128xf32, #tpu.memory_space<vmem_shared>> -> memref<128x128xf32, #tpu.memory_space<vmem_shared>>
        tpu.wait_dma2 semaphore(%run_scoped3A : memref<!tpu.dma_semaphore, #tpu.memory_space<semaphore_mem>>) src(%arg13 : memref<128x128xf32, #tpu.memory_space<vmem>>) dst(%dma_wait3A_135 : memref<128x128xf32, #tpu.memory_space<vmem_shared>>)
        tpu.yield
      }) : () -> ()
      %add3A_91 = arith.constant 128 : i32
      %add3A_92 = arith.addi %mul3A_90, %add3A_91 : i32
      "tpu.region"() ({
        %run_scoped3A = tpu.sem_alloc : memref<!tpu.dma_semaphore, #tpu.memory_space<semaphore_mem>>
        %dma_start3A_129 = arith.constant 0 : i32
        %dma_start3A_130 = tpu.memref_slice %arg29[%add3A_92, %dma_start3A_129] : memref<5248x128xf32, #tpu.memory_space<vmem_shared>> -> memref<128x128xf32, #tpu.memory_space<vmem_shared>>
        %dma_start3A_131 = arith.constant 0 : i32
        %dma_start3A_132 = tpu.memref_slice %arg29[%add3A_92, %dma_start3A_131] : memref<5248x128xf32, #tpu.memory_space<vmem_shared>> -> memref<128x128xf32, #tpu.memory_space<vmem_shared>>
        tpu.enqueue_dma source(%arg13 : memref<128x128xf32, #tpu.memory_space<vmem>>) target(%dma_start3A_132 : memref<128x128xf32, #tpu.memory_space<vmem_shared>>) target_semaphore(%run_scoped3A : memref<!tpu.dma_semaphore, #tpu.memory_space<semaphore_mem>>)
        %dma_wait3A = arith.constant 0 : i32
        %dma_wait3A_133 = tpu.memref_slice %arg29[%add3A_92, %dma_wait3A] : memref<5248x128xf32, #tpu.memory_space<vmem_shared>> -> memref<128x128xf32, #tpu.memory_space<vmem_shared>>
        %dma_wait3A_134 = arith.constant 0 : i32
        %dma_wait3A_135 = tpu.memref_slice %arg29[%add3A_92, %dma_wait3A_134] : memref<5248x128xf32, #tpu.memory_space<vmem_shared>> -> memref<128x128xf32, #tpu.memory_space<vmem_shared>>
        tpu.wait_dma2 semaphore(%run_scoped3A : memref<!tpu.dma_semaphore, #tpu.memory_space<semaphore_mem>>) src(%arg13 : memref<128x128xf32, #tpu.memory_space<vmem>>) dst(%dma_wait3A_135 : memref<128x128xf32, #tpu.memory_space<vmem_shared>>)
        tpu.yield
      }) : () -> ()
      %add3A_93 = arith.constant 256 : i32
      %add3A_94 = arith.addi %mul3A_90, %add3A_93 : i32
      "tpu.region"() ({
        %run_scoped3A = tpu.sem_alloc : memref<!tpu.dma_semaphore, #tpu.memory_space<semaphore_mem>>
        %dma_start3A_129 = arith.constant 0 : i32
        %dma_start3A_130 = arith.constant 0 : i32
        %dma_start3A_131 = tpu.memref_slice %arg13[%dma_start3A_129, %dma_start3A_130] : memref<128x128xf32, #tpu.memory_space<vmem>> -> memref<72x128xf32, #tpu.memory_space<vmem>>
        %dma_start3A_132 = arith.constant 0 : i32
        %dma_start3A_133 = tpu.memref_slice %arg29[%add3A_94, %dma_start3A_132] : memref<5248x128xf32, #tpu.memory_space<vmem_shared>> -> memref<72x128xf32, #tpu.memory_space<vmem_shared>>
        %dma_start3A_134 = arith.constant 0 : i32
        %dma_start3A_135 = tpu.memref_slice %arg29[%add3A_94, %dma_start3A_134] : memref<5248x128xf32, #tpu.memory_space<vmem_shared>> -> memref<72x128xf32, #tpu.memory_space<vmem_shared>>
        %dma_start3A_136 = arith.constant 0 : i32
        %dma_start3A_137 = arith.constant 0 : i32
        %dma_start3A_138 = tpu.memref_slice %arg13[%dma_start3A_136, %dma_start3A_137] : memref<128x128xf32, #tpu.memory_space<vmem>> -> memref<72x128xf32, #tpu.memory_space<vmem>>
        tpu.enqueue_dma source(%dma_start3A_138 : memref<72x128xf32, #tpu.memory_space<vmem>>) target(%dma_start3A_135 : memref<72x128xf32, #tpu.memory_space<vmem_shared>>) target_semaphore(%run_scoped3A : memref<!tpu.dma_semaphore, #tpu.memory_space<semaphore_mem>>)
        %dma_wait3A = arith.constant 0 : i32
        %dma_wait3A_139 = arith.constant 0 : i32
        %dma_wait3A_140 = tpu.memref_slice %arg13[%dma_wait3A, %dma_wait3A_139] : memref<128x128xf32, #tpu.memory_space<vmem>> -> memref<72x128xf32, #tpu.memory_space<vmem>>
        %dma_wait3A_141 = arith.constant 0 : i32
        %dma_wait3A_142 = tpu.memref_slice %arg29[%add3A_94, %dma_wait3A_141] : memref<5248x128xf32, #tpu.memory_space<vmem_shared>> -> memref<72x128xf32, #tpu.memory_space<vmem_shared>>
        %dma_wait3A_143 = arith.constant 0 : i32
        %dma_wait3A_144 = tpu.memref_slice %arg29[%add3A_94, %dma_wait3A_143] : memref<5248x128xf32, #tpu.memory_space<vmem_shared>> -> memref<72x128xf32, #tpu.memory_space<vmem_shared>>
        %dma_wait3A_145 = arith.constant 0 : i32
        %dma_wait3A_146 = arith.constant 0 : i32
        %dma_wait3A_147 = tpu.memref_slice %arg13[%dma_wait3A_145, %dma_wait3A_146] : memref<128x128xf32, #tpu.memory_space<vmem>> -> memref<72x128xf32, #tpu.memory_space<vmem>>
        tpu.wait_dma2 semaphore(%run_scoped3A : memref<!tpu.dma_semaphore, #tpu.memory_space<semaphore_mem>>) src(%dma_wait3A_147 : memref<72x128xf32, #tpu.memory_space<vmem>>) dst(%dma_wait3A_144 : memref<72x128xf32, #tpu.memory_space<vmem_shared>>)
        tpu.yield
      }) : () -> ()
      %barrier3A_95 = arith.constant 0 : index
      tpu.barrier barrier_id(%barrier3A_95)
      %mul3A_96 = arith.constant 80 : i32
      %mul3A_97 = arith.muli %arg1, %mul3A_96 : i32
      %add3A_98 = arith.constant 0 : i32
      %add3A_99 = arith.addi %mul3A_97, %add3A_98 : i32
      %mul3A_100 = arith.constant 128 : i32
      %mul3A_101 = arith.muli %add3A_99, %mul3A_100 : i32
      %dma_start3A_102 = arith.constant 0 : i32
      %dma_start3A_103 = tpu.memref_slice %arg5[%mul3A_101, %dma_start3A_102] : memref<163840x128xf32, #tpu.memory_space<hbm>> -> memref<128x128xf32, #tpu.memory_space<hbm>>
      %dma_start3A_104 = arith.constant 0 : i32
      %dma_start3A_105 = tpu.memref_slice %arg5[%mul3A_101, %dma_start3A_104] : memref<163840x128xf32, #tpu.memory_space<hbm>> -> memref<128x128xf32, #tpu.memory_space<hbm>>
      tpu.enqueue_dma source(%dma_start3A_105 : memref<128x128xf32, #tpu.memory_space<hbm>>) target(%arg13 : memref<128x128xf32, #tpu.memory_space<vmem>>) target_semaphore(%arg21 : memref<!tpu.dma_semaphore, #tpu.memory_space<semaphore_mem>>)
      %mul3A_106 = arith.constant 80 : i32
      %mul3A_107 = arith.muli %arg1, %mul3A_106 : i32
      %add3A_108 = arith.constant 1 : i32
      %add3A_109 = arith.addi %mul3A_107, %add3A_108 : i32
      %mul3A_110 = arith.constant 128 : i32
      %mul3A_111 = arith.muli %add3A_109, %mul3A_110 : i32
      %dma_start3A_112 = arith.constant 0 : i32
      %dma_start3A_113 = tpu.memref_slice %arg5[%mul3A_111, %dma_start3A_112] : memref<163840x128xf32, #tpu.memory_space<hbm>> -> memref<128x128xf32, #tpu.memory_space<hbm>>
      %dma_start3A_114 = arith.constant 0 : i32
      %dma_start3A_115 = tpu.memref_slice %arg5[%mul3A_111, %dma_start3A_114] : memref<163840x128xf32, #tpu.memory_space<hbm>> -> memref<128x128xf32, #tpu.memory_space<hbm>>
      tpu.enqueue_dma source(%dma_start3A_115 : memref<128x128xf32, #tpu.memory_space<hbm>>) target(%arg14 : memref<128x128xf32, #tpu.memory_space<vmem>>) target_semaphore(%arg22 : memref<!tpu.dma_semaphore, #tpu.memory_space<semaphore_mem>>)
      %scan3A_116 = arith.constant 0 : i32
      %scan3A_117 = arith.constant 0 : i32
      %scan3A_118 = arith.constant 40 : i32
      %scan3A_119 = arith.addi %scan3A_117, %scan3A_118 : i32
      %scan3A_120 = arith.constant 1 : i32
      scf.for %scan3A_129 = %scan3A_117 to %scan3A_119 step %scan3A_120  : i32 {
        %mul3A_130 = arith.constant 2 : i32
        %mul3A_131 = arith.muli %mul3A_130, %scan3A_129 : i32
        %add3A_132 = arith.constant 0 : i32
        %add3A_133 = arith.addi %mul3A_131, %add3A_132 : i32
        %mul3A_134 = arith.constant 80 : i32
        %mul3A_135 = arith.muli %arg1, %mul3A_134 : i32
        %add3A_136 = arith.addi %mul3A_135, %add3A_133 : i32
        %mul3A_137 = arith.constant 128 : i32
        %mul3A_138 = arith.muli %add3A_136, %mul3A_137 : i32
        %dma_wait3A = arith.constant 0 : i32
        %dma_wait3A_139 = tpu.memref_slice %arg5[%mul3A_138, %dma_wait3A] : memref<163840x128xf32, #tpu.memory_space<hbm>> -> memref<128x128xf32, #tpu.memory_space<hbm>>
        %dma_wait3A_140 = arith.constant 0 : i32
        %dma_wait3A_141 = tpu.memref_slice %arg5[%mul3A_138, %dma_wait3A_140] : memref<163840x128xf32, #tpu.memory_space<hbm>> -> memref<128x128xf32, #tpu.memory_space<hbm>>
        tpu.wait_dma2 semaphore(%arg21 : memref<!tpu.dma_semaphore, #tpu.memory_space<semaphore_mem>>) src(%dma_wait3A_141 : memref<128x128xf32, #tpu.memory_space<hbm>>) dst(%arg13 : memref<128x128xf32, #tpu.memory_space<vmem>>)
        %get3A = arith.index_cast %add3A_133 : i32 to index
        %get3A_142 = arith.constant 0 : index
        %get3A_143 = tpu.vector_load %arg12[%get3A, %get3A_142] {strides = array<i32>} : memref<80x128xi32, #tpu.memory_space<vmem>>, vector<1x16xi32>,
        %get3A_144 = vector.shape_cast %get3A_143 : vector<1x16xi32> to vector<16xi32>
        %ge3A = arith.constant 5120 : i32
        %ge3A_145 = vector.broadcast %ge3A : i32 to vector<16xi32>
        %ge3A_146 = arith.cmpi sge, %get3A_144, %ge3A_145 : vector<16xi32>
        %sub3A = arith.constant 5120 : i32
        %sub3A_147 = vector.broadcast %sub3A : i32 to vector<16xi32>
        %sub3A_148 = arith.subi %get3A_144, %sub3A_147 : vector<16xi32>
        %jit3A = arith.constant 5120 : i32
        %broadcast_in_dim3A_149 = vector.broadcast %jit3A : i32 to vector<16xi32>
        %select_n3A = arith.select %ge3A_146, %sub3A_148, %broadcast_in_dim3A_149 : vector<16xi1>, vector<16xi32>
        %swap3A = arith.constant 0 : index
        %swap3A_150 = tpu.vector_load %arg17[%swap3A] {strides = array<i32>} : memref<128xi32, #tpu.memory_space<vmem>>, vector<16xi32>,
        %swap3A_151 = vector.shape_cast %swap3A_150 : vector<16xi32> to vector<16xi32>
        %swap3A_152 = vector.shape_cast %select_n3A : vector<16xi32> to vector<16xi32>
        tpu.vector_store %arg17[%swap3A], %swap3A_152 {strides = array<i32>} : memref<128xi32, #tpu.memory_space<vmem>>, vector<16xi32>,
        %get3A_153 = arith.index_cast %add3A_133 : i32 to index
        %get3A_154 = arith.constant 16 : index
        %get3A_155 = tpu.vector_load %arg12[%get3A_153, %get3A_154] {strides = array<i32>} : memref<80x128xi32, #tpu.memory_space<vmem>>, vector<1x16xi32>,
        %get3A_156 = vector.shape_cast %get3A_155 : vector<1x16xi32> to vector<16xi32>
        %ge3A_157 = arith.constant 5120 : i32
        %ge3A_158 = vector.broadcast %ge3A_157 : i32 to vector<16xi32>
        %ge3A_159 = arith.cmpi sge, %get3A_156, %ge3A_158 : vector<16xi32>
        %sub3A_160 = arith.constant 5120 : i32
        %sub3A_161 = vector.broadcast %sub3A_160 : i32 to vector<16xi32>
        %sub3A_162 = arith.subi %get3A_156, %sub3A_161 : vector<16xi32>
        %jit3A_163 = arith.constant 5120 : i32
        %broadcast_in_dim3A_164 = vector.broadcast %jit3A_163 : i32 to vector<16xi32>
        %select_n3A_165 = arith.select %ge3A_159, %sub3A_162, %broadcast_in_dim3A_164 : vector<16xi1>, vector<16xi32>
        %swap3A_166 = arith.constant 16 : index
        %swap3A_167 = tpu.vector_load %arg17[%swap3A_166] {strides = array<i32>} : memref<128xi32, #tpu.memory_space<vmem>>, vector<16xi32>,
        %swap3A_168 = vector.shape_cast %swap3A_167 : vector<16xi32> to vector<16xi32>
        %swap3A_169 = vector.shape_cast %select_n3A_165 : vector<16xi32> to vector<16xi32>
        tpu.vector_store %arg17[%swap3A_166], %swap3A_169 {strides = array<i32>} : memref<128xi32, #tpu.memory_space<vmem>>, vector<16xi32>,
        %get3A_170 = arith.index_cast %add3A_133 : i32 to index
        %get3A_171 = arith.constant 32 : index
        %get3A_172 = tpu.vector_load %arg12[%get3A_170, %get3A_171] {strides = array<i32>} : memref<80x128xi32, #tpu.memory_space<vmem>>, vector<1x16xi32>,
        %get3A_173 = vector.shape_cast %get3A_172 : vector<1x16xi32> to vector<16xi32>
        %ge3A_174 = arith.constant 5120 : i32
        %ge3A_175 = vector.broadcast %ge3A_174 : i32 to vector<16xi32>
        %ge3A_176 = arith.cmpi sge, %get3A_173, %ge3A_175 : vector<16xi32>
        %sub3A_177 = arith.constant 5120 : i32
        %sub3A_178 = vector.broadcast %sub3A_177 : i32 to vector<16xi32>
        %sub3A_179 = arith.subi %get3A_173, %sub3A_178 : vector<16xi32>
        %jit3A_180 = arith.constant 5120 : i32
        %broadcast_in_dim3A_181 = vector.broadcast %jit3A_180 : i32 to vector<16xi32>
        %select_n3A_182 = arith.select %ge3A_176, %sub3A_179, %broadcast_in_dim3A_181 : vector<16xi1>, vector<16xi32>
        %swap3A_183 = arith.constant 32 : index
        %swap3A_184 = tpu.vector_load %arg17[%swap3A_183] {strides = array<i32>} : memref<128xi32, #tpu.memory_space<vmem>>, vector<16xi32>,
        %swap3A_185 = vector.shape_cast %swap3A_184 : vector<16xi32> to vector<16xi32>
        %swap3A_186 = vector.shape_cast %select_n3A_182 : vector<16xi32> to vector<16xi32>
        tpu.vector_store %arg17[%swap3A_183], %swap3A_186 {strides = array<i32>} : memref<128xi32, #tpu.memory_space<vmem>>, vector<16xi32>,
        %get3A_187 = arith.index_cast %add3A_133 : i32 to index
        %get3A_188 = arith.constant 48 : index
        %get3A_189 = tpu.vector_load %arg12[%get3A_187, %get3A_188] {strides = array<i32>} : memref<80x128xi32, #tpu.memory_space<vmem>>, vector<1x16xi32>,
        %get3A_190 = vector.shape_cast %get3A_189 : vector<1x16xi32> to vector<16xi32>
        %ge3A_191 = arith.constant 5120 : i32
        %ge3A_192 = vector.broadcast %ge3A_191 : i32 to vector<16xi32>
        %ge3A_193 = arith.cmpi sge, %get3A_190, %ge3A_192 : vector<16xi32>
        %sub3A_194 = arith.constant 5120 : i32
        %sub3A_195 = vector.broadcast %sub3A_194 : i32 to vector<16xi32>
        %sub3A_196 = arith.subi %get3A_190, %sub3A_195 : vector<16xi32>
        %jit3A_197 = arith.constant 5120 : i32
        %broadcast_in_dim3A_198 = vector.broadcast %jit3A_197 : i32 to vector<16xi32>
        %select_n3A_199 = arith.select %ge3A_193, %sub3A_196, %broadcast_in_dim3A_198 : vector<16xi1>, vector<16xi32>
        %swap3A_200 = arith.constant 48 : index
        %swap3A_201 = tpu.vector_load %arg17[%swap3A_200] {strides = array<i32>} : memref<128xi32, #tpu.memory_space<vmem>>, vector<16xi32>,
        %swap3A_202 = vector.shape_cast %swap3A_201 : vector<16xi32> to vector<16xi32>
        %swap3A_203 = vector.shape_cast %select_n3A_199 : vector<16xi32> to vector<16xi32>
        tpu.vector_store %arg17[%swap3A_200], %swap3A_203 {strides = array<i32>} : memref<128xi32, #tpu.memory_space<vmem>>, vector<16xi32>,
        %get3A_204 = arith.index_cast %add3A_133 : i32 to index
        %get3A_205 = arith.constant 64 : index
        %get3A_206 = tpu.vector_load %arg12[%get3A_204, %get3A_205] {strides = array<i32>} : memref<80x128xi32, #tpu.memory_space<vmem>>, vector<1x16xi32>,
        %get3A_207 = vector.shape_cast %get3A_206 : vector<1x16xi32> to vector<16xi32>
        %ge3A_208 = arith.constant 5120 : i32
        %ge3A_209 = vector.broadcast %ge3A_208 : i32 to vector<16xi32>
        %ge3A_210 = arith.cmpi sge, %get3A_207, %ge3A_209 : vector<16xi32>
        %sub3A_211 = arith.constant 5120 : i32
        %sub3A_212 = vector.broadcast %sub3A_211 : i32 to vector<16xi32>
        %sub3A_213 = arith.subi %get3A_207, %sub3A_212 : vector<16xi32>
        %jit3A_214 = arith.constant 5120 : i32
        %broadcast_in_dim3A_215 = vector.broadcast %jit3A_214 : i32 to vector<16xi32>
        %select_n3A_216 = arith.select %ge3A_210, %sub3A_213, %broadcast_in_dim3A_215 : vector<16xi1>, vector<16xi32>
        %swap3A_217 = arith.constant 64 : index
        %swap3A_218 = tpu.vector_load %arg17[%swap3A_217] {strides = array<i32>} : memref<128xi32, #tpu.memory_space<vmem>>, vector<16xi32>,
        %swap3A_219 = vector.shape_cast %swap3A_218 : vector<16xi32> to vector<16xi32>
        %swap3A_220 = vector.shape_cast %select_n3A_216 : vector<16xi32> to vector<16xi32>
        tpu.vector_store %arg17[%swap3A_217], %swap3A_220 {strides = array<i32>} : memref<128xi32, #tpu.memory_space<vmem>>, vector<16xi32>,
        %get3A_221 = arith.index_cast %add3A_133 : i32 to index
        %get3A_222 = arith.constant 80 : index
        %get3A_223 = tpu.vector_load %arg12[%get3A_221, %get3A_222] {strides = array<i32>} : memref<80x128xi32, #tpu.memory_space<vmem>>, vector<1x16xi32>,
        %get3A_224 = vector.shape_cast %get3A_223 : vector<1x16xi32> to vector<16xi32>
        %ge3A_225 = arith.constant 5120 : i32
        %ge3A_226 = vector.broadcast %ge3A_225 : i32 to vector<16xi32>
        %ge3A_227 = arith.cmpi sge, %get3A_224, %ge3A_226 : vector<16xi32>
        %sub3A_228 = arith.constant 5120 : i32
        %sub3A_229 = vector.broadcast %sub3A_228 : i32 to vector<16xi32>
        %sub3A_230 = arith.subi %get3A_224, %sub3A_229 : vector<16xi32>
        %jit3A_231 = arith.constant 5120 : i32
        %broadcast_in_dim3A_232 = vector.broadcast %jit3A_231 : i32 to vector<16xi32>
        %select_n3A_233 = arith.select %ge3A_227, %sub3A_230, %broadcast_in_dim3A_232 : vector<16xi1>, vector<16xi32>
        %swap3A_234 = arith.constant 80 : index
        %swap3A_235 = tpu.vector_load %arg17[%swap3A_234] {strides = array<i32>} : memref<128xi32, #tpu.memory_space<vmem>>, vector<16xi32>,
        %swap3A_236 = vector.shape_cast %swap3A_235 : vector<16xi32> to vector<16xi32>
        %swap3A_237 = vector.shape_cast %select_n3A_233 : vector<16xi32> to vector<16xi32>
        tpu.vector_store %arg17[%swap3A_234], %swap3A_237 {strides = array<i32>} : memref<128xi32, #tpu.memory_space<vmem>>, vector<16xi32>,
        %get3A_238 = arith.index_cast %add3A_133 : i32 to index
        %get3A_239 = arith.constant 96 : index
        %get3A_240 = tpu.vector_load %arg12[%get3A_238, %get3A_239] {strides = array<i32>} : memref<80x128xi32, #tpu.memory_space<vmem>>, vector<1x16xi32>,
        %get3A_241 = vector.shape_cast %get3A_240 : vector<1x16xi32> to vector<16xi32>
        %ge3A_242 = arith.constant 5120 : i32
        %ge3A_243 = vector.broadcast %ge3A_242 : i32 to vector<16xi32>
        %ge3A_244 = arith.cmpi sge, %get3A_241, %ge3A_243 : vector<16xi32>
        %sub3A_245 = arith.constant 5120 : i32
        %sub3A_246 = vector.broadcast %sub3A_245 : i32 to vector<16xi32>
        %sub3A_247 = arith.subi %get3A_241, %sub3A_246 : vector<16xi32>
        %jit3A_248 = arith.constant 5120 : i32
        %broadcast_in_dim3A_249 = vector.broadcast %jit3A_248 : i32 to vector<16xi32>
        %select_n3A_250 = arith.select %ge3A_244, %sub3A_247, %broadcast_in_dim3A_249 : vector<16xi1>, vector<16xi32>
        %swap3A_251 = arith.constant 96 : index
        %swap3A_252 = tpu.vector_load %arg17[%swap3A_251] {strides = array<i32>} : memref<128xi32, #tpu.memory_space<vmem>>, vector<16xi32>,
        %swap3A_253 = vector.shape_cast %swap3A_252 : vector<16xi32> to vector<16xi32>
        %swap3A_254 = vector.shape_cast %select_n3A_250 : vector<16xi32> to vector<16xi32>
        tpu.vector_store %arg17[%swap3A_251], %swap3A_254 {strides = array<i32>} : memref<128xi32, #tpu.memory_space<vmem>>, vector<16xi32>,
        %get3A_255 = arith.index_cast %add3A_133 : i32 to index
        %get3A_256 = arith.constant 112 : index
        %get3A_257 = tpu.vector_load %arg12[%get3A_255, %get3A_256] {strides = array<i32>} : memref<80x128xi32, #tpu.memory_space<vmem>>, vector<1x16xi32>,
        %get3A_258 = vector.shape_cast %get3A_257 : vector<1x16xi32> to vector<16xi32>
        %ge3A_259 = arith.constant 5120 : i32
        %ge3A_260 = vector.broadcast %ge3A_259 : i32 to vector<16xi32>
        %ge3A_261 = arith.cmpi sge, %get3A_258, %ge3A_260 : vector<16xi32>
        %sub3A_262 = arith.constant 5120 : i32
        %sub3A_263 = vector.broadcast %sub3A_262 : i32 to vector<16xi32>
        %sub3A_264 = arith.subi %get3A_258, %sub3A_263 : vector<16xi32>
        %jit3A_265 = arith.constant 5120 : i32
        %broadcast_in_dim3A_266 = vector.broadcast %jit3A_265 : i32 to vector<16xi32>
        %select_n3A_267 = arith.select %ge3A_261, %sub3A_264, %broadcast_in_dim3A_266 : vector<16xi1>, vector<16xi32>
        %swap3A_268 = arith.constant 112 : index
        %swap3A_269 = tpu.vector_load %arg17[%swap3A_268] {strides = array<i32>} : memref<128xi32, #tpu.memory_space<vmem>>, vector<16xi32>,
        %swap3A_270 = vector.shape_cast %swap3A_269 : vector<16xi32> to vector<16xi32>
        %swap3A_271 = vector.shape_cast %select_n3A_267 : vector<16xi32> to vector<16xi32>
        tpu.vector_store %arg17[%swap3A_268], %swap3A_271 {strides = array<i32>} : memref<128xi32, #tpu.memory_space<vmem>>, vector<16xi32>,
        %dma_start3A_272 = arith.constant 0 : i32
        %dma_start3A_273 = arith.constant 0 : i32
        %dma_start3A_274 = tpu.memref_slice %arg29[%dma_start3A_272, %dma_start3A_273] : memref<5248x128xf32, #tpu.memory_space<vmem_shared>> -> memref<5248x128xf32, #tpu.memory_space<vmem_shared>>
        tpu.enqueue_indirect_dma source(%arg13 : memref<128x128xf32, #tpu.memory_space<vmem>>) target(%dma_start3A_274 : memref<5248x128xf32, #tpu.memory_space<vmem_shared>>) offsets(%arg17 : memref<128xi32, #tpu.memory_space<vmem>>) semaphore(%arg25 : memref<!tpu.dma_semaphore, #tpu.memory_space<semaphore_mem>>) {add = true}
        %mul3A_275 = arith.constant 2 : i32
        %mul3A_276 = arith.muli %mul3A_275, %scan3A_129 : i32
        %add3A_277 = arith.constant 1 : i32
        %add3A_278 = arith.addi %mul3A_276, %add3A_277 : i32
        %mul3A_279 = arith.constant 80 : i32
        %mul3A_280 = arith.muli %arg1, %mul3A_279 : i32
        %add3A_281 = arith.addi %mul3A_280, %add3A_278 : i32
        %mul3A_282 = arith.constant 128 : i32
        %mul3A_283 = arith.muli %add3A_281, %mul3A_282 : i32
        %dma_wait3A_284 = arith.constant 0 : i32
        %dma_wait3A_285 = tpu.memref_slice %arg5[%mul3A_283, %dma_wait3A_284] : memref<163840x128xf32, #tpu.memory_space<hbm>> -> memref<128x128xf32, #tpu.memory_space<hbm>>
        %dma_wait3A_286 = arith.constant 0 : i32
        %dma_wait3A_287 = tpu.memref_slice %arg5[%mul3A_283, %dma_wait3A_286] : memref<163840x128xf32, #tpu.memory_space<hbm>> -> memref<128x128xf32, #tpu.memory_space<hbm>>
        tpu.wait_dma2 semaphore(%arg22 : memref<!tpu.dma_semaphore, #tpu.memory_space<semaphore_mem>>) src(%dma_wait3A_287 : memref<128x128xf32, #tpu.memory_space<hbm>>) dst(%arg14 : memref<128x128xf32, #tpu.memory_space<vmem>>)
        %get3A_288 = arith.index_cast %add3A_278 : i32 to index
        %get3A_289 = arith.constant 0 : index
        %get3A_290 = tpu.vector_load %arg12[%get3A_288, %get3A_289] {strides = array<i32>} : memref<80x128xi32, #tpu.memory_space<vmem>>, vector<1x16xi32>,
        %get3A_291 = vector.shape_cast %get3A_290 : vector<1x16xi32> to vector<16xi32>
        %ge3A_292 = arith.constant 5120 : i32
        %ge3A_293 = vector.broadcast %ge3A_292 : i32 to vector<16xi32>
        %ge3A_294 = arith.cmpi sge, %get3A_291, %ge3A_293 : vector<16xi32>
        %sub3A_295 = arith.constant 5120 : i32
        %sub3A_296 = vector.broadcast %sub3A_295 : i32 to vector<16xi32>
        %sub3A_297 = arith.subi %get3A_291, %sub3A_296 : vector<16xi32>
        %jit3A_298 = arith.constant 5120 : i32
        %broadcast_in_dim3A_299 = vector.broadcast %jit3A_298 : i32 to vector<16xi32>
        %select_n3A_300 = arith.select %ge3A_294, %sub3A_297, %broadcast_in_dim3A_299 : vector<16xi1>, vector<16xi32>
        %swap3A_301 = arith.constant 0 : index
        %swap3A_302 = tpu.vector_load %arg18[%swap3A_301] {strides = array<i32>} : memref<128xi32, #tpu.memory_space<vmem>>, vector<16xi32>,
        %swap3A_303 = vector.shape_cast %swap3A_302 : vector<16xi32> to vector<16xi32>
        %swap3A_304 = vector.shape_cast %select_n3A_300 : vector<16xi32> to vector<16xi32>
        tpu.vector_store %arg18[%swap3A_301], %swap3A_304 {strides = array<i32>} : memref<128xi32, #tpu.memory_space<vmem>>, vector<16xi32>,
        %get3A_305 = arith.index_cast %add3A_278 : i32 to index
        %get3A_306 = arith.constant 16 : index
        %get3A_307 = tpu.vector_load %arg12[%get3A_305, %get3A_306] {strides = array<i32>} : memref<80x128xi32, #tpu.memory_space<vmem>>, vector<1x16xi32>,
        %get3A_308 = vector.shape_cast %get3A_307 : vector<1x16xi32> to vector<16xi32>
        %ge3A_309 = arith.constant 5120 : i32
        %ge3A_310 = vector.broadcast %ge3A_309 : i32 to vector<16xi32>
        %ge3A_311 = arith.cmpi sge, %get3A_308, %ge3A_310 : vector<16xi32>
        %sub3A_312 = arith.constant 5120 : i32
        %sub3A_313 = vector.broadcast %sub3A_312 : i32 to vector<16xi32>
        %sub3A_314 = arith.subi %get3A_308, %sub3A_313 : vector<16xi32>
        %jit3A_315 = arith.constant 5120 : i32
        %broadcast_in_dim3A_316 = vector.broadcast %jit3A_315 : i32 to vector<16xi32>
        %select_n3A_317 = arith.select %ge3A_311, %sub3A_314, %broadcast_in_dim3A_316 : vector<16xi1>, vector<16xi32>
        %swap3A_318 = arith.constant 16 : index
        %swap3A_319 = tpu.vector_load %arg18[%swap3A_318] {strides = array<i32>} : memref<128xi32, #tpu.memory_space<vmem>>, vector<16xi32>,
        %swap3A_320 = vector.shape_cast %swap3A_319 : vector<16xi32> to vector<16xi32>
        %swap3A_321 = vector.shape_cast %select_n3A_317 : vector<16xi32> to vector<16xi32>
        tpu.vector_store %arg18[%swap3A_318], %swap3A_321 {strides = array<i32>} : memref<128xi32, #tpu.memory_space<vmem>>, vector<16xi32>,
        %get3A_322 = arith.index_cast %add3A_278 : i32 to index
        %get3A_323 = arith.constant 32 : index
        %get3A_324 = tpu.vector_load %arg12[%get3A_322, %get3A_323] {strides = array<i32>} : memref<80x128xi32, #tpu.memory_space<vmem>>, vector<1x16xi32>,
        %get3A_325 = vector.shape_cast %get3A_324 : vector<1x16xi32> to vector<16xi32>
        %ge3A_326 = arith.constant 5120 : i32
        %ge3A_327 = vector.broadcast %ge3A_326 : i32 to vector<16xi32>
        %ge3A_328 = arith.cmpi sge, %get3A_325, %ge3A_327 : vector<16xi32>
        %sub3A_329 = arith.constant 5120 : i32
        %sub3A_330 = vector.broadcast %sub3A_329 : i32 to vector<16xi32>
        %sub3A_331 = arith.subi %get3A_325, %sub3A_330 : vector<16xi32>
        %jit3A_332 = arith.constant 5120 : i32
        %broadcast_in_dim3A_333 = vector.broadcast %jit3A_332 : i32 to vector<16xi32>
        %select_n3A_334 = arith.select %ge3A_328, %sub3A_331, %broadcast_in_dim3A_333 : vector<16xi1>, vector<16xi32>
        %swap3A_335 = arith.constant 32 : index
        %swap3A_336 = tpu.vector_load %arg18[%swap3A_335] {strides = array<i32>} : memref<128xi32, #tpu.memory_space<vmem>>, vector<16xi32>,
        %swap3A_337 = vector.shape_cast %swap3A_336 : vector<16xi32> to vector<16xi32>
        %swap3A_338 = vector.shape_cast %select_n3A_334 : vector<16xi32> to vector<16xi32>
        tpu.vector_store %arg18[%swap3A_335], %swap3A_338 {strides = array<i32>} : memref<128xi32, #tpu.memory_space<vmem>>, vector<16xi32>,
        %get3A_339 = arith.index_cast %add3A_278 : i32 to index
        %get3A_340 = arith.constant 48 : index
        %get3A_341 = tpu.vector_load %arg12[%get3A_339, %get3A_340] {strides = array<i32>} : memref<80x128xi32, #tpu.memory_space<vmem>>, vector<1x16xi32>,
        %get3A_342 = vector.shape_cast %get3A_341 : vector<1x16xi32> to vector<16xi32>
        %ge3A_343 = arith.constant 5120 : i32
        %ge3A_344 = vector.broadcast %ge3A_343 : i32 to vector<16xi32>
        %ge3A_345 = arith.cmpi sge, %get3A_342, %ge3A_344 : vector<16xi32>
        %sub3A_346 = arith.constant 5120 : i32
        %sub3A_347 = vector.broadcast %sub3A_346 : i32 to vector<16xi32>
        %sub3A_348 = arith.subi %get3A_342, %sub3A_347 : vector<16xi32>
        %jit3A_349 = arith.constant 5120 : i32
        %broadcast_in_dim3A_350 = vector.broadcast %jit3A_349 : i32 to vector<16xi32>
        %select_n3A_351 = arith.select %ge3A_345, %sub3A_348, %broadcast_in_dim3A_350 : vector<16xi1>, vector<16xi32>
        %swap3A_352 = arith.constant 48 : index
        %swap3A_353 = tpu.vector_load %arg18[%swap3A_352] {strides = array<i32>} : memref<128xi32, #tpu.memory_space<vmem>>, vector<16xi32>,
        %swap3A_354 = vector.shape_cast %swap3A_353 : vector<16xi32> to vector<16xi32>
        %swap3A_355 = vector.shape_cast %select_n3A_351 : vector<16xi32> to vector<16xi32>
        tpu.vector_store %arg18[%swap3A_352], %swap3A_355 {strides = array<i32>} : memref<128xi32, #tpu.memory_space<vmem>>, vector<16xi32>,
        %get3A_356 = arith.index_cast %add3A_278 : i32 to index
        %get3A_357 = arith.constant 64 : index
        %get3A_358 = tpu.vector_load %arg12[%get3A_356, %get3A_357] {strides = array<i32>} : memref<80x128xi32, #tpu.memory_space<vmem>>, vector<1x16xi32>,
        %get3A_359 = vector.shape_cast %get3A_358 : vector<1x16xi32> to vector<16xi32>
        %ge3A_360 = arith.constant 5120 : i32
        %ge3A_361 = vector.broadcast %ge3A_360 : i32 to vector<16xi32>
        %ge3A_362 = arith.cmpi sge, %get3A_359, %ge3A_361 : vector<16xi32>
        %sub3A_363 = arith.constant 5120 : i32
        %sub3A_364 = vector.broadcast %sub3A_363 : i32 to vector<16xi32>
        %sub3A_365 = arith.subi %get3A_359, %sub3A_364 : vector<16xi32>
        %jit3A_366 = arith.constant 5120 : i32
        %broadcast_in_dim3A_367 = vector.broadcast %jit3A_366 : i32 to vector<16xi32>
        %select_n3A_368 = arith.select %ge3A_362, %sub3A_365, %broadcast_in_dim3A_367 : vector<16xi1>, vector<16xi32>
        %swap3A_369 = arith.constant 64 : index
        %swap3A_370 = tpu.vector_load %arg18[%swap3A_369] {strides = array<i32>} : memref<128xi32, #tpu.memory_space<vmem>>, vector<16xi32>,
        %swap3A_371 = vector.shape_cast %swap3A_370 : vector<16xi32> to vector<16xi32>
        %swap3A_372 = vector.shape_cast %select_n3A_368 : vector<16xi32> to vector<16xi32>
        tpu.vector_store %arg18[%swap3A_369], %swap3A_372 {strides = array<i32>} : memref<128xi32, #tpu.memory_space<vmem>>, vector<16xi32>,
        %get3A_373 = arith.index_cast %add3A_278 : i32 to index
        %get3A_374 = arith.constant 80 : index
        %get3A_375 = tpu.vector_load %arg12[%get3A_373, %get3A_374] {strides = array<i32>} : memref<80x128xi32, #tpu.memory_space<vmem>>, vector<1x16xi32>,
        %get3A_376 = vector.shape_cast %get3A_375 : vector<1x16xi32> to vector<16xi32>
        %ge3A_377 = arith.constant 5120 : i32
        %ge3A_378 = vector.broadcast %ge3A_377 : i32 to vector<16xi32>
        %ge3A_379 = arith.cmpi sge, %get3A_376, %ge3A_378 : vector<16xi32>
        %sub3A_380 = arith.constant 5120 : i32
        %sub3A_381 = vector.broadcast %sub3A_380 : i32 to vector<16xi32>
        %sub3A_382 = arith.subi %get3A_376, %sub3A_381 : vector<16xi32>
        %jit3A_383 = arith.constant 5120 : i32
        %broadcast_in_dim3A_384 = vector.broadcast %jit3A_383 : i32 to vector<16xi32>
        %select_n3A_385 = arith.select %ge3A_379, %sub3A_382, %broadcast_in_dim3A_384 : vector<16xi1>, vector<16xi32>
        %swap3A_386 = arith.constant 80 : index
        %swap3A_387 = tpu.vector_load %arg18[%swap3A_386] {strides = array<i32>} : memref<128xi32, #tpu.memory_space<vmem>>, vector<16xi32>,
        %swap3A_388 = vector.shape_cast %swap3A_387 : vector<16xi32> to vector<16xi32>
        %swap3A_389 = vector.shape_cast %select_n3A_385 : vector<16xi32> to vector<16xi32>
        tpu.vector_store %arg18[%swap3A_386], %swap3A_389 {strides = array<i32>} : memref<128xi32, #tpu.memory_space<vmem>>, vector<16xi32>,
        %get3A_390 = arith.index_cast %add3A_278 : i32 to index
        %get3A_391 = arith.constant 96 : index
        %get3A_392 = tpu.vector_load %arg12[%get3A_390, %get3A_391] {strides = array<i32>} : memref<80x128xi32, #tpu.memory_space<vmem>>, vector<1x16xi32>,
        %get3A_393 = vector.shape_cast %get3A_392 : vector<1x16xi32> to vector<16xi32>
        %ge3A_394 = arith.constant 5120 : i32
        %ge3A_395 = vector.broadcast %ge3A_394 : i32 to vector<16xi32>
        %ge3A_396 = arith.cmpi sge, %get3A_393, %ge3A_395 : vector<16xi32>
        %sub3A_397 = arith.constant 5120 : i32
        %sub3A_398 = vector.broadcast %sub3A_397 : i32 to vector<16xi32>
        %sub3A_399 = arith.subi %get3A_393, %sub3A_398 : vector<16xi32>
        %jit3A_400 = arith.constant 5120 : i32
        %broadcast_in_dim3A_401 = vector.broadcast %jit3A_400 : i32 to vector<16xi32>
        %select_n3A_402 = arith.select %ge3A_396, %sub3A_399, %broadcast_in_dim3A_401 : vector<16xi1>, vector<16xi32>
        %swap3A_403 = arith.constant 96 : index
        %swap3A_404 = tpu.vector_load %arg18[%swap3A_403] {strides = array<i32>} : memref<128xi32, #tpu.memory_space<vmem>>, vector<16xi32>,
        %swap3A_405 = vector.shape_cast %swap3A_404 : vector<16xi32> to vector<16xi32>
        %swap3A_406 = vector.shape_cast %select_n3A_402 : vector<16xi32> to vector<16xi32>
        tpu.vector_store %arg18[%swap3A_403], %swap3A_406 {strides = array<i32>} : memref<128xi32, #tpu.memory_space<vmem>>, vector<16xi32>,
        %get3A_407 = arith.index_cast %add3A_278 : i32 to index
        %get3A_408 = arith.constant 112 : index
        %get3A_409 = tpu.vector_load %arg12[%get3A_407, %get3A_408] {strides = array<i32>} : memref<80x128xi32, #tpu.memory_space<vmem>>, vector<1x16xi32>,
        %get3A_410 = vector.shape_cast %get3A_409 : vector<1x16xi32> to vector<16xi32>
        %ge3A_411 = arith.constant 5120 : i32
        %ge3A_412 = vector.broadcast %ge3A_411 : i32 to vector<16xi32>
        %ge3A_413 = arith.cmpi sge, %get3A_410, %ge3A_412 : vector<16xi32>
        %sub3A_414 = arith.constant 5120 : i32
        %sub3A_415 = vector.broadcast %sub3A_414 : i32 to vector<16xi32>
        %sub3A_416 = arith.subi %get3A_410, %sub3A_415 : vector<16xi32>
        %jit3A_417 = arith.constant 5120 : i32
        %broadcast_in_dim3A_418 = vector.broadcast %jit3A_417 : i32 to vector<16xi32>
        %select_n3A_419 = arith.select %ge3A_413, %sub3A_416, %broadcast_in_dim3A_418 : vector<16xi1>, vector<16xi32>
        %swap3A_420 = arith.constant 112 : index
        %swap3A_421 = tpu.vector_load %arg18[%swap3A_420] {strides = array<i32>} : memref<128xi32, #tpu.memory_space<vmem>>, vector<16xi32>,
        %swap3A_422 = vector.shape_cast %swap3A_421 : vector<16xi32> to vector<16xi32>
        %swap3A_423 = vector.shape_cast %select_n3A_419 : vector<16xi32> to vector<16xi32>
        tpu.vector_store %arg18[%swap3A_420], %swap3A_423 {strides = array<i32>} : memref<128xi32, #tpu.memory_space<vmem>>, vector<16xi32>,
        %dma_start3A_424 = arith.constant 0 : i32
        %dma_start3A_425 = arith.constant 0 : i32
        %dma_start3A_426 = tpu.memref_slice %arg29[%dma_start3A_424, %dma_start3A_425] : memref<5248x128xf32, #tpu.memory_space<vmem_shared>> -> memref<5248x128xf32, #tpu.memory_space<vmem_shared>>
        tpu.enqueue_indirect_dma source(%arg14 : memref<128x128xf32, #tpu.memory_space<vmem>>) target(%dma_start3A_426 : memref<5248x128xf32, #tpu.memory_space<vmem_shared>>) offsets(%arg18 : memref<128xi32, #tpu.memory_space<vmem>>) semaphore(%arg26 : memref<!tpu.dma_semaphore, #tpu.memory_space<semaphore_mem>>) {add = true}
        %mul3A_427 = arith.constant 2 : i32
        %mul3A_428 = arith.muli %mul3A_427, %scan3A_129 : i32
        %add3A_429 = arith.constant 0 : i32
        %add3A_430 = arith.addi %mul3A_428, %add3A_429 : i32
        %dma_wait3A_431 = arith.constant 0 : i32
        %dma_wait3A_432 = arith.constant 0 : i32
        %dma_wait3A_433 = tpu.memref_slice %arg29[%dma_wait3A_431, %dma_wait3A_432] : memref<5248x128xf32, #tpu.memory_space<vmem_shared>> -> memref<5248x128xf32, #tpu.memory_space<vmem_shared>>
        tpu.wait_indirect_dma semaphore(%arg25 : memref<!tpu.dma_semaphore, #tpu.memory_space<semaphore_mem>>) src(%arg13 : memref<128x128xf32, #tpu.memory_space<vmem>>) dst(%dma_wait3A_433 : memref<5248x128xf32, #tpu.memory_space<vmem_shared>>)
        %add3A_434 = arith.constant 2 : i32
        %add3A_435 = arith.addi %add3A_430, %add3A_434 : i32
        %lt3A = arith.constant 80 : i32
        %lt3A_436 = arith.cmpi slt, %add3A_435, %lt3A : i32
        %convert_element_type3A_437 = arith.extui %lt3A_436 : i1 to i32
        %cond3A_438 = arith.constant 0 : i32
        %cond3A_439 = arith.cmpi ne, %convert_element_type3A_437, %cond3A_438 : i32
        scf.if %cond3A_439 {
          %add3A_454 = arith.constant 2 : i32
          %add3A_455 = arith.addi %add3A_430, %add3A_454 : i32
          %mul3A_456 = arith.constant 80 : i32
          %mul3A_457 = arith.muli %arg1, %mul3A_456 : i32
          %add3A_458 = arith.addi %mul3A_457, %add3A_455 : i32
          %mul3A_459 = arith.constant 128 : i32
          %mul3A_460 = arith.muli %add3A_458, %mul3A_459 : i32
          %dma_start3A_461 = arith.constant 0 : i32
          %dma_start3A_462 = tpu.memref_slice %arg5[%mul3A_460, %dma_start3A_461] : memref<163840x128xf32, #tpu.memory_space<hbm>> -> memref<128x128xf32, #tpu.memory_space<hbm>>
          %dma_start3A_463 = arith.constant 0 : i32
          %dma_start3A_464 = tpu.memref_slice %arg5[%mul3A_460, %dma_start3A_463] : memref<163840x128xf32, #tpu.memory_space<hbm>> -> memref<128x128xf32, #tpu.memory_space<hbm>>
          tpu.enqueue_dma source(%dma_start3A_464 : memref<128x128xf32, #tpu.memory_space<hbm>>) target(%arg13 : memref<128x128xf32, #tpu.memory_space<vmem>>) target_semaphore(%arg21 : memref<!tpu.dma_semaphore, #tpu.memory_space<semaphore_mem>>)
        } else {
        }
        %mul3A_440 = arith.constant 2 : i32
        %mul3A_441 = arith.muli %mul3A_440, %scan3A_129 : i32
        %add3A_442 = arith.constant 1 : i32
        %add3A_443 = arith.addi %mul3A_441, %add3A_442 : i32
        %dma_wait3A_444 = arith.constant 0 : i32
        %dma_wait3A_445 = arith.constant 0 : i32
        %dma_wait3A_446 = tpu.memref_slice %arg29[%dma_wait3A_444, %dma_wait3A_445] : memref<5248x128xf32, #tpu.memory_space<vmem_shared>> -> memref<5248x128xf32, #tpu.memory_space<vmem_shared>>
        tpu.wait_indirect_dma semaphore(%arg26 : memref<!tpu.dma_semaphore, #tpu.memory_space<semaphore_mem>>) src(%arg14 : memref<128x128xf32, #tpu.memory_space<vmem>>) dst(%dma_wait3A_446 : memref<5248x128xf32, #tpu.memory_space<vmem_shared>>)
        %add3A_447 = arith.constant 2 : i32
        %add3A_448 = arith.addi %add3A_443, %add3A_447 : i32
        %lt3A_449 = arith.constant 80 : i32
        %lt3A_450 = arith.cmpi slt, %add3A_448, %lt3A_449 : i32
        %convert_element_type3A_451 = arith.extui %lt3A_450 : i1 to i32
        %cond3A_452 = arith.constant 0 : i32
        %cond3A_453 = arith.cmpi ne, %convert_element_type3A_451, %cond3A_452 : i32
        scf.if %cond3A_453 {
          %add3A_454 = arith.constant 2 : i32
          %add3A_455 = arith.addi %add3A_443, %add3A_454 : i32
          %mul3A_456 = arith.constant 80 : i32
          %mul3A_457 = arith.muli %arg1, %mul3A_456 : i32
          %add3A_458 = arith.addi %mul3A_457, %add3A_455 : i32
          %mul3A_459 = arith.constant 128 : i32
          %mul3A_460 = arith.muli %add3A_458, %mul3A_459 : i32
          %dma_start3A_461 = arith.constant 0 : i32
          %dma_start3A_462 = tpu.memref_slice %arg5[%mul3A_460, %dma_start3A_461] : memref<163840x128xf32, #tpu.memory_space<hbm>> -> memref<128x128xf32, #tpu.memory_space<hbm>>
          %dma_start3A_463 = arith.constant 0 : i32
          %dma_start3A_464 = tpu.memref_slice %arg5[%mul3A_460, %dma_start3A_463] : memref<163840x128xf32, #tpu.memory_space<hbm>> -> memref<128x128xf32, #tpu.memory_space<hbm>>
          tpu.enqueue_dma source(%dma_start3A_464 : memref<128x128xf32, #tpu.memory_space<hbm>>) target(%arg14 : memref<128x128xf32, #tpu.memory_space<vmem>>) target_semaphore(%arg22 : memref<!tpu.dma_semaphore, #tpu.memory_space<semaphore_mem>>)
        } else {
        }
      }
      %scan3A_121 = arith.constant 40 : i32
      %barrier3A_122 = arith.constant 0 : index
      tpu.barrier barrier_id(%barrier3A_122)
      %mul3A_123 = arith.constant 320 : i32
      %mul3A_124 = arith.muli %arg1, %mul3A_123 : i32
      %mul3A_125 = arith.constant 320 : i32
      %mul3A_126 = arith.muli %arg1, %mul3A_125 : i32
      %add3A_127 = arith.constant 5120 : i32
      %add3A_128 = arith.addi %add3A_127, %mul3A_126 : i32
      "tpu.region"() ({
        %run_scoped3A = tpu.sem_alloc : memref<!tpu.dma_semaphore, #tpu.memory_space<semaphore_mem>>
        %dma_start3A_129 = arith.constant 0 : i32
        %dma_start3A_130 = tpu.memref_slice %arg10[%add3A_128, %dma_start3A_129] : memref<10240x128xf32, #tpu.memory_space<hbm>> -> memref<320x128xf32, #tpu.memory_space<hbm>>
        %dma_start3A_131 = arith.constant 0 : i32
        %dma_start3A_132 = tpu.memref_slice %arg29[%mul3A_124, %dma_start3A_131] : memref<5248x128xf32, #tpu.memory_space<vmem_shared>> -> memref<320x128xf32, #tpu.memory_space<vmem_shared>>
        tpu.enqueue_dma source(%dma_start3A_132 : memref<320x128xf32, #tpu.memory_space<vmem_shared>>) target(%dma_start3A_130 : memref<320x128xf32, #tpu.memory_space<hbm>>) target_semaphore(%run_scoped3A : memref<!tpu.dma_semaphore, #tpu.memory_space<semaphore_mem>>)
        %dma_wait3A = arith.constant 0 : i32
        %dma_wait3A_133 = tpu.memref_slice %arg10[%add3A_128, %dma_wait3A] : memref<10240x128xf32, #tpu.memory_space<hbm>> -> memref<320x128xf32, #tpu.memory_space<hbm>>
        %dma_wait3A_134 = arith.constant 0 : i32
        %dma_wait3A_135 = tpu.memref_slice %arg29[%mul3A_124, %dma_wait3A_134] : memref<5248x128xf32, #tpu.memory_space<vmem_shared>> -> memref<320x128xf32, #tpu.memory_space<vmem_shared>>
        tpu.wait_dma2 semaphore(%run_scoped3A : memref<!tpu.dma_semaphore, #tpu.memory_space<semaphore_mem>>) src(%dma_wait3A_135 : memref<320x128xf32, #tpu.memory_space<vmem_shared>>) dst(%dma_wait3A_133 : memref<320x128xf32, #tpu.memory_space<hbm>>)
        tpu.yield
      }) : () -> ()
    } else {
    }
    return
  }
}

#map = affine_map<(d0, d1) -> (0, 0)>
module attributes {stable_mosaic.version = 14 : i64} {
  func.func @_sc_gather(%arg0: i32, %arg1: i32, %arg2: memref<10000x128xf32, #tpu.memory_space<hbm>>, %arg3: memref<10000x128xf32, #tpu.memory_space<hbm>>, %arg4: memref<1280x128xi32, #tpu.memory_space<hbm>>, %arg5: memref<1280x128xi32, #tpu.memory_space<hbm>>, %arg6: memref<10000x128xf32, #tpu.memory_space<hbm>>, %arg7: memref<10000x128xf32, #tpu.memory_space<hbm>>, %arg8: memref<1280x128xi32, #tpu.memory_space<hbm>>, %arg9: memref<1280x128xi32, #tpu.memory_space<hbm>>, %arg10: memref<163840x128xf32, #tpu.memory_space<hbm>>, %arg11: memref<163840x128xf32, #tpu.memory_space<hbm>>, %arg12: memref<163840x128xf32, #tpu.memory_space<hbm>>, %arg13: memref<163840x128xf32, #tpu.memory_space<hbm>>, %arg14: memref<80x128xi32, #tpu.memory_space<vmem>>, %arg15: memref<80x128xi32, #tpu.memory_space<vmem>>, %arg16: memref<128x128xf32, #tpu.memory_space<vmem>>, %arg17: memref<128x128xf32, #tpu.memory_space<vmem>>, %arg18: memref<128x128xf32, #tpu.memory_space<vmem>>, %arg19: memref<128x128xf32, #tpu.memory_space<vmem>>, %arg20: memref<!tpu.dma_semaphore, #tpu.memory_space<semaphore_mem>>, %arg21: memref<!tpu.dma_semaphore, #tpu.memory_space<semaphore_mem>>, %arg22: memref<!tpu.dma_semaphore, #tpu.memory_space<semaphore_mem>>, %arg23: memref<!tpu.dma_semaphore, #tpu.memory_space<semaphore_mem>>, %arg24: memref<!tpu.dma_semaphore, #tpu.memory_space<semaphore_mem>>, %arg25: memref<!tpu.dma_semaphore, #tpu.memory_space<semaphore_mem>>, %arg26: memref<!tpu.dma_semaphore, #tpu.memory_space<semaphore_mem>>, %arg27: memref<!tpu.dma_semaphore, #tpu.memory_space<semaphore_mem>>) attributes {dimension_semantics = [#tpu.dimension_semantics<core_parallel>, #tpu.dimension_semantics<subcore_parallel>], iteration_bounds = array<i64: 2, 16>, scalar_prefetch = 0 : i64, scratch_operands = 14 : i64, tpu.core_type = #tpu.core_type<sc_vector_subcore>, window_params = [{transform_indices = #map}, {transform_indices = #map}, {transform_indices = #map}, {transform_indices = #map}, {transform_indices = #map}, {transform_indices = #map}, {transform_indices = #map}, {transform_indices = #map}, {transform_indices = #map}, {transform_indices = #map}, {transform_indices = #map}, {transform_indices = #map}]} {
    %eq3A = arith.constant 0 : i32
    %eq3A_0 = arith.cmpi eq, %arg0, %eq3A : i32
    %convert_element_type3A = arith.extui %eq3A_0 : i1 to i32
    %cond3A = arith.constant 0 : i32
    %cond3A_1 = arith.cmpi ne, %convert_element_type3A, %cond3A : i32
    scf.if %cond3A_1 {
      %mul3A = arith.constant 80 : i32
      %mul3A_7 = arith.muli %arg1, %mul3A : i32
      "tpu.region"() ({
        %run_scoped3A = tpu.sem_alloc : memref<!tpu.dma_semaphore, #tpu.memory_space<semaphore_mem>>
        %dma_start3A_42 = arith.constant 0 : i32
        %dma_start3A_43 = tpu.memref_slice %arg4[%mul3A_7, %dma_start3A_42] : memref<1280x128xi32, #tpu.memory_space<hbm>> -> memref<80x128xi32, #tpu.memory_space<hbm>>
        %dma_start3A_44 = arith.constant 0 : i32
        %dma_start3A_45 = tpu.memref_slice %arg4[%mul3A_7, %dma_start3A_44] : memref<1280x128xi32, #tpu.memory_space<hbm>> -> memref<80x128xi32, #tpu.memory_space<hbm>>
        tpu.enqueue_dma source(%dma_start3A_45 : memref<80x128xi32, #tpu.memory_space<hbm>>) target(%arg14 : memref<80x128xi32, #tpu.memory_space<vmem>>) target_semaphore(%run_scoped3A : memref<!tpu.dma_semaphore, #tpu.memory_space<semaphore_mem>>)
        %dma_wait3A = arith.constant 0 : i32
        %dma_wait3A_46 = tpu.memref_slice %arg4[%mul3A_7, %dma_wait3A] : memref<1280x128xi32, #tpu.memory_space<hbm>> -> memref<80x128xi32, #tpu.memory_space<hbm>>
        %dma_wait3A_47 = arith.constant 0 : i32
        %dma_wait3A_48 = tpu.memref_slice %arg4[%mul3A_7, %dma_wait3A_47] : memref<1280x128xi32, #tpu.memory_space<hbm>> -> memref<80x128xi32, #tpu.memory_space<hbm>>
        tpu.wait_dma2 semaphore(%run_scoped3A : memref<!tpu.dma_semaphore, #tpu.memory_space<semaphore_mem>>) src(%dma_wait3A_48 : memref<80x128xi32, #tpu.memory_space<hbm>>) dst(%arg14 : memref<80x128xi32, #tpu.memory_space<vmem>>)
        tpu.yield
      }) : () -> ()
      %mul3A_8 = arith.constant 80 : i32
      %mul3A_9 = arith.muli %arg1, %mul3A_8 : i32
      "tpu.region"() ({
        %run_scoped3A = tpu.sem_alloc : memref<!tpu.dma_semaphore, #tpu.memory_space<semaphore_mem>>
        %dma_start3A_42 = arith.constant 0 : i32
        %dma_start3A_43 = tpu.memref_slice %arg5[%mul3A_9, %dma_start3A_42] : memref<1280x128xi32, #tpu.memory_space<hbm>> -> memref<80x128xi32, #tpu.memory_space<hbm>>
        %dma_start3A_44 = arith.constant 0 : i32
        %dma_start3A_45 = tpu.memref_slice %arg5[%mul3A_9, %dma_start3A_44] : memref<1280x128xi32, #tpu.memory_space<hbm>> -> memref<80x128xi32, #tpu.memory_space<hbm>>
        tpu.enqueue_dma source(%dma_start3A_45 : memref<80x128xi32, #tpu.memory_space<hbm>>) target(%arg15 : memref<80x128xi32, #tpu.memory_space<vmem>>) target_semaphore(%run_scoped3A : memref<!tpu.dma_semaphore, #tpu.memory_space<semaphore_mem>>)
        %dma_wait3A = arith.constant 0 : i32
        %dma_wait3A_46 = tpu.memref_slice %arg5[%mul3A_9, %dma_wait3A] : memref<1280x128xi32, #tpu.memory_space<hbm>> -> memref<80x128xi32, #tpu.memory_space<hbm>>
        %dma_wait3A_47 = arith.constant 0 : i32
        %dma_wait3A_48 = tpu.memref_slice %arg5[%mul3A_9, %dma_wait3A_47] : memref<1280x128xi32, #tpu.memory_space<hbm>> -> memref<80x128xi32, #tpu.memory_space<hbm>>
        tpu.wait_dma2 semaphore(%run_scoped3A : memref<!tpu.dma_semaphore, #tpu.memory_space<semaphore_mem>>) src(%dma_wait3A_48 : memref<80x128xi32, #tpu.memory_space<hbm>>) dst(%arg15 : memref<80x128xi32, #tpu.memory_space<vmem>>)
        tpu.yield
      }) : () -> ()
      %dma_start3A = arith.constant 0 : i32
      %dma_start3A_10 = arith.constant 0 : i32
      %dma_start3A_11 = tpu.memref_slice %arg14[%dma_start3A, %dma_start3A_10] : memref<80x128xi32, #tpu.memory_space<vmem>> -> memref<1x128xi32, #tpu.memory_space<vmem>>
      %dma_start3A_12 = tpu.memref_squeeze %dma_start3A_11 : memref<1x128xi32, #tpu.memory_space<vmem>> -> memref<128xi32, #tpu.memory_space<vmem>>
      %dma_start3A_13 = arith.constant 0 : i32
      %dma_start3A_14 = arith.constant 0 : i32
      %dma_start3A_15 = tpu.memref_slice %arg2[%dma_start3A_13, %dma_start3A_14] : memref<10000x128xf32, #tpu.memory_space<hbm>> -> memref<10000x128xf32, #tpu.memory_space<hbm>>
      tpu.enqueue_indirect_dma source(%dma_start3A_15 : memref<10000x128xf32, #tpu.memory_space<hbm>>) target(%arg16 : memref<128x128xf32, #tpu.memory_space<vmem>>) offsets(%dma_start3A_12 : memref<128xi32, #tpu.memory_space<vmem>>) semaphore(%arg20 : memref<!tpu.dma_semaphore, #tpu.memory_space<semaphore_mem>>)
      %dma_start3A_16 = arith.constant 0 : i32
      %dma_start3A_17 = arith.constant 0 : i32
      %dma_start3A_18 = tpu.memref_slice %arg15[%dma_start3A_16, %dma_start3A_17] : memref<80x128xi32, #tpu.memory_space<vmem>> -> memref<1x128xi32, #tpu.memory_space<vmem>>
      %dma_start3A_19 = tpu.memref_squeeze %dma_start3A_18 : memref<1x128xi32, #tpu.memory_space<vmem>> -> memref<128xi32, #tpu.memory_space<vmem>>
      %dma_start3A_20 = arith.constant 0 : i32
      %dma_start3A_21 = arith.constant 0 : i32
      %dma_start3A_22 = tpu.memref_slice %arg3[%dma_start3A_20, %dma_start3A_21] : memref<10000x128xf32, #tpu.memory_space<hbm>> -> memref<10000x128xf32, #tpu.memory_space<hbm>>
      tpu.enqueue_indirect_dma source(%dma_start3A_22 : memref<10000x128xf32, #tpu.memory_space<hbm>>) target(%arg17 : memref<128x128xf32, #tpu.memory_space<vmem>>) offsets(%dma_start3A_19 : memref<128xi32, #tpu.memory_space<vmem>>) semaphore(%arg21 : memref<!tpu.dma_semaphore, #tpu.memory_space<semaphore_mem>>)
      %dma_start3A_23 = arith.constant 1 : i32
      %dma_start3A_24 = arith.constant 0 : i32
      %dma_start3A_25 = tpu.memref_slice %arg14[%dma_start3A_23, %dma_start3A_24] : memref<80x128xi32, #tpu.memory_space<vmem>> -> memref<1x128xi32, #tpu.memory_space<vmem>>
      %dma_start3A_26 = tpu.memref_squeeze %dma_start3A_25 : memref<1x128xi32, #tpu.memory_space<vmem>> -> memref<128xi32, #tpu.memory_space<vmem>>
      %dma_start3A_27 = arith.constant 0 : i32
      %dma_start3A_28 = arith.constant 0 : i32
      %dma_start3A_29 = tpu.memref_slice %arg2[%dma_start3A_27, %dma_start3A_28] : memref<10000x128xf32, #tpu.memory_space<hbm>> -> memref<10000x128xf32, #tpu.memory_space<hbm>>
      tpu.enqueue_indirect_dma source(%dma_start3A_29 : memref<10000x128xf32, #tpu.memory_space<hbm>>) target(%arg18 : memref<128x128xf32, #tpu.memory_space<vmem>>) offsets(%dma_start3A_26 : memref<128xi32, #tpu.memory_space<vmem>>) semaphore(%arg22 : memref<!tpu.dma_semaphore, #tpu.memory_space<semaphore_mem>>)
      %dma_start3A_30 = arith.constant 1 : i32
      %dma_start3A_31 = arith.constant 0 : i32
      %dma_start3A_32 = tpu.memref_slice %arg15[%dma_start3A_30, %dma_start3A_31] : memref<80x128xi32, #tpu.memory_space<vmem>> -> memref<1x128xi32, #tpu.memory_space<vmem>>
      %dma_start3A_33 = tpu.memref_squeeze %dma_start3A_32 : memref<1x128xi32, #tpu.memory_space<vmem>> -> memref<128xi32, #tpu.memory_space<vmem>>
      %dma_start3A_34 = arith.constant 0 : i32
      %dma_start3A_35 = arith.constant 0 : i32
      %dma_start3A_36 = tpu.memref_slice %arg3[%dma_start3A_34, %dma_start3A_35] : memref<10000x128xf32, #tpu.memory_space<hbm>> -> memref<10000x128xf32, #tpu.memory_space<hbm>>
      tpu.enqueue_indirect_dma source(%dma_start3A_36 : memref<10000x128xf32, #tpu.memory_space<hbm>>) target(%arg19 : memref<128x128xf32, #tpu.memory_space<vmem>>) offsets(%dma_start3A_33 : memref<128xi32, #tpu.memory_space<vmem>>) semaphore(%arg23 : memref<!tpu.dma_semaphore, #tpu.memory_space<semaphore_mem>>)
      %scan3A = arith.constant 0 : i32
      %scan3A_37 = arith.constant 0 : i32
      %scan3A_38 = arith.constant 40 : i32
      %scan3A_39 = arith.addi %scan3A_37, %scan3A_38 : i32
      %scan3A_40 = arith.constant 1 : i32
      scf.for %scan3A_42 = %scan3A_37 to %scan3A_39 step %scan3A_40  : i32 {
        %mul3A_43 = arith.constant 2 : i32
        %mul3A_44 = arith.muli %mul3A_43, %scan3A_42 : i32
        %add3A = arith.constant 0 : i32
        %add3A_45 = arith.addi %mul3A_44, %add3A : i32
        %dma_wait3A = arith.constant 0 : i32
        %dma_wait3A_46 = tpu.memref_slice %arg14[%add3A_45, %dma_wait3A] : memref<80x128xi32, #tpu.memory_space<vmem>> -> memref<1x128xi32, #tpu.memory_space<vmem>>
        %dma_wait3A_47 = tpu.memref_squeeze %dma_wait3A_46 : memref<1x128xi32, #tpu.memory_space<vmem>> -> memref<128xi32, #tpu.memory_space<vmem>>
        %dma_wait3A_48 = arith.constant 0 : i32
        %dma_wait3A_49 = arith.constant 0 : i32
        %dma_wait3A_50 = tpu.memref_slice %arg2[%dma_wait3A_48, %dma_wait3A_49] : memref<10000x128xf32, #tpu.memory_space<hbm>> -> memref<10000x128xf32, #tpu.memory_space<hbm>>
        tpu.wait_indirect_dma semaphore(%arg20 : memref<!tpu.dma_semaphore, #tpu.memory_space<semaphore_mem>>) src(%dma_wait3A_50 : memref<10000x128xf32, #tpu.memory_space<hbm>>) dst(%arg16 : memref<128x128xf32, #tpu.memory_space<vmem>>)
        %mul3A_51 = arith.constant 80 : i32
        %mul3A_52 = arith.muli %arg1, %mul3A_51 : i32
        %add3A_53 = arith.addi %mul3A_52, %add3A_45 : i32
        %mul3A_54 = arith.constant 128 : i32
        %mul3A_55 = arith.muli %add3A_53, %mul3A_54 : i32
        %dma_start3A_56 = arith.constant 0 : i32
        %dma_start3A_57 = tpu.memref_slice %arg10[%mul3A_55, %dma_start3A_56] : memref<163840x128xf32, #tpu.memory_space<hbm>> -> memref<128x128xf32, #tpu.memory_space<hbm>>
        %dma_start3A_58 = arith.constant 0 : i32
        %dma_start3A_59 = tpu.memref_slice %arg10[%mul3A_55, %dma_start3A_58] : memref<163840x128xf32, #tpu.memory_space<hbm>> -> memref<128x128xf32, #tpu.memory_space<hbm>>
        tpu.enqueue_dma source(%arg16 : memref<128x128xf32, #tpu.memory_space<vmem>>) target(%dma_start3A_59 : memref<128x128xf32, #tpu.memory_space<hbm>>) target_semaphore(%arg24 : memref<!tpu.dma_semaphore, #tpu.memory_space<semaphore_mem>>)
        %dma_wait3A_60 = arith.constant 0 : i32
        %dma_wait3A_61 = tpu.memref_slice %arg15[%add3A_45, %dma_wait3A_60] : memref<80x128xi32, #tpu.memory_space<vmem>> -> memref<1x128xi32, #tpu.memory_space<vmem>>
        %dma_wait3A_62 = tpu.memref_squeeze %dma_wait3A_61 : memref<1x128xi32, #tpu.memory_space<vmem>> -> memref<128xi32, #tpu.memory_space<vmem>>
        %dma_wait3A_63 = arith.constant 0 : i32
        %dma_wait3A_64 = arith.constant 0 : i32
        %dma_wait3A_65 = tpu.memref_slice %arg3[%dma_wait3A_63, %dma_wait3A_64] : memref<10000x128xf32, #tpu.memory_space<hbm>> -> memref<10000x128xf32, #tpu.memory_space<hbm>>
        tpu.wait_indirect_dma semaphore(%arg21 : memref<!tpu.dma_semaphore, #tpu.memory_space<semaphore_mem>>) src(%dma_wait3A_65 : memref<10000x128xf32, #tpu.memory_space<hbm>>) dst(%arg17 : memref<128x128xf32, #tpu.memory_space<vmem>>)
        %mul3A_66 = arith.constant 80 : i32
        %mul3A_67 = arith.muli %arg1, %mul3A_66 : i32
        %add3A_68 = arith.addi %mul3A_67, %add3A_45 : i32
        %mul3A_69 = arith.constant 128 : i32
        %mul3A_70 = arith.muli %add3A_68, %mul3A_69 : i32
        %dma_start3A_71 = arith.constant 0 : i32
        %dma_start3A_72 = tpu.memref_slice %arg11[%mul3A_70, %dma_start3A_71] : memref<163840x128xf32, #tpu.memory_space<hbm>> -> memref<128x128xf32, #tpu.memory_space<hbm>>
        %dma_start3A_73 = arith.constant 0 : i32
        %dma_start3A_74 = tpu.memref_slice %arg11[%mul3A_70, %dma_start3A_73] : memref<163840x128xf32, #tpu.memory_space<hbm>> -> memref<128x128xf32, #tpu.memory_space<hbm>>
        tpu.enqueue_dma source(%arg17 : memref<128x128xf32, #tpu.memory_space<vmem>>) target(%dma_start3A_74 : memref<128x128xf32, #tpu.memory_space<hbm>>) target_semaphore(%arg25 : memref<!tpu.dma_semaphore, #tpu.memory_space<semaphore_mem>>)
        %mul3A_75 = arith.constant 2 : i32
        %mul3A_76 = arith.muli %mul3A_75, %scan3A_42 : i32
        %add3A_77 = arith.constant 1 : i32
        %add3A_78 = arith.addi %mul3A_76, %add3A_77 : i32
        %dma_wait3A_79 = arith.constant 0 : i32
        %dma_wait3A_80 = tpu.memref_slice %arg14[%add3A_78, %dma_wait3A_79] : memref<80x128xi32, #tpu.memory_space<vmem>> -> memref<1x128xi32, #tpu.memory_space<vmem>>
        %dma_wait3A_81 = tpu.memref_squeeze %dma_wait3A_80 : memref<1x128xi32, #tpu.memory_space<vmem>> -> memref<128xi32, #tpu.memory_space<vmem>>
        %dma_wait3A_82 = arith.constant 0 : i32
        %dma_wait3A_83 = arith.constant 0 : i32
        %dma_wait3A_84 = tpu.memref_slice %arg2[%dma_wait3A_82, %dma_wait3A_83] : memref<10000x128xf32, #tpu.memory_space<hbm>> -> memref<10000x128xf32, #tpu.memory_space<hbm>>
        tpu.wait_indirect_dma semaphore(%arg22 : memref<!tpu.dma_semaphore, #tpu.memory_space<semaphore_mem>>) src(%dma_wait3A_84 : memref<10000x128xf32, #tpu.memory_space<hbm>>) dst(%arg18 : memref<128x128xf32, #tpu.memory_space<vmem>>)
        %mul3A_85 = arith.constant 80 : i32
        %mul3A_86 = arith.muli %arg1, %mul3A_85 : i32
        %add3A_87 = arith.addi %mul3A_86, %add3A_78 : i32
        %mul3A_88 = arith.constant 128 : i32
        %mul3A_89 = arith.muli %add3A_87, %mul3A_88 : i32
        %dma_start3A_90 = arith.constant 0 : i32
        %dma_start3A_91 = tpu.memref_slice %arg10[%mul3A_89, %dma_start3A_90] : memref<163840x128xf32, #tpu.memory_space<hbm>> -> memref<128x128xf32, #tpu.memory_space<hbm>>
        %dma_start3A_92 = arith.constant 0 : i32
        %dma_start3A_93 = tpu.memref_slice %arg10[%mul3A_89, %dma_start3A_92] : memref<163840x128xf32, #tpu.memory_space<hbm>> -> memref<128x128xf32, #tpu.memory_space<hbm>>
        tpu.enqueue_dma source(%arg18 : memref<128x128xf32, #tpu.memory_space<vmem>>) target(%dma_start3A_93 : memref<128x128xf32, #tpu.memory_space<hbm>>) target_semaphore(%arg26 : memref<!tpu.dma_semaphore, #tpu.memory_space<semaphore_mem>>)
        %dma_wait3A_94 = arith.constant 0 : i32
        %dma_wait3A_95 = tpu.memref_slice %arg15[%add3A_78, %dma_wait3A_94] : memref<80x128xi32, #tpu.memory_space<vmem>> -> memref<1x128xi32, #tpu.memory_space<vmem>>
        %dma_wait3A_96 = tpu.memref_squeeze %dma_wait3A_95 : memref<1x128xi32, #tpu.memory_space<vmem>> -> memref<128xi32, #tpu.memory_space<vmem>>
        %dma_wait3A_97 = arith.constant 0 : i32
        %dma_wait3A_98 = arith.constant 0 : i32
        %dma_wait3A_99 = tpu.memref_slice %arg3[%dma_wait3A_97, %dma_wait3A_98] : memref<10000x128xf32, #tpu.memory_space<hbm>> -> memref<10000x128xf32, #tpu.memory_space<hbm>>
        tpu.wait_indirect_dma semaphore(%arg23 : memref<!tpu.dma_semaphore, #tpu.memory_space<semaphore_mem>>) src(%dma_wait3A_99 : memref<10000x128xf32, #tpu.memory_space<hbm>>) dst(%arg19 : memref<128x128xf32, #tpu.memory_space<vmem>>)
        %mul3A_100 = arith.constant 80 : i32
        %mul3A_101 = arith.muli %arg1, %mul3A_100 : i32
        %add3A_102 = arith.addi %mul3A_101, %add3A_78 : i32
        %mul3A_103 = arith.constant 128 : i32
        %mul3A_104 = arith.muli %add3A_102, %mul3A_103 : i32
        %dma_start3A_105 = arith.constant 0 : i32
        %dma_start3A_106 = tpu.memref_slice %arg11[%mul3A_104, %dma_start3A_105] : memref<163840x128xf32, #tpu.memory_space<hbm>> -> memref<128x128xf32, #tpu.memory_space<hbm>>
        %dma_start3A_107 = arith.constant 0 : i32
        %dma_start3A_108 = tpu.memref_slice %arg11[%mul3A_104, %dma_start3A_107] : memref<163840x128xf32, #tpu.memory_space<hbm>> -> memref<128x128xf32, #tpu.memory_space<hbm>>
        tpu.enqueue_dma source(%arg19 : memref<128x128xf32, #tpu.memory_space<vmem>>) target(%dma_start3A_108 : memref<128x128xf32, #tpu.memory_space<hbm>>) target_semaphore(%arg27 : memref<!tpu.dma_semaphore, #tpu.memory_space<semaphore_mem>>)
        %mul3A_109 = arith.constant 2 : i32
        %mul3A_110 = arith.muli %mul3A_109, %scan3A_42 : i32
        %add3A_111 = arith.constant 0 : i32
        %add3A_112 = arith.addi %mul3A_110, %add3A_111 : i32
        %mul3A_113 = arith.constant 80 : i32
        %mul3A_114 = arith.muli %arg1, %mul3A_113 : i32
        %add3A_115 = arith.addi %mul3A_114, %add3A_112 : i32
        %mul3A_116 = arith.constant 128 : i32
        %mul3A_117 = arith.muli %add3A_115, %mul3A_116 : i32
        %dma_wait3A_118 = arith.constant 0 : i32
        %dma_wait3A_119 = tpu.memref_slice %arg10[%mul3A_117, %dma_wait3A_118] : memref<163840x128xf32, #tpu.memory_space<hbm>> -> memref<128x128xf32, #tpu.memory_space<hbm>>
        %dma_wait3A_120 = arith.constant 0 : i32
        %dma_wait3A_121 = tpu.memref_slice %arg10[%mul3A_117, %dma_wait3A_120] : memref<163840x128xf32, #tpu.memory_space<hbm>> -> memref<128x128xf32, #tpu.memory_space<hbm>>
        tpu.wait_dma2 semaphore(%arg24 : memref<!tpu.dma_semaphore, #tpu.memory_space<semaphore_mem>>) src(%arg16 : memref<128x128xf32, #tpu.memory_space<vmem>>) dst(%dma_wait3A_121 : memref<128x128xf32, #tpu.memory_space<hbm>>)
        %add3A_122 = arith.constant 2 : i32
        %add3A_123 = arith.addi %add3A_112, %add3A_122 : i32
        %lt3A = arith.constant 80 : i32
        %lt3A_124 = arith.cmpi slt, %add3A_123, %lt3A : i32
        %convert_element_type3A_125 = arith.extui %lt3A_124 : i1 to i32
        %cond3A_126 = arith.constant 0 : i32
        %cond3A_127 = arith.cmpi ne, %convert_element_type3A_125, %cond3A_126 : i32
        scf.if %cond3A_127 {
          %add3A_180 = arith.constant 2 : i32
          %add3A_181 = arith.addi %add3A_112, %add3A_180 : i32
          %dma_start3A_182 = arith.constant 0 : i32
          %dma_start3A_183 = tpu.memref_slice %arg14[%add3A_181, %dma_start3A_182] : memref<80x128xi32, #tpu.memory_space<vmem>> -> memref<1x128xi32, #tpu.memory_space<vmem>>
          %dma_start3A_184 = tpu.memref_squeeze %dma_start3A_183 : memref<1x128xi32, #tpu.memory_space<vmem>> -> memref<128xi32, #tpu.memory_space<vmem>>
          %dma_start3A_185 = arith.constant 0 : i32
          %dma_start3A_186 = arith.constant 0 : i32
          %dma_start3A_187 = tpu.memref_slice %arg2[%dma_start3A_185, %dma_start3A_186] : memref<10000x128xf32, #tpu.memory_space<hbm>> -> memref<10000x128xf32, #tpu.memory_space<hbm>>
          tpu.enqueue_indirect_dma source(%dma_start3A_187 : memref<10000x128xf32, #tpu.memory_space<hbm>>) target(%arg16 : memref<128x128xf32, #tpu.memory_space<vmem>>) offsets(%dma_start3A_184 : memref<128xi32, #tpu.memory_space<vmem>>) semaphore(%arg20 : memref<!tpu.dma_semaphore, #tpu.memory_space<semaphore_mem>>)
        } else {
        }
        %mul3A_128 = arith.constant 80 : i32
        %mul3A_129 = arith.muli %arg1, %mul3A_128 : i32
        %add3A_130 = arith.addi %mul3A_129, %add3A_112 : i32
        %mul3A_131 = arith.constant 128 : i32
        %mul3A_132 = arith.muli %add3A_130, %mul3A_131 : i32
        %dma_wait3A_133 = arith.constant 0 : i32
        %dma_wait3A_134 = tpu.memref_slice %arg11[%mul3A_132, %dma_wait3A_133] : memref<163840x128xf32, #tpu.memory_space<hbm>> -> memref<128x128xf32, #tpu.memory_space<hbm>>
        %dma_wait3A_135 = arith.constant 0 : i32
        %dma_wait3A_136 = tpu.memref_slice %arg11[%mul3A_132, %dma_wait3A_135] : memref<163840x128xf32, #tpu.memory_space<hbm>> -> memref<128x128xf32, #tpu.memory_space<hbm>>
        tpu.wait_dma2 semaphore(%arg25 : memref<!tpu.dma_semaphore, #tpu.memory_space<semaphore_mem>>) src(%arg17 : memref<128x128xf32, #tpu.memory_space<vmem>>) dst(%dma_wait3A_136 : memref<128x128xf32, #tpu.memory_space<hbm>>)
        %add3A_137 = arith.constant 2 : i32
        %add3A_138 = arith.addi %add3A_112, %add3A_137 : i32
        %lt3A_139 = arith.constant 80 : i32
        %lt3A_140 = arith.cmpi slt, %add3A_138, %lt3A_139 : i32
        %convert_element_type3A_141 = arith.extui %lt3A_140 : i1 to i32
        %cond3A_142 = arith.constant 0 : i32
        %cond3A_143 = arith.cmpi ne, %convert_element_type3A_141, %cond3A_142 : i32
        scf.if %cond3A_143 {
          %add3A_180 = arith.constant 2 : i32
          %add3A_181 = arith.addi %add3A_112, %add3A_180 : i32
          %dma_start3A_182 = arith.constant 0 : i32
          %dma_start3A_183 = tpu.memref_slice %arg15[%add3A_181, %dma_start3A_182] : memref<80x128xi32, #tpu.memory_space<vmem>> -> memref<1x128xi32, #tpu.memory_space<vmem>>
          %dma_start3A_184 = tpu.memref_squeeze %dma_start3A_183 : memref<1x128xi32, #tpu.memory_space<vmem>> -> memref<128xi32, #tpu.memory_space<vmem>>
          %dma_start3A_185 = arith.constant 0 : i32
          %dma_start3A_186 = arith.constant 0 : i32
          %dma_start3A_187 = tpu.memref_slice %arg3[%dma_start3A_185, %dma_start3A_186] : memref<10000x128xf32, #tpu.memory_space<hbm>> -> memref<10000x128xf32, #tpu.memory_space<hbm>>
          tpu.enqueue_indirect_dma source(%dma_start3A_187 : memref<10000x128xf32, #tpu.memory_space<hbm>>) target(%arg17 : memref<128x128xf32, #tpu.memory_space<vmem>>) offsets(%dma_start3A_184 : memref<128xi32, #tpu.memory_space<vmem>>) semaphore(%arg21 : memref<!tpu.dma_semaphore, #tpu.memory_space<semaphore_mem>>)
        } else {
        }
        %mul3A_144 = arith.constant 2 : i32
        %mul3A_145 = arith.muli %mul3A_144, %scan3A_42 : i32
        %add3A_146 = arith.constant 1 : i32
        %add3A_147 = arith.addi %mul3A_145, %add3A_146 : i32
        %mul3A_148 = arith.constant 80 : i32
        %mul3A_149 = arith.muli %arg1, %mul3A_148 : i32
        %add3A_150 = arith.addi %mul3A_149, %add3A_147 : i32
        %mul3A_151 = arith.constant 128 : i32
        %mul3A_152 = arith.muli %add3A_150, %mul3A_151 : i32
        %dma_wait3A_153 = arith.constant 0 : i32
        %dma_wait3A_154 = tpu.memref_slice %arg10[%mul3A_152, %dma_wait3A_153] : memref<163840x128xf32, #tpu.memory_space<hbm>> -> memref<128x128xf32, #tpu.memory_space<hbm>>
        %dma_wait3A_155 = arith.constant 0 : i32
        %dma_wait3A_156 = tpu.memref_slice %arg10[%mul3A_152, %dma_wait3A_155] : memref<163840x128xf32, #tpu.memory_space<hbm>> -> memref<128x128xf32, #tpu.memory_space<hbm>>
        tpu.wait_dma2 semaphore(%arg26 : memref<!tpu.dma_semaphore, #tpu.memory_space<semaphore_mem>>) src(%arg18 : memref<128x128xf32, #tpu.memory_space<vmem>>) dst(%dma_wait3A_156 : memref<128x128xf32, #tpu.memory_space<hbm>>)
        %add3A_157 = arith.constant 2 : i32
        %add3A_158 = arith.addi %add3A_147, %add3A_157 : i32
        %lt3A_159 = arith.constant 80 : i32
        %lt3A_160 = arith.cmpi slt, %add3A_158, %lt3A_159 : i32
        %convert_element_type3A_161 = arith.extui %lt3A_160 : i1 to i32
        %cond3A_162 = arith.constant 0 : i32
        %cond3A_163 = arith.cmpi ne, %convert_element_type3A_161, %cond3A_162 : i32
        scf.if %cond3A_163 {
          %add3A_180 = arith.constant 2 : i32
          %add3A_181 = arith.addi %add3A_147, %add3A_180 : i32
          %dma_start3A_182 = arith.constant 0 : i32
          %dma_start3A_183 = tpu.memref_slice %arg14[%add3A_181, %dma_start3A_182] : memref<80x128xi32, #tpu.memory_space<vmem>> -> memref<1x128xi32, #tpu.memory_space<vmem>>
          %dma_start3A_184 = tpu.memref_squeeze %dma_start3A_183 : memref<1x128xi32, #tpu.memory_space<vmem>> -> memref<128xi32, #tpu.memory_space<vmem>>
          %dma_start3A_185 = arith.constant 0 : i32
          %dma_start3A_186 = arith.constant 0 : i32
          %dma_start3A_187 = tpu.memref_slice %arg2[%dma_start3A_185, %dma_start3A_186] : memref<10000x128xf32, #tpu.memory_space<hbm>> -> memref<10000x128xf32, #tpu.memory_space<hbm>>
          tpu.enqueue_indirect_dma source(%dma_start3A_187 : memref<10000x128xf32, #tpu.memory_space<hbm>>) target(%arg18 : memref<128x128xf32, #tpu.memory_space<vmem>>) offsets(%dma_start3A_184 : memref<128xi32, #tpu.memory_space<vmem>>) semaphore(%arg22 : memref<!tpu.dma_semaphore, #tpu.memory_space<semaphore_mem>>)
        } else {
        }
        %mul3A_164 = arith.constant 80 : i32
        %mul3A_165 = arith.muli %arg1, %mul3A_164 : i32
        %add3A_166 = arith.addi %mul3A_165, %add3A_147 : i32
        %mul3A_167 = arith.constant 128 : i32
        %mul3A_168 = arith.muli %add3A_166, %mul3A_167 : i32
        %dma_wait3A_169 = arith.constant 0 : i32
        %dma_wait3A_170 = tpu.memref_slice %arg11[%mul3A_168, %dma_wait3A_169] : memref<163840x128xf32, #tpu.memory_space<hbm>> -> memref<128x128xf32, #tpu.memory_space<hbm>>
        %dma_wait3A_171 = arith.constant 0 : i32
        %dma_wait3A_172 = tpu.memref_slice %arg11[%mul3A_168, %dma_wait3A_171] : memref<163840x128xf32, #tpu.memory_space<hbm>> -> memref<128x128xf32, #tpu.memory_space<hbm>>
        tpu.wait_dma2 semaphore(%arg27 : memref<!tpu.dma_semaphore, #tpu.memory_space<semaphore_mem>>) src(%arg19 : memref<128x128xf32, #tpu.memory_space<vmem>>) dst(%dma_wait3A_172 : memref<128x128xf32, #tpu.memory_space<hbm>>)
        %add3A_173 = arith.constant 2 : i32
        %add3A_174 = arith.addi %add3A_147, %add3A_173 : i32
        %lt3A_175 = arith.constant 80 : i32
        %lt3A_176 = arith.cmpi slt, %add3A_174, %lt3A_175 : i32
        %convert_element_type3A_177 = arith.extui %lt3A_176 : i1 to i32
        %cond3A_178 = arith.constant 0 : i32
        %cond3A_179 = arith.cmpi ne, %convert_element_type3A_177, %cond3A_178 : i32
        scf.if %cond3A_179 {
          %add3A_180 = arith.constant 2 : i32
          %add3A_181 = arith.addi %add3A_147, %add3A_180 : i32
          %dma_start3A_182 = arith.constant 0 : i32
          %dma_start3A_183 = tpu.memref_slice %arg15[%add3A_181, %dma_start3A_182] : memref<80x128xi32, #tpu.memory_space<vmem>> -> memref<1x128xi32, #tpu.memory_space<vmem>>
          %dma_start3A_184 = tpu.memref_squeeze %dma_start3A_183 : memref<1x128xi32, #tpu.memory_space<vmem>> -> memref<128xi32, #tpu.memory_space<vmem>>
          %dma_start3A_185 = arith.constant 0 : i32
          %dma_start3A_186 = arith.constant 0 : i32
          %dma_start3A_187 = tpu.memref_slice %arg3[%dma_start3A_185, %dma_start3A_186] : memref<10000x128xf32, #tpu.memory_space<hbm>> -> memref<10000x128xf32, #tpu.memory_space<hbm>>
          tpu.enqueue_indirect_dma source(%dma_start3A_187 : memref<10000x128xf32, #tpu.memory_space<hbm>>) target(%arg19 : memref<128x128xf32, #tpu.memory_space<vmem>>) offsets(%dma_start3A_184 : memref<128xi32, #tpu.memory_space<vmem>>) semaphore(%arg23 : memref<!tpu.dma_semaphore, #tpu.memory_space<semaphore_mem>>)
        } else {
        }
      }
      %scan3A_41 = arith.constant 40 : i32
    } else {
    }
    %eq3A_2 = arith.constant 1 : i32
    %eq3A_3 = arith.cmpi eq, %arg0, %eq3A_2 : i32
    %convert_element_type3A_4 = arith.extui %eq3A_3 : i1 to i32
    %cond3A_5 = arith.constant 0 : i32
    %cond3A_6 = arith.cmpi ne, %convert_element_type3A_4, %cond3A_5 : i32
    scf.if %cond3A_6 {
      %mul3A = arith.constant 80 : i32
      %mul3A_7 = arith.muli %arg1, %mul3A : i32
      "tpu.region"() ({
        %run_scoped3A = tpu.sem_alloc : memref<!tpu.dma_semaphore, #tpu.memory_space<semaphore_mem>>
        %dma_start3A_42 = arith.constant 0 : i32
        %dma_start3A_43 = tpu.memref_slice %arg8[%mul3A_7, %dma_start3A_42] : memref<1280x128xi32, #tpu.memory_space<hbm>> -> memref<80x128xi32, #tpu.memory_space<hbm>>
        %dma_start3A_44 = arith.constant 0 : i32
        %dma_start3A_45 = tpu.memref_slice %arg8[%mul3A_7, %dma_start3A_44] : memref<1280x128xi32, #tpu.memory_space<hbm>> -> memref<80x128xi32, #tpu.memory_space<hbm>>
        tpu.enqueue_dma source(%dma_start3A_45 : memref<80x128xi32, #tpu.memory_space<hbm>>) target(%arg14 : memref<80x128xi32, #tpu.memory_space<vmem>>) target_semaphore(%run_scoped3A : memref<!tpu.dma_semaphore, #tpu.memory_space<semaphore_mem>>)
        %dma_wait3A = arith.constant 0 : i32
        %dma_wait3A_46 = tpu.memref_slice %arg8[%mul3A_7, %dma_wait3A] : memref<1280x128xi32, #tpu.memory_space<hbm>> -> memref<80x128xi32, #tpu.memory_space<hbm>>
        %dma_wait3A_47 = arith.constant 0 : i32
        %dma_wait3A_48 = tpu.memref_slice %arg8[%mul3A_7, %dma_wait3A_47] : memref<1280x128xi32, #tpu.memory_space<hbm>> -> memref<80x128xi32, #tpu.memory_space<hbm>>
        tpu.wait_dma2 semaphore(%run_scoped3A : memref<!tpu.dma_semaphore, #tpu.memory_space<semaphore_mem>>) src(%dma_wait3A_48 : memref<80x128xi32, #tpu.memory_space<hbm>>) dst(%arg14 : memref<80x128xi32, #tpu.memory_space<vmem>>)
        tpu.yield
      }) : () -> ()
      %mul3A_8 = arith.constant 80 : i32
      %mul3A_9 = arith.muli %arg1, %mul3A_8 : i32
      "tpu.region"() ({
        %run_scoped3A = tpu.sem_alloc : memref<!tpu.dma_semaphore, #tpu.memory_space<semaphore_mem>>
        %dma_start3A_42 = arith.constant 0 : i32
        %dma_start3A_43 = tpu.memref_slice %arg9[%mul3A_9, %dma_start3A_42] : memref<1280x128xi32, #tpu.memory_space<hbm>> -> memref<80x128xi32, #tpu.memory_space<hbm>>
        %dma_start3A_44 = arith.constant 0 : i32
        %dma_start3A_45 = tpu.memref_slice %arg9[%mul3A_9, %dma_start3A_44] : memref<1280x128xi32, #tpu.memory_space<hbm>> -> memref<80x128xi32, #tpu.memory_space<hbm>>
        tpu.enqueue_dma source(%dma_start3A_45 : memref<80x128xi32, #tpu.memory_space<hbm>>) target(%arg15 : memref<80x128xi32, #tpu.memory_space<vmem>>) target_semaphore(%run_scoped3A : memref<!tpu.dma_semaphore, #tpu.memory_space<semaphore_mem>>)
        %dma_wait3A = arith.constant 0 : i32
        %dma_wait3A_46 = tpu.memref_slice %arg9[%mul3A_9, %dma_wait3A] : memref<1280x128xi32, #tpu.memory_space<hbm>> -> memref<80x128xi32, #tpu.memory_space<hbm>>
        %dma_wait3A_47 = arith.constant 0 : i32
        %dma_wait3A_48 = tpu.memref_slice %arg9[%mul3A_9, %dma_wait3A_47] : memref<1280x128xi32, #tpu.memory_space<hbm>> -> memref<80x128xi32, #tpu.memory_space<hbm>>
        tpu.wait_dma2 semaphore(%run_scoped3A : memref<!tpu.dma_semaphore, #tpu.memory_space<semaphore_mem>>) src(%dma_wait3A_48 : memref<80x128xi32, #tpu.memory_space<hbm>>) dst(%arg15 : memref<80x128xi32, #tpu.memory_space<vmem>>)
        tpu.yield
      }) : () -> ()
      %dma_start3A = arith.constant 0 : i32
      %dma_start3A_10 = arith.constant 0 : i32
      %dma_start3A_11 = tpu.memref_slice %arg14[%dma_start3A, %dma_start3A_10] : memref<80x128xi32, #tpu.memory_space<vmem>> -> memref<1x128xi32, #tpu.memory_space<vmem>>
      %dma_start3A_12 = tpu.memref_squeeze %dma_start3A_11 : memref<1x128xi32, #tpu.memory_space<vmem>> -> memref<128xi32, #tpu.memory_space<vmem>>
      %dma_start3A_13 = arith.constant 0 : i32
      %dma_start3A_14 = arith.constant 0 : i32
      %dma_start3A_15 = tpu.memref_slice %arg6[%dma_start3A_13, %dma_start3A_14] : memref<10000x128xf32, #tpu.memory_space<hbm>> -> memref<10000x128xf32, #tpu.memory_space<hbm>>
      tpu.enqueue_indirect_dma source(%dma_start3A_15 : memref<10000x128xf32, #tpu.memory_space<hbm>>) target(%arg16 : memref<128x128xf32, #tpu.memory_space<vmem>>) offsets(%dma_start3A_12 : memref<128xi32, #tpu.memory_space<vmem>>) semaphore(%arg20 : memref<!tpu.dma_semaphore, #tpu.memory_space<semaphore_mem>>)
      %dma_start3A_16 = arith.constant 0 : i32
      %dma_start3A_17 = arith.constant 0 : i32
      %dma_start3A_18 = tpu.memref_slice %arg15[%dma_start3A_16, %dma_start3A_17] : memref<80x128xi32, #tpu.memory_space<vmem>> -> memref<1x128xi32, #tpu.memory_space<vmem>>
      %dma_start3A_19 = tpu.memref_squeeze %dma_start3A_18 : memref<1x128xi32, #tpu.memory_space<vmem>> -> memref<128xi32, #tpu.memory_space<vmem>>
      %dma_start3A_20 = arith.constant 0 : i32
      %dma_start3A_21 = arith.constant 0 : i32
      %dma_start3A_22 = tpu.memref_slice %arg7[%dma_start3A_20, %dma_start3A_21] : memref<10000x128xf32, #tpu.memory_space<hbm>> -> memref<10000x128xf32, #tpu.memory_space<hbm>>
      tpu.enqueue_indirect_dma source(%dma_start3A_22 : memref<10000x128xf32, #tpu.memory_space<hbm>>) target(%arg17 : memref<128x128xf32, #tpu.memory_space<vmem>>) offsets(%dma_start3A_19 : memref<128xi32, #tpu.memory_space<vmem>>) semaphore(%arg21 : memref<!tpu.dma_semaphore, #tpu.memory_space<semaphore_mem>>)
      %dma_start3A_23 = arith.constant 1 : i32
      %dma_start3A_24 = arith.constant 0 : i32
      %dma_start3A_25 = tpu.memref_slice %arg14[%dma_start3A_23, %dma_start3A_24] : memref<80x128xi32, #tpu.memory_space<vmem>> -> memref<1x128xi32, #tpu.memory_space<vmem>>
      %dma_start3A_26 = tpu.memref_squeeze %dma_start3A_25 : memref<1x128xi32, #tpu.memory_space<vmem>> -> memref<128xi32, #tpu.memory_space<vmem>>
      %dma_start3A_27 = arith.constant 0 : i32
      %dma_start3A_28 = arith.constant 0 : i32
      %dma_start3A_29 = tpu.memref_slice %arg6[%dma_start3A_27, %dma_start3A_28] : memref<10000x128xf32, #tpu.memory_space<hbm>> -> memref<10000x128xf32, #tpu.memory_space<hbm>>
      tpu.enqueue_indirect_dma source(%dma_start3A_29 : memref<10000x128xf32, #tpu.memory_space<hbm>>) target(%arg18 : memref<128x128xf32, #tpu.memory_space<vmem>>) offsets(%dma_start3A_26 : memref<128xi32, #tpu.memory_space<vmem>>) semaphore(%arg22 : memref<!tpu.dma_semaphore, #tpu.memory_space<semaphore_mem>>)
      %dma_start3A_30 = arith.constant 1 : i32
      %dma_start3A_31 = arith.constant 0 : i32
      %dma_start3A_32 = tpu.memref_slice %arg15[%dma_start3A_30, %dma_start3A_31] : memref<80x128xi32, #tpu.memory_space<vmem>> -> memref<1x128xi32, #tpu.memory_space<vmem>>
      %dma_start3A_33 = tpu.memref_squeeze %dma_start3A_32 : memref<1x128xi32, #tpu.memory_space<vmem>> -> memref<128xi32, #tpu.memory_space<vmem>>
      %dma_start3A_34 = arith.constant 0 : i32
      %dma_start3A_35 = arith.constant 0 : i32
      %dma_start3A_36 = tpu.memref_slice %arg7[%dma_start3A_34, %dma_start3A_35] : memref<10000x128xf32, #tpu.memory_space<hbm>> -> memref<10000x128xf32, #tpu.memory_space<hbm>>
      tpu.enqueue_indirect_dma source(%dma_start3A_36 : memref<10000x128xf32, #tpu.memory_space<hbm>>) target(%arg19 : memref<128x128xf32, #tpu.memory_space<vmem>>) offsets(%dma_start3A_33 : memref<128xi32, #tpu.memory_space<vmem>>) semaphore(%arg23 : memref<!tpu.dma_semaphore, #tpu.memory_space<semaphore_mem>>)
      %scan3A = arith.constant 0 : i32
      %scan3A_37 = arith.constant 0 : i32
      %scan3A_38 = arith.constant 40 : i32
      %scan3A_39 = arith.addi %scan3A_37, %scan3A_38 : i32
      %scan3A_40 = arith.constant 1 : i32
      scf.for %scan3A_42 = %scan3A_37 to %scan3A_39 step %scan3A_40  : i32 {
        %mul3A_43 = arith.constant 2 : i32
        %mul3A_44 = arith.muli %mul3A_43, %scan3A_42 : i32
        %add3A = arith.constant 0 : i32
        %add3A_45 = arith.addi %mul3A_44, %add3A : i32
        %dma_wait3A = arith.constant 0 : i32
        %dma_wait3A_46 = tpu.memref_slice %arg14[%add3A_45, %dma_wait3A] : memref<80x128xi32, #tpu.memory_space<vmem>> -> memref<1x128xi32, #tpu.memory_space<vmem>>
        %dma_wait3A_47 = tpu.memref_squeeze %dma_wait3A_46 : memref<1x128xi32, #tpu.memory_space<vmem>> -> memref<128xi32, #tpu.memory_space<vmem>>
        %dma_wait3A_48 = arith.constant 0 : i32
        %dma_wait3A_49 = arith.constant 0 : i32
        %dma_wait3A_50 = tpu.memref_slice %arg6[%dma_wait3A_48, %dma_wait3A_49] : memref<10000x128xf32, #tpu.memory_space<hbm>> -> memref<10000x128xf32, #tpu.memory_space<hbm>>
        tpu.wait_indirect_dma semaphore(%arg20 : memref<!tpu.dma_semaphore, #tpu.memory_space<semaphore_mem>>) src(%dma_wait3A_50 : memref<10000x128xf32, #tpu.memory_space<hbm>>) dst(%arg16 : memref<128x128xf32, #tpu.memory_space<vmem>>)
        %mul3A_51 = arith.constant 80 : i32
        %mul3A_52 = arith.muli %arg1, %mul3A_51 : i32
        %add3A_53 = arith.addi %mul3A_52, %add3A_45 : i32
        %mul3A_54 = arith.constant 128 : i32
        %mul3A_55 = arith.muli %add3A_53, %mul3A_54 : i32
        %dma_start3A_56 = arith.constant 0 : i32
        %dma_start3A_57 = tpu.memref_slice %arg12[%mul3A_55, %dma_start3A_56] : memref<163840x128xf32, #tpu.memory_space<hbm>> -> memref<128x128xf32, #tpu.memory_space<hbm>>
        %dma_start3A_58 = arith.constant 0 : i32
        %dma_start3A_59 = tpu.memref_slice %arg12[%mul3A_55, %dma_start3A_58] : memref<163840x128xf32, #tpu.memory_space<hbm>> -> memref<128x128xf32, #tpu.memory_space<hbm>>
        tpu.enqueue_dma source(%arg16 : memref<128x128xf32, #tpu.memory_space<vmem>>) target(%dma_start3A_59 : memref<128x128xf32, #tpu.memory_space<hbm>>) target_semaphore(%arg24 : memref<!tpu.dma_semaphore, #tpu.memory_space<semaphore_mem>>)
        %dma_wait3A_60 = arith.constant 0 : i32
        %dma_wait3A_61 = tpu.memref_slice %arg15[%add3A_45, %dma_wait3A_60] : memref<80x128xi32, #tpu.memory_space<vmem>> -> memref<1x128xi32, #tpu.memory_space<vmem>>
        %dma_wait3A_62 = tpu.memref_squeeze %dma_wait3A_61 : memref<1x128xi32, #tpu.memory_space<vmem>> -> memref<128xi32, #tpu.memory_space<vmem>>
        %dma_wait3A_63 = arith.constant 0 : i32
        %dma_wait3A_64 = arith.constant 0 : i32
        %dma_wait3A_65 = tpu.memref_slice %arg7[%dma_wait3A_63, %dma_wait3A_64] : memref<10000x128xf32, #tpu.memory_space<hbm>> -> memref<10000x128xf32, #tpu.memory_space<hbm>>
        tpu.wait_indirect_dma semaphore(%arg21 : memref<!tpu.dma_semaphore, #tpu.memory_space<semaphore_mem>>) src(%dma_wait3A_65 : memref<10000x128xf32, #tpu.memory_space<hbm>>) dst(%arg17 : memref<128x128xf32, #tpu.memory_space<vmem>>)
        %mul3A_66 = arith.constant 80 : i32
        %mul3A_67 = arith.muli %arg1, %mul3A_66 : i32
        %add3A_68 = arith.addi %mul3A_67, %add3A_45 : i32
        %mul3A_69 = arith.constant 128 : i32
        %mul3A_70 = arith.muli %add3A_68, %mul3A_69 : i32
        %dma_start3A_71 = arith.constant 0 : i32
        %dma_start3A_72 = tpu.memref_slice %arg13[%mul3A_70, %dma_start3A_71] : memref<163840x128xf32, #tpu.memory_space<hbm>> -> memref<128x128xf32, #tpu.memory_space<hbm>>
        %dma_start3A_73 = arith.constant 0 : i32
        %dma_start3A_74 = tpu.memref_slice %arg13[%mul3A_70, %dma_start3A_73] : memref<163840x128xf32, #tpu.memory_space<hbm>> -> memref<128x128xf32, #tpu.memory_space<hbm>>
        tpu.enqueue_dma source(%arg17 : memref<128x128xf32, #tpu.memory_space<vmem>>) target(%dma_start3A_74 : memref<128x128xf32, #tpu.memory_space<hbm>>) target_semaphore(%arg25 : memref<!tpu.dma_semaphore, #tpu.memory_space<semaphore_mem>>)
        %mul3A_75 = arith.constant 2 : i32
        %mul3A_76 = arith.muli %mul3A_75, %scan3A_42 : i32
        %add3A_77 = arith.constant 1 : i32
        %add3A_78 = arith.addi %mul3A_76, %add3A_77 : i32
        %dma_wait3A_79 = arith.constant 0 : i32
        %dma_wait3A_80 = tpu.memref_slice %arg14[%add3A_78, %dma_wait3A_79] : memref<80x128xi32, #tpu.memory_space<vmem>> -> memref<1x128xi32, #tpu.memory_space<vmem>>
        %dma_wait3A_81 = tpu.memref_squeeze %dma_wait3A_80 : memref<1x128xi32, #tpu.memory_space<vmem>> -> memref<128xi32, #tpu.memory_space<vmem>>
        %dma_wait3A_82 = arith.constant 0 : i32
        %dma_wait3A_83 = arith.constant 0 : i32
        %dma_wait3A_84 = tpu.memref_slice %arg6[%dma_wait3A_82, %dma_wait3A_83] : memref<10000x128xf32, #tpu.memory_space<hbm>> -> memref<10000x128xf32, #tpu.memory_space<hbm>>
        tpu.wait_indirect_dma semaphore(%arg22 : memref<!tpu.dma_semaphore, #tpu.memory_space<semaphore_mem>>) src(%dma_wait3A_84 : memref<10000x128xf32, #tpu.memory_space<hbm>>) dst(%arg18 : memref<128x128xf32, #tpu.memory_space<vmem>>)
        %mul3A_85 = arith.constant 80 : i32
        %mul3A_86 = arith.muli %arg1, %mul3A_85 : i32
        %add3A_87 = arith.addi %mul3A_86, %add3A_78 : i32
        %mul3A_88 = arith.constant 128 : i32
        %mul3A_89 = arith.muli %add3A_87, %mul3A_88 : i32
        %dma_start3A_90 = arith.constant 0 : i32
        %dma_start3A_91 = tpu.memref_slice %arg12[%mul3A_89, %dma_start3A_90] : memref<163840x128xf32, #tpu.memory_space<hbm>> -> memref<128x128xf32, #tpu.memory_space<hbm>>
        %dma_start3A_92 = arith.constant 0 : i32
        %dma_start3A_93 = tpu.memref_slice %arg12[%mul3A_89, %dma_start3A_92] : memref<163840x128xf32, #tpu.memory_space<hbm>> -> memref<128x128xf32, #tpu.memory_space<hbm>>
        tpu.enqueue_dma source(%arg18 : memref<128x128xf32, #tpu.memory_space<vmem>>) target(%dma_start3A_93 : memref<128x128xf32, #tpu.memory_space<hbm>>) target_semaphore(%arg26 : memref<!tpu.dma_semaphore, #tpu.memory_space<semaphore_mem>>)
        %dma_wait3A_94 = arith.constant 0 : i32
        %dma_wait3A_95 = tpu.memref_slice %arg15[%add3A_78, %dma_wait3A_94] : memref<80x128xi32, #tpu.memory_space<vmem>> -> memref<1x128xi32, #tpu.memory_space<vmem>>
        %dma_wait3A_96 = tpu.memref_squeeze %dma_wait3A_95 : memref<1x128xi32, #tpu.memory_space<vmem>> -> memref<128xi32, #tpu.memory_space<vmem>>
        %dma_wait3A_97 = arith.constant 0 : i32
        %dma_wait3A_98 = arith.constant 0 : i32
        %dma_wait3A_99 = tpu.memref_slice %arg7[%dma_wait3A_97, %dma_wait3A_98] : memref<10000x128xf32, #tpu.memory_space<hbm>> -> memref<10000x128xf32, #tpu.memory_space<hbm>>
        tpu.wait_indirect_dma semaphore(%arg23 : memref<!tpu.dma_semaphore, #tpu.memory_space<semaphore_mem>>) src(%dma_wait3A_99 : memref<10000x128xf32, #tpu.memory_space<hbm>>) dst(%arg19 : memref<128x128xf32, #tpu.memory_space<vmem>>)
        %mul3A_100 = arith.constant 80 : i32
        %mul3A_101 = arith.muli %arg1, %mul3A_100 : i32
        %add3A_102 = arith.addi %mul3A_101, %add3A_78 : i32
        %mul3A_103 = arith.constant 128 : i32
        %mul3A_104 = arith.muli %add3A_102, %mul3A_103 : i32
        %dma_start3A_105 = arith.constant 0 : i32
        %dma_start3A_106 = tpu.memref_slice %arg13[%mul3A_104, %dma_start3A_105] : memref<163840x128xf32, #tpu.memory_space<hbm>> -> memref<128x128xf32, #tpu.memory_space<hbm>>
        %dma_start3A_107 = arith.constant 0 : i32
        %dma_start3A_108 = tpu.memref_slice %arg13[%mul3A_104, %dma_start3A_107] : memref<163840x128xf32, #tpu.memory_space<hbm>> -> memref<128x128xf32, #tpu.memory_space<hbm>>
        tpu.enqueue_dma source(%arg19 : memref<128x128xf32, #tpu.memory_space<vmem>>) target(%dma_start3A_108 : memref<128x128xf32, #tpu.memory_space<hbm>>) target_semaphore(%arg27 : memref<!tpu.dma_semaphore, #tpu.memory_space<semaphore_mem>>)
        %mul3A_109 = arith.constant 2 : i32
        %mul3A_110 = arith.muli %mul3A_109, %scan3A_42 : i32
        %add3A_111 = arith.constant 0 : i32
        %add3A_112 = arith.addi %mul3A_110, %add3A_111 : i32
        %mul3A_113 = arith.constant 80 : i32
        %mul3A_114 = arith.muli %arg1, %mul3A_113 : i32
        %add3A_115 = arith.addi %mul3A_114, %add3A_112 : i32
        %mul3A_116 = arith.constant 128 : i32
        %mul3A_117 = arith.muli %add3A_115, %mul3A_116 : i32
        %dma_wait3A_118 = arith.constant 0 : i32
        %dma_wait3A_119 = tpu.memref_slice %arg12[%mul3A_117, %dma_wait3A_118] : memref<163840x128xf32, #tpu.memory_space<hbm>> -> memref<128x128xf32, #tpu.memory_space<hbm>>
        %dma_wait3A_120 = arith.constant 0 : i32
        %dma_wait3A_121 = tpu.memref_slice %arg12[%mul3A_117, %dma_wait3A_120] : memref<163840x128xf32, #tpu.memory_space<hbm>> -> memref<128x128xf32, #tpu.memory_space<hbm>>
        tpu.wait_dma2 semaphore(%arg24 : memref<!tpu.dma_semaphore, #tpu.memory_space<semaphore_mem>>) src(%arg16 : memref<128x128xf32, #tpu.memory_space<vmem>>) dst(%dma_wait3A_121 : memref<128x128xf32, #tpu.memory_space<hbm>>)
        %add3A_122 = arith.constant 2 : i32
        %add3A_123 = arith.addi %add3A_112, %add3A_122 : i32
        %lt3A = arith.constant 80 : i32
        %lt3A_124 = arith.cmpi slt, %add3A_123, %lt3A : i32
        %convert_element_type3A_125 = arith.extui %lt3A_124 : i1 to i32
        %cond3A_126 = arith.constant 0 : i32
        %cond3A_127 = arith.cmpi ne, %convert_element_type3A_125, %cond3A_126 : i32
        scf.if %cond3A_127 {
          %add3A_180 = arith.constant 2 : i32
          %add3A_181 = arith.addi %add3A_112, %add3A_180 : i32
          %dma_start3A_182 = arith.constant 0 : i32
          %dma_start3A_183 = tpu.memref_slice %arg14[%add3A_181, %dma_start3A_182] : memref<80x128xi32, #tpu.memory_space<vmem>> -> memref<1x128xi32, #tpu.memory_space<vmem>>
          %dma_start3A_184 = tpu.memref_squeeze %dma_start3A_183 : memref<1x128xi32, #tpu.memory_space<vmem>> -> memref<128xi32, #tpu.memory_space<vmem>>
          %dma_start3A_185 = arith.constant 0 : i32
          %dma_start3A_186 = arith.constant 0 : i32
          %dma_start3A_187 = tpu.memref_slice %arg6[%dma_start3A_185, %dma_start3A_186] : memref<10000x128xf32, #tpu.memory_space<hbm>> -> memref<10000x128xf32, #tpu.memory_space<hbm>>
          tpu.enqueue_indirect_dma source(%dma_start3A_187 : memref<10000x128xf32, #tpu.memory_space<hbm>>) target(%arg16 : memref<128x128xf32, #tpu.memory_space<vmem>>) offsets(%dma_start3A_184 : memref<128xi32, #tpu.memory_space<vmem>>) semaphore(%arg20 : memref<!tpu.dma_semaphore, #tpu.memory_space<semaphore_mem>>)
        } else {
        }
        %mul3A_128 = arith.constant 80 : i32
        %mul3A_129 = arith.muli %arg1, %mul3A_128 : i32
        %add3A_130 = arith.addi %mul3A_129, %add3A_112 : i32
        %mul3A_131 = arith.constant 128 : i32
        %mul3A_132 = arith.muli %add3A_130, %mul3A_131 : i32
        %dma_wait3A_133 = arith.constant 0 : i32
        %dma_wait3A_134 = tpu.memref_slice %arg13[%mul3A_132, %dma_wait3A_133] : memref<163840x128xf32, #tpu.memory_space<hbm>> -> memref<128x128xf32, #tpu.memory_space<hbm>>
        %dma_wait3A_135 = arith.constant 0 : i32
        %dma_wait3A_136 = tpu.memref_slice %arg13[%mul3A_132, %dma_wait3A_135] : memref<163840x128xf32, #tpu.memory_space<hbm>> -> memref<128x128xf32, #tpu.memory_space<hbm>>
        tpu.wait_dma2 semaphore(%arg25 : memref<!tpu.dma_semaphore, #tpu.memory_space<semaphore_mem>>) src(%arg17 : memref<128x128xf32, #tpu.memory_space<vmem>>) dst(%dma_wait3A_136 : memref<128x128xf32, #tpu.memory_space<hbm>>)
        %add3A_137 = arith.constant 2 : i32
        %add3A_138 = arith.addi %add3A_112, %add3A_137 : i32
        %lt3A_139 = arith.constant 80 : i32
        %lt3A_140 = arith.cmpi slt, %add3A_138, %lt3A_139 : i32
        %convert_element_type3A_141 = arith.extui %lt3A_140 : i1 to i32
        %cond3A_142 = arith.constant 0 : i32
        %cond3A_143 = arith.cmpi ne, %convert_element_type3A_141, %cond3A_142 : i32
        scf.if %cond3A_143 {
          %add3A_180 = arith.constant 2 : i32
          %add3A_181 = arith.addi %add3A_112, %add3A_180 : i32
          %dma_start3A_182 = arith.constant 0 : i32
          %dma_start3A_183 = tpu.memref_slice %arg15[%add3A_181, %dma_start3A_182] : memref<80x128xi32, #tpu.memory_space<vmem>> -> memref<1x128xi32, #tpu.memory_space<vmem>>
          %dma_start3A_184 = tpu.memref_squeeze %dma_start3A_183 : memref<1x128xi32, #tpu.memory_space<vmem>> -> memref<128xi32, #tpu.memory_space<vmem>>
          %dma_start3A_185 = arith.constant 0 : i32
          %dma_start3A_186 = arith.constant 0 : i32
          %dma_start3A_187 = tpu.memref_slice %arg7[%dma_start3A_185, %dma_start3A_186] : memref<10000x128xf32, #tpu.memory_space<hbm>> -> memref<10000x128xf32, #tpu.memory_space<hbm>>
          tpu.enqueue_indirect_dma source(%dma_start3A_187 : memref<10000x128xf32, #tpu.memory_space<hbm>>) target(%arg17 : memref<128x128xf32, #tpu.memory_space<vmem>>) offsets(%dma_start3A_184 : memref<128xi32, #tpu.memory_space<vmem>>) semaphore(%arg21 : memref<!tpu.dma_semaphore, #tpu.memory_space<semaphore_mem>>)
        } else {
        }
        %mul3A_144 = arith.constant 2 : i32
        %mul3A_145 = arith.muli %mul3A_144, %scan3A_42 : i32
        %add3A_146 = arith.constant 1 : i32
        %add3A_147 = arith.addi %mul3A_145, %add3A_146 : i32
        %mul3A_148 = arith.constant 80 : i32
        %mul3A_149 = arith.muli %arg1, %mul3A_148 : i32
        %add3A_150 = arith.addi %mul3A_149, %add3A_147 : i32
        %mul3A_151 = arith.constant 128 : i32
        %mul3A_152 = arith.muli %add3A_150, %mul3A_151 : i32
        %dma_wait3A_153 = arith.constant 0 : i32
        %dma_wait3A_154 = tpu.memref_slice %arg12[%mul3A_152, %dma_wait3A_153] : memref<163840x128xf32, #tpu.memory_space<hbm>> -> memref<128x128xf32, #tpu.memory_space<hbm>>
        %dma_wait3A_155 = arith.constant 0 : i32
        %dma_wait3A_156 = tpu.memref_slice %arg12[%mul3A_152, %dma_wait3A_155] : memref<163840x128xf32, #tpu.memory_space<hbm>> -> memref<128x128xf32, #tpu.memory_space<hbm>>
        tpu.wait_dma2 semaphore(%arg26 : memref<!tpu.dma_semaphore, #tpu.memory_space<semaphore_mem>>) src(%arg18 : memref<128x128xf32, #tpu.memory_space<vmem>>) dst(%dma_wait3A_156 : memref<128x128xf32, #tpu.memory_space<hbm>>)
        %add3A_157 = arith.constant 2 : i32
        %add3A_158 = arith.addi %add3A_147, %add3A_157 : i32
        %lt3A_159 = arith.constant 80 : i32
        %lt3A_160 = arith.cmpi slt, %add3A_158, %lt3A_159 : i32
        %convert_element_type3A_161 = arith.extui %lt3A_160 : i1 to i32
        %cond3A_162 = arith.constant 0 : i32
        %cond3A_163 = arith.cmpi ne, %convert_element_type3A_161, %cond3A_162 : i32
        scf.if %cond3A_163 {
          %add3A_180 = arith.constant 2 : i32
          %add3A_181 = arith.addi %add3A_147, %add3A_180 : i32
          %dma_start3A_182 = arith.constant 0 : i32
          %dma_start3A_183 = tpu.memref_slice %arg14[%add3A_181, %dma_start3A_182] : memref<80x128xi32, #tpu.memory_space<vmem>> -> memref<1x128xi32, #tpu.memory_space<vmem>>
          %dma_start3A_184 = tpu.memref_squeeze %dma_start3A_183 : memref<1x128xi32, #tpu.memory_space<vmem>> -> memref<128xi32, #tpu.memory_space<vmem>>
          %dma_start3A_185 = arith.constant 0 : i32
          %dma_start3A_186 = arith.constant 0 : i32
          %dma_start3A_187 = tpu.memref_slice %arg6[%dma_start3A_185, %dma_start3A_186] : memref<10000x128xf32, #tpu.memory_space<hbm>> -> memref<10000x128xf32, #tpu.memory_space<hbm>>
          tpu.enqueue_indirect_dma source(%dma_start3A_187 : memref<10000x128xf32, #tpu.memory_space<hbm>>) target(%arg18 : memref<128x128xf32, #tpu.memory_space<vmem>>) offsets(%dma_start3A_184 : memref<128xi32, #tpu.memory_space<vmem>>) semaphore(%arg22 : memref<!tpu.dma_semaphore, #tpu.memory_space<semaphore_mem>>)
        } else {
        }
        %mul3A_164 = arith.constant 80 : i32
        %mul3A_165 = arith.muli %arg1, %mul3A_164 : i32
        %add3A_166 = arith.addi %mul3A_165, %add3A_147 : i32
        %mul3A_167 = arith.constant 128 : i32
        %mul3A_168 = arith.muli %add3A_166, %mul3A_167 : i32
        %dma_wait3A_169 = arith.constant 0 : i32
        %dma_wait3A_170 = tpu.memref_slice %arg13[%mul3A_168, %dma_wait3A_169] : memref<163840x128xf32, #tpu.memory_space<hbm>> -> memref<128x128xf32, #tpu.memory_space<hbm>>
        %dma_wait3A_171 = arith.constant 0 : i32
        %dma_wait3A_172 = tpu.memref_slice %arg13[%mul3A_168, %dma_wait3A_171] : memref<163840x128xf32, #tpu.memory_space<hbm>> -> memref<128x128xf32, #tpu.memory_space<hbm>>
        tpu.wait_dma2 semaphore(%arg27 : memref<!tpu.dma_semaphore, #tpu.memory_space<semaphore_mem>>) src(%arg19 : memref<128x128xf32, #tpu.memory_space<vmem>>) dst(%dma_wait3A_172 : memref<128x128xf32, #tpu.memory_space<hbm>>)
        %add3A_173 = arith.constant 2 : i32
        %add3A_174 = arith.addi %add3A_147, %add3A_173 : i32
        %lt3A_175 = arith.constant 80 : i32
        %lt3A_176 = arith.cmpi slt, %add3A_174, %lt3A_175 : i32
        %convert_element_type3A_177 = arith.extui %lt3A_176 : i1 to i32
        %cond3A_178 = arith.constant 0 : i32
        %cond3A_179 = arith.cmpi ne, %convert_element_type3A_177, %cond3A_178 : i32
        scf.if %cond3A_179 {
          %add3A_180 = arith.constant 2 : i32
          %add3A_181 = arith.addi %add3A_147, %add3A_180 : i32
          %dma_start3A_182 = arith.constant 0 : i32
          %dma_start3A_183 = tpu.memref_slice %arg15[%add3A_181, %dma_start3A_182] : memref<80x128xi32, #tpu.memory_space<vmem>> -> memref<1x128xi32, #tpu.memory_space<vmem>>
          %dma_start3A_184 = tpu.memref_squeeze %dma_start3A_183 : memref<1x128xi32, #tpu.memory_space<vmem>> -> memref<128xi32, #tpu.memory_space<vmem>>
          %dma_start3A_185 = arith.constant 0 : i32
          %dma_start3A_186 = arith.constant 0 : i32
          %dma_start3A_187 = tpu.memref_slice %arg7[%dma_start3A_185, %dma_start3A_186] : memref<10000x128xf32, #tpu.memory_space<hbm>> -> memref<10000x128xf32, #tpu.memory_space<hbm>>
          tpu.enqueue_indirect_dma source(%dma_start3A_187 : memref<10000x128xf32, #tpu.memory_space<hbm>>) target(%arg19 : memref<128x128xf32, #tpu.memory_space<vmem>>) offsets(%dma_start3A_184 : memref<128xi32, #tpu.memory_space<vmem>>) semaphore(%arg23 : memref<!tpu.dma_semaphore, #tpu.memory_space<semaphore_mem>>)
        } else {
        }
      }
      %scan3A_41 = arith.constant 40 : i32
    } else {
    }
    return
  }
}

module attributes {stable_mosaic.version = 14 : i64} {
  func.func @_proj_body(%arg0: i32, %arg1: memref<1000x128xf32, #tpu.memory_space<vmem>>, %arg2: memref<128x128xf32, #tpu.memory_space<vmem>>, %arg3: memref<128x128xf32, #tpu.memory_space<vmem>>, %arg4: memref<1000x128xf32, #tpu.memory_space<vmem>>, %arg5: memref<1000x128xf32, #tpu.memory_space<vmem>>) attributes {dimension_semantics = [#tpu.dimension_semantics<arbitrary>], iteration_bounds = array<i64: 10>, scalar_prefetch = 0 : i64, scratch_operands = 0 : i64, tpu.core_type = #tpu.core_type<tc>, window_params = [{transform_indices = @transform_0, window_bounds = array<i64: 1000, 128>}, {pipeline_mode = #tpu.pipeline_mode<synchronous>, transform_indices = @transform_1, window_bounds = array<i64: 128, 128>}, {pipeline_mode = #tpu.pipeline_mode<synchronous>, transform_indices = @transform_2, window_bounds = array<i64: 128, 128>}, {transform_indices = @transform_3, window_bounds = array<i64: 1000, 128>}, {transform_indices = @transform_4, window_bounds = array<i64: 1000, 128>}]} {
    %get3A = arith.constant 0 : index
    %get3A_0 = arith.constant 0 : index
    %get3A_1 = vector.load %arg1[%get3A, %get3A_0] : memref<1000x128xf32, #tpu.memory_space<vmem>>, vector<1000x128xf32>
    %get3A_2 = arith.constant 0 : index
    %get3A_3 = arith.constant 0 : index
    %get3A_4 = vector.load %arg2[%get3A_2, %get3A_3] : memref<128x128xf32, #tpu.memory_space<vmem>>, vector<128x128xf32>
    %dot_general3A = arith.constant dense<0.000000e+00> : vector<1000x128xf32>
    %dot_general3A_5 = tpu.matmul %get3A_1, %get3A_4, %dot_general3A {dimension_numbers = #tpu.dot_dimension_numbers<[1], [0], [0], [1], [0, 0, 1, 1], [], []>, transpose_lhs_hint = false} : vector<1000x128xf32>, vector<128x128xf32>, vector<1000x128xf32> -> vector<1000x128xf32>
    %swap3A = arith.constant 0 : index
    %swap3A_6 = arith.constant 0 : index
    %swap3A_7 = vector.load %arg4[%swap3A, %swap3A_6] : memref<1000x128xf32, #tpu.memory_space<vmem>>, vector<1000x128xf32>
    tpu.vector_store %arg4[%swap3A, %swap3A_6], %dot_general3A_5 {strides = array<i32>} : memref<1000x128xf32, #tpu.memory_space<vmem>>, vector<1000x128xf32>,
    %get3A_8 = arith.constant 0 : index
    %get3A_9 = arith.constant 0 : index
    %get3A_10 = vector.load %arg3[%get3A_8, %get3A_9] : memref<128x128xf32, #tpu.memory_space<vmem>>, vector<128x128xf32>
    %dot_general3A_11 = arith.constant dense<0.000000e+00> : vector<1000x128xf32>
    %dot_general3A_12 = tpu.matmul %get3A_1, %get3A_10, %dot_general3A_11 {dimension_numbers = #tpu.dot_dimension_numbers<[1], [0], [0], [1], [0, 0, 1, 1], [], []>, transpose_lhs_hint = false} : vector<1000x128xf32>, vector<128x128xf32>, vector<1000x128xf32> -> vector<1000x128xf32>
    %swap3A_13 = arith.constant 0 : index
    %swap3A_14 = arith.constant 0 : index
    %swap3A_15 = vector.load %arg5[%swap3A_13, %swap3A_14] : memref<1000x128xf32, #tpu.memory_space<vmem>>, vector<1000x128xf32>
    tpu.vector_store %arg5[%swap3A_13, %swap3A_14], %dot_general3A_12 {strides = array<i32>} : memref<1000x128xf32, #tpu.memory_space<vmem>>, vector<1000x128xf32>,
    return
  }
  func.func @transform_0(%arg0: i32) -> (i32, i32) {
    %c0_i32 = arith.constant 0 : i32
    %c0_i32_0 = arith.constant 0 : i32
    return %arg0, %c0_i32 : i32, i32
  }
  func.func @transform_1(%arg0: i32) -> (i32, i32) {
    %c0_i32 = arith.constant 0 : i32
    %c0_i32_0 = arith.constant 0 : i32
    %c0_i32_1 = arith.constant 0 : i32
    return %c0_i32, %c0_i32_0 : i32, i32
  }
  func.func @transform_2(%arg0: i32) -> (i32, i32) {
    %c0_i32 = arith.constant 0 : i32
    %c0_i32_0 = arith.constant 0 : i32
    %c0_i32_1 = arith.constant 0 : i32
    return %c0_i32, %c0_i32_0 : i32, i32
  }
  func.func @transform_3(%arg0: i32) -> (i32, i32) {
    %c0_i32 = arith.constant 0 : i32
    %c0_i32_0 = arith.constant 0 : i32
    return %arg0, %c0_i32 : i32, i32
  }
  func.func @transform_4(%arg0: i32) -> (i32, i32) {
    %c0_i32 = arith.constant 0 : i32
    %c0_i32_0 = arith.constant 0 : i32
    return %arg0, %c0_i32 : i32, i32
  }
}

module attributes {stable_mosaic.version = 14 : i64} {
  func.func @_edge_body(%arg0: i32, %arg1: memref<2048x128xf32, #tpu.memory_space<vmem>>, %arg2: memref<2048x128xf32, #tpu.memory_space<vmem>>, %arg3: memref<8x128xf32, #tpu.memory_space<vmem>>, %arg4: memref<2048x1xi32, #tpu.memory_space<vmem>>, %arg5: memref<2048x128xf32, #tpu.memory_space<vmem>>, %arg6: memref<2048x128xf32, #tpu.memory_space<vmem>>) attributes {dimension_semantics = [#tpu.dimension_semantics<arbitrary>], iteration_bounds = array<i64: 80>, scalar_prefetch = 0 : i64, scratch_operands = 0 : i64, tpu.core_type = #tpu.core_type<tc>, window_params = [{transform_indices = @transform_0, window_bounds = array<i64: 2048, 128>}, {transform_indices = @transform_1, window_bounds = array<i64: 2048, 128>}, {pipeline_mode = #tpu.pipeline_mode<synchronous>, transform_indices = @transform_2, window_bounds = array<i64: 8, 128>}, {transform_indices = @transform_3, window_bounds = array<i64: 2048, 1>}, {transform_indices = @transform_4, window_bounds = array<i64: 2048, 128>}, {transform_indices = @transform_5, window_bounds = array<i64: 2048, 128>}]} {
    %get3A = arith.constant 0 : index
    %get3A_0 = arith.constant 0 : index
    %get3A_1 = vector.load %arg1[%get3A, %get3A_0] : memref<2048x128xf32, #tpu.memory_space<vmem>>, vector<2048x128xf32>
    %get3A_2 = arith.constant 0 : index
    %get3A_3 = arith.constant 0 : index
    %get3A_4 = vector.load %arg2[%get3A_2, %get3A_3] : memref<2048x128xf32, #tpu.memory_space<vmem>>, vector<2048x128xf32>
    %add3A = arith.addf %get3A_1, %get3A_4 : vector<2048x128xf32>
    %gt3A = arith.constant 0.000000e+00 : f32
    %gt3A_5 = vector.broadcast %gt3A : f32 to vector<2048x128xf32>
    %gt3A_6 = arith.cmpf ogt, %add3A, %gt3A_5 : vector<2048x128xf32>
    %mul3A = arith.constant 2.000000e-01 : f32
    %mul3A_7 = vector.broadcast %mul3A : f32 to vector<2048x128xf32>
    %mul3A_8 = arith.mulf %mul3A_7, %add3A : vector<2048x128xf32>
    %select_n3A = arith.select %gt3A_6, %add3A, %mul3A_8 : vector<2048x128xi1>, vector<2048x128xf32>
    %get3A_9 = arith.constant 0 : index
    %get3A_10 = arith.constant 0 : index
    %get3A_11 = vector.load %arg3[%get3A_9, %get3A_10] : memref<8x128xf32, #tpu.memory_space<vmem>>, vector<1x128xf32>
    %mul3A_12 = vector.broadcast %get3A_11 : vector<1x128xf32> to vector<2048x128xf32>
    %mul3A_13 = arith.mulf %select_n3A, %mul3A_12 : vector<2048x128xf32>
    %reduce_sum3A = arith.constant dense<0.000000e+00> : vector<2048xf32>
    %reduce_sum3A_14 = vector.multi_reduction <add>, %mul3A_13, %reduce_sum3A [1] : vector<2048x128xf32> to vector<2048xf32>
    %broadcast_in_dim3A = vector.shape_cast %reduce_sum3A_14 : vector<2048xf32> to vector<2048x1xf32>
    %exp3A = math.exp %broadcast_in_dim3A : vector<2048x1xf32>
    %mul3A_15 = vector.broadcast %exp3A : vector<2048x1xf32> to vector<2048x128xf32>
    %mul3A_16 = arith.mulf %get3A_1, %mul3A_15 : vector<2048x128xf32>
    %swap3A = arith.constant 0 : index
    %swap3A_17 = arith.constant 0 : index
    %swap3A_18 = vector.load %arg5[%swap3A, %swap3A_17] : memref<2048x128xf32, #tpu.memory_space<vmem>>, vector<2048x128xf32>
    tpu.vector_store %arg5[%swap3A, %swap3A_17], %mul3A_16 {strides = array<i32>} : memref<2048x128xf32, #tpu.memory_space<vmem>>, vector<2048x128xf32>,
    %get3A_19 = arith.constant 0 : index
    %get3A_20 = arith.constant 0 : index
    %get3A_21 = vector.load %arg4[%get3A_19, %get3A_20] : memref<2048x1xi32, #tpu.memory_space<vmem>>, vector<2048x1xi32>
    %jit3A = arith.constant 128 : i32
    %eq3A = arith.constant 0 : i32
    %eq3A_22 = arith.cmpi eq, %jit3A, %eq3A : i32
    %jit3A_23 = arith.constant 1 : i32
    %select_n3A_24 = arith.select %eq3A_22, %jit3A_23, %jit3A : i32
    %rem3A = vector.broadcast %select_n3A_24 : i32 to vector<2048x1xi32>
    %rem3A_25 = arith.remsi %get3A_21, %rem3A : vector<2048x1xi32>
    %ne3A = arith.constant 0 : i32
    %ne3A_26 = vector.broadcast %ne3A : i32 to vector<2048x1xi32>
    %ne3A_27 = arith.cmpi ne, %rem3A_25, %ne3A_26 : vector<2048x1xi32>
    %lt3A = arith.constant 0 : i32
    %lt3A_28 = vector.broadcast %lt3A : i32 to vector<2048x1xi32>
    %lt3A_29 = arith.cmpi slt, %rem3A_25, %lt3A_28 : vector<2048x1xi32>
    %lt3A_30 = arith.constant 0 : i32
    %lt3A_31 = arith.cmpi slt, %select_n3A_24, %lt3A_30 : i32
    %ne3A_32 = vector.broadcast %lt3A_31 : i1 to vector<2048x1xi1>
    %ne3A_33 = vector.broadcast %ne3A_32 : vector<2048x1xi1> to vector<2048x1xi1>
    %ne3A_34 = arith.xori %lt3A_29, %ne3A_33 : vector<2048x1xi1>
    %and3A = arith.andi %ne3A_34, %ne3A_27 : vector<2048x1xi1>
    %add3A_35 = vector.broadcast %select_n3A_24 : i32 to vector<2048x1xi32>
    %add3A_36 = arith.addi %rem3A_25, %add3A_35 : vector<2048x1xi32>
    %select_n3A_37 = arith.select %and3A, %add3A_36, %rem3A_25 : vector<2048x1xi1>, vector<2048x1xi32>
    %iota3A = tpu.iota {dimensions = array<i32: 1>} : vector<2048x128xi32>
    %eq3A_38 = vector.broadcast %select_n3A_37 : vector<2048x1xi32> to vector<2048x128xi32>
    %eq3A_39 = arith.cmpi eq, %iota3A, %eq3A_38 : vector<2048x128xi32>
    %jit3A_40 = arith.constant 0.000000e+00 : f32
    %broadcast_in_dim3A_41 = vector.shape_cast %exp3A : vector<2048x1xf32> to vector<2048x1xf32>
    %broadcast_in_dim3A_42 = vector.broadcast %broadcast_in_dim3A_41 : vector<2048x1xf32> to vector<2048x128xf32>
    %broadcast_in_dim3A_43 = vector.broadcast %jit3A_40 : f32 to vector<2048x128xf32>
    %select_n3A_44 = arith.select %eq3A_39, %broadcast_in_dim3A_42, %broadcast_in_dim3A_43 : vector<2048x128xi1>, vector<2048x128xf32>
    %swap3A_45 = arith.constant 0 : index
    %swap3A_46 = arith.constant 0 : index
    %swap3A_47 = vector.load %arg6[%swap3A_45, %swap3A_46] : memref<2048x128xf32, #tpu.memory_space<vmem>>, vector<2048x128xf32>
    tpu.vector_store %arg6[%swap3A_45, %swap3A_46], %select_n3A_44 {strides = array<i32>} : memref<2048x128xf32, #tpu.memory_space<vmem>>, vector<2048x128xf32>,
    return
  }
  func.func @transform_0(%arg0: i32) -> (i32, i32) {
    %c0_i32 = arith.constant 0 : i32
    %c0_i32_0 = arith.constant 0 : i32
    return %arg0, %c0_i32 : i32, i32
  }
  func.func @transform_1(%arg0: i32) -> (i32, i32) {
    %c0_i32 = arith.constant 0 : i32
    %c0_i32_0 = arith.constant 0 : i32
    return %arg0, %c0_i32 : i32, i32
  }
  func.func @transform_2(%arg0: i32) -> (i32, i32) {
    %c0_i32 = arith.constant 0 : i32
    %c0_i32_0 = arith.constant 0 : i32
    %c0_i32_1 = arith.constant 0 : i32
    return %c0_i32, %c0_i32_0 : i32, i32
  }
  func.func @transform_3(%arg0: i32) -> (i32, i32) {
    %c0_i32 = arith.constant 0 : i32
    %c0_i32_0 = arith.constant 0 : i32
    return %arg0, %c0_i32 : i32, i32
  }
  func.func @transform_4(%arg0: i32) -> (i32, i32) {
    %c0_i32 = arith.constant 0 : i32
    %c0_i32_0 = arith.constant 0 : i32
    return %arg0, %c0_i32 : i32, i32
  }
  func.func @transform_5(%arg0: i32) -> (i32, i32) {
    %c0_i32 = arith.constant 0 : i32
    %c0_i32_0 = arith.constant 0 : i32
    return %arg0, %c0_i32 : i32, i32
  }
}

module attributes {stable_mosaic.version = 14 : i64} {
  func.func @_fin_body(%arg0: i32, %arg1: memref<1000x128xf32, #tpu.memory_space<vmem>>, %arg2: memref<1000x1xf32, #tpu.memory_space<vmem>>, %arg3: memref<8x128xf32, #tpu.memory_space<vmem>>, %arg4: memref<1000x128xf32, #tpu.memory_space<vmem>>) attributes {dimension_semantics = [#tpu.dimension_semantics<arbitrary>], iteration_bounds = array<i64: 10>, scalar_prefetch = 0 : i64, scratch_operands = 0 : i64, tpu.core_type = #tpu.core_type<tc>, window_params = [{transform_indices = @transform_0, window_bounds = array<i64: 1000, 128>}, {transform_indices = @transform_1, window_bounds = array<i64: 1000, 1>}, {pipeline_mode = #tpu.pipeline_mode<synchronous>, transform_indices = @transform_2, window_bounds = array<i64: 8, 128>}, {transform_indices = @transform_3, window_bounds = array<i64: 1000, 128>}]} {
    %get3A = arith.constant 0 : index
    %get3A_0 = arith.constant 0 : index
    %get3A_1 = vector.load %arg2[%get3A, %get3A_0] : memref<1000x1xf32, #tpu.memory_space<vmem>>, vector<1000x1xf32>
    %add3A = arith.constant 1.000000e-16 : f32
    %add3A_2 = vector.broadcast %add3A : f32 to vector<1000x1xf32>
    %add3A_3 = arith.addf %get3A_1, %add3A_2 : vector<1000x1xf32>
    %div3A = arith.constant 1.000000e+00 : f32
    %div3A_4 = vector.broadcast %div3A : f32 to vector<1000x1xf32>
    %div3A_5 = arith.divf %div3A_4, %add3A_3 : vector<1000x1xf32>
    %get3A_6 = arith.constant 0 : index
    %get3A_7 = arith.constant 0 : index
    %get3A_8 = vector.load %arg1[%get3A_6, %get3A_7] : memref<1000x128xf32, #tpu.memory_space<vmem>>, vector<1000x128xf32>
    %mul3A = vector.broadcast %div3A_5 : vector<1000x1xf32> to vector<1000x128xf32>
    %mul3A_9 = arith.mulf %get3A_8, %mul3A : vector<1000x128xf32>
    %get3A_10 = arith.constant 0 : index
    %get3A_11 = arith.constant 0 : index
    %get3A_12 = vector.load %arg3[%get3A_10, %get3A_11] : memref<8x128xf32, #tpu.memory_space<vmem>>, vector<1x128xf32>
    %add3A_13 = vector.broadcast %get3A_12 : vector<1x128xf32> to vector<1000x128xf32>
    %add3A_14 = arith.addf %mul3A_9, %add3A_13 : vector<1000x128xf32>
    %swap3A = arith.constant 0 : index
    %swap3A_15 = arith.constant 0 : index
    %swap3A_16 = vector.load %arg4[%swap3A, %swap3A_15] : memref<1000x128xf32, #tpu.memory_space<vmem>>, vector<1000x128xf32>
    tpu.vector_store %arg4[%swap3A, %swap3A_15], %add3A_14 {strides = array<i32>} : memref<1000x128xf32, #tpu.memory_space<vmem>>, vector<1000x128xf32>,
    return
  }
  func.func @transform_0(%arg0: i32) -> (i32, i32) {
    %c0_i32 = arith.constant 0 : i32
    %c0_i32_0 = arith.constant 0 : i32
    return %arg0, %c0_i32 : i32, i32
  }
  func.func @transform_1(%arg0: i32) -> (i32, i32) {
    %c0_i32 = arith.constant 0 : i32
    %c0_i32_0 = arith.constant 0 : i32
    return %arg0, %c0_i32 : i32, i32
  }
  func.func @transform_2(%arg0: i32) -> (i32, i32) {
    %c0_i32 = arith.constant 0 : i32
    %c0_i32_0 = arith.constant 0 : i32
    %c0_i32_1 = arith.constant 0 : i32
    return %c0_i32, %c0_i32_0 : i32, i32
  }
  func.func @transform_3(%arg0: i32) -> (i32, i32) {
    %c0_i32 = arith.constant 0 : i32
    %c0_i32_0 = arith.constant 0 : i32
    return %arg0, %c0_i32 : i32, i32
  }
}

</mosaic_0001>

<sc_bundles>
// kernel: closed_call.29.cloned.1.call-start
scs
__scs_entry_jumppad:
0x0: {  	(pc) =	sbr.rel $0x88, $3  }
0x1: {  	(tag) =	ssettag $0x0;
	lr =	simm.s32 $0x1  }
0x2: {  	[smem:$0x3F8D] =	sst lr;
	_ =	strace $0xD0000000  }
0x3: {  	_ = 	snop  }
0x4: {  	_ = 	snop  }
0x5: {  	_ = 	snop  }
0x6: {  	_ = 	snop  }
0x7: {  	_ = 	snop  }
__scs_overlays_trampoline_lowered:
0x8: {  	[smem:$0x3F9C] =	sst s0  }
0x9: {  	[smem:$0x3F9D] =	sst s1  }
0xa: {  	[smem:$0x3F9E] =	sst s2  }
0xb: {  	[smem:$0x3F9F] =	sst s3  }
0xc: {  	[smem:$0x3FA0] =	sst s4  }
0xd: {  	[smem:$0x3FA1] =	sst s5  }
0xe: {  	[smem:$0x3FA2] =	sst s6  }
0xf: {  	[smem:$0x3FA3] =	sst s7  }
0x10: {  	[smem:$0x3FA4] =	sst s8  }
0x11: {  	[smem:$0x3FA5] =	sst s9;
	s0 =	simm.s32 @!p0 $0x0  }
0x12: {  	s1 =	sld [smem:$0x3F8B];
	s0 =	simm.s32 @p0 $0x1  }
0x13: {  	[smem:$0x3FA6] =	sst s0;
	s0 =	simm.s32 @!p1 $0x0  }
0x14: {  	s2 =	sld [smem:$0x3F8A];
	s0 =	simm.s32 @p1 $0x1  }
0x15: {  	[smem:$0x3FA7] =	sst s0;
	s0 =	simm.s32 @!p2 $0x0  }
0x16: {  	s3 =	sld [smem:$0x3FDB];
	s0 =	simm.s32 @p2 $0x1  }
0x17: {  	s4 =	simm.s32 $0x1BF5;
	[smem:$0x3FA9] =	sst s0  }
0x18: {  	s0 =	sld [smem:$0x3F8C];
	_ =	swait.ge [sflag:s4], $0x0  }
0x19: {  	s7 =	sld [smem:$0x3F8D]  }
0x1a: {  	s8 =	sadd.s32 $0xFFFFE003, lr  }
0x1b: {  	s9 =	sadd.s32 $0xFFFFFEF7, lr;
	s5 =	simm.s32 $0xFFFFFFFF;
	p2 =	slt.u32 s8, $0xFFFFF086  }
0x1c: {  	p1 =	slt.u32 s9, $0xF7A;
	s5 =	simm.s32 @!p2 $0x0  }
0x1d: {  	s5 =	simm.s32 @p1 $0x1;
	p0 =	seq.s32 s7, s2  }
0x1e: {  	s7 =	smul.u32 @!p0 $0xF7A, s2;
	p2 =	seq.s32 @!p0 s5, $0x0  }
0x1f: {  	s9 =	smul.u32 $0xF7A, s1;
	s8 =	simm.s32 @!p0 $0x1BF5;
	p2 =	por !p2, p0  }
0x20: {  	[sflag:s8] =	ssyncset.s32 @!p0 $0xFFFFF086;
	s6 =	sadd.s32 @!p0 s3, s7;
	s7 =	simm.s32 @!p0 $0x108  }
0x21: {  	s3 =	sadd.s32 s3, s9;
	s6 =	sadd.s32 @!p0 $0x88, s6;
	s7 =	simm.s32 @p2 $0x1082  }
0x22: {  	[simem:s7], [sflag:s8] =	dma.local @!p0 [hbm:s6], $0xF7A  }
0x23: {  	s9 =	sor.u32 $0xD0000000, s2;
	s6 =	simm.s32 $0x108;
	_ =	swait.ge @!p0 [sflag:s8], $0x0  }
0x24: {  	s3 =	sadd.s32 $0x88, s3;
	s6 =	simm.s32 @!p1 $0x1082;
	[sflag:s4] =	ssyncset.s32 $0xFFFFF086  }
0x25: {  	[simem:s6], [sflag:s4] =	dma.local [hbm:s3], $0xF7A  }
0x26: {  	[smem:$0x3F8D] =	sst s1;
	(tag) =	ssettag s2;
	_ =	strace s9  }
0x27: {  	s1 =	sld [smem:$0x3F9D]  }
0x28: {  	s2 =	sld [smem:$0x3F9E]  }
0x29: {  	s4 =	sld [smem:$0x3FA0]  }
0x2a: {  	p0 =	seq.s32 s5, $0x0;
	s5 =	sld [smem:$0x3FA1]  }
0x2b: {  	s6 =	sld [smem:$0x3FA2]  }
0x2c: {  	s7 =	sld [smem:$0x3FA3]  }
0x2d: {  	s3 =	simm.s32 $0x108;
	s8 =	sld [smem:$0x3FA4]  }
0x2e: {  	s3 =	simm.s32 @!p0 $0x1082;
	s9 =	sld [smem:$0x3FA5]  }
0x2f: {  	lr =	sadd.s32 s0, s3;
	s0 =	sld [smem:$0x3F9C]  }
0x30: {  	s3 =	sld [smem:$0x3F9F]  }
0x31: {  	[smem:$0x3FA8] =	sst s10  }
0x32: {  	s10 =	sld [smem:$0x3FA6];
	_ =	sdelay $0x3  }
0x33: {  	p0 =	seq.s32 s10, $0x1;
	s10 =	sld [smem:$0x3FA8];
	_ =	sdelay $0x3  }
0x34: {  	[smem:$0x3FA8] =	sst s10  }
0x35: {  	s10 =	sld [smem:$0x3FA7];
	_ =	sdelay $0x3  }
0x36: {  	p1 =	seq.s32 s10, $0x1;
	s10 =	sld [smem:$0x3FA8];
	_ =	sdelay $0x3  }
0x37: {  	[smem:$0x3FA8] =	sst s10  }
0x38: {  	s10 =	sld [smem:$0x3FA9]  }
0x39: {  	_ = 	snop;
	(pc) =	sbr.ind lr, $3  }
0x3a: {  	_ = 	snop  }
0x3b: {  	_ = 	snop  }
0x3c: {  	p2 =	seq.s32 s10, $0x1;
	s10 =	sld [smem:$0x3FA8]  }
0x3d: {  	_ =	shalt  }
0x3e: {  	_ =	shalt  }
0x3f: {  	_ =	shalt  }
0x40: {  	_ =	shalt  }
0x41: {  	_ =	shalt  }
0x42: {  	_ =	shalt  }
0x43: {  	_ =	shalt  }
0x44: {  	_ =	shalt  }
0x45: {  	_ =	shalt  }
0x46: {  	_ =	shalt  }
0x47: {  	_ =	shalt  }
0x48: {  	_ =	shalt  }
0x49: {  	_ =	shalt  }
0x4a: {  	_ =	shalt  }
0x4b: {  	_ =	shalt  }
0x4c: {  	_ =	shalt  }
0x4d: {  	_ =	shalt  }
0x4e: {  	_ =	shalt  }
0x4f: {  	_ =	shalt  }
0x50: {  	_ =	shalt  }
0x51: {  	_ =	shalt  }
0x52: {  	_ =	shalt  }
0x53: {  	_ =	shalt  }
0x54: {  	_ =	shalt  }
0x55: {  	_ =	shalt  }
0x56: {  	_ =	shalt  }
0x57: {  	_ =	shalt  }
0x58: {  	_ =	shalt  }
0x59: {  	_ =	shalt  }
0x5a: {  	_ =	shalt  }
0x5b: {  	_ =	shalt  }
0x5c: {  	_ =	shalt  }
0x5d: {  	_ =	shalt  }
0x5e: {  	_ =	shalt  }
0x5f: {  	_ =	shalt  }
0x60: {  	_ =	shalt  }
0x61: {  	_ =	shalt  }
0x62: {  	_ =	shalt  }
0x63: {  	_ =	shalt  }
0x64: {  	_ =	shalt  }
0x65: {  	_ =	shalt  }
0x66: {  	_ =	shalt  }
0x67: {  	_ =	shalt  }
0x68: {  	_ =	shalt  }
0x69: {  	_ =	shalt  }
0x6a: {  	_ =	shalt  }
0x6b: {  	_ =	shalt  }
0x6c: {  	_ =	shalt  }
0x6d: {  	_ =	shalt  }
0x6e: {  	_ =	shalt  }
0x6f: {  	_ =	shalt  }
0x70: {  	_ =	shalt  }
0x71: {  	_ =	shalt  }
0x72: {  	_ =	shalt  }
0x73: {  	_ =	shalt  }
0x74: {  	_ =	shalt  }
0x75: {  	_ =	shalt  }
0x76: {  	_ =	shalt  }
0x77: {  	_ =	shalt  }
0x78: {  	_ =	shalt  }
0x79: {  	_ =	shalt  }
0x7a: {  	_ =	shalt  }
0x7b: {  	_ =	shalt  }
0x7c: {  	_ =	shalt  }
0x7d: {  	_ =	shalt  }
0x7e: {  	_ =	shalt  }
0x7f: {  	_ =	shalt  }
0x80: {  	_ =	shalt  }
0x81: {  	_ =	shalt  }
0x82: {  	_ =	shalt  }
0x83: {  	_ =	shalt  }
0x84: {  	_ =	shalt  }
0x85: {  	_ =	shalt  }
0x86: {  	_ =	shalt  }
0x87: {  	_ =	shalt  }
.Lfunc_end0:
.L_simem_size_0:
called_computation_lowered:
.L_overlay_start_0:
0x88: {  	s2 =	sld [smem:$0x3FD9]  }
0x89: {  	s3 =	sld [smem:$0x3FFE];
	_ =	sdelay $0x1  }
0x8a: {  	s1 =	srdreg.scid  }
0x8b: {  	s0 =	sand.u32 $0x1, s1  }
0x8c: {  	s14 =	sshll.u32 s0, $0xA;
	s2 =	sadd.s32 s3, s2  }
0x8d: {  	s2 =	sadd.s32 s2, s14  }
0x8e: {  	[smem:$0x3FB4] =	sst s2  }
0x8f: {  	_ = 	snop  }
0x90: {  	s2 =	sld [smem:$0x3FD0];
	_ =	sdelay $0x2  }
0x91: {  	s15 =	simm.s32 $0xA;
	s4 =	simm.s32 $0x10  }
0x92: {  	[smem:s4], [sflag:s15] =	dma.local [hbm:s2], $0x1  }
0x93: {  	_ =	swait.eq [sflag:s15], $0x1  }
0x94: {  	[sflag:s15] =	ssyncset.done $0x0  }
0x95: {  	s16 =	sld [smem:$0x10];
	[sflag:s15] =	ssyncadd.s32 $0xFFFFFFFF  }
0x96: {  	s17 =	sld [smem:$0x11];
	(tm) =	ssettm $0x1  }
0x97: {  	s18 =	sld [smem:$0x3FFB];
	_ =	sdelay $0x3  }
0x98: {  	_ =	strace s18  }
0x99: {  	s4 =	sld [smem:$0x3FFC];
	_ =	sdelay $0x3  }
0x9a: {  	_ =	strace s4  }
0x9b: {  	s4 =	sld [smem:$0x3FFD];
	_ =	sdelay $0x3  }
0x9c: {  	_ =	strace s4  }
0x9d: {  	_ =	strace $0x8FFFFFFF  }
0x9e: {  	s19 =	sld [smem:$0x3FDB];
	_ =	sdelay $0x1  }
0x9f: {  	s5 =	simm.s32 $_scs_section_size  }
0xa0: {  	s6 =	simm.s32 $_size__tile_overlayer_lowered;
	s7 =	simm.s32 $_tile_overlayer_lowered  }
0xa1: {  	s22 =	simm.s32 $0x1BFF;
	s21 =	sshll.u32 s7, $0x1;
	s4 =	sadd.s32 s5, s19  }
0xa2: {  	s8 =	simm.s32 $0x0;
	s20 =	sshll.u32 s6, $0x1;
	s6 =	sadd.s32 s21, s4  }
0xa3: {  	[timem:s8], [sflag:s22] =	dma.local [hbm:s6], s20  }
0xa4: {  	_ =	swait.ge [sflag:s22], s20  }
0xa5: {  	s5 =	ssub.s32 $0x0, s20;
	[sflag:s22] =	ssyncset.done $0x0  }
0xa6: {  	[sflag:s22] =	ssyncadd.s32 s5;
	_ =	sdelay $0x1  }
0xa7: {  	s23 =	simm.s32 $0x1B8B  }
0xa8: {  	_ =	swait.ge [sflag:s23], $0x1  }
0xa9: {  	[sflag:s23] =	ssyncset.done $0x0  }
0xaa: {  	s25 =	simm.s32 $0x1B8E;
	s24 =	sld [smem:$0x3FFE];
	[sflag:s23] =	ssyncadd.s32 $0xFFFFFFFF  }
0xab: {  	s26 =	simm.s32 $execute0_lowered;
	[smem:$0x3FD2] =	sst s25  }
0xac: {  	s6 =	sshll.u32 s26, $0x1;
	_ =	strace $0x80000046;
	[dreg:$0x1] =	wrdreg $0xFFFFFFFF  }
0xad: {  	s28 =	simm.s32 $_size_execute0_lowered;
	s4 =	sadd.s32 s4, s6;
	[dreg:$0x0] =	wrdreg $0x0  }
0xae: {  	s6 =	sshll.u32 s28, $0x1;
	[dreg:$0x2] =	wrdreg s4  }
0xaf: {  	[dreg:$0x3] =	wrdreg s6  }
0xb0: {  	[dreg:$0x4] =	wrdreg $0xC0  }
0xb1: {  	_ =	task [dreg:s8], $0x5FFFF  }
0xb2: {  	[dreg:$0x1] =	wrdreg $0xFFFFFFFF  }
0xb3: {  	[dreg:$0x0] =	wrdreg $0x60  }
0xb4: {  	[dreg:$0x2] =	wrdreg s16  }
0xb5: {  	[dreg:$0x3] =	wrdreg s17  }
0xb6: {  	[dreg:$0x4] =	wrdreg s24  }
0xb7: {  	[dreg:$0x5] =	wrdreg $0x9  }
0xb8: {  	_ =	task.clear_ibuf [dreg:s8], $0x6FFFF;
	_ =	strace $0x90000046  }
0xb9: {  	s29 =	simm.s32 $0x9;
	_ =	strace $0x80000048  }
0xba: {  	_ =	swait.ge [sflag:s29], $0x1  }
0xbb: {  	[sflag:s29] =	ssyncadd.s32 $0xFFFFFFFF  }
0xbc: {  	_ =	strace $0x90000048  }
0xbd: {  	_ =	sfence  }
0xbe: {  	s30 =	sld [smem:$0x0];
	_ =	sdelay $0x2  }
0xbf: {  	s31 =	sshll.u32 s1, $0xD;
	s1 =	sshrl.u32 s1, $0x2  }
0xc0: {  	s3 =	sand.u32 $0x4000, s31;
	s1 =	sadd.s32 s1, s30  }
0xc1: {  	s0 =	sor.u32 s3, s0;
	s1 =	sshll.u32 s1, $0x11  }
0xc2: {  	s0 =	sor.u32 s1, s0  }
0xc3: {  	s0 =	sadd.s32 $0x8F2B, s0  }
0xc4: {  	[sflag:s0] =	ssyncadd.remote.s32 $0x1  }
0xc5: {  	_ =	sfence.sel $0xFFFF  }
0xc6: {  	[dreg:$0x0] =	wrdreg $0xFFFFFFFF;
	(pc) =	sbr.abs _section_cstart, $3  }
0xc7: {  	[dreg:$0x1] =	wrdreg $0xFFFFFFFF  }
0xc8: {  	_ =	task.clear_ibuf [dreg:s8], $0x2FFFF;
	_ =	strace $0x9FFFFFFF  }
0xc9: {  	(tm) =	ssettm $0x7FFFFFFF  }
tec
execute0_lowered:
.L_overlay_start_1:
0x0: {  	(tag) =	ssettag $0x1  }
0x1: {  	s1 =	rddreg [dreg:$0x0]  }
0x2: {  	s2 =	rddreg [dreg:$0x1]  }
0x3: {  	s0 =	rddreg [dreg:$0x2]  }
0x4: {  	s4 =	simm.s32 $0x0;
	s7 =	stileid.u32;
	s6 =	srdreg.scid  }
0x5: {  	s16 =	simm.s32 $0x9;
	s17 =	simm.s32 $0x2800;
	s18 =	simm.s32 $0x80  }
0x6: {  	s19 =	simm.s32 $0x5000;
	s20 =	simm.s32 $0x9000;
	s21 =	simm.s32 $0xD000  }
0x7: {  	s22 =	simm.s32 $0x2880;
	s28 =	simm.s32 $0x4;
	s29 =	simm.s32 $0x5  }
0x8: {  	s30 =	simm.s32 $0x6;
	s31 =	simm.s32 $0x7;
	s3 =	smul.u32 $0x500, s7  }
0x9: {  	[smem:$0x7FF] =	sst s4;
	s5 =	sadd.s32 $0x545E00, s0;
	s7 =	smul.u32 $0x28000, s7  }
0xa: {  	s8 =	sand.u32 $0x1, s6;
	s6 =	sadd.s32 $0x51EC00, s0;
	_ =	strace $0x80000047  }
0xb: {  	s9 =	ssub.s32 $0x2, s8;
	p0 =	seq.s32 s8, $0x1;
	s3 =	sadd.s32 s3, s0  }
0xc: {  	s0 =	sadd.s32 s7, s0;
	s23 =	sshrl.u32 s9, $0x1;
	s10 =	sadd.s32 $0x50B200, s3  }
0xd: {  	s7 =	ssub.s32 s9, s23;
	s24 =	sadd.s32 $0x519C00, s3;
	s25 =	sadd.s32 $0x506200, s3  }
0xe: {  	s3 =	sadd.s32 $0x514C00, s3;
	s26 =	sadd.s32 $0xCED800, s0;
	[dreg:$0x4] =	wrdreg s10  }
.Ltmp0:
0xf: {  	s8 =	sadd.s32 $0xA6D800, s0;
	[dreg:$0x5] =	wrdreg s24;
	(pc) =	sbr.rel .LBB2_1-.Ltmp0, $4  }
0x10: {  	s14 =	sadd.s32 $0x7ED800, s0;
	s15 =	sadd.s32 $0x56D800, s0;
	[dreg:$0x6] =	wrdreg s25  }
0x11: {  	s23 =	simm.s32 $0x11000;
	s0 =	simm.s32 $0x8;
	[dreg:$0x7] =	wrdreg s3  }
0x12: {  	[dreg:$0x8] =	wrdreg s26;
	s12 =	smax.u32 s7, $0x1;
	s24 =	simm.s32 $0x1  }
0x13: {  	s25 =	simm.s32 $0x2;
	s26 =	simm.s32 $0x3;
	s3 =	simm.s32 $0x0  }
.LBB2_8:
0x14: {  	_ =	swait.ge [sflag:s30], $0x4000  }
0x15: {  	[sflag:s30] =	ssyncset.done $0x0  }
0x16: {  	s3 =	sadd.s32 $0x1, s3;
	[sflag:s30] =	ssyncadd.s32 $0xFFFFC000  }
0x17: {  	p1 =	sne.s32 s3, s12;
	_ =	swait.ge [sflag:s31], $0x4000  }
.Ltmp1:
0x18: {  	[sflag:s31] =	ssyncset.done $0x0;
	(pc) =	sbr.rel @!p1 .LBB2_9-.Ltmp1, $4  }
0x19: {  	[sflag:s31] =	ssyncadd.s32 $0xFFFFC000  }
0x1a: {  	_ =	swait.ge [sflag:s0], $0x4000  }
0x1b: {  	[sflag:s0] =	ssyncset.done $0x0  }
0x1c: {  	[sflag:s0] =	ssyncadd.s32 $0xFFFFC000  }
.LBB2_1:
.Ltmp2:
0x1d: {  	(pc) =	sbr.rel @!p0 .LBB2_2-.Ltmp2, $2  }
0x1e: {  	_ =	sdelay $0x2  }
0x1f: {  	s7 =	simm.s32 $0x0  }
0x20: {  	s9 =	rddreg [dreg:$0x6]  }
0x21: {  	[tilespmem:s7], [sflag:$0x9] =	stream.linear.gather [hbm4b:s9+s7], $0x2800, $0x38;
	[tilespmem:$0x15000] =	vst v63  }
0x22: {  	_ =	swait.ge [sflag:s16], $0x2800  }
0x23: {  	[sflag:s16] =	ssyncset.done $0x0  }
0x24: {  	s13 =	rddreg [dreg:$0x7];
	[sflag:s16] =	ssyncadd.s32 $0xFFFFD800  }
0x25: {  	[tilespmem:s17], [sflag:$0x9] =	stream.linear.gather [hbm4b:s13+s7], $0x2800, $0x38;
	[tilespmem:$0x15000] =	vst v63  }
0x26: {  	_ =	swait.ge [sflag:s16], $0x2800  }
0x27: {  	[sflag:s16] =	ssyncset.done $0x0  }
0x28: {  	[sflag:s16] =	ssyncadd.s32 $0xFFFFD800  }
0x29: {  	[tilespmem:s19], [sflag:$0x1] =	stream.indirect.gather [hbm4b:s5+s18], $0x80, s7, s18, $0xb8;
	[tilespmem:$0x15000] =	vst v63  }
0x2a: {  	_ = 	snop  }
0x2b: {  	[tilespmem:s20], [sflag:$0x2] =	stream.indirect.gather [hbm4b:s6+s18], $0x80, s17, s18, $0xb8;
	[tilespmem:$0x15000] =	vst v63  }
0x2c: {  	_ = 	snop  }
0x2d: {  	[tilespmem:s21], [sflag:$0x3] =	stream.indirect.gather [hbm4b:s5+s18], $0x80, s18, s18, $0xb8;
	[tilespmem:$0x15000] =	vst v63  }
0x2e: {  	s11 =	smov.u32 s14;
	s13 =	smov.u32 s15  }
0x2f: {  	[tilespmem:s23], [sflag:$0x4] =	stream.indirect.gather [hbm4b:s6+s18], $0x80, s22, s18, $0xb8;
	[tilespmem:$0x15000] =	vst v63  }
.LBB2_6:
0x30: {  	_ =	swait.ge [sflag:s24], $0x4000  }
0x31: {  	[sflag:s24] =	ssyncset.done $0x0  }
0x32: {  	s9 =	sadd.s32 $0xFFFFF800, s13;
	[sflag:s24] =	ssyncadd.s32 $0xFFFFC000  }
0x33: {  	[hbm4b:s9+s4] =	stream.linear.scatter [tilespmem:s19], [sflag:$0x5], $0x4000, $0x38;
	[tilespmem:$0x15000] =	vst v63  }
0x34: {  	_ =	swait.ge [sflag:s25], $0x4000  }
0x35: {  	[sflag:s25] =	ssyncset.done $0x0  }
0x36: {  	s10 =	sadd.s32 $0xFFFFF800, s11;
	[sflag:s25] =	ssyncadd.s32 $0xFFFFC000  }
0x37: {  	[hbm4b:s10+s4] =	stream.linear.scatter [tilespmem:s20], [sflag:$0x6], $0x4000, $0x38;
	[tilespmem:$0x15000] =	vst v63  }
0x38: {  	_ =	swait.ge [sflag:s26], $0x4000  }
0x39: {  	[sflag:s26] =	ssyncset.done $0x0  }
0x3a: {  	[sflag:s26] =	ssyncadd.s32 $0xFFFFC000  }
0x3b: {  	[hbm4b:s13+s4] =	stream.linear.scatter [tilespmem:s21], [sflag:$0x7], $0x4000, $0x38;
	[tilespmem:$0x15000] =	vst v63  }
0x3c: {  	_ =	swait.ge [sflag:s28], $0x4000  }
0x3d: {  	p1 =	seq.s32 s7, $0x9C00;
	[sflag:s28] =	ssyncset.done $0x0  }
.Ltmp3:
0x3e: {  	[sflag:s28] =	ssyncadd.s32 $0xFFFFC000;
	(pc) =	sbr.rel @p1 .LBB2_8-.Ltmp3, $4  }
0x3f: {  	[hbm4b:s11+s4] =	stream.linear.scatter [tilespmem:s23], [sflag:$0x8], $0x4000, $0x38;
	[tilespmem:$0x15000] =	vst v63  }
0x40: {  	_ =	swait.ge [sflag:s29], $0x4000  }
0x41: {  	[sflag:s29] =	ssyncset.done $0x0  }
0x42: {  	[sflag:s29] =	ssyncadd.s32 $0xFFFFC000  }
0x43: {  	s9 =	sshra.s32 s7, $0x2  }
0x44: {  	s10 =	sadd.s32 $0x100, s9  }
0x45: {  	[tilespmem:s19], [sflag:$0x1] =	stream.indirect.gather [hbm4b:s5+s18], $0x80, s10, s18, $0xb8;
	[tilespmem:$0x15000] =	vst v63  }
0x46: {  	_ =	swait.ge [sflag:s30], $0x4000  }
0x47: {  	[sflag:s30] =	ssyncset.done $0x0  }
0x48: {  	s10 =	sadd.s32 $0x2900, s9;
	[sflag:s30] =	ssyncadd.s32 $0xFFFFC000  }
0x49: {  	[tilespmem:s20], [sflag:$0x2] =	stream.indirect.gather [hbm4b:s6+s18], $0x80, s10, s18, $0xb8;
	[tilespmem:$0x15000] =	vst v63  }
0x4a: {  	_ =	swait.ge [sflag:s31], $0x4000  }
0x4b: {  	[sflag:s31] =	ssyncset.done $0x0  }
0x4c: {  	s10 =	sadd.s32 $0x180, s9;
	[sflag:s31] =	ssyncadd.s32 $0xFFFFC000  }
0x4d: {  	[tilespmem:s21], [sflag:$0x3] =	stream.indirect.gather [hbm4b:s5+s18], $0x80, s10, s18, $0xb8;
	[tilespmem:$0x15000] =	vst v63  }
.Ltmp4:
0x4e: {  	_ = 	snop;
	(pc) =	sbr.rel .LBB2_6-.Ltmp4, $4  }
0x4f: {  	_ =	swait.ge [sflag:s0], $0x4000  }
0x50: {  	s7 =	sadd.s32 $0x400, s7;
	s11 =	sadd.s32 $0x1000, s11;
	[sflag:s0] =	ssyncset.done $0x0  }
0x51: {  	s13 =	sadd.s32 $0x1000, s13;
	s9 =	sadd.s32 $0x2980, s9;
	[sflag:s0] =	ssyncadd.s32 $0xFFFFC000  }
0x52: {  	[tilespmem:s23], [sflag:$0x4] =	stream.indirect.gather [hbm4b:s6+s18], $0x80, s9, s18, $0xb8;
	[tilespmem:$0x15000] =	vst v63  }
.LBB2_2:
0x53: {  	s9 =	rddreg [dreg:$0x4]  }
0x54: {  	[tilespmem:s7], [sflag:$0x9] =	stream.linear.gather [hbm4b:s9+s7], $0x2800, $0x38;
	[tilespmem:$0x15000] =	vst v63  }
0x55: {  	_ =	swait.ge [sflag:s16], $0x2800  }
0x56: {  	[sflag:s16] =	ssyncset.done $0x0  }
0x57: {  	s13 =	rddreg [dreg:$0x5];
	[sflag:s16] =	ssyncadd.s32 $0xFFFFD800  }
0x58: {  	[tilespmem:s17], [sflag:$0x9] =	stream.linear.gather [hbm4b:s13+s7], $0x2800, $0x38;
	[tilespmem:$0x15000] =	vst v63  }
0x59: {  	_ =	swait.ge [sflag:s16], $0x2800  }
0x5a: {  	[sflag:s16] =	ssyncset.done $0x0  }
0x5b: {  	[sflag:s16] =	ssyncadd.s32 $0xFFFFD800  }
0x5c: {  	[tilespmem:s19], [sflag:$0x1] =	stream.indirect.gather [hbm4b:s1+s18], $0x80, s7, s18, $0xb8;
	[tilespmem:$0x15000] =	vst v63  }
0x5d: {  	_ = 	snop  }
0x5e: {  	[tilespmem:s20], [sflag:$0x2] =	stream.indirect.gather [hbm4b:s2+s18], $0x80, s17, s18, $0xb8;
	[tilespmem:$0x15000] =	vst v63  }
0x5f: {  	_ = 	snop  }
0x60: {  	[tilespmem:s21], [sflag:$0x3] =	stream.indirect.gather [hbm4b:s1+s18], $0x80, s18, s18, $0xb8;
	[tilespmem:$0x15000] =	vst v63  }
0x61: {  	s13 =	smov.u32 s8;
	s11 =	rddreg [dreg:$0x8]  }
0x62: {  	[tilespmem:s23], [sflag:$0x4] =	stream.indirect.gather [hbm4b:s2+s18], $0x80, s22, s18, $0xb8;
	[tilespmem:$0x15000] =	vst v63  }
.LBB2_3:
0x63: {  	_ =	swait.ge [sflag:s24], $0x4000  }
0x64: {  	[sflag:s24] =	ssyncset.done $0x0  }
0x65: {  	s10 =	sadd.s32 $0xFFFFF800, s13;
	[sflag:s24] =	ssyncadd.s32 $0xFFFFC000  }
0x66: {  	[hbm4b:s10+s4] =	stream.linear.scatter [tilespmem:s19], [sflag:$0x5], $0x4000, $0x38;
	[tilespmem:$0x15000] =	vst v63  }
0x67: {  	_ =	swait.ge [sflag:s25], $0x4000  }
0x68: {  	[sflag:s25] =	ssyncset.done $0x0  }
0x69: {  	s9 =	sadd.s32 $0xFFFFF800, s11;
	[sflag:s25] =	ssyncadd.s32 $0xFFFFC000  }
0x6a: {  	[hbm4b:s9+s4] =	stream.linear.scatter [tilespmem:s20], [sflag:$0x6], $0x4000, $0x38;
	[tilespmem:$0x15000] =	vst v63  }
0x6b: {  	_ =	swait.ge [sflag:s26], $0x4000  }
0x6c: {  	[sflag:s26] =	ssyncset.done $0x0  }
0x6d: {  	[sflag:s26] =	ssyncadd.s32 $0xFFFFC000  }
0x6e: {  	[hbm4b:s13+s4] =	stream.linear.scatter [tilespmem:s21], [sflag:$0x7], $0x4000, $0x38;
	[tilespmem:$0x15000] =	vst v63  }
0x6f: {  	_ =	swait.ge [sflag:s28], $0x4000  }
0x70: {  	p1 =	seq.s32 s7, $0x9C00;
	[sflag:s28] =	ssyncset.done $0x0  }
.Ltmp5:
0x71: {  	[sflag:s28] =	ssyncadd.s32 $0xFFFFC000;
	(pc) =	sbr.rel @p1 .LBB2_8-.Ltmp5, $4  }
0x72: {  	[hbm4b:s11+s4] =	stream.linear.scatter [tilespmem:s23], [sflag:$0x8], $0x4000, $0x38;
	[tilespmem:$0x15000] =	vst v63  }
0x73: {  	_ =	swait.ge [sflag:s29], $0x4000  }
0x74: {  	[sflag:s29] =	ssyncset.done $0x0  }
0x75: {  	[sflag:s29] =	ssyncadd.s32 $0xFFFFC000  }
0x76: {  	s10 =	sshra.s32 s7, $0x2  }
0x77: {  	s9 =	sadd.s32 $0x100, s10  }
0x78: {  	[tilespmem:s19], [sflag:$0x1] =	stream.indirect.gather [hbm4b:s1+s18], $0x80, s9, s18, $0xb8;
	[tilespmem:$0x15000] =	vst v63  }
0x79: {  	_ =	swait.ge [sflag:s30], $0x4000  }
0x7a: {  	[sflag:s30] =	ssyncset.done $0x0  }
0x7b: {  	s9 =	sadd.s32 $0x2900, s10;
	[sflag:s30] =	ssyncadd.s32 $0xFFFFC000  }
0x7c: {  	[tilespmem:s20], [sflag:$0x2] =	stream.indirect.gather [hbm4b:s2+s18], $0x80, s9, s18, $0xb8;
	[tilespmem:$0x15000] =	vst v63  }
0x7d: {  	_ =	swait.ge [sflag:s31], $0x4000  }
0x7e: {  	[sflag:s31] =	ssyncset.done $0x0  }
0x7f: {  	s9 =	sadd.s32 $0x180, s10;
	[sflag:s31] =	ssyncadd.s32 $0xFFFFC000  }
0x80: {  	[tilespmem:s21], [sflag:$0x3] =	stream.indirect.gather [hbm4b:s1+s18], $0x80, s9, s18, $0xb8;
	[tilespmem:$0x15000] =	vst v63  }
.Ltmp6:
0x81: {  	_ = 	snop;
	(pc) =	sbr.rel .LBB2_3-.Ltmp6, $4  }
0x82: {  	_ =	swait.ge [sflag:s0], $0x4000  }
0x83: {  	s7 =	sadd.s32 $0x400, s7;
	s11 =	sadd.s32 $0x1000, s11;
	[sflag:s0] =	ssyncset.done $0x0  }
0x84: {  	s13 =	sadd.s32 $0x1000, s13;
	s10 =	sadd.s32 $0x2980, s10;
	[sflag:s0] =	ssyncadd.s32 $0xFFFFC000  }
0x85: {  	[tilespmem:s23], [sflag:$0x4] =	stream.indirect.gather [hbm4b:s2+s18], $0x80, s10, s18, $0xb8;
	[tilespmem:$0x15000] =	vst v63  }
.LBB2_9:
0x86: {  	_ =	sfence.sel $0x180000  }
0x87: {  	[bflag:$0x0] =	sbarrier.arrive $0xFFFF  }
0x88: {  	_ =	strace $0x90000047  }
0x89: {  	s0 =	stileid.u32;
	[bflag:$0x2] =	sbarrier.arrive $0xFFFF  }
0x8a: {  	p0 =	sne.s32 s0, $0x0;
	s0 =	rddreg [dreg:$0x3]  }
0x8b: {  	s0 =	sadd.s32 @!p0 $0x100000, s0  }
0x8c: {  	[sflag:s0] =	ssyncadd.tile.s32 @!p0 $0x1;
	_ =	shalt  }
.Lfunc_end2:
_tile_overlayer_lowered:
.L_overlay_start_2:
0x8d: {  	(tag) =	ssettag $0x2  }
0x8e: {  	s0 =	rddreg [dreg:$0x0];
	s2 =	stileid.u32  }
0x8f: {  	s1 =	rddreg [dreg:$0x1];
	p0 =	sne.s32 s2, $0x0  }
0x90: {  	s3 =	rddreg [dreg:$0x2];
	[bflag:$0x3] =	sbarrier.arrive $0xFFFF;
	s2 =	simm.s32 @!p0 $0x1C09  }
0x91: {  	[timem:s3], [sflag:s2] =	dma.local @!p0 [hbm:s0], s1  }
0x92: {  	s0 =	simm.s32 @!p0 $0x9  }
0x93: {  	_ =	swait.ge @!p0 [sflag:s0], s1  }
0x94: {  	s1 =	ssub.s32 @!p0 $0x0, s1;
	[sflag:s0] =	ssyncset.done @!p0 $0x0  }
0x95: {  	[sflag:s0] =	ssyncadd.s32 @!p0 s1  }
0x96: {  	[bflag:$0x3] =	sbarrier.arrive $0xFFFF  }
0x97: {  	_ =	shalt  }

// kernel: closed_call.32.cloned.1.call-start
scs
__scs_entry_jumppad:
0x0: {  	(pc) =	sbr.rel $0x88, $3  }
0x1: {  	(tag) =	ssettag $0x0;
	lr =	simm.s32 $0x1  }
0x2: {  	[smem:$0x3F8D] =	sst lr;
	_ =	strace $0xD0000000  }
0x3: {  	_ = 	snop  }
0x4: {  	_ = 	snop  }
0x5: {  	_ = 	snop  }
0x6: {  	_ = 	snop  }
0x7: {  	_ = 	snop  }
__scs_overlays_trampoline_lowered:
0x8: {  	[smem:$0x3F9C] =	sst s0  }
0x9: {  	[smem:$0x3F9D] =	sst s1  }
0xa: {  	[smem:$0x3F9E] =	sst s2  }
0xb: {  	[smem:$0x3F9F] =	sst s3  }
0xc: {  	[smem:$0x3FA0] =	sst s4  }
0xd: {  	[smem:$0x3FA1] =	sst s5  }
0xe: {  	[smem:$0x3FA2] =	sst s6  }
0xf: {  	[smem:$0x3FA3] =	sst s7  }
0x10: {  	[smem:$0x3FA4] =	sst s8  }
0x11: {  	[smem:$0x3FA5] =	sst s9;
	s0 =	simm.s32 @!p0 $0x0  }
0x12: {  	s1 =	sld [smem:$0x3F8B];
	s0 =	simm.s32 @p0 $0x1  }
0x13: {  	[smem:$0x3FA6] =	sst s0;
	s0 =	simm.s32 @!p1 $0x0  }
0x14: {  	s2 =	sld [smem:$0x3F8A];
	s0 =	simm.s32 @p1 $0x1  }
0x15: {  	[smem:$0x3FA7] =	sst s0;
	s0 =	simm.s32 @!p2 $0x0  }
0x16: {  	s3 =	sld [smem:$0x3FDB];
	s0 =	simm.s32 @p2 $0x1  }
0x17: {  	s4 =	simm.s32 $0x1BF5;
	[smem:$0x3FA9] =	sst s0  }
0x18: {  	s0 =	sld [smem:$0x3F8C];
	_ =	swait.ge [sflag:s4], $0x0  }
0x19: {  	s7 =	sld [smem:$0x3F8D]  }
0x1a: {  	s8 =	sadd.s32 $0xFFFFE003, lr  }
0x1b: {  	s9 =	sadd.s32 $0xFFFFFEF7, lr;
	s5 =	simm.s32 $0xFFFFFFFF;
	p2 =	slt.u32 s8, $0xFFFFF086  }
0x1c: {  	p1 =	slt.u32 s9, $0xF7A;
	s5 =	simm.s32 @!p2 $0x0  }
0x1d: {  	s5 =	simm.s32 @p1 $0x1;
	p0 =	seq.s32 s7, s2  }
0x1e: {  	s7 =	smul.u32 @!p0 $0xF7A, s2;
	p2 =	seq.s32 @!p0 s5, $0x0  }
0x1f: {  	s9 =	smul.u32 $0xF7A, s1;
	s8 =	simm.s32 @!p0 $0x1BF5;
	p2 =	por !p2, p0  }
0x20: {  	[sflag:s8] =	ssyncset.s32 @!p0 $0xFFFFF086;
	s6 =	sadd.s32 @!p0 s3, s7;
	s7 =	simm.s32 @!p0 $0x108  }
0x21: {  	s3 =	sadd.s32 s3, s9;
	s6 =	sadd.s32 @!p0 $0x88, s6;
	s7 =	simm.s32 @p2 $0x1082  }
0x22: {  	[simem:s7], [sflag:s8] =	dma.local @!p0 [hbm:s6], $0xF7A  }
0x23: {  	s9 =	sor.u32 $0xD0000000, s2;
	s6 =	simm.s32 $0x108;
	_ =	swait.ge @!p0 [sflag:s8], $0x0  }
0x24: {  	s3 =	sadd.s32 $0x88, s3;
	s6 =	simm.s32 @!p1 $0x1082;
	[sflag:s4] =	ssyncset.s32 $0xFFFFF086  }
0x25: {  	[simem:s6], [sflag:s4] =	dma.local [hbm:s3], $0xF7A  }
0x26: {  	[smem:$0x3F8D] =	sst s1;
	(tag) =	ssettag s2;
	_ =	strace s9  }
0x27: {  	s1 =	sld [smem:$0x3F9D]  }
0x28: {  	s2 =	sld [smem:$0x3F9E]  }
0x29: {  	s4 =	sld [smem:$0x3FA0]  }
0x2a: {  	p0 =	seq.s32 s5, $0x0;
	s5 =	sld [smem:$0x3FA1]  }
0x2b: {  	s6 =	sld [smem:$0x3FA2]  }
0x2c: {  	s7 =	sld [smem:$0x3FA3]  }
0x2d: {  	s3 =	simm.s32 $0x108;
	s8 =	sld [smem:$0x3FA4]  }
0x2e: {  	s3 =	simm.s32 @!p0 $0x1082;
	s9 =	sld [smem:$0x3FA5]  }
0x2f: {  	lr =	sadd.s32 s0, s3;
	s0 =	sld [smem:$0x3F9C]  }
0x30: {  	s3 =	sld [smem:$0x3F9F]  }
0x31: {  	[smem:$0x3FA8] =	sst s10  }
0x32: {  	s10 =	sld [smem:$0x3FA6];
	_ =	sdelay $0x3  }
0x33: {  	p0 =	seq.s32 s10, $0x1;
	s10 =	sld [smem:$0x3FA8];
	_ =	sdelay $0x3  }
0x34: {  	[smem:$0x3FA8] =	sst s10  }
0x35: {  	s10 =	sld [smem:$0x3FA7];
	_ =	sdelay $0x3  }
0x36: {  	p1 =	seq.s32 s10, $0x1;
	s10 =	sld [smem:$0x3FA8];
	_ =	sdelay $0x3  }
0x37: {  	[smem:$0x3FA8] =	sst s10  }
0x38: {  	s10 =	sld [smem:$0x3FA9]  }
0x39: {  	_ = 	snop;
	(pc) =	sbr.ind lr, $3  }
0x3a: {  	_ = 	snop  }
0x3b: {  	_ = 	snop  }
0x3c: {  	p2 =	seq.s32 s10, $0x1;
	s10 =	sld [smem:$0x3FA8]  }
0x3d: {  	_ =	shalt  }
0x3e: {  	_ =	shalt  }
0x3f: {  	_ =	shalt  }
0x40: {  	_ =	shalt  }
0x41: {  	_ =	shalt  }
0x42: {  	_ =	shalt  }
0x43: {  	_ =	shalt  }
0x44: {  	_ =	shalt  }
0x45: {  	_ =	shalt  }
0x46: {  	_ =	shalt  }
0x47: {  	_ =	shalt  }
0x48: {  	_ =	shalt  }
0x49: {  	_ =	shalt  }
0x4a: {  	_ =	shalt  }
0x4b: {  	_ =	shalt  }
0x4c: {  	_ =	shalt  }
0x4d: {  	_ =	shalt  }
0x4e: {  	_ =	shalt  }
0x4f: {  	_ =	shalt  }
0x50: {  	_ =	shalt  }
0x51: {  	_ =	shalt  }
0x52: {  	_ =	shalt  }
0x53: {  	_ =	shalt  }
0x54: {  	_ =	shalt  }
0x55: {  	_ =	shalt  }
0x56: {  	_ =	shalt  }
0x57: {  	_ =	shalt  }
0x58: {  	_ =	shalt  }
0x59: {  	_ =	shalt  }
0x5a: {  	_ =	shalt  }
0x5b: {  	_ =	shalt  }
0x5c: {  	_ =	shalt  }
0x5d: {  	_ =	shalt  }
0x5e: {  	_ =	shalt  }
0x5f: {  	_ =	shalt  }
0x60: {  	_ =	shalt  }
0x61: {  	_ =	shalt  }
0x62: {  	_ =	shalt  }
0x63: {  	_ =	shalt  }
0x64: {  	_ =	shalt  }
0x65: {  	_ =	shalt  }
0x66: {  	_ =	shalt  }
0x67: {  	_ =	shalt  }
0x68: {  	_ =	shalt  }
0x69: {  	_ =	shalt  }
0x6a: {  	_ =	shalt  }
0x6b: {  	_ =	shalt  }
0x6c: {  	_ =	shalt  }
0x6d: {  	_ =	shalt  }
0x6e: {  	_ =	shalt  }
0x6f: {  	_ =	shalt  }
0x70: {  	_ =	shalt  }
0x71: {  	_ =	shalt  }
0x72: {  	_ =	shalt  }
0x73: {  	_ =	shalt  }
0x74: {  	_ =	shalt  }
0x75: {  	_ =	shalt  }
0x76: {  	_ =	shalt  }
0x77: {  	_ =	shalt  }
0x78: {  	_ =	shalt  }
0x79: {  	_ =	shalt  }
0x7a: {  	_ =	shalt  }
0x7b: {  	_ =	shalt  }
0x7c: {  	_ =	shalt  }
0x7d: {  	_ =	shalt  }
0x7e: {  	_ =	shalt  }
0x7f: {  	_ =	shalt  }
0x80: {  	_ =	shalt  }
0x81: {  	_ =	shalt  }
0x82: {  	_ =	shalt  }
0x83: {  	_ =	shalt  }
0x84: {  	_ =	shalt  }
0x85: {  	_ =	shalt  }
0x86: {  	_ =	shalt  }
0x87: {  	_ =	shalt  }
.Lfunc_end0:
.L_simem_size_0:
called_computation.1_lowered:
.L_overlay_start_0:
0x88: {  	s2 =	sld [smem:$0x3FD9]  }
0x89: {  	s3 =	sld [smem:$0x3FFE];
	_ =	sdelay $0x1  }
0x8a: {  	s1 =	srdreg.scid  }
0x8b: {  	s0 =	sand.u32 $0x1, s1  }
0x8c: {  	s14 =	sshll.u32 s0, $0xA;
	s2 =	sadd.s32 s3, s2  }
0x8d: {  	s2 =	sadd.s32 s2, s14  }
0x8e: {  	[smem:$0x3FB4] =	sst s2  }
0x8f: {  	_ = 	snop  }
0x90: {  	s2 =	sld [smem:$0x3FD0];
	_ =	sdelay $0x2  }
0x91: {  	s15 =	simm.s32 $0xA;
	s4 =	simm.s32 $0x10  }
0x92: {  	[smem:s4], [sflag:s15] =	dma.local [hbm:s2], $0x1  }
0x93: {  	_ =	swait.eq [sflag:s15], $0x1  }
0x94: {  	[sflag:s15] =	ssyncset.done $0x0  }
0x95: {  	s16 =	sld [smem:$0x10];
	[sflag:s15] =	ssyncadd.s32 $0xFFFFFFFF  }
0x96: {  	s17 =	sld [smem:$0x11];
	(tm) =	ssettm $0x1  }
0x97: {  	s18 =	sld [smem:$0x3FFB];
	_ =	sdelay $0x3  }
0x98: {  	_ =	strace s18  }
0x99: {  	s4 =	sld [smem:$0x3FFC];
	_ =	sdelay $0x3  }
0x9a: {  	_ =	strace s4  }
0x9b: {  	s4 =	sld [smem:$0x3FFD];
	_ =	sdelay $0x3  }
0x9c: {  	_ =	strace s4  }
0x9d: {  	_ =	strace $0x8FFFFFFF  }
0x9e: {  	s19 =	sld [smem:$0x3FDB];
	_ =	sdelay $0x1  }
0x9f: {  	s5 =	simm.s32 $_scs_section_size  }
0xa0: {  	s6 =	simm.s32 $_size__tile_overlayer_lowered;
	s7 =	simm.s32 $_tile_overlayer_lowered  }
0xa1: {  	s22 =	simm.s32 $0x1BFF;
	s21 =	sshll.u32 s7, $0x1;
	s4 =	sadd.s32 s5, s19  }
0xa2: {  	s8 =	simm.s32 $0x0;
	s20 =	sshll.u32 s6, $0x1;
	s6 =	sadd.s32 s21, s4  }
0xa3: {  	[timem:s8], [sflag:s22] =	dma.local [hbm:s6], s20  }
0xa4: {  	_ =	swait.ge [sflag:s22], s20  }
0xa5: {  	s5 =	ssub.s32 $0x0, s20;
	[sflag:s22] =	ssyncset.done $0x0  }
0xa6: {  	[sflag:s22] =	ssyncadd.s32 s5;
	_ =	sdelay $0x1  }
0xa7: {  	s23 =	simm.s32 $0x1B8B  }
0xa8: {  	_ =	swait.ge [sflag:s23], $0x1  }
0xa9: {  	[sflag:s23] =	ssyncset.done $0x0  }
0xaa: {  	s25 =	simm.s32 $0x1B8E;
	s24 =	sld [smem:$0x3FFE];
	[sflag:s23] =	ssyncadd.s32 $0xFFFFFFFF  }
0xab: {  	s26 =	simm.s32 $execute0_lowered;
	[smem:$0x3FD2] =	sst s25  }
0xac: {  	s6 =	sshll.u32 s26, $0x1;
	_ =	strace $0x80000049;
	[dreg:$0x1] =	wrdreg $0xFFFFFFFF  }
0xad: {  	s28 =	simm.s32 $_size_execute0_lowered;
	s4 =	sadd.s32 s4, s6;
	[dreg:$0x0] =	wrdreg $0x0  }
0xae: {  	s6 =	sshll.u32 s28, $0x1;
	[dreg:$0x2] =	wrdreg s4  }
0xaf: {  	[dreg:$0x3] =	wrdreg s6  }
0xb0: {  	[dreg:$0x4] =	wrdreg $0xC0  }
0xb1: {  	_ =	task [dreg:s8], $0x5FFFF  }
0xb2: {  	[dreg:$0x1] =	wrdreg $0xFFFFFFFF  }
0xb3: {  	[dreg:$0x0] =	wrdreg $0x60  }
0xb4: {  	[dreg:$0x2] =	wrdreg s24  }
0xb5: {  	[dreg:$0x3] =	wrdreg s17  }
0xb6: {  	[dreg:$0x4] =	wrdreg s16  }
0xb7: {  	[dreg:$0x5] =	wrdreg $0x12A000  }
0xb8: {  	[dreg:$0x6] =	wrdreg $0x9  }
0xb9: {  	_ =	task.clear_ibuf [dreg:s8], $0x7FFFF;
	_ =	strace $0x90000049  }
0xba: {  	s29 =	simm.s32 $0x9;
	_ =	strace $0x8000004B  }
0xbb: {  	_ =	swait.ge [sflag:s29], $0x1  }
0xbc: {  	[sflag:s29] =	ssyncadd.s32 $0xFFFFFFFF  }
0xbd: {  	_ =	strace $0x9000004B  }
0xbe: {  	_ =	sfence  }
0xbf: {  	s30 =	sld [smem:$0x0];
	_ =	sdelay $0x2  }
0xc0: {  	s31 =	sshll.u32 s1, $0xD;
	s1 =	sshrl.u32 s1, $0x2  }
0xc1: {  	s3 =	sand.u32 $0x4000, s31;
	s1 =	sadd.s32 s1, s30  }
0xc2: {  	s0 =	sor.u32 s3, s0;
	s1 =	sshll.u32 s1, $0x11  }
0xc3: {  	s0 =	sor.u32 s1, s0  }
0xc4: {  	s0 =	sadd.s32 $0x8F2B, s0  }
0xc5: {  	[sflag:s0] =	ssyncadd.remote.s32 $0x1  }
0xc6: {  	_ =	sfence.sel $0xFFFF  }
0xc7: {  	[dreg:$0x0] =	wrdreg $0xFFFFFFFF;
	(pc) =	sbr.abs _section_cstart, $3  }
0xc8: {  	[dreg:$0x1] =	wrdreg $0xFFFFFFFF  }
0xc9: {  	_ =	task.clear_ibuf [dreg:s8], $0x2FFFF;
	_ =	strace $0x9FFFFFFF  }
0xca: {  	(tm) =	ssettm $0x7FFFFFFF  }
0xcb: {  	_ =	shalt  }
tec
execute0_lowered:
.L_overlay_start_1:
0x0: {  	(tag) =	ssettag $0x1  }
0x1: {  	s0 =	rddreg [dreg:$0x0]  }
0x2: {  	s3 =	rddreg [dreg:$0x3];
	s4 =	simm.s32 $0x0  }
0x3: {  	s13 =	stileid.u32;
	s28 =	simm.s32 $0x2800;
	s29 =	simm.s32 $0x9  }
0x4: {  	s8 =	srdreg.scid;
	s1 =	sadd.s32 $0x51EC00, s0;
	s2 =	sadd.s32 $0x79EC00, s0  }
0x5: {  	s30 =	simm.s32 $0x6800;
	s5 =	sadd.s32 $0xF6D400, s0;
	s6 =	smul.u32 $0x500, s13  }
0x6: {  	s31 =	simm.s32 $0x1;
	s7 =	sadd.s32 $0x11ED400, s0;
	s9 =	smul.u32 $0x29000, s13  }
0x7: {  	[smem:$0x7FF] =	sst s4;
	s15 =	sadd.s32 $0xA1EC00, s0;
	s11 =	smul.u32 $0x28000, s13  }
0x8: {  	s10 =	sand.u32 $0x1, s8;
	s16 =	sadd.s32 $0xA46C00, s0;
	s19 =	smul.u32 $0xA000, s13  }
0x9: {  	s21 =	smul.u32 $0x1400, s13;
	p1 =	sne.s32 s13, $0x0;
	s13 =	simm.s32 $0x7  }
0xa: {  	_ =	strace $0x8000004A;
	s24 =	ssub.s32 $0x2, s10;
	[dreg:$0x5] =	wrdreg s15  }
0xb: {  	p0 =	seq.s32 s10, $0x1;
	[dreg:$0x6] =	wrdreg s16;
	s6 =	sadd.s32 s6, s0  }
0xc: {  	s25 =	sshrl.u32 s9, $0x2;
	s26 =	sshrl.u32 s24, $0x1;
	s18 =	sor.u32 $0x800, s11  }
0xd: {  	s20 =	sshrl.u32 s11, $0x2;
	s23 =	sadd.s32 s15, s21;
	s15 =	simm.s32 $0x5  }
0xe: {  	s8 =	sadd.s32 s25, s3;
	s0 =	ssub.s32 s24, s26;
	s17 =	sadd.s32 $0x519C00, s6  }
0xf: {  	s22 =	sadd.s32 s7, s18;
	[dreg:$0xf] =	wrdreg s23;
	s24 =	sadd.s32 $0x514C00, s6  }
0x10: {  	s25 =	sadd.s32 s16, s21;
	s26 =	sadd.s32 $0xA0400, s3;
	[dreg:$0x9] =	wrdreg s17  }
0x11: {  	s21 =	simm.s32 $0xA800;
	s23 =	simm.s32 $0xE800;
	[dreg:$0xe] =	wrdreg s22  }
0x12: {  	s6 =	simm.s32 $0x12900;
	s12 =	sadd.s32 $0x4000, s8;
	[dreg:$0x11] =	wrdreg s24  }
0x13: {  	s14 =	sadd.s32 $0x8000, s8;
	s17 =	sadd.s32 s5, s11;
	[dreg:$0x12] =	wrdreg s25  }
0x14: {  	s5 =	sadd.s32 s5, s18;
	s0 =	smax.u32 s0, $0x1;
	[dreg:$0x14] =	wrdreg s26  }
0x15: {  	s24 =	simm.s32 $0x3;
	s22 =	simm.s32 $0x0;
	[dreg:$0x7] =	wrdreg s12  }
0x16: {  	[dreg:$0x8] =	wrdreg s14;
	s12 =	sadd.s32 s1, s11;
	s1 =	sadd.s32 s1, s18  }
0x17: {  	s14 =	sadd.s32 s2, s11;
	s2 =	sadd.s32 s2, s18;
	[dreg:$0xd] =	wrdreg s5  }
0x18: {  	[dreg:$0x13] =	wrdreg s0;
	s0 =	simm.s32 $0x80;
	s5 =	simm.s32 $0x12980  }
.Ltmp0:
0x19: {  	s18 =	simm.s32 $0x8;
	[dreg:$0xa] =	wrdreg s1;
	(pc) =	sbr.rel .LBB2_1-.Ltmp0, $4  }
0x1a: {  	[dreg:$0xb] =	wrdreg s2;
	s2 =	sadd.s32 s20, s3;
	s1 =	sshrl.u32 s19, $0x3  }
0x1b: {  	s19 =	sadd.s32 s7, s11;
	s11 =	simm.s32 $0x12880;
	s20 =	simm.s32 $0x6  }
0x1c: {  	s7 =	simm.s32 $0x4;
	[dreg:$0xc] =	wrdreg s2;
	s1 =	sadd.s32 $0x14000, s1  }
0x1d: {  	v0 =	vimm.f32 $0.0e+00;
	s2 =	simm.s32 $0x2;
	[dreg:$0x10] =	wrdreg s1;
	s1 =	simm.s32 $0x12800  }
.LBB2_26:
0x1e: {  	s9 =	rddreg [dreg:$0x6]  }
.LBB2_27:
0x1f: {  	_ =	swait.ge [sflag:s20], $0x4000  }
0x20: {  	[sflag:s20] =	ssyncset.done $0x0  }
0x21: {  	[sflag:s20] =	ssyncadd.s32 $0xFFFFC000  }
0x22: {  	s10 =	rddreg [dreg:$0x10];
	[bflag:$0x0] =	sbarrier.arrive $0xFFFF  }
0x23: {  	s25 =	rddreg [dreg:$0xc]  }
0x24: {  	s9 =	sadd.s32 s9, s10;
	s10 =	sshrl.u32 s25, $0x3  }
0x25: {  	[hbm:s9], [sflag:s26] =	dma.local [spmem:s10], $0x1400  }
0x26: {  	_ =	swait.ge [sflag:s29], $0x1400  }
0x27: {  	s22 =	sadd.s32 $0x1, s22;
	s26 =	rddreg [dreg:$0x13]  }
0x28: {  	p2 =	sne.s32 s22, s26  }
.Ltmp1:
0x29: {  	_ = 	snop;
	(pc) =	sbr.rel @!p2 .LBB2_28-.Ltmp1, $3  }
0x2a: {  	_ =	sdelay $0x1  }
0x2b: {  	[sflag:s29] =	ssyncset.done $0x0  }
0x2c: {  	[sflag:s29] =	ssyncadd.s32 $0xFFFFEC00  }
.LBB2_1:
.Ltmp2:
0x2d: {  	(pc) =	sbr.rel @!p0 .LBB2_2-.Ltmp2, $3  }
0x2e: {  	_ =	sdelay $0x1  }
0x2f: {  	s9 =	rddreg [dreg:$0x14]  }
0x30: {  	s26 =	sadd.s32 $0x200, s4;
	s25 =	sshrl.u32 @!p1 s9, $0x3;
	s9 =	sshra.s32 s4, $0x2  }
.LBB2_15:
0x31: {  	p2 =	sne.s32 s26, $0xFE00;
	[tilespmem:s9+$0x2870] =	vst v0  }
0x32: {  	[tilespmem:s9+$0x2800] =	vst v0  }
0x33: {  	[tilespmem:s9+$0x2810] =	vst v0  }
.Ltmp3:
0x34: {  	[tilespmem:s9+$0x2820] =	vst v0;
	(pc) =	sbr.rel @p2 .LBB2_15-.Ltmp3, $4  }
0x35: {  	[tilespmem:s9+$0x2830] =	vst v0  }
0x36: {  	[tilespmem:s9+$0x2840] =	vst v0  }
0x37: {  	[tilespmem:s9+$0x2850] =	vst v0  }
0x38: {  	[tilespmem:s9+$0x2860] =	vst v0;
	s9 =	sshra.s32 s26, $0x2;
	s26 =	sadd.s32 $0x200, s26  }
0x39: {  	[tilespmem:s9+$0x2870] =	vst v0  }
0x3a: {  	[tilespmem:s9+$0x2800] =	vst v0  }
0x3b: {  	[tilespmem:s9+$0x2810] =	vst v0  }
0x3c: {  	[tilespmem:s9+$0x2820] =	vst v0  }
0x3d: {  	[tilespmem:s9+$0x2830] =	vst v0  }
0x3e: {  	[tilespmem:s9+$0x2840] =	vst v0  }
0x3f: {  	[tilespmem:s9+$0x2850] =	vst v0  }
0x40: {  	[tilespmem:s9+$0x2860] =	vst v0  }
0x41: {  	[spmem:s8] =	stream.linear.scatter [tilespmem:s28], [sflag:$0x9], $0x4000, $0x38;
	[tilespmem:$0x1CE00] =	vst v63  }
0x42: {  	_ =	swait.ge [sflag:s29], $0x4000  }
0x43: {  	[sflag:s29] =	ssyncset.done $0x0  }
0x44: {  	s26 =	rddreg [dreg:$0x7];
	[sflag:s29] =	ssyncadd.s32 $0xFFFFC000  }
0x45: {  	[spmem:s26] =	stream.linear.scatter [tilespmem:s28], [sflag:$0x9], $0x4000, $0x38;
	[tilespmem:$0x1CE00] =	vst v63  }
0x46: {  	_ =	swait.ge [sflag:s29], $0x4000  }
0x47: {  	[sflag:s29] =	ssyncset.done $0x0  }
0x48: {  	s10 =	rddreg [dreg:$0x8];
	[sflag:s29] =	ssyncadd.s32 $0xFFFFC000  }
0x49: {  	[spmem:s10] =	stream.linear.scatter [tilespmem:s28], [sflag:$0x9], $0x2400, $0x38;
	[tilespmem:$0x1CE00] =	vst v63  }
0x4a: {  	_ =	swait.ge [sflag:s29], $0x2400  }
0x4b: {  	[sflag:s29] =	ssyncset.done $0x0  }
0x4c: {  	s16 =	rddreg [dreg:$0x11];
	[sflag:s29] =	ssyncadd.s32 $0xFFFFDC00  }
0x4d: {  	[tilespmem:s4], [sflag:$0x9] =	stream.linear.gather [hbm4b:s16+s4], $0x2800, $0x38;
	[tilespmem:$0x1CE00] =	vst v63  }
0x4e: {  	_ =	swait.ge [sflag:s29], $0x2800  }
0x4f: {  	[sflag:s29] =	ssyncset.done $0x0  }
0x50: {  	[sflag:s29] =	ssyncadd.s32 $0xFFFFD800  }
0x51: {  	[bflag:$0x0] =	sbarrier.arrive $0xFFFF  }
0x52: {  	[tilespmem:s28], [sflag:$0x1] =	stream.linear.gather [hbm4b:s17+s4], $0x4000, $0x38;
	[tilespmem:$0x1CE00] =	vst v63  }
0x53: {  	s26 =	rddreg [dreg:$0xd]  }
0x54: {  	[tilespmem:s30], [sflag:$0x2] =	stream.linear.gather [hbm4b:s26+s4], $0x4000, $0x38;
	[tilespmem:$0x1CE00] =	vst v63  }
0x55: {  	s9 =	simm.s32 $0xFFFD9000;
	s26 =	simm.s32 $0x80  }
.LBB2_17:
0x56: {  	_ =	swait.ge [sflag:s31], $0x4000  }
0x57: {  	[sflag:s31] =	ssyncset.done $0x0  }
0x58: {  	[sflag:s31] =	ssyncadd.s32 $0xFFFFC000  }
0x59: {  	v1 =	vld [tilespmem:s26+$0xFFFFFF80];
	_ =	sdelay $0x4  }
0x5a: {  	vm0 =	vlt.s32 v1, $0x1400  }
0x5b: {  	v1 =	vnsel vm0, $0x1400, v1  }
0x5c: {  	[tilespmem:$0x12800] =	vst v1  }
0x5d: {  	v1 =	vld [tilespmem:s26+$0xFFFFFF90];
	_ =	sdelay $0x4  }
0x5e: {  	vm13 =	vlt.s32 v1, $0x1400  }
0x5f: {  	v1 =	vnsel vm13, $0x1400, v1  }
0x60: {  	[tilespmem:$0x12810] =	vst v1  }
0x61: {  	v1 =	vld [tilespmem:s26+$0xFFFFFFA0];
	_ =	sdelay $0x4  }
0x62: {  	vm14 =	vlt.s32 v1, $0x1400  }
0x63: {  	v1 =	vnsel vm14, $0x1400, v1  }
0x64: {  	[tilespmem:$0x12820] =	vst v1  }
0x65: {  	v1 =	vld [tilespmem:s26+$0xFFFFFFB0];
	_ =	sdelay $0x4  }
0x66: {  	vm15 =	vlt.s32 v1, $0x1400  }
0x67: {  	v1 =	vnsel vm15, $0x1400, v1  }
0x68: {  	[tilespmem:$0x12830] =	vst v1  }
0x69: {  	v1 =	vld [tilespmem:s26+$0xFFFFFFC0];
	_ =	sdelay $0x4  }
0x6a: {  	vm4 =	vlt.s32 v1, $0x1400  }
0x6b: {  	v1 =	vnsel vm4, $0x1400, v1  }
0x6c: {  	[tilespmem:$0x12840] =	vst v1  }
0x6d: {  	v1 =	vld [tilespmem:s26+$0xFFFFFFD0];
	_ =	sdelay $0x4  }
0x6e: {  	vm5 =	vlt.s32 v1, $0x1400  }
0x6f: {  	v1 =	vnsel vm5, $0x1400, v1  }
0x70: {  	[tilespmem:$0x12850] =	vst v1  }
0x71: {  	v1 =	vld [tilespmem:s26+$0xFFFFFFE0];
	_ =	sdelay $0x4  }
0x72: {  	vm6 =	vlt.s32 v1, $0x1400  }
0x73: {  	v1 =	vnsel vm6, $0x1400, v1  }
0x74: {  	[tilespmem:$0x12860] =	vst v1  }
0x75: {  	v1 =	vld [tilespmem:s26+$0xFFFFFFF0];
	_ =	sdelay $0x4  }
0x76: {  	vm7 =	vlt.s32 v1, $0x1400  }
0x77: {  	v1 =	vnsel vm7, $0x1400, v1  }
0x78: {  	[tilespmem:$0x12870] =	vst v1  }
0x79: {  	[spmem:s3] =	stream.indirect.scatter.add.f32 [tilespmem:s28], [sflag:$0x5], $0x80, s1, s0, $0xb8;
	[tilespmem:$0x1CE00] =	vst v63  }
0x7a: {  	_ =	swait.ge [sflag:s2], $0x4000  }
0x7b: {  	[sflag:s2] =	ssyncset.done $0x0  }
0x7c: {  	[sflag:s2] =	ssyncadd.s32 $0xFFFFC000  }
0x7d: {  	v1 =	vld [tilespmem:s26+$0x0];
	_ =	sdelay $0x4  }
0x7e: {  	vm8 =	vlt.s32 v1, $0x1400  }
0x7f: {  	v1 =	vnsel vm8, $0x1400, v1  }
0x80: {  	[tilespmem:$0x12880] =	vst v1  }
0x81: {  	v1 =	vld [tilespmem:s26+$0x10];
	_ =	sdelay $0x4  }
0x82: {  	vm9 =	vlt.s32 v1, $0x1400  }
0x83: {  	v1 =	vnsel vm9, $0x1400, v1  }
0x84: {  	[tilespmem:$0x12890] =	vst v1  }
0x85: {  	v1 =	vld [tilespmem:s26+$0x20];
	_ =	sdelay $0x4  }
0x86: {  	vm10 =	vlt.s32 v1, $0x1400  }
0x87: {  	v1 =	vnsel vm10, $0x1400, v1  }
0x88: {  	[tilespmem:$0x128A0] =	vst v1  }
0x89: {  	v1 =	vld [tilespmem:s26+$0x30];
	_ =	sdelay $0x4  }
0x8a: {  	vm11 =	vlt.s32 v1, $0x1400  }
0x8b: {  	v1 =	vnsel vm11, $0x1400, v1  }
0x8c: {  	[tilespmem:$0x128B0] =	vst v1  }
0x8d: {  	v1 =	vld [tilespmem:s26+$0x40];
	_ =	sdelay $0x4  }
0x8e: {  	vm12 =	vlt.s32 v1, $0x1400  }
0x8f: {  	v1 =	vnsel vm12, $0x1400, v1  }
0x90: {  	[tilespmem:$0x128C0] =	vst v1  }
0x91: {  	v1 =	vld [tilespmem:s26+$0x50];
	_ =	sdelay $0x4  }
0x92: {  	vm13 =	vlt.s32 v1, $0x1400  }
0x93: {  	v1 =	vnsel vm13, $0x1400, v1  }
0x94: {  	[tilespmem:$0x128D0] =	vst v1  }
0x95: {  	v1 =	vld [tilespmem:s26+$0x60];
	_ =	sdelay $0x4  }
0x96: {  	vm14 =	vlt.s32 v1, $0x1400  }
0x97: {  	v1 =	vnsel vm14, $0x1400, v1  }
0x98: {  	[tilespmem:$0x128E0] =	vst v1  }
0x99: {  	v1 =	vld [tilespmem:s26+$0x70];
	_ =	sdelay $0x4  }
0x9a: {  	vm15 =	vlt.s32 v1, $0x1400  }
0x9b: {  	p2 =	seq.s32 s9, $0x0;
	v1 =	vnsel vm15, $0x1400, v1  }
.Ltmp4:
0x9c: {  	[tilespmem:$0x128F0] =	vst v1;
	(pc) =	sbr.rel @p2 .LBB2_19-.Ltmp4, $4  }
0x9d: {  	[spmem:s3] =	stream.indirect.scatter.add.f32 [tilespmem:s30], [sflag:$0x6], $0x80, s11, s0, $0xb8;
	[tilespmem:$0x1CE00] =	vst v63  }
0x9e: {  	_ =	swait.ge [sflag:s15], $0x4000  }
0x9f: {  	[sflag:s15] =	ssyncset.done $0x0  }
0xa0: {  	[sflag:s15] =	ssyncadd.s32 $0xFFFFC000  }
0xa1: {  	s10 =	sadd.s32 s9, s17  }
0xa2: {  	s16 =	sadd.s32 $0x28000, s10  }
0xa3: {  	[tilespmem:s28], [sflag:$0x1] =	stream.linear.gather [hbm4b:s16+s4], $0x4000, $0x38;
	[tilespmem:$0x1CE00] =	vst v63  }
.Ltmp5:
0xa4: {  	_ = 	snop;
	(pc) =	sbr.rel .LBB2_17-.Ltmp5, $4  }
0xa5: {  	_ =	swait.ge [sflag:s20], $0x4000  }
0xa6: {  	s9 =	sadd.s32 $0x1000, s9;
	[sflag:s20] =	ssyncset.done $0x0  }
0xa7: {  	s26 =	sadd.s32 $0x100, s26;
	s10 =	sadd.s32 $0x28800, s10;
	[sflag:s20] =	ssyncadd.s32 $0xFFFFC000  }
0xa8: {  	[tilespmem:s30], [sflag:$0x2] =	stream.linear.gather [hbm4b:s10+s4], $0x4000, $0x38;
	[tilespmem:$0x1CE00] =	vst v63  }
.LBB2_2:
0xa9: {  	p2 =	sne.s32 s26, $0xFE00;
	[tilespmem:s9+$0x2870] =	vst v0  }
0xaa: {  	[tilespmem:s9+$0x2800] =	vst v0  }
0xab: {  	[tilespmem:s9+$0x2810] =	vst v0  }
.Ltmp6:
0xac: {  	[tilespmem:s9+$0x2820] =	vst v0;
	(pc) =	sbr.rel @p2 .LBB2_2-.Ltmp6, $4  }
0xad: {  	[tilespmem:s9+$0x2830] =	vst v0  }
0xae: {  	[tilespmem:s9+$0x2840] =	vst v0  }
0xaf: {  	[tilespmem:s9+$0x2850] =	vst v0  }
0xb0: {  	[tilespmem:s9+$0x2860] =	vst v0;
	s9 =	sshra.s32 s26, $0x2;
	s26 =	sadd.s32 $0x200, s26  }
0xb1: {  	[tilespmem:s9+$0x2870] =	vst v0  }
0xb2: {  	[tilespmem:s9+$0x2800] =	vst v0  }
0xb3: {  	[tilespmem:s9+$0x2810] =	vst v0  }
0xb4: {  	[tilespmem:s9+$0x2820] =	vst v0  }
0xb5: {  	[tilespmem:s9+$0x2830] =	vst v0  }
0xb6: {  	[tilespmem:s9+$0x2840] =	vst v0  }
0xb7: {  	[tilespmem:s9+$0x2850] =	vst v0  }
0xb8: {  	[tilespmem:s9+$0x2860] =	vst v0  }
0xb9: {  	[spmem:s8] =	stream.linear.scatter [tilespmem:s28], [sflag:$0x9], $0x4000, $0x38;
	[tilespmem:$0x1CE00] =	vst v63  }
0xba: {  	_ =	swait.ge [sflag:s29], $0x4000  }
0xbb: {  	[sflag:s29] =	ssyncset.done $0x0  }
0xbc: {  	s26 =	rddreg [dreg:$0x7];
	[sflag:s29] =	ssyncadd.s32 $0xFFFFC000  }
0xbd: {  	[spmem:s26] =	stream.linear.scatter [tilespmem:s28], [sflag:$0x9], $0x4000, $0x38;
	[tilespmem:$0x1CE00] =	vst v63  }
0xbe: {  	_ =	swait.ge [sflag:s29], $0x4000  }
0xbf: {  	[sflag:s29] =	ssyncset.done $0x0  }
0xc0: {  	s10 =	rddreg [dreg:$0x8];
	[sflag:s29] =	ssyncadd.s32 $0xFFFFC000  }
0xc1: {  	[spmem:s10] =	stream.linear.scatter [tilespmem:s28], [sflag:$0x9], $0x2400, $0x38;
	[tilespmem:$0x1CE00] =	vst v63  }
0xc2: {  	_ =	swait.ge [sflag:s29], $0x2400  }
0xc3: {  	[sflag:s29] =	ssyncset.done $0x0  }
0xc4: {  	s16 =	rddreg [dreg:$0x9];
	[sflag:s29] =	ssyncadd.s32 $0xFFFFDC00  }
0xc5: {  	[tilespmem:s4], [sflag:$0x9] =	stream.linear.gather [hbm4b:s16+s4], $0x2800, $0x38;
	[tilespmem:$0x1CE00] =	vst v63  }
0xc6: {  	_ =	swait.ge [sflag:s29], $0x2800  }
0xc7: {  	[sflag:s29] =	ssyncset.done $0x0  }
0xc8: {  	[sflag:s29] =	ssyncadd.s32 $0xFFFFD800  }
0xc9: {  	[bflag:$0x0] =	sbarrier.arrive $0xFFFF  }
0xca: {  	[tilespmem:s28], [sflag:$0x1] =	stream.linear.gather [hbm4b:s12+s4], $0x4000, $0x38;
	[tilespmem:$0x1CE00] =	vst v63  }
0xcb: {  	s26 =	rddreg [dreg:$0xa]  }
0xcc: {  	[tilespmem:s30], [sflag:$0x2] =	stream.linear.gather [hbm4b:s26+s4], $0x4000, $0x38;
	[tilespmem:$0x1CE00] =	vst v63  }
0xcd: {  	s9 =	simm.s32 $0xFFFD9000;
	s26 =	simm.s32 $0x80  }
.LBB2_4:
0xce: {  	_ =	swait.ge [sflag:s31], $0x4000  }
0xcf: {  	[sflag:s31] =	ssyncset.done $0x0  }
0xd0: {  	[sflag:s31] =	ssyncadd.s32 $0xFFFFC000  }
0xd1: {  	v1 =	vld [tilespmem:s26+$0xFFFFFF80];
	_ =	sdelay $0x4  }
0xd2: {  	vm0 =	vlt.s32 v1, $0x1400  }
0xd3: {  	v1 =	vnsel vm0, $0x1400, v1  }
0xd4: {  	[tilespmem:$0x12800] =	vst v1  }
0xd5: {  	v1 =	vld [tilespmem:s26+$0xFFFFFF90];
	_ =	sdelay $0x4  }
0xd6: {  	vm13 =	vlt.s32 v1, $0x1400  }
0xd7: {  	v1 =	vnsel vm13, $0x1400, v1  }
0xd8: {  	[tilespmem:$0x12810] =	vst v1  }
0xd9: {  	v1 =	vld [tilespmem:s26+$0xFFFFFFA0];
	_ =	sdelay $0x4  }
0xda: {  	vm14 =	vlt.s32 v1, $0x1400  }
0xdb: {  	v1 =	vnsel vm14, $0x1400, v1  }
0xdc: {  	[tilespmem:$0x12820] =	vst v1  }
0xdd: {  	v1 =	vld [tilespmem:s26+$0xFFFFFFB0];
	_ =	sdelay $0x4  }
0xde: {  	vm15 =	vlt.s32 v1, $0x1400  }
0xdf: {  	v1 =	vnsel vm15, $0x1400, v1  }
0xe0: {  	[tilespmem:$0x12830] =	vst v1  }
0xe1: {  	v1 =	vld [tilespmem:s26+$0xFFFFFFC0];
	_ =	sdelay $0x4  }
0xe2: {  	vm4 =	vlt.s32 v1, $0x1400  }
0xe3: {  	v1 =	vnsel vm4, $0x1400, v1  }
0xe4: {  	[tilespmem:$0x12840] =	vst v1  }
0xe5: {  	v1 =	vld [tilespmem:s26+$0xFFFFFFD0];
	_ =	sdelay $0x4  }
0xe6: {  	vm5 =	vlt.s32 v1, $0x1400  }
0xe7: {  	v1 =	vnsel vm5, $0x1400, v1  }
0xe8: {  	[tilespmem:$0x12850] =	vst v1  }
0xe9: {  	v1 =	vld [tilespmem:s26+$0xFFFFFFE0];
	_ =	sdelay $0x4  }
0xea: {  	vm6 =	vlt.s32 v1, $0x1400  }
0xeb: {  	v1 =	vnsel vm6, $0x1400, v1  }
0xec: {  	[tilespmem:$0x12860] =	vst v1  }
0xed: {  	v1 =	vld [tilespmem:s26+$0xFFFFFFF0];
	_ =	sdelay $0x4  }
0xee: {  	vm7 =	vlt.s32 v1, $0x1400  }
0xef: {  	v1 =	vnsel vm7, $0x1400, v1  }
0xf0: {  	[tilespmem:$0x12870] =	vst v1  }
0xf1: {  	[spmem:s3] =	stream.indirect.scatter.add.f32 [tilespmem:s28], [sflag:$0x5], $0x80, s1, s0, $0xb8;
	[tilespmem:$0x1CE00] =	vst v63  }
0xf2: {  	_ =	swait.ge [sflag:s2], $0x4000  }
0xf3: {  	[sflag:s2] =	ssyncset.done $0x0  }
0xf4: {  	[sflag:s2] =	ssyncadd.s32 $0xFFFFC000  }
0xf5: {  	v1 =	vld [tilespmem:s26+$0x0];
	_ =	sdelay $0x4  }
0xf6: {  	vm8 =	vlt.s32 v1, $0x1400  }
0xf7: {  	v1 =	vnsel vm8, $0x1400, v1  }
0xf8: {  	[tilespmem:$0x12880] =	vst v1  }
0xf9: {  	v1 =	vld [tilespmem:s26+$0x10];
	_ =	sdelay $0x4  }
0xfa: {  	vm9 =	vlt.s32 v1, $0x1400  }
0xfb: {  	v1 =	vnsel vm9, $0x1400, v1  }
0xfc: {  	[tilespmem:$0x12890] =	vst v1  }
0xfd: {  	v1 =	vld [tilespmem:s26+$0x20];
	_ =	sdelay $0x4  }
0xfe: {  	vm10 =	vlt.s32 v1, $0x1400  }
0xff: {  	v1 =	vnsel vm10, $0x1400, v1  }
0x100: {  	[tilespmem:$0x128A0] =	vst v1  }
0x101: {  	v1 =	vld [tilespmem:s26+$0x30];
	_ =	sdelay $0x4  }
0x102: {  	vm11 =	vlt.s32 v1, $0x1400  }
0x103: {  	v1 =	vnsel vm11, $0x1400, v1  }
0x104: {  	[tilespmem:$0x128B0] =	vst v1  }
0x105: {  	v1 =	vld [tilespmem:s26+$0x40];
	_ =	sdelay $0x4  }
0x106: {  	vm12 =	vlt.s32 v1, $0x1400  }
0x107: {  	v1 =	vnsel vm12, $0x1400, v1  }
0x108: {  	[tilespmem:$0x128C0] =	vst v1  }
0x109: {  	v1 =	vld [tilespmem:s26+$0x50];
	_ =	sdelay $0x4  }
0x10a: {  	vm13 =	vlt.s32 v1, $0x1400  }
0x10b: {  	v1 =	vnsel vm13, $0x1400, v1  }
0x10c: {  	[tilespmem:$0x128D0] =	vst v1  }
0x10d: {  	v1 =	vld [tilespmem:s26+$0x60];
	_ =	sdelay $0x4  }
0x10e: {  	vm14 =	vlt.s32 v1, $0x1400  }
0x10f: {  	v1 =	vnsel vm14, $0x1400, v1  }
0x110: {  	[tilespmem:$0x128E0] =	vst v1  }
0x111: {  	v1 =	vld [tilespmem:s26+$0x70];
	_ =	sdelay $0x4  }
0x112: {  	vm15 =	vlt.s32 v1, $0x1400  }
0x113: {  	p2 =	seq.s32 s9, $0x0;
	v1 =	vnsel vm15, $0x1400, v1  }
.Ltmp7:
0x114: {  	[tilespmem:$0x128F0] =	vst v1;
	(pc) =	sbr.rel @p2 .LBB2_6-.Ltmp7, $4  }
0x115: {  	[spmem:s3] =	stream.indirect.scatter.add.f32 [tilespmem:s30], [sflag:$0x6], $0x80, s11, s0, $0xb8;
	[tilespmem:$0x1CE00] =	vst v63  }
0x116: {  	_ =	swait.ge [sflag:s15], $0x4000  }
0x117: {  	[sflag:s15] =	ssyncset.done $0x0  }
0x118: {  	[sflag:s15] =	ssyncadd.s32 $0xFFFFC000  }
0x119: {  	s10 =	sadd.s32 s9, s12  }
0x11a: {  	s16 =	sadd.s32 $0x28000, s10  }
0x11b: {  	[tilespmem:s28], [sflag:$0x1] =	stream.linear.gather [hbm4b:s16+s4], $0x4000, $0x38;
	[tilespmem:$0x1CE00] =	vst v63  }
.Ltmp8:
0x11c: {  	_ = 	snop;
	(pc) =	sbr.rel .LBB2_4-.Ltmp8, $4  }
0x11d: {  	_ =	swait.ge [sflag:s20], $0x4000  }
0x11e: {  	s9 =	sadd.s32 $0x1000, s9;
	[sflag:s20] =	ssyncset.done $0x0  }
0x11f: {  	s26 =	sadd.s32 $0x100, s26;
	s10 =	sadd.s32 $0x28800, s10;
	[sflag:s20] =	ssyncadd.s32 $0xFFFFC000  }
0x120: {  	[tilespmem:s30], [sflag:$0x2] =	stream.linear.gather [hbm4b:s10+s4], $0x4000, $0x38;
	[tilespmem:$0x1CE00] =	vst v63  }
.LBB2_19:
0x121: {  	_ =	swait.ge [sflag:s20], $0x4000  }
0x122: {  	[sflag:s20] =	ssyncset.done $0x0  }
0x123: {  	[sflag:s20] =	ssyncadd.s32 $0xFFFFC000  }
0x124: {  	[tilespmem:s21], [sflag:$0x3] =	stream.linear.gather [hbm4b:s19+s4], $0x4000, $0x38;
	[tilespmem:$0x1CE00] =	vst v63  }
0x125: {  	s9 =	rddreg [dreg:$0xe]  }
0x126: {  	[tilespmem:s23], [sflag:$0x4] =	stream.linear.gather [hbm4b:s9+s4], $0x4000, $0x38;
	[tilespmem:$0x1CE00] =	vst v63  }
0x127: {  	s26 =	simm.s32 $0x80;
	s9 =	simm.s32 $0xFFFD9000  }
.LBB2_20:
0x128: {  	_ =	swait.ge [sflag:s24], $0x4000  }
0x129: {  	[sflag:s24] =	ssyncset.done $0x0  }
0x12a: {  	[sflag:s24] =	ssyncadd.s32 $0xFFFFC000  }
0x12b: {  	v1 =	vld [tilespmem:s26+$0xFFFFFF80];
	_ =	sdelay $0x4  }
0x12c: {  	v1 =	vshrl.u32 v1, $0x7  }
0x12d: {  	v1 =	vadd.s32 $0x1408, v1  }
0x12e: {  	[tilespmem:$0x12900] =	vst v1  }
0x12f: {  	v1 =	vld [tilespmem:s26+$0xFFFFFF90];
	_ =	sdelay $0x4  }
0x130: {  	v1 =	vshrl.u32 v1, $0x7  }
0x131: {  	v1 =	vadd.s32 $0x1408, v1  }
0x132: {  	[tilespmem:$0x12910] =	vst v1  }
0x133: {  	v1 =	vld [tilespmem:s26+$0xFFFFFFA0];
	_ =	sdelay $0x4  }
0x134: {  	v1 =	vshrl.u32 v1, $0x7  }
0x135: {  	v1 =	vadd.s32 $0x1408, v1  }
0x136: {  	[tilespmem:$0x12920] =	vst v1  }
0x137: {  	v1 =	vld [tilespmem:s26+$0xFFFFFFB0];
	_ =	sdelay $0x4  }
0x138: {  	v1 =	vshrl.u32 v1, $0x7  }
0x139: {  	v1 =	vadd.s32 $0x1408, v1  }
0x13a: {  	[tilespmem:$0x12930] =	vst v1  }
0x13b: {  	v1 =	vld [tilespmem:s26+$0xFFFFFFC0];
	_ =	sdelay $0x4  }
0x13c: {  	v1 =	vshrl.u32 v1, $0x7  }
0x13d: {  	v1 =	vadd.s32 $0x1408, v1  }
0x13e: {  	[tilespmem:$0x12940] =	vst v1  }
0x13f: {  	v1 =	vld [tilespmem:s26+$0xFFFFFFD0];
	_ =	sdelay $0x4  }
0x140: {  	v1 =	vshrl.u32 v1, $0x7  }
0x141: {  	v1 =	vadd.s32 $0x1408, v1  }
0x142: {  	[tilespmem:$0x12950] =	vst v1  }
0x143: {  	v1 =	vld [tilespmem:s26+$0xFFFFFFE0];
	_ =	sdelay $0x4  }
0x144: {  	v1 =	vshrl.u32 v1, $0x7  }
0x145: {  	v1 =	vadd.s32 $0x1408, v1  }
0x146: {  	[tilespmem:$0x12960] =	vst v1  }
0x147: {  	v1 =	vld [tilespmem:s26+$0xFFFFFFF0];
	_ =	sdelay $0x4  }
0x148: {  	v1 =	vshrl.u32 v1, $0x7  }
0x149: {  	v1 =	vadd.s32 $0x1408, v1  }
0x14a: {  	[tilespmem:$0x12970] =	vst v1  }
0x14b: {  	[spmem:s3] =	stream.indirect.scatter.add.f32 [tilespmem:s21], [sflag:$0x7], $0x80, s6, s0, $0xb8;
	[tilespmem:$0x1CE00] =	vst v63  }
0x14c: {  	_ =	swait.ge [sflag:s7], $0x4000  }
0x14d: {  	[sflag:s7] =	ssyncset.done $0x0  }
0x14e: {  	[sflag:s7] =	ssyncadd.s32 $0xFFFFC000  }
0x14f: {  	v1 =	vld [tilespmem:s26+$0x0];
	_ =	sdelay $0x4  }
0x150: {  	v1 =	vshrl.u32 v1, $0x7  }
0x151: {  	v1 =	vadd.s32 $0x1408, v1  }
0x152: {  	[tilespmem:$0x12980] =	vst v1  }
0x153: {  	v1 =	vld [tilespmem:s26+$0x10];
	_ =	sdelay $0x4  }
0x154: {  	v1 =	vshrl.u32 v1, $0x7  }
0x155: {  	v1 =	vadd.s32 $0x1408, v1  }
0x156: {  	[tilespmem:$0x12990] =	vst v1  }
0x157: {  	v1 =	vld [tilespmem:s26+$0x20];
	_ =	sdelay $0x4  }
0x158: {  	v1 =	vshrl.u32 v1, $0x7  }
0x159: {  	v1 =	vadd.s32 $0x1408, v1  }
0x15a: {  	[tilespmem:$0x129A0] =	vst v1  }
0x15b: {  	v1 =	vld [tilespmem:s26+$0x30];
	_ =	sdelay $0x4  }
0x15c: {  	v1 =	vshrl.u32 v1, $0x7  }
0x15d: {  	v1 =	vadd.s32 $0x1408, v1  }
0x15e: {  	[tilespmem:$0x129B0] =	vst v1  }
0x15f: {  	v1 =	vld [tilespmem:s26+$0x40];
	_ =	sdelay $0x4  }
0x160: {  	v1 =	vshrl.u32 v1, $0x7  }
0x161: {  	v1 =	vadd.s32 $0x1408, v1  }
0x162: {  	[tilespmem:$0x129C0] =	vst v1  }
0x163: {  	v1 =	vld [tilespmem:s26+$0x50];
	_ =	sdelay $0x4  }
0x164: {  	v1 =	vshrl.u32 v1, $0x7  }
0x165: {  	v1 =	vadd.s32 $0x1408, v1  }
0x166: {  	[tilespmem:$0x129D0] =	vst v1  }
0x167: {  	v1 =	vld [tilespmem:s26+$0x60];
	_ =	sdelay $0x4  }
0x168: {  	v1 =	vshrl.u32 v1, $0x7  }
0x169: {  	v1 =	vadd.s32 $0x1408, v1  }
0x16a: {  	[tilespmem:$0x129E0] =	vst v1  }
0x16b: {  	v1 =	vld [tilespmem:s26+$0x70];
	_ =	sdelay $0x4  }
0x16c: {  	v1 =	vshrl.u32 v1, $0x7  }
0x16d: {  	p2 =	seq.s32 s9, $0x0;
	v1 =	vadd.s32 $0x1408, v1  }
.Ltmp9:
0x16e: {  	[tilespmem:$0x129F0] =	vst v1;
	(pc) =	sbr.rel @p2 .LBB2_22-.Ltmp9, $4  }
0x16f: {  	[spmem:s3] =	stream.indirect.scatter.add.f32 [tilespmem:s23], [sflag:$0x8], $0x80, s5, s0, $0xb8;
	[tilespmem:$0x1CE00] =	vst v63  }
0x170: {  	_ =	swait.ge [sflag:s13], $0x4000  }
0x171: {  	[sflag:s13] =	ssyncset.done $0x0  }
0x172: {  	[sflag:s13] =	ssyncadd.s32 $0xFFFFC000  }
0x173: {  	s10 =	sadd.s32 s9, s19  }
0x174: {  	s16 =	sadd.s32 $0x28000, s10  }
0x175: {  	[tilespmem:s21], [sflag:$0x3] =	stream.linear.gather [hbm4b:s16+s4], $0x4000, $0x38;
	[tilespmem:$0x1CE00] =	vst v63  }
.Ltmp10:
0x176: {  	_ = 	snop;
	(pc) =	sbr.rel .LBB2_20-.Ltmp10, $4  }
0x177: {  	_ =	swait.ge [sflag:s18], $0x4000  }
0x178: {  	s9 =	sadd.s32 $0x1000, s9;
	[sflag:s18] =	ssyncset.done $0x0  }
0x179: {  	s26 =	sadd.s32 $0x100, s26;
	s10 =	sadd.s32 $0x28800, s10;
	[sflag:s18] =	ssyncadd.s32 $0xFFFFC000  }
0x17a: {  	[tilespmem:s23], [sflag:$0x4] =	stream.linear.gather [hbm4b:s10+s4], $0x4000, $0x38;
	[tilespmem:$0x1CE00] =	vst v63  }
.LBB2_6:
0x17b: {  	_ =	swait.ge [sflag:s20], $0x4000  }
0x17c: {  	[sflag:s20] =	ssyncset.done $0x0  }
0x17d: {  	[sflag:s20] =	ssyncadd.s32 $0xFFFFC000  }
0x17e: {  	[tilespmem:s21], [sflag:$0x3] =	stream.linear.gather [hbm4b:s14+s4], $0x4000, $0x38;
	[tilespmem:$0x1CE00] =	vst v63  }
0x17f: {  	s9 =	rddreg [dreg:$0xb]  }
0x180: {  	[tilespmem:s23], [sflag:$0x4] =	stream.linear.gather [hbm4b:s9+s4], $0x4000, $0x38;
	[tilespmem:$0x1CE00] =	vst v63  }
0x181: {  	s26 =	simm.s32 $0x80;
	s9 =	simm.s32 $0xFFFD9000  }
.LBB2_7:
0x182: {  	_ =	swait.ge [sflag:s24], $0x4000  }
0x183: {  	[sflag:s24] =	ssyncset.done $0x0  }
0x184: {  	[sflag:s24] =	ssyncadd.s32 $0xFFFFC000  }
0x185: {  	v1 =	vld [tilespmem:s26+$0xFFFFFF80];
	_ =	sdelay $0x4  }
0x186: {  	v1 =	vshrl.u32 v1, $0x7  }
0x187: {  	v1 =	vadd.s32 $0x1408, v1  }
0x188: {  	[tilespmem:$0x12900] =	vst v1  }
0x189: {  	v1 =	vld [tilespmem:s26+$0xFFFFFF90];
	_ =	sdelay $0x4  }
0x18a: {  	v1 =	vshrl.u32 v1, $0x7  }
0x18b: {  	v1 =	vadd.s32 $0x1408, v1  }
0x18c: {  	[tilespmem:$0x12910] =	vst v1  }
0x18d: {  	v1 =	vld [tilespmem:s26+$0xFFFFFFA0];
	_ =	sdelay $0x4  }
0x18e: {  	v1 =	vshrl.u32 v1, $0x7  }
0x18f: {  	v1 =	vadd.s32 $0x1408, v1  }
0x190: {  	[tilespmem:$0x12920] =	vst v1  }
0x191: {  	v1 =	vld [tilespmem:s26+$0xFFFFFFB0];
	_ =	sdelay $0x4  }
0x192: {  	v1 =	vshrl.u32 v1, $0x7  }
0x193: {  	v1 =	vadd.s32 $0x1408, v1  }
0x194: {  	[tilespmem:$0x12930] =	vst v1  }
0x195: {  	v1 =	vld [tilespmem:s26+$0xFFFFFFC0];
	_ =	sdelay $0x4  }
0x196: {  	v1 =	vshrl.u32 v1, $0x7  }
0x197: {  	v1 =	vadd.s32 $0x1408, v1  }
0x198: {  	[tilespmem:$0x12940] =	vst v1  }
0x199: {  	v1 =	vld [tilespmem:s26+$0xFFFFFFD0];
	_ =	sdelay $0x4  }
0x19a: {  	v1 =	vshrl.u32 v1, $0x7  }
0x19b: {  	v1 =	vadd.s32 $0x1408, v1  }
0x19c: {  	[tilespmem:$0x12950] =	vst v1  }
0x19d: {  	v1 =	vld [tilespmem:s26+$0xFFFFFFE0];
	_ =	sdelay $0x4  }
0x19e: {  	v1 =	vshrl.u32 v1, $0x7  }
0x19f: {  	v1 =	vadd.s32 $0x1408, v1  }
0x1a0: {  	[tilespmem:$0x12960] =	vst v1  }
0x1a1: {  	v1 =	vld [tilespmem:s26+$0xFFFFFFF0];
	_ =	sdelay $0x4  }
0x1a2: {  	v1 =	vshrl.u32 v1, $0x7  }
0x1a3: {  	v1 =	vadd.s32 $0x1408, v1  }
0x1a4: {  	[tilespmem:$0x12970] =	vst v1  }
0x1a5: {  	[spmem:s3] =	stream.indirect.scatter.add.f32 [tilespmem:s21], [sflag:$0x7], $0x80, s6, s0, $0xb8;
	[tilespmem:$0x1CE00] =	vst v63  }
0x1a6: {  	_ =	swait.ge [sflag:s7], $0x4000  }
0x1a7: {  	[sflag:s7] =	ssyncset.done $0x0  }
0x1a8: {  	[sflag:s7] =	ssyncadd.s32 $0xFFFFC000  }
0x1a9: {  	v1 =	vld [tilespmem:s26+$0x0];
	_ =	sdelay $0x4  }
0x1aa: {  	v1 =	vshrl.u32 v1, $0x7  }
0x1ab: {  	v1 =	vadd.s32 $0x1408, v1  }
0x1ac: {  	[tilespmem:$0x12980] =	vst v1  }
0x1ad: {  	v1 =	vld [tilespmem:s26+$0x10];
	_ =	sdelay $0x4  }
0x1ae: {  	v1 =	vshrl.u32 v1, $0x7  }
0x1af: {  	v1 =	vadd.s32 $0x1408, v1  }
0x1b0: {  	[tilespmem:$0x12990] =	vst v1  }
0x1b1: {  	v1 =	vld [tilespmem:s26+$0x20];
	_ =	sdelay $0x4  }
0x1b2: {  	v1 =	vshrl.u32 v1, $0x7  }
0x1b3: {  	v1 =	vadd.s32 $0x1408, v1  }
0x1b4: {  	[tilespmem:$0x129A0] =	vst v1  }
0x1b5: {  	v1 =	vld [tilespmem:s26+$0x30];
	_ =	sdelay $0x4  }
0x1b6: {  	v1 =	vshrl.u32 v1, $0x7  }
0x1b7: {  	v1 =	vadd.s32 $0x1408, v1  }
0x1b8: {  	[tilespmem:$0x129B0] =	vst v1  }
0x1b9: {  	v1 =	vld [tilespmem:s26+$0x40];
	_ =	sdelay $0x4  }
0x1ba: {  	v1 =	vshrl.u32 v1, $0x7  }
0x1bb: {  	v1 =	vadd.s32 $0x1408, v1  }
0x1bc: {  	[tilespmem:$0x129C0] =	vst v1  }
0x1bd: {  	v1 =	vld [tilespmem:s26+$0x50];
	_ =	sdelay $0x4  }
0x1be: {  	v1 =	vshrl.u32 v1, $0x7  }
0x1bf: {  	v1 =	vadd.s32 $0x1408, v1  }
0x1c0: {  	[tilespmem:$0x129D0] =	vst v1  }
0x1c1: {  	v1 =	vld [tilespmem:s26+$0x60];
	_ =	sdelay $0x4  }
0x1c2: {  	v1 =	vshrl.u32 v1, $0x7  }
0x1c3: {  	v1 =	vadd.s32 $0x1408, v1  }
0x1c4: {  	[tilespmem:$0x129E0] =	vst v1  }
0x1c5: {  	v1 =	vld [tilespmem:s26+$0x70];
	_ =	sdelay $0x4  }
0x1c6: {  	v1 =	vshrl.u32 v1, $0x7  }
0x1c7: {  	p2 =	seq.s32 s9, $0x0;
	v1 =	vadd.s32 $0x1408, v1  }
.Ltmp11:
0x1c8: {  	[tilespmem:$0x129F0] =	vst v1;
	(pc) =	sbr.rel @p2 .LBB2_9-.Ltmp11, $4  }
0x1c9: {  	[spmem:s3] =	stream.indirect.scatter.add.f32 [tilespmem:s23], [sflag:$0x8], $0x80, s5, s0, $0xb8;
	[tilespmem:$0x1CE00] =	vst v63  }
0x1ca: {  	_ =	swait.ge [sflag:s13], $0x4000  }
0x1cb: {  	[sflag:s13] =	ssyncset.done $0x0  }
0x1cc: {  	[sflag:s13] =	ssyncadd.s32 $0xFFFFC000  }
0x1cd: {  	s10 =	sadd.s32 s9, s14  }
0x1ce: {  	s16 =	sadd.s32 $0x28000, s10  }
0x1cf: {  	[tilespmem:s21], [sflag:$0x3] =	stream.linear.gather [hbm4b:s16+s4], $0x4000, $0x38;
	[tilespmem:$0x1CE00] =	vst v63  }
.Ltmp12:
0x1d0: {  	_ = 	snop;
	(pc) =	sbr.rel .LBB2_7-.Ltmp12, $4  }
0x1d1: {  	_ =	swait.ge [sflag:s18], $0x4000  }
0x1d2: {  	s9 =	sadd.s32 $0x1000, s9;
	[sflag:s18] =	ssyncset.done $0x0  }
0x1d3: {  	s26 =	sadd.s32 $0x100, s26;
	s10 =	sadd.s32 $0x28800, s10;
	[sflag:s18] =	ssyncadd.s32 $0xFFFFC000  }
0x1d4: {  	[tilespmem:s23], [sflag:$0x4] =	stream.linear.gather [hbm4b:s10+s4], $0x4000, $0x38;
	[tilespmem:$0x1CE00] =	vst v63  }
.LBB2_22:
0x1d5: {  	_ =	swait.ge [sflag:s18], $0x4000  }
0x1d6: {  	[sflag:s18] =	ssyncset.done $0x0  }
0x1d7: {  	[sflag:s18] =	ssyncadd.s32 $0xFFFFC000  }
0x1d8: {  	s9 =	stileid.u32;
	[bflag:$0x0] =	sbarrier.arrive $0xFFFF  }
0x1d9: {  	s9 =	sshll.u32 s9, $0x6;
	s16 =	rddreg [dreg:$0xc]  }
0x1da: {  	s26 =	sor.u32 $0x1C09, s9;
	s10 =	rddreg [dreg:$0x12];
	s9 =	sshrl.u32 s16, $0x3  }
0x1db: {  	[hbm:s10], [sflag:s26] =	dma.local [spmem:s9], $0x1400  }
0x1dc: {  	_ =	swait.ge [sflag:s29], $0x1400  }
0x1dd: {  	[sflag:s29] =	ssyncset.done $0x0  }
0x1de: {  	[sflag:s29] =	ssyncadd.s32 $0xFFFFEC00  }
0x1df: {  	s9 =	rddreg [dreg:$0x2]  }
0x1e0: {  	[hbm:s9], [sflag:s26] =	dma.local @!p1 [spmem:s25], $0x500  }
0x1e1: {  	s9 =	simm.s32 @!p1 $0x9  }
0x1e2: {  	_ =	swait.ge @!p1 [sflag:s9], $0x500  }
0x1e3: {  	[sflag:s9] =	ssyncset.done @!p1 $0x0  }
0x1e4: {  	[sflag:s9] =	ssyncadd.s32 @!p1 $0xFFFFFB00  }
0x1e5: {  	s25 =	simm.s32 $0x200;
	s9 =	simm.s32 $0x0;
	[bflag:$0x0] =	sbarrier.arrive $0xFFFF  }
.LBB2_23:
0x1e6: {  	p2 =	sne.s32 s25, $0xFE00;
	[tilespmem:s9+$0x2870] =	vst v0  }
0x1e7: {  	[tilespmem:s9+$0x2800] =	vst v0  }
0x1e8: {  	[tilespmem:s9+$0x2810] =	vst v0  }
.Ltmp13:
0x1e9: {  	[tilespmem:s9+$0x2820] =	vst v0;
	(pc) =	sbr.rel @p2 .LBB2_23-.Ltmp13, $4  }
0x1ea: {  	[tilespmem:s9+$0x2830] =	vst v0  }
0x1eb: {  	[tilespmem:s9+$0x2840] =	vst v0  }
0x1ec: {  	[tilespmem:s9+$0x2850] =	vst v0  }
0x1ed: {  	[tilespmem:s9+$0x2860] =	vst v0;
	s9 =	sshra.s32 s25, $0x2;
	s25 =	sadd.s32 $0x200, s25  }
0x1ee: {  	[tilespmem:s9+$0x2870] =	vst v0  }
0x1ef: {  	[tilespmem:s9+$0x2800] =	vst v0  }
0x1f0: {  	[tilespmem:s9+$0x2810] =	vst v0  }
0x1f1: {  	[tilespmem:s9+$0x2820] =	vst v0  }
0x1f2: {  	[tilespmem:s9+$0x2830] =	vst v0  }
0x1f3: {  	[tilespmem:s9+$0x2840] =	vst v0  }
0x1f4: {  	[tilespmem:s9+$0x2850] =	vst v0  }
0x1f5: {  	[tilespmem:s9+$0x2860] =	vst v0  }
0x1f6: {  	[spmem:s8] =	stream.linear.scatter [tilespmem:s28], [sflag:$0x9], $0x4000, $0x38;
	[tilespmem:$0x1CE00] =	vst v63  }
0x1f7: {  	_ =	swait.ge [sflag:s29], $0x4000  }
0x1f8: {  	[sflag:s29] =	ssyncset.done $0x0  }
0x1f9: {  	s10 =	rddreg [dreg:$0x7];
	[sflag:s29] =	ssyncadd.s32 $0xFFFFC000  }
0x1fa: {  	[spmem:s10] =	stream.linear.scatter [tilespmem:s28], [sflag:$0x9], $0x4000, $0x38;
	[tilespmem:$0x1CE00] =	vst v63  }
0x1fb: {  	_ =	swait.ge [sflag:s29], $0x4000  }
0x1fc: {  	[sflag:s29] =	ssyncset.done $0x0  }
0x1fd: {  	s16 =	rddreg [dreg:$0x8];
	[sflag:s29] =	ssyncadd.s32 $0xFFFFC000  }
0x1fe: {  	[spmem:s16] =	stream.linear.scatter [tilespmem:s28], [sflag:$0x9], $0x2400, $0x38;
	[tilespmem:$0x1CE00] =	vst v63  }
0x1ff: {  	_ =	swait.ge [sflag:s29], $0x2400  }
0x200: {  	[sflag:s29] =	ssyncset.done $0x0  }
0x201: {  	[sflag:s29] =	ssyncadd.s32 $0xFFFFDC00  }
0x202: {  	[bflag:$0x0] =	sbarrier.arrive $0xFFFF  }
0x203: {  	[tilespmem:s28], [sflag:$0x1] =	stream.linear.gather [hbm4b:s17+s4], $0x4000, $0x38;
	[tilespmem:$0x1CE00] =	vst v63  }
0x204: {  	s25 =	rddreg [dreg:$0xd]  }
0x205: {  	[tilespmem:s30], [sflag:$0x2] =	stream.linear.gather [hbm4b:s25+s4], $0x4000, $0x38;
	[tilespmem:$0x1CE00] =	vst v63  }
0x206: {  	s9 =	simm.s32 $0x80;
	s25 =	simm.s32 $0xFFFD9000  }
.LBB2_25:
0x207: {  	_ =	swait.ge [sflag:s31], $0x4000  }
0x208: {  	[sflag:s31] =	ssyncset.done $0x0  }
0x209: {  	[sflag:s31] =	ssyncadd.s32 $0xFFFFC000  }
0x20a: {  	v1 =	vld [tilespmem:s9+$0xFFFFFF80];
	_ =	sdelay $0x4  }
0x20b: {  	v2 =	vadd.s32 $0xFFFFEC00, v1;
	vm0 =	vlt.s32 v1, $0x1400  }
0x20c: {  	v1 =	vsel vm0, $0x1400, v2  }
0x20d: {  	[tilespmem:$0x12800] =	vst v1  }
0x20e: {  	v1 =	vld [tilespmem:s9+$0xFFFFFF90];
	_ =	sdelay $0x4  }
0x20f: {  	v2 =	vadd.s32 $0xFFFFEC00, v1;
	vm13 =	vlt.s32 v1, $0x1400  }
0x210: {  	v1 =	vsel vm13, $0x1400, v2  }
0x211: {  	[tilespmem:$0x12810] =	vst v1  }
0x212: {  	v1 =	vld [tilespmem:s9+$0xFFFFFFA0];
	_ =	sdelay $0x4  }
0x213: {  	v2 =	vadd.s32 $0xFFFFEC00, v1;
	vm14 =	vlt.s32 v1, $0x1400  }
0x214: {  	v1 =	vsel vm14, $0x1400, v2  }
0x215: {  	[tilespmem:$0x12820] =	vst v1  }
0x216: {  	v1 =	vld [tilespmem:s9+$0xFFFFFFB0];
	_ =	sdelay $0x4  }
0x217: {  	v2 =	vadd.s32 $0xFFFFEC00, v1;
	vm15 =	vlt.s32 v1, $0x1400  }
0x218: {  	v1 =	vsel vm15, $0x1400, v2  }
0x219: {  	[tilespmem:$0x12830] =	vst v1  }
0x21a: {  	v1 =	vld [tilespmem:s9+$0xFFFFFFC0];
	_ =	sdelay $0x4  }
0x21b: {  	v2 =	vadd.s32 $0xFFFFEC00, v1;
	vm4 =	vlt.s32 v1, $0x1400  }
0x21c: {  	v1 =	vsel vm4, $0x1400, v2  }
0x21d: {  	[tilespmem:$0x12840] =	vst v1  }
0x21e: {  	v1 =	vld [tilespmem:s9+$0xFFFFFFD0];
	_ =	sdelay $0x4  }
0x21f: {  	v2 =	vadd.s32 $0xFFFFEC00, v1;
	vm5 =	vlt.s32 v1, $0x1400  }
0x220: {  	v1 =	vsel vm5, $0x1400, v2  }
0x221: {  	[tilespmem:$0x12850] =	vst v1  }
0x222: {  	v1 =	vld [tilespmem:s9+$0xFFFFFFE0];
	_ =	sdelay $0x4  }
0x223: {  	v2 =	vadd.s32 $0xFFFFEC00, v1;
	vm6 =	vlt.s32 v1, $0x1400  }
0x224: {  	v1 =	vsel vm6, $0x1400, v2  }
0x225: {  	[tilespmem:$0x12860] =	vst v1  }
0x226: {  	v1 =	vld [tilespmem:s9+$0xFFFFFFF0];
	_ =	sdelay $0x4  }
0x227: {  	v2 =	vadd.s32 $0xFFFFEC00, v1;
	vm7 =	vlt.s32 v1, $0x1400  }
0x228: {  	v1 =	vsel vm7, $0x1400, v2  }
0x229: {  	[tilespmem:$0x12870] =	vst v1  }
0x22a: {  	[spmem:s3] =	stream.indirect.scatter.add.f32 [tilespmem:s28], [sflag:$0x5], $0x80, s1, s0, $0xb8;
	[tilespmem:$0x1CE00] =	vst v63  }
0x22b: {  	_ =	swait.ge [sflag:s2], $0x4000  }
0x22c: {  	[sflag:s2] =	ssyncset.done $0x0  }
0x22d: {  	[sflag:s2] =	ssyncadd.s32 $0xFFFFC000  }
0x22e: {  	v1 =	vld [tilespmem:s9+$0x0];
	_ =	sdelay $0x4  }
0x22f: {  	v2 =	vadd.s32 $0xFFFFEC00, v1;
	vm8 =	vlt.s32 v1, $0x1400  }
0x230: {  	v1 =	vsel vm8, $0x1400, v2  }
0x231: {  	[tilespmem:$0x12880] =	vst v1  }
0x232: {  	v1 =	vld [tilespmem:s9+$0x10];
	_ =	sdelay $0x4  }
0x233: {  	v2 =	vadd.s32 $0xFFFFEC00, v1;
	vm9 =	vlt.s32 v1, $0x1400  }
0x234: {  	v1 =	vsel vm9, $0x1400, v2  }
0x235: {  	[tilespmem:$0x12890] =	vst v1  }
0x236: {  	v1 =	vld [tilespmem:s9+$0x20];
	_ =	sdelay $0x4  }
0x237: {  	v2 =	vadd.s32 $0xFFFFEC00, v1;
	vm10 =	vlt.s32 v1, $0x1400  }
0x238: {  	v1 =	vsel vm10, $0x1400, v2  }
0x239: {  	[tilespmem:$0x128A0] =	vst v1  }
0x23a: {  	v1 =	vld [tilespmem:s9+$0x30];
	_ =	sdelay $0x4  }
0x23b: {  	v2 =	vadd.s32 $0xFFFFEC00, v1;
	vm11 =	vlt.s32 v1, $0x1400  }
0x23c: {  	v1 =	vsel vm11, $0x1400, v2  }
0x23d: {  	[tilespmem:$0x128B0] =	vst v1  }
0x23e: {  	v1 =	vld [tilespmem:s9+$0x40];
	_ =	sdelay $0x4  }
0x23f: {  	v2 =	vadd.s32 $0xFFFFEC00, v1;
	vm12 =	vlt.s32 v1, $0x1400  }
0x240: {  	v1 =	vsel vm12, $0x1400, v2  }
0x241: {  	[tilespmem:$0x128C0] =	vst v1  }
0x242: {  	v1 =	vld [tilespmem:s9+$0x50];
	_ =	sdelay $0x4  }
0x243: {  	v2 =	vadd.s32 $0xFFFFEC00, v1;
	vm13 =	vlt.s32 v1, $0x1400  }
0x244: {  	v1 =	vsel vm13, $0x1400, v2  }
0x245: {  	[tilespmem:$0x128D0] =	vst v1  }
0x246: {  	v1 =	vld [tilespmem:s9+$0x60];
	_ =	sdelay $0x4  }
0x247: {  	v2 =	vadd.s32 $0xFFFFEC00, v1;
	vm14 =	vlt.s32 v1, $0x1400  }
0x248: {  	v1 =	vsel vm14, $0x1400, v2  }
0x249: {  	[tilespmem:$0x128E0] =	vst v1  }
0x24a: {  	v1 =	vld [tilespmem:s9+$0x70];
	_ =	sdelay $0x4  }
0x24b: {  	v2 =	vadd.s32 $0xFFFFEC00, v1;
	vm15 =	vlt.s32 v1, $0x1400  }
0x24c: {  	p2 =	seq.s32 s25, $0x0;
	v1 =	vsel vm15, $0x1400, v2  }
.Ltmp14:
0x24d: {  	[tilespmem:$0x128F0] =	vst v1;
	(pc) =	sbr.rel @p2 .LBB2_26-.Ltmp14, $4  }
0x24e: {  	[spmem:s3] =	stream.indirect.scatter.add.f32 [tilespmem:s30], [sflag:$0x6], $0x80, s11, s0, $0xb8;
	[tilespmem:$0x1CE00] =	vst v63  }
0x24f: {  	_ =	swait.ge [sflag:s15], $0x4000  }
0x250: {  	[sflag:s15] =	ssyncset.done $0x0  }
0x251: {  	[sflag:s15] =	ssyncadd.s32 $0xFFFFC000  }
0x252: {  	s10 =	sadd.s32 s25, s17  }
0x253: {  	s16 =	sadd.s32 $0x28000, s10  }
0x254: {  	[tilespmem:s28], [sflag:$0x1] =	stream.linear.gather [hbm4b:s16+s4], $0x4000, $0x38;
	[tilespmem:$0x1CE00] =	vst v63  }
.Ltmp15:
0x255: {  	_ = 	snop;
	(pc) =	sbr.rel .LBB2_25-.Ltmp15, $4  }
0x256: {  	_ =	swait.ge [sflag:s20], $0x4000  }
0x257: {  	s25 =	sadd.s32 $0x1000, s25;
	[sflag:s20] =	ssyncset.done $0x0  }
0x258: {  	s9 =	sadd.s32 $0x100, s9;
	s10 =	sadd.s32 $0x28800, s10;
	[sflag:s20] =	ssyncadd.s32 $0xFFFFC000  }
0x259: {  	[tilespmem:s30], [sflag:$0x2] =	stream.linear.gather [hbm4b:s10+s4], $0x4000, $0x38;
	[tilespmem:$0x1CE00] =	vst v63  }
.LBB2_9:
0x25a: {  	_ =	swait.ge [sflag:s18], $0x4000  }
0x25b: {  	[sflag:s18] =	ssyncset.done $0x0  }
0x25c: {  	[sflag:s18] =	ssyncadd.s32 $0xFFFFC000  }
0x25d: {  	s9 =	stileid.u32;
	[bflag:$0x0] =	sbarrier.arrive $0xFFFF  }
0x25e: {  	s9 =	sshll.u32 s9, $0x6;
	s16 =	rddreg [dreg:$0xc]  }
0x25f: {  	s26 =	sor.u32 $0x1C09, s9;
	s10 =	rddreg [dreg:$0xf];
	s9 =	sshrl.u32 s16, $0x3  }
0x260: {  	[hbm:s10], [sflag:s26] =	dma.local [spmem:s9], $0x1400  }
0x261: {  	_ =	swait.ge [sflag:s29], $0x1400  }
0x262: {  	[sflag:s29] =	ssyncset.done $0x0  }
0x263: {  	[sflag:s29] =	ssyncadd.s32 $0xFFFFEC00  }
0x264: {  	s9 =	rddreg [dreg:$0x1]  }
0x265: {  	[hbm:s9], [sflag:s26] =	dma.local @!p1 [spmem:s25], $0x500  }
0x266: {  	s9 =	simm.s32 @!p1 $0x9  }
0x267: {  	_ =	swait.ge @!p1 [sflag:s9], $0x500  }
0x268: {  	[sflag:s9] =	ssyncset.done @!p1 $0x0  }
0x269: {  	[sflag:s9] =	ssyncadd.s32 @!p1 $0xFFFFFB00  }
0x26a: {  	s25 =	simm.s32 $0x200;
	s9 =	simm.s32 $0x0;
	[bflag:$0x0] =	sbarrier.arrive $0xFFFF  }
.LBB2_10:
0x26b: {  	p2 =	sne.s32 s25, $0xFE00;
	[tilespmem:s9+$0x2870] =	vst v0  }
0x26c: {  	[tilespmem:s9+$0x2800] =	vst v0  }
0x26d: {  	[tilespmem:s9+$0x2810] =	vst v0  }
.Ltmp16:
0x26e: {  	[tilespmem:s9+$0x2820] =	vst v0;
	(pc) =	sbr.rel @p2 .LBB2_10-.Ltmp16, $4  }
0x26f: {  	[tilespmem:s9+$0x2830] =	vst v0  }
0x270: {  	[tilespmem:s9+$0x2840] =	vst v0  }
0x271: {  	[tilespmem:s9+$0x2850] =	vst v0  }
0x272: {  	[tilespmem:s9+$0x2860] =	vst v0;
	s9 =	sshra.s32 s25, $0x2;
	s25 =	sadd.s32 $0x200, s25  }
0x273: {  	[tilespmem:s9+$0x2870] =	vst v0  }
0x274: {  	[tilespmem:s9+$0x2800] =	vst v0  }
0x275: {  	[tilespmem:s9+$0x2810] =	vst v0  }
0x276: {  	[tilespmem:s9+$0x2820] =	vst v0  }
0x277: {  	[tilespmem:s9+$0x2830] =	vst v0  }
0x278: {  	[tilespmem:s9+$0x2840] =	vst v0  }
0x279: {  	[tilespmem:s9+$0x2850] =	vst v0  }
0x27a: {  	[tilespmem:s9+$0x2860] =	vst v0  }
0x27b: {  	[spmem:s8] =	stream.linear.scatter [tilespmem:s28], [sflag:$0x9], $0x4000, $0x38;
	[tilespmem:$0x1CE00] =	vst v63  }
0x27c: {  	_ =	swait.ge [sflag:s29], $0x4000  }
0x27d: {  	[sflag:s29] =	ssyncset.done $0x0  }
0x27e: {  	s10 =	rddreg [dreg:$0x7];
	[sflag:s29] =	ssyncadd.s32 $0xFFFFC000  }
0x27f: {  	[spmem:s10] =	stream.linear.scatter [tilespmem:s28], [sflag:$0x9], $0x4000, $0x38;
	[tilespmem:$0x1CE00] =	vst v63  }
0x280: {  	_ =	swait.ge [sflag:s29], $0x4000  }
0x281: {  	[sflag:s29] =	ssyncset.done $0x0  }
0x282: {  	s16 =	rddreg [dreg:$0x8];
	[sflag:s29] =	ssyncadd.s32 $0xFFFFC000  }
0x283: {  	[spmem:s16] =	stream.linear.scatter [tilespmem:s28], [sflag:$0x9], $0x2400, $0x38;
	[tilespmem:$0x1CE00] =	vst v63  }
0x284: {  	_ =	swait.ge [sflag:s29], $0x2400  }
0x285: {  	[sflag:s29] =	ssyncset.done $0x0  }
0x286: {  	[sflag:s29] =	ssyncadd.s32 $0xFFFFDC00  }
0x287: {  	[bflag:$0x0] =	sbarrier.arrive $0xFFFF  }
0x288: {  	[tilespmem:s28], [sflag:$0x1] =	stream.linear.gather [hbm4b:s12+s4], $0x4000, $0x38;
	[tilespmem:$0x1CE00] =	vst v63  }
0x289: {  	s25 =	rddreg [dreg:$0xa]  }
0x28a: {  	[tilespmem:s30], [sflag:$0x2] =	stream.linear.gather [hbm4b:s25+s4], $0x4000, $0x38;
	[tilespmem:$0x1CE00] =	vst v63  }
0x28b: {  	s9 =	simm.s32 $0x80;
	s25 =	simm.s32 $0xFFFD9000  }
.LBB2_12:
0x28c: {  	_ =	swait.ge [sflag:s31], $0x4000  }
0x28d: {  	[sflag:s31] =	ssyncset.done $0x0  }
0x28e: {  	[sflag:s31] =	ssyncadd.s32 $0xFFFFC000  }
0x28f: {  	v1 =	vld [tilespmem:s9+$0xFFFFFF80];
	_ =	sdelay $0x4  }
0x290: {  	v2 =	vadd.s32 $0xFFFFEC00, v1;
	vm0 =	vlt.s32 v1, $0x1400  }
0x291: {  	v1 =	vsel vm0, $0x1400, v2  }
0x292: {  	[tilespmem:$0x12800] =	vst v1  }
0x293: {  	v1 =	vld [tilespmem:s9+$0xFFFFFF90];
	_ =	sdelay $0x4  }
0x294: {  	v2 =	vadd.s32 $0xFFFFEC00, v1;
	vm13 =	vlt.s32 v1, $0x1400  }
0x295: {  	v1 =	vsel vm13, $0x1400, v2  }
0x296: {  	[tilespmem:$0x12810] =	vst v1  }
0x297: {  	v1 =	vld [tilespmem:s9+$0xFFFFFFA0];
	_ =	sdelay $0x4  }
0x298: {  	v2 =	vadd.s32 $0xFFFFEC00, v1;
	vm14 =	vlt.s32 v1, $0x1400  }
0x299: {  	v1 =	vsel vm14, $0x1400, v2  }
0x29a: {  	[tilespmem:$0x12820] =	vst v1  }
0x29b: {  	v1 =	vld [tilespmem:s9+$0xFFFFFFB0];
	_ =	sdelay $0x4  }
0x29c: {  	v2 =	vadd.s32 $0xFFFFEC00, v1;
	vm15 =	vlt.s32 v1, $0x1400  }
0x29d: {  	v1 =	vsel vm15, $0x1400, v2  }
0x29e: {  	[tilespmem:$0x12830] =	vst v1  }
0x29f: {  	v1 =	vld [tilespmem:s9+$0xFFFFFFC0];
	_ =	sdelay $0x4  }
0x2a0: {  	v2 =	vadd.s32 $0xFFFFEC00, v1;
	vm4 =	vlt.s32 v1, $0x1400  }
0x2a1: {  	v1 =	vsel vm4, $0x1400, v2  }
0x2a2: {  	[tilespmem:$0x12840] =	vst v1  }
0x2a3: {  	v1 =	vld [tilespmem:s9+$0xFFFFFFD0];
	_ =	sdelay $0x4  }
0x2a4: {  	v2 =	vadd.s32 $0xFFFFEC00, v1;
	vm5 =	vlt.s32 v1, $0x1400  }
0x2a5: {  	v1 =	vsel vm5, $0x1400, v2  }
0x2a6: {  	[tilespmem:$0x12850] =	vst v1  }
0x2a7: {  	v1 =	vld [tilespmem:s9+$0xFFFFFFE0];
	_ =	sdelay $0x4  }
0x2a8: {  	v2 =	vadd.s32 $0xFFFFEC00, v1;
	vm6 =	vlt.s32 v1, $0x1400  }
0x2a9: {  	v1 =	vsel vm6, $0x1400, v2  }
0x2aa: {  	[tilespmem:$0x12860] =	vst v1  }
0x2ab: {  	v1 =	vld [tilespmem:s9+$0xFFFFFFF0];
	_ =	sdelay $0x4  }
0x2ac: {  	v2 =	vadd.s32 $0xFFFFEC00, v1;
	vm7 =	vlt.s32 v1, $0x1400  }
0x2ad: {  	v1 =	vsel vm7, $0x1400, v2  }
0x2ae: {  	[tilespmem:$0x12870] =	vst v1  }
0x2af: {  	[spmem:s3] =	stream.indirect.scatter.add.f32 [tilespmem:s28], [sflag:$0x5], $0x80, s1, s0, $0xb8;
	[tilespmem:$0x1CE00] =	vst v63  }
0x2b0: {  	_ =	swait.ge [sflag:s2], $0x4000  }
0x2b1: {  	[sflag:s2] =	ssyncset.done $0x0  }
0x2b2: {  	[sflag:s2] =	ssyncadd.s32 $0xFFFFC000  }
0x2b3: {  	v1 =	vld [tilespmem:s9+$0x0];
	_ =	sdelay $0x4  }
0x2b4: {  	v2 =	vadd.s32 $0xFFFFEC00, v1;
	vm8 =	vlt.s32 v1, $0x1400  }
0x2b5: {  	v1 =	vsel vm8, $0x1400, v2  }
0x2b6: {  	[tilespmem:$0x12880] =	vst v1  }
0x2b7: {  	v1 =	vld [tilespmem:s9+$0x10];
	_ =	sdelay $0x4  }
0x2b8: {  	v2 =	vadd.s32 $0xFFFFEC00, v1;
	vm9 =	vlt.s32 v1, $0x1400  }
0x2b9: {  	v1 =	vsel vm9, $0x1400, v2  }
0x2ba: {  	[tilespmem:$0x12890] =	vst v1  }
0x2bb: {  	v1 =	vld [tilespmem:s9+$0x20];
	_ =	sdelay $0x4  }
0x2bc: {  	v2 =	vadd.s32 $0xFFFFEC00, v1;
	vm10 =	vlt.s32 v1, $0x1400  }
0x2bd: {  	v1 =	vsel vm10, $0x1400, v2  }
0x2be: {  	[tilespmem:$0x128A0] =	vst v1  }
0x2bf: {  	v1 =	vld [tilespmem:s9+$0x30];
	_ =	sdelay $0x4  }
0x2c0: {  	v2 =	vadd.s32 $0xFFFFEC00, v1;
	vm11 =	vlt.s32 v1, $0x1400  }
0x2c1: {  	v1 =	vsel vm11, $0x1400, v2  }
0x2c2: {  	[tilespmem:$0x128B0] =	vst v1  }
0x2c3: {  	v1 =	vld [tilespmem:s9+$0x40];
	_ =	sdelay $0x4  }
0x2c4: {  	v2 =	vadd.s32 $0xFFFFEC00, v1;
	vm12 =	vlt.s32 v1, $0x1400  }
0x2c5: {  	v1 =	vsel vm12, $0x1400, v2  }
0x2c6: {  	[tilespmem:$0x128C0] =	vst v1  }
0x2c7: {  	v1 =	vld [tilespmem:s9+$0x50];
	_ =	sdelay $0x4  }
0x2c8: {  	v2 =	vadd.s32 $0xFFFFEC00, v1;
	vm13 =	vlt.s32 v1, $0x1400  }
0x2c9: {  	v1 =	vsel vm13, $0x1400, v2  }
0x2ca: {  	[tilespmem:$0x128D0] =	vst v1  }
0x2cb: {  	v1 =	vld [tilespmem:s9+$0x60];
	_ =	sdelay $0x4  }
0x2cc: {  	v2 =	vadd.s32 $0xFFFFEC00, v1;
	vm14 =	vlt.s32 v1, $0x1400  }
0x2cd: {  	v1 =	vsel vm14, $0x1400, v2  }
0x2ce: {  	[tilespmem:$0x128E0] =	vst v1  }
0x2cf: {  	v1 =	vld [tilespmem:s9+$0x70];
	_ =	sdelay $0x4  }
0x2d0: {  	v2 =	vadd.s32 $0xFFFFEC00, v1;
	vm15 =	vlt.s32 v1, $0x1400  }
0x2d1: {  	p2 =	seq.s32 s25, $0x0;
	v1 =	vsel vm15, $0x1400, v2  }
.Ltmp17:
0x2d2: {  	[tilespmem:$0x128F0] =	vst v1;
	(pc) =	sbr.rel @p2 .LBB2_13-.Ltmp17, $4  }
0x2d3: {  	[spmem:s3] =	stream.indirect.scatter.add.f32 [tilespmem:s30], [sflag:$0x6], $0x80, s11, s0, $0xb8;
	[tilespmem:$0x1CE00] =	vst v63  }
0x2d4: {  	_ =	swait.ge [sflag:s15], $0x4000  }
0x2d5: {  	[sflag:s15] =	ssyncset.done $0x0  }
0x2d6: {  	[sflag:s15] =	ssyncadd.s32 $0xFFFFC000  }
0x2d7: {  	s10 =	sadd.s32 s25, s12  }
0x2d8: {  	s16 =	sadd.s32 $0x28000, s10  }
0x2d9: {  	[tilespmem:s28], [sflag:$0x1] =	stream.linear.gather [hbm4b:s16+s4], $0x4000, $0x38;
	[tilespmem:$0x1CE00] =	vst v63  }
.Ltmp18:
0x2da: {  	_ = 	snop;
	(pc) =	sbr.rel .LBB2_12-.Ltmp18, $4  }
0x2db: {  	_ =	swait.ge [sflag:s20], $0x4000  }
0x2dc: {  	s25 =	sadd.s32 $0x1000, s25;
	[sflag:s20] =	ssyncset.done $0x0  }
0x2dd: {  	s9 =	sadd.s32 $0x100, s9;
	s10 =	sadd.s32 $0x28800, s10;
	[sflag:s20] =	ssyncadd.s32 $0xFFFFC000  }
0x2de: {  	[tilespmem:s30], [sflag:$0x2] =	stream.linear.gather [hbm4b:s10+s4], $0x4000, $0x38;
	[tilespmem:$0x1CE00] =	vst v63  }
.LBB2_13:
.Ltmp19:
0x2df: {  	(pc) =	sbr.rel .LBB2_27-.Ltmp19, $2  }
0x2e0: {  	_ =	sdelay $0x2  }
0x2e1: {  	s9 =	rddreg [dreg:$0x5]  }
.LBB2_28:
0x2e2: {  	_ =	sfence.sel $0x180000  }
0x2e3: {  	[bflag:$0x0] =	sbarrier.arrive $0xFFFF  }
0x2e4: {  	_ =	strace $0x9000004A  }
0x2e5: {  	[bflag:$0x2] =	sbarrier.arrive $0xFFFF  }
0x2e6: {  	s0 =	rddreg [dreg:$0x4]  }
0x2e7: {  	s0 =	sadd.s32 @!p1 $0x100000, s0  }
0x2e8: {  	[sflag:s0] =	ssyncadd.tile.s32 @!p1 $0x1;
	_ =	shalt  }
.Lfunc_end2:
_tile_overlayer_lowered:
.L_overlay_start_2:
0x2e9: {  	(tag) =	ssettag $0x2  }
0x2ea: {  	s0 =	rddreg [dreg:$0x0];
	s2 =	stileid.u32  }
0x2eb: {  	s1 =	rddreg [dreg:$0x1];
	p0 =	sne.s32 s2, $0x0  }
0x2ec: {  	s3 =	rddreg [dreg:$0x2];
	[bflag:$0x3] =	sbarrier.arrive $0xFFFF;
	s2 =	simm.s32 @!p0 $0x1C09  }
0x2ed: {  	[timem:s3], [sflag:s2] =	dma.local @!p0 [hbm:s0], s1  }
0x2ee: {  	s0 =	simm.s32 @!p0 $0x9  }
0x2ef: {  	_ =	swait.ge @!p0 [sflag:s0], s1  }
0x2f0: {  	s1 =	ssub.s32 @!p0 $0x0, s1;
	[sflag:s0] =	ssyncset.done @!p0 $0x0  }
0x2f1: {  	[sflag:s0] =	ssyncadd.s32 @!p0 s1  }
0x2f2: {  	[bflag:$0x3] =	sbarrier.arrive $0xFFFF  }
0x2f3: {  	_ =	shalt  }

</sc_bundles>
